<compile_context>
chip_gen: v7x
topology: tpu7x:2x2x1
jax: 0.10.2.dev20260603
libtpu: 0.0.44.dev20260713+nightly
codegen_flags: <defaults>
</compile_context>

<pallas_src>
import functools

import jax
import jax.numpy as jnp
from jax import lax
from jax.experimental import pallas as pl
from jax.experimental.pallas import tpu as pltpu
from jax.experimental.pallas import tpu_sc as plsc

N = 10000
E = 320000
F_IN = 128
HID = 128
CLS = 32

NC = 2
NS = 16
NW = NC * NS
C = 125
CH2 = (E // C) // NS
NACC = 10240
RPT = NACC // NS
ZR = 128
DEPTH1 = 5
DEPTH2 = 8
HCH = CH2 // 2
ZB = 32
NB = 1000

_SC_PARAMS = pltpu.CompilerParams(use_tc_tiling_on_sc=False)


def _zero_slab(zbuf, width):
    @pl.loop(0, ZB)
    def _(i):
        @pl.loop(0, width, step=16)
        def _(j):
            zbuf[i, pl.ds(j, 16)] = jnp.zeros((16,), jnp.float32)


def _make_sc_pass1():
    mesh = plsc.VectorSubcoreMesh(core_axis_name="c", subcore_axis_name="s")
    H = F_IN // 2
    scratch = (
        [pltpu.VMEM((HCH, C), jnp.int32),
         pltpu.VMEM((HCH, C), jnp.int32)]
        + [pltpu.VMEM((C, H), jnp.float32) for _ in range(DEPTH1)]
        + [pltpu.VMEM((ZB, H), jnp.float32),
           pltpu.VMEM((C, 16), jnp.float32),
           pltpu.VMEM((ZB, 16), jnp.float32),
           pltpu.VMEM_SHARED((NACC, H), jnp.float32),
           pltpu.VMEM_SHARED((NACC, 16), jnp.float32)]
        + [pltpu.SemaphoreType.DMA for _ in range(DEPTH1)]
        + [pltpu.SemaphoreType.DMA for _ in range(DEPTH1)]
    )

    @functools.partial(
        pl.kernel, mesh=mesh,
        out_type=[jax.ShapeDtypeStruct((NC, NACC, H), jnp.float32),
                  jax.ShapeDtypeStruct((NC, NACC, 16), jnp.float32)],
        compiler_params=_SC_PARAMS,
        scratch_types=scratch)
    def k(xf_hbm, src_hbm, dst_hbm, agg_out, deg_out,
          srcb, dstb, *rest):
        rows = rest[:DEPTH1]
        zbuf, onesb, zdeg, acc_sh, deg_sh = rest[DEPTH1:DEPTH1 + 5]
        gsem = rest[DEPTH1 + 5:2 * DEPTH1 + 5]
        ssem = rest[2 * DEPTH1 + 5:3 * DEPTH1 + 5]
        c = lax.axis_index("c")
        s = lax.axis_index("s")

        _zero_slab(zbuf, H)

        @pl.loop(0, ZB)
        def _(i):
            zdeg[i] = jnp.zeros((16,), jnp.float32)

        @pl.loop(0, C)
        def _(i):
            onesb[i] = jnp.ones((16,), jnp.float32)

        base = s * RPT
        for kslab in range(RPT // ZB):
            r0 = base + kslab * ZB
            pltpu.sync_copy(zbuf, acc_sh.at[pl.ds(r0, ZB)])
            pltpu.sync_copy(zdeg, deg_sh.at[pl.ds(r0, ZB)])
        plsc.subcore_barrier()

        for half_i in range(2):
            pltpu.sync_copy(src_hbm.at[c, s, pl.ds(half_i * HCH, HCH)], srcb)
            pltpu.sync_copy(dst_hbm.at[s, pl.ds(half_i * HCH, HCH)], dstb)
            count = jnp.equal(c, half_i)

            def _drain(b):
                pltpu.make_async_copy(rows[b], acc_sh.at[dstb.at[b]],
                                      ssem[b]).wait()

                @pl.when(count)
                def _():
                    pltpu.make_async_copy(onesb, deg_sh.at[dstb.at[b]],
                                          ssem[b]).wait()

            @pl.loop(0, HCH, step=DEPTH1)
            def _(j):
                gh = []
                for b in range(DEPTH1):
                    @pl.when(j > 0)
                    def _():
                        _drain(b)
                    gh.append(pltpu.async_copy(xf_hbm.at[srcb.at[j + b]],
                                               rows[b], gsem[b]))
                for b in range(DEPTH1):
                    gh[b].wait()
                    pltpu.async_copy(rows[b], acc_sh.at[dstb.at[j + b]],
                                     ssem[b], add=True)

                    @pl.when(count)
                    def _():
                        pltpu.async_copy(onesb, deg_sh.at[dstb.at[j + b]],
                                         ssem[b], add=True)

            for b in range(DEPTH1):
                _drain(b)

        plsc.subcore_barrier()

        for kslab in range(RPT // ZR):
            r0 = base + kslab * ZR
            pltpu.sync_copy(acc_sh.at[pl.ds(r0, ZR)],
                            agg_out.at[c, pl.ds(r0, ZR)])
            pltpu.sync_copy(deg_sh.at[pl.ds(r0, ZR)],
                            deg_out.at[c, pl.ds(r0, ZR)])

    return k


def _make_sc_pass2():
    mesh = plsc.VectorSubcoreMesh(core_axis_name="c", subcore_axis_name="s")
    W = CLS
    scratch = (
        [pltpu.VMEM((HCH, C), jnp.int32),
         pltpu.VMEM((HCH, C), jnp.int32)]
        + [pltpu.VMEM((C, W), jnp.float32) for _ in range(DEPTH2)]
        + [pltpu.VMEM((ZB, W), jnp.float32),
           pltpu.VMEM_SHARED((NACC, W), jnp.float32)]
        + [pltpu.SemaphoreType.DMA for _ in range(DEPTH2)]
        + [pltpu.SemaphoreType.DMA for _ in range(DEPTH2)]
    )

    @functools.partial(
        pl.kernel, mesh=mesh,
        out_type=jax.ShapeDtypeStruct((NC, NACC, W), jnp.float32),
        compiler_params=_SC_PARAMS,
        scratch_types=scratch)
    def k(g_hbm, src_hbm, dst_hbm, agg_out, srcb, dstb, *rest):
        rows = rest[:DEPTH2]
        zbuf = rest[DEPTH2]
        acc_sh = rest[DEPTH2 + 1]
        gsem = rest[DEPTH2 + 2:2 * DEPTH2 + 2]
        ssem = rest[2 * DEPTH2 + 2:3 * DEPTH2 + 2]
        c = lax.axis_index("c")
        s = lax.axis_index("s")

        _zero_slab(zbuf, W)
        base = s * RPT
        for kslab in range(RPT // ZB):
            pltpu.sync_copy(zbuf, acc_sh.at[pl.ds(base + kslab * ZB, ZB)])
        plsc.subcore_barrier()

        pltpu.sync_copy(src_hbm.at[s, pl.ds(c * HCH, HCH)], srcb)
        pltpu.sync_copy(dst_hbm.at[s, pl.ds(c * HCH, HCH)], dstb)

        def _drain(b):
            pltpu.make_async_copy(rows[b], acc_sh.at[dstb.at[b]],
                                  ssem[b]).wait()

        @pl.loop(0, HCH, step=DEPTH2)
        def _(j):
            gh = []
            for b in range(DEPTH2):
                @pl.when(j > 0)
                def _():
                    _drain(b)
                gh.append(pltpu.async_copy(g_hbm.at[srcb.at[j + b]],
                                           rows[b], gsem[b]))
            for b in range(DEPTH2):
                gh[b].wait()
                pltpu.async_copy(rows[b], acc_sh.at[dstb.at[j + b]],
                                 ssem[b], add=True)

        for b in range(DEPTH2):
            _drain(b)

        plsc.subcore_barrier()

        for kslab in range(RPT // ZR):
            r0 = base + kslab * ZR
            pltpu.sync_copy(acc_sh.at[pl.ds(r0, ZR)],
                            agg_out.at[c, pl.ds(r0, ZR)])

    return k


_sc_pass1 = _make_sc_pass1()
_sc_pass2 = _make_sc_pass2()


def _nt_dot(a, w):
    return lax.dot_general(a, w, (((1,), (1,)), ((), ())),
                           preferred_element_type=jnp.float32)


def _tc_prep(srcr):

    def body(s_ref, i_ref):
        i_ref[0] = s_ref[...] * 2 + pl.program_id(0)

    return pl.pallas_call(
        body,
        grid=(NC,),
        in_specs=[pl.BlockSpec((2500, 128), lambda i: (0, 0))],
        out_specs=pl.BlockSpec((1, 2500, 128), lambda i: (i, 0, 0)),
        out_shape=jax.ShapeDtypeStruct((NC, 2500, 128), jnp.int32),
    )(srcr)


def _tc_dense1a(x, w1r, b1):

    def body(x_ref, w_ref, b_ref, o_ref):
        o_ref[...] = _nt_dot(x_ref[...], w_ref[...]) + b_ref[...]

    grid = N // NB
    return pl.pallas_call(
        body,
        grid=(grid,),
        in_specs=[pl.BlockSpec((NB, F_IN), lambda i: (i, 0)),
                  pl.BlockSpec((HID, F_IN), lambda i: (0, 0)),
                  pl.BlockSpec((1, HID), lambda i: (0, 0))],
        out_specs=pl.BlockSpec((NB, HID), lambda i: (i, 0)),
        out_shape=jax.ShapeDtypeStruct((N, HID), jnp.float32),
    )(x, w1r, b1)


def _tc_dense1b(aggp, degp, xr, w1l, w2l, w2r, b2):

    def body(aggp_ref, degp_ref, xr_ref, w1l_ref, w2l_ref, w2r_ref, b2_ref,
             g_ref, r_ref, dinv_ref):
        deg = degp_ref[0, :, 0:1] + degp_ref[1, :, 0:1]
        dinv = 1.0 / jnp.maximum(deg, 1.0)
        agg = jnp.concatenate([aggp_ref[0], aggp_ref[1]], axis=-1)
        mean = agg * dinv
        h = jnp.maximum(_nt_dot(mean, w1l_ref[...]) + xr_ref[...], 0.0)
        g_ref[...] = _nt_dot(h, w2l_ref[...])
        r_ref[...] = _nt_dot(h, w2r_ref[...]) + b2_ref[...]
        dinv_ref[...] = dinv

    H = F_IN // 2
    grid = N // NB
    return pl.pallas_call(
        body,
        grid=(grid,),
        in_specs=[pl.BlockSpec((NC, NB, H), lambda i: (0, i, 0)),
                  pl.BlockSpec((NC, NB, 16), lambda i: (0, i, 0)),
                  pl.BlockSpec((NB, HID), lambda i: (i, 0)),
                  pl.BlockSpec((HID, HID), lambda i: (0, 0)),
                  pl.BlockSpec((CLS, HID), lambda i: (0, 0)),
                  pl.BlockSpec((CLS, HID), lambda i: (0, 0)),
                  pl.BlockSpec((1, CLS), lambda i: (0, 0))],
        out_specs=[pl.BlockSpec((NB, CLS), lambda i: (i, 0)),
                   pl.BlockSpec((NB, CLS), lambda i: (i, 0)),
                   pl.BlockSpec((NB, 1), lambda i: (i, 0))],
        out_shape=[
            jax.ShapeDtypeStruct((N, CLS), jnp.float32),
            jax.ShapeDtypeStruct((N, CLS), jnp.float32),
            jax.ShapeDtypeStruct((N, 1), jnp.float32),
        ],
    )(aggp, degp, xr, w1l, w2l, w2r, b2)


def _tc_finish(agg2p, dinv, r):

    def body(agg2p_ref, dinv_ref, r_ref, o_ref):
        m = (agg2p_ref[0] + agg2p_ref[1]) * dinv_ref[...] + r_ref[...]
        mx = jnp.max(m, axis=1, keepdims=True)
        sh = m - mx
        o_ref[...] = sh - jnp.log(jnp.sum(jnp.exp(sh), axis=1, keepdims=True))

    grid = N // NB
    return pl.pallas_call(
        body,
        grid=(grid,),
        in_specs=[pl.BlockSpec((NC, NB, CLS), lambda i: (0, i, 0)),
                  pl.BlockSpec((NB, 1), lambda i: (i, 0)),
                  pl.BlockSpec((NB, CLS), lambda i: (i, 0))],
        out_specs=pl.BlockSpec((NB, CLS), lambda i: (i, 0)),
        out_shape=jax.ShapeDtypeStruct((N, CLS), jnp.float32),
    )(agg2p, dinv, r)


def kernel(x, edge_index, W1l, W1r, b1, W2l, W2r, b2):
    src16 = edge_index[0].reshape(NS, CH2, C)
    dst16 = edge_index[1].reshape(NS, CH2, C)
    xf = x.reshape(2 * N, F_IN // 2)
    xr = _tc_dense1a(x, W1r, b1.reshape(1, HID))
    srcx = _tc_prep(edge_index[0].reshape(2500, 128)).reshape(
        NC, NS, CH2, C)
    aggp, degp = _sc_pass1(xf, srcx, dst16)
    g, r, dinv = _tc_dense1b(aggp, degp, xr, W1l, W2l, W2r,
                             b2.reshape(1, CLS))
    agg2p = _sc_pass2(g, src16, dst16)
    return _tc_finish(agg2p, dinv, r)

# --- scband reference (transcript-rebuilt; emitter-appended) ---
"""Pipeline reference for scband-mutation-graph-sage-12232066859618 (READ-ONLY COPY).

The authoritative reference and input builder live on the scoring server;
editing this copy changes nothing except your own understanding.
"""

import jax, jax.numpy as jnp
import numpy as np

N = 10000
E = 320000
F_IN = 128
HID = 128
CLS = 32


def _glorot_linear(key, out_f, in_f):
    s = 1.0 / np.sqrt(in_f)
    return jax.random.uniform(key, (out_f, in_f), minval=-s, maxval=s, dtype=jnp.float32)


def setup_inputs(seed: int = 0) -> dict:
    key = jax.random.key(seed)
    ks = jax.random.split(key, 9)
    x = jax.random.normal(ks[0], (N, F_IN), dtype=jnp.float32)
    edge_index = jax.random.randint(ks[1], (2, E), 0, N, dtype=jnp.int32)
    # SAGEConv 1: lin_l (applied to aggregated neighbors, has bias), lin_r (root weight, no bias)
    W1l = _glorot_linear(ks[2], HID, F_IN)
    W1r = _glorot_linear(ks[3], HID, F_IN)
    b1 = jnp.zeros((HID,), dtype=jnp.float32)
    # SAGEConv 2
    W2l = _glorot_linear(ks[4], CLS, HID)
    W2r = _glorot_linear(ks[5], CLS, HID)
    b2 = jnp.zeros((CLS,), dtype=jnp.float32)
    return {"x": x, "edge_index": edge_index, "W1l": W1l, "W1r": W1r, "b1": b1,
            "W2l": W2l, "W2r": W2r, "b2": b2}


def _sage_conv(x, edge_index, Wl, Wr, b):
    src = edge_index[0]
    dst = edge_index[1]
    msgs = jnp.take(x, src, axis=0)                      # gather source node features
    agg = jax.ops.segment_sum(msgs, dst, num_segments=N)  # scatter-add to destinations
    deg = jax.ops.segment_sum(jnp.ones((E,), dtype=x.dtype), dst, num_segments=N)
    mean = agg / jnp.clip(deg, 1.0)[:, None]             # mean aggregation
    return mean @ Wl.T + x @ Wr.T + b


def reference(x, edge_index, W1l, W1r, b1, W2l, W2r, b2):
    h = _sage_conv(x, edge_index, W1l, W1r, b1)
    h = jax.nn.relu(h)
    # F.dropout with training=False is identity (eval mode)
    out = _sage_conv(h, edge_index, W2l, W2r, b2)
    return jax.nn.log_softmax(out, axis=1)

if __name__ == "__main__":
    import jax
    _d = setup_inputs()
    print(jax.jit(kernel)(*tuple(_d.values())))

</pallas_src>

<mosaic_0001>
#map = affine_map<(d0, d1) -> (0, 0)>
#map1 = affine_map<(d0, d1) -> (0, 0, 0, 0)>
#map2 = affine_map<(d0, d1) -> (0, 0, 0)>
module attributes {stable_mosaic.version = 14 : i64} {
  func.func @k(%arg0: i32, %arg1: i32, %arg2: memref<20000x64xf32, #tpu.memory_space<hbm>>, %arg3: memref<2x16x160x125xi32, #tpu.memory_space<hbm>>, %arg4: memref<16x160x125xi32, #tpu.memory_space<hbm>>, %arg5: memref<2x10240x64xf32, #tpu.memory_space<hbm>>, %arg6: memref<2x10240x16xf32, #tpu.memory_space<hbm>>, %arg7: memref<80x125xi32, #tpu.memory_space<vmem>>, %arg8: memref<80x125xi32, #tpu.memory_space<vmem>>, %arg9: memref<125x64xf32, #tpu.memory_space<vmem>>, %arg10: memref<125x64xf32, #tpu.memory_space<vmem>>, %arg11: memref<125x64xf32, #tpu.memory_space<vmem>>, %arg12: memref<125x64xf32, #tpu.memory_space<vmem>>, %arg13: memref<125x64xf32, #tpu.memory_space<vmem>>, %arg14: memref<32x64xf32, #tpu.memory_space<vmem>>, %arg15: memref<125x16xf32, #tpu.memory_space<vmem>>, %arg16: memref<32x16xf32, #tpu.memory_space<vmem>>, %arg17: memref<10240x64xf32, #tpu.memory_space<vmem_shared>>, %arg18: memref<10240x16xf32, #tpu.memory_space<vmem_shared>>, %arg19: memref<!tpu.dma_semaphore, #tpu.memory_space<semaphore_mem>>, %arg20: memref<!tpu.dma_semaphore, #tpu.memory_space<semaphore_mem>>, %arg21: memref<!tpu.dma_semaphore, #tpu.memory_space<semaphore_mem>>, %arg22: memref<!tpu.dma_semaphore, #tpu.memory_space<semaphore_mem>>, %arg23: memref<!tpu.dma_semaphore, #tpu.memory_space<semaphore_mem>>, %arg24: memref<!tpu.dma_semaphore, #tpu.memory_space<semaphore_mem>>, %arg25: memref<!tpu.dma_semaphore, #tpu.memory_space<semaphore_mem>>, %arg26: memref<!tpu.dma_semaphore, #tpu.memory_space<semaphore_mem>>, %arg27: memref<!tpu.dma_semaphore, #tpu.memory_space<semaphore_mem>>, %arg28: memref<!tpu.dma_semaphore, #tpu.memory_space<semaphore_mem>>) attributes {dimension_semantics = [#tpu.dimension_semantics<core_parallel>, #tpu.dimension_semantics<subcore_parallel>], iteration_bounds = array<i64: 2, 16>, scalar_prefetch = 0 : i64, scratch_operands = 22 : i64, tpu.core_type = #tpu.core_type<sc_vector_subcore>, window_params = [{transform_indices = #map}, {transform_indices = #map1}, {transform_indices = #map2}, {transform_indices = #map2}, {transform_indices = #map2}]} {
    %scan3A = arith.constant 0 : i32
    %scan3A_0 = arith.constant 32 : i32
    %scan3A_1 = arith.addi %scan3A, %scan3A_0 : i32
    %scan3A_2 = arith.constant 1 : i32
    scf.for %scan3A_175 = %scan3A to %scan3A_1 step %scan3A_2  : i32 {
      %mul3A_176 = arith.constant 1 : i32
      %mul3A_177 = arith.muli %scan3A_175, %mul3A_176 : i32
      %add3A_178 = arith.constant 0 : i32
      %add3A_179 = arith.addi %add3A_178, %mul3A_177 : i32
      %scan3A_180 = arith.constant 0 : i32
      %scan3A_181 = arith.constant 4 : i32
      %scan3A_182 = arith.addi %scan3A_180, %scan3A_181 : i32
      %scan3A_183 = arith.constant 1 : i32
      scf.for %scan3A_185 = %scan3A_180 to %scan3A_182 step %scan3A_183  : i32 {
        %mul3A_186 = arith.constant 16 : i32
        %mul3A_187 = arith.muli %scan3A_185, %mul3A_186 : i32
        %add3A_188 = arith.constant 0 : i32
        %add3A_189 = arith.addi %add3A_188, %mul3A_187 : i32
        %broadcast_in_dim3A = arith.constant 0.000000e+00 : f32
        %broadcast_in_dim3A_190 = vector.broadcast %broadcast_in_dim3A : f32 to vector<16xf32>
        %swap3A = arith.index_cast %add3A_179 : i32 to index
        %swap3A_191 = arith.index_cast %add3A_189 : i32 to index
        %swap3A_192 = tpu.vector_load %arg14[%swap3A, %swap3A_191] {strides = array<i32>} : memref<32x64xf32, #tpu.memory_space<vmem>>, vector<1x16xf32>,
        %swap3A_193 = vector.shape_cast %swap3A_192 : vector<1x16xf32> to vector<16xf32>
        %swap3A_194 = vector.shape_cast %broadcast_in_dim3A_190 : vector<16xf32> to vector<1x16xf32>
        tpu.vector_store %arg14[%swap3A, %swap3A_191], %swap3A_194 {strides = array<i32>} : memref<32x64xf32, #tpu.memory_space<vmem>>, vector<1x16xf32>,
      }
      %scan3A_184 = arith.constant 4 : i32
    }
    %scan3A_3 = arith.constant 32 : i32
    %scan3A_4 = arith.constant 0 : i32
    %scan3A_5 = arith.constant 32 : i32
    %scan3A_6 = arith.addi %scan3A_4, %scan3A_5 : i32
    %scan3A_7 = arith.constant 1 : i32
    scf.for %scan3A_175 = %scan3A_4 to %scan3A_6 step %scan3A_7  : i32 {
      %mul3A_176 = arith.constant 1 : i32
      %mul3A_177 = arith.muli %scan3A_175, %mul3A_176 : i32
      %add3A_178 = arith.constant 0 : i32
      %add3A_179 = arith.addi %add3A_178, %mul3A_177 : i32
      %broadcast_in_dim3A = arith.constant 0.000000e+00 : f32
      %broadcast_in_dim3A_180 = vector.broadcast %broadcast_in_dim3A : f32 to vector<16xf32>
      %swap3A = arith.index_cast %add3A_179 : i32 to index
      %swap3A_181 = arith.constant 0 : index
      %swap3A_182 = tpu.vector_load %arg16[%swap3A, %swap3A_181] {strides = array<i32>} : memref<32x16xf32, #tpu.memory_space<vmem>>, vector<1x16xf32>,
      %swap3A_183 = vector.shape_cast %swap3A_182 : vector<1x16xf32> to vector<16xf32>
      %swap3A_184 = vector.shape_cast %broadcast_in_dim3A_180 : vector<16xf32> to vector<1x16xf32>
      tpu.vector_store %arg16[%swap3A, %swap3A_181], %swap3A_184 {strides = array<i32>} : memref<32x16xf32, #tpu.memory_space<vmem>>, vector<1x16xf32>,
    }
    %scan3A_8 = arith.constant 32 : i32
    %scan3A_9 = arith.constant 0 : i32
    %scan3A_10 = arith.constant 125 : i32
    %scan3A_11 = arith.addi %scan3A_9, %scan3A_10 : i32
    %scan3A_12 = arith.constant 1 : i32
    scf.for %scan3A_175 = %scan3A_9 to %scan3A_11 step %scan3A_12  : i32 {
      %mul3A_176 = arith.constant 1 : i32
      %mul3A_177 = arith.muli %scan3A_175, %mul3A_176 : i32
      %add3A_178 = arith.constant 0 : i32
      %add3A_179 = arith.addi %add3A_178, %mul3A_177 : i32
      %broadcast_in_dim3A = arith.constant 1.000000e+00 : f32
      %broadcast_in_dim3A_180 = vector.broadcast %broadcast_in_dim3A : f32 to vector<16xf32>
      %swap3A = arith.index_cast %add3A_179 : i32 to index
      %swap3A_181 = arith.constant 0 : index
      %swap3A_182 = tpu.vector_load %arg15[%swap3A, %swap3A_181] {strides = array<i32>} : memref<125x16xf32, #tpu.memory_space<vmem>>, vector<1x16xf32>,
      %swap3A_183 = vector.shape_cast %swap3A_182 : vector<1x16xf32> to vector<16xf32>
      %swap3A_184 = vector.shape_cast %broadcast_in_dim3A_180 : vector<16xf32> to vector<1x16xf32>
      tpu.vector_store %arg15[%swap3A, %swap3A_181], %swap3A_184 {strides = array<i32>} : memref<125x16xf32, #tpu.memory_space<vmem>>, vector<1x16xf32>,
    }
    %scan3A_13 = arith.constant 125 : i32
    %mul3A = arith.constant 640 : i32
    %mul3A_14 = arith.muli %arg1, %mul3A : i32
    %add3A = arith.constant 0 : i32
    %add3A_15 = arith.addi %mul3A_14, %add3A : i32
    "tpu.region"() ({
      %run_scoped3A = tpu.sem_alloc : memref<!tpu.dma_semaphore, #tpu.memory_space<semaphore_mem>>
      %dma_start3A = arith.constant 0 : i32
      %dma_start3A_175 = tpu.memref_slice %arg17[%add3A_15, %dma_start3A] : memref<10240x64xf32, #tpu.memory_space<vmem_shared>> -> memref<32x64xf32, #tpu.memory_space<vmem_shared>>
      %dma_start3A_176 = arith.constant 0 : i32
      %dma_start3A_177 = tpu.memref_slice %arg17[%add3A_15, %dma_start3A_176] : memref<10240x64xf32, #tpu.memory_space<vmem_shared>> -> memref<32x64xf32, #tpu.memory_space<vmem_shared>>
      tpu.enqueue_dma source(%arg14 : memref<32x64xf32, #tpu.memory_space<vmem>>) target(%dma_start3A_177 : memref<32x64xf32, #tpu.memory_space<vmem_shared>>) target_semaphore(%run_scoped3A : memref<!tpu.dma_semaphore, #tpu.memory_space<semaphore_mem>>)
      %dma_wait3A_178 = arith.constant 0 : i32
      %dma_wait3A_179 = tpu.memref_slice %arg17[%add3A_15, %dma_wait3A_178] : memref<10240x64xf32, #tpu.memory_space<vmem_shared>> -> memref<32x64xf32, #tpu.memory_space<vmem_shared>>
      %dma_wait3A_180 = arith.constant 0 : i32
      %dma_wait3A_181 = tpu.memref_slice %arg17[%add3A_15, %dma_wait3A_180] : memref<10240x64xf32, #tpu.memory_space<vmem_shared>> -> memref<32x64xf32, #tpu.memory_space<vmem_shared>>
      tpu.wait_dma2 semaphore(%run_scoped3A : memref<!tpu.dma_semaphore, #tpu.memory_space<semaphore_mem>>) src(%arg14 : memref<32x64xf32, #tpu.memory_space<vmem>>) dst(%dma_wait3A_181 : memref<32x64xf32, #tpu.memory_space<vmem_shared>>)
      tpu.yield
    }) : () -> ()
    "tpu.region"() ({
      %run_scoped3A = tpu.sem_alloc : memref<!tpu.dma_semaphore, #tpu.memory_space<semaphore_mem>>
      %dma_start3A = arith.constant 0 : i32
      %dma_start3A_175 = tpu.memref_slice %arg18[%add3A_15, %dma_start3A] : memref<10240x16xf32, #tpu.memory_space<vmem_shared>> -> memref<32x16xf32, #tpu.memory_space<vmem_shared>>
      %dma_start3A_176 = arith.constant 0 : i32
      %dma_start3A_177 = tpu.memref_slice %arg18[%add3A_15, %dma_start3A_176] : memref<10240x16xf32, #tpu.memory_space<vmem_shared>> -> memref<32x16xf32, #tpu.memory_space<vmem_shared>>
      tpu.enqueue_dma source(%arg16 : memref<32x16xf32, #tpu.memory_space<vmem>>) target(%dma_start3A_177 : memref<32x16xf32, #tpu.memory_space<vmem_shared>>) target_semaphore(%run_scoped3A : memref<!tpu.dma_semaphore, #tpu.memory_space<semaphore_mem>>)
      %dma_wait3A_178 = arith.constant 0 : i32
      %dma_wait3A_179 = tpu.memref_slice %arg18[%add3A_15, %dma_wait3A_178] : memref<10240x16xf32, #tpu.memory_space<vmem_shared>> -> memref<32x16xf32, #tpu.memory_space<vmem_shared>>
      %dma_wait3A_180 = arith.constant 0 : i32
      %dma_wait3A_181 = tpu.memref_slice %arg18[%add3A_15, %dma_wait3A_180] : memref<10240x16xf32, #tpu.memory_space<vmem_shared>> -> memref<32x16xf32, #tpu.memory_space<vmem_shared>>
      tpu.wait_dma2 semaphore(%run_scoped3A : memref<!tpu.dma_semaphore, #tpu.memory_space<semaphore_mem>>) src(%arg16 : memref<32x16xf32, #tpu.memory_space<vmem>>) dst(%dma_wait3A_181 : memref<32x16xf32, #tpu.memory_space<vmem_shared>>)
      tpu.yield
    }) : () -> ()
    %add3A_16 = arith.constant 32 : i32
    %add3A_17 = arith.addi %mul3A_14, %add3A_16 : i32
    "tpu.region"() ({
      %run_scoped3A = tpu.sem_alloc : memref<!tpu.dma_semaphore, #tpu.memory_space<semaphore_mem>>
      %dma_start3A = arith.constant 0 : i32
      %dma_start3A_175 = tpu.memref_slice %arg17[%add3A_17, %dma_start3A] : memref<10240x64xf32, #tpu.memory_space<vmem_shared>> -> memref<32x64xf32, #tpu.memory_space<vmem_shared>>
      %dma_start3A_176 = arith.constant 0 : i32
      %dma_start3A_177 = tpu.memref_slice %arg17[%add3A_17, %dma_start3A_176] : memref<10240x64xf32, #tpu.memory_space<vmem_shared>> -> memref<32x64xf32, #tpu.memory_space<vmem_shared>>
      tpu.enqueue_dma source(%arg14 : memref<32x64xf32, #tpu.memory_space<vmem>>) target(%dma_start3A_177 : memref<32x64xf32, #tpu.memory_space<vmem_shared>>) target_semaphore(%run_scoped3A : memref<!tpu.dma_semaphore, #tpu.memory_space<semaphore_mem>>)
      %dma_wait3A_178 = arith.constant 0 : i32
      %dma_wait3A_179 = tpu.memref_slice %arg17[%add3A_17, %dma_wait3A_178] : memref<10240x64xf32, #tpu.memory_space<vmem_shared>> -> memref<32x64xf32, #tpu.memory_space<vmem_shared>>
      %dma_wait3A_180 = arith.constant 0 : i32
      %dma_wait3A_181 = tpu.memref_slice %arg17[%add3A_17, %dma_wait3A_180] : memref<10240x64xf32, #tpu.memory_space<vmem_shared>> -> memref<32x64xf32, #tpu.memory_space<vmem_shared>>
      tpu.wait_dma2 semaphore(%run_scoped3A : memref<!tpu.dma_semaphore, #tpu.memory_space<semaphore_mem>>) src(%arg14 : memref<32x64xf32, #tpu.memory_space<vmem>>) dst(%dma_wait3A_181 : memref<32x64xf32, #tpu.memory_space<vmem_shared>>)
      tpu.yield
    }) : () -> ()
    "tpu.region"() ({
      %run_scoped3A = tpu.sem_alloc : memref<!tpu.dma_semaphore, #tpu.memory_space<semaphore_mem>>
      %dma_start3A = arith.constant 0 : i32
      %dma_start3A_175 = tpu.memref_slice %arg18[%add3A_17, %dma_start3A] : memref<10240x16xf32, #tpu.memory_space<vmem_shared>> -> memref<32x16xf32, #tpu.memory_space<vmem_shared>>
      %dma_start3A_176 = arith.constant 0 : i32
      %dma_start3A_177 = tpu.memref_slice %arg18[%add3A_17, %dma_start3A_176] : memref<10240x16xf32, #tpu.memory_space<vmem_shared>> -> memref<32x16xf32, #tpu.memory_space<vmem_shared>>
      tpu.enqueue_dma source(%arg16 : memref<32x16xf32, #tpu.memory_space<vmem>>) target(%dma_start3A_177 : memref<32x16xf32, #tpu.memory_space<vmem_shared>>) target_semaphore(%run_scoped3A : memref<!tpu.dma_semaphore, #tpu.memory_space<semaphore_mem>>)
      %dma_wait3A_178 = arith.constant 0 : i32
      %dma_wait3A_179 = tpu.memref_slice %arg18[%add3A_17, %dma_wait3A_178] : memref<10240x16xf32, #tpu.memory_space<vmem_shared>> -> memref<32x16xf32, #tpu.memory_space<vmem_shared>>
      %dma_wait3A_180 = arith.constant 0 : i32
      %dma_wait3A_181 = tpu.memref_slice %arg18[%add3A_17, %dma_wait3A_180] : memref<10240x16xf32, #tpu.memory_space<vmem_shared>> -> memref<32x16xf32, #tpu.memory_space<vmem_shared>>
      tpu.wait_dma2 semaphore(%run_scoped3A : memref<!tpu.dma_semaphore, #tpu.memory_space<semaphore_mem>>) src(%arg16 : memref<32x16xf32, #tpu.memory_space<vmem>>) dst(%dma_wait3A_181 : memref<32x16xf32, #tpu.memory_space<vmem_shared>>)
      tpu.yield
    }) : () -> ()
    %add3A_18 = arith.constant 64 : i32
    %add3A_19 = arith.addi %mul3A_14, %add3A_18 : i32
    "tpu.region"() ({
      %run_scoped3A = tpu.sem_alloc : memref<!tpu.dma_semaphore, #tpu.memory_space<semaphore_mem>>
      %dma_start3A = arith.constant 0 : i32
      %dma_start3A_175 = tpu.memref_slice %arg17[%add3A_19, %dma_start3A] : memref<10240x64xf32, #tpu.memory_space<vmem_shared>> -> memref<32x64xf32, #tpu.memory_space<vmem_shared>>
      %dma_start3A_176 = arith.constant 0 : i32
      %dma_start3A_177 = tpu.memref_slice %arg17[%add3A_19, %dma_start3A_176] : memref<10240x64xf32, #tpu.memory_space<vmem_shared>> -> memref<32x64xf32, #tpu.memory_space<vmem_shared>>
      tpu.enqueue_dma source(%arg14 : memref<32x64xf32, #tpu.memory_space<vmem>>) target(%dma_start3A_177 : memref<32x64xf32, #tpu.memory_space<vmem_shared>>) target_semaphore(%run_scoped3A : memref<!tpu.dma_semaphore, #tpu.memory_space<semaphore_mem>>)
      %dma_wait3A_178 = arith.constant 0 : i32
      %dma_wait3A_179 = tpu.memref_slice %arg17[%add3A_19, %dma_wait3A_178] : memref<10240x64xf32, #tpu.memory_space<vmem_shared>> -> memref<32x64xf32, #tpu.memory_space<vmem_shared>>
      %dma_wait3A_180 = arith.constant 0 : i32
      %dma_wait3A_181 = tpu.memref_slice %arg17[%add3A_19, %dma_wait3A_180] : memref<10240x64xf32, #tpu.memory_space<vmem_shared>> -> memref<32x64xf32, #tpu.memory_space<vmem_shared>>
      tpu.wait_dma2 semaphore(%run_scoped3A : memref<!tpu.dma_semaphore, #tpu.memory_space<semaphore_mem>>) src(%arg14 : memref<32x64xf32, #tpu.memory_space<vmem>>) dst(%dma_wait3A_181 : memref<32x64xf32, #tpu.memory_space<vmem_shared>>)
      tpu.yield
    }) : () -> ()
    "tpu.region"() ({
      %run_scoped3A = tpu.sem_alloc : memref<!tpu.dma_semaphore, #tpu.memory_space<semaphore_mem>>
      %dma_start3A = arith.constant 0 : i32
      %dma_start3A_175 = tpu.memref_slice %arg18[%add3A_19, %dma_start3A] : memref<10240x16xf32, #tpu.memory_space<vmem_shared>> -> memref<32x16xf32, #tpu.memory_space<vmem_shared>>
      %dma_start3A_176 = arith.constant 0 : i32
      %dma_start3A_177 = tpu.memref_slice %arg18[%add3A_19, %dma_start3A_176] : memref<10240x16xf32, #tpu.memory_space<vmem_shared>> -> memref<32x16xf32, #tpu.memory_space<vmem_shared>>
      tpu.enqueue_dma source(%arg16 : memref<32x16xf32, #tpu.memory_space<vmem>>) target(%dma_start3A_177 : memref<32x16xf32, #tpu.memory_space<vmem_shared>>) target_semaphore(%run_scoped3A : memref<!tpu.dma_semaphore, #tpu.memory_space<semaphore_mem>>)
      %dma_wait3A_178 = arith.constant 0 : i32
      %dma_wait3A_179 = tpu.memref_slice %arg18[%add3A_19, %dma_wait3A_178] : memref<10240x16xf32, #tpu.memory_space<vmem_shared>> -> memref<32x16xf32, #tpu.memory_space<vmem_shared>>
      %dma_wait3A_180 = arith.constant 0 : i32
      %dma_wait3A_181 = tpu.memref_slice %arg18[%add3A_19, %dma_wait3A_180] : memref<10240x16xf32, #tpu.memory_space<vmem_shared>> -> memref<32x16xf32, #tpu.memory_space<vmem_shared>>
      tpu.wait_dma2 semaphore(%run_scoped3A : memref<!tpu.dma_semaphore, #tpu.memory_space<semaphore_mem>>) src(%arg16 : memref<32x16xf32, #tpu.memory_space<vmem>>) dst(%dma_wait3A_181 : memref<32x16xf32, #tpu.memory_space<vmem_shared>>)
      tpu.yield
    }) : () -> ()
    %add3A_20 = arith.constant 96 : i32
    %add3A_21 = arith.addi %mul3A_14, %add3A_20 : i32
    "tpu.region"() ({
      %run_scoped3A = tpu.sem_alloc : memref<!tpu.dma_semaphore, #tpu.memory_space<semaphore_mem>>
      %dma_start3A = arith.constant 0 : i32
      %dma_start3A_175 = tpu.memref_slice %arg17[%add3A_21, %dma_start3A] : memref<10240x64xf32, #tpu.memory_space<vmem_shared>> -> memref<32x64xf32, #tpu.memory_space<vmem_shared>>
      %dma_start3A_176 = arith.constant 0 : i32
      %dma_start3A_177 = tpu.memref_slice %arg17[%add3A_21, %dma_start3A_176] : memref<10240x64xf32, #tpu.memory_space<vmem_shared>> -> memref<32x64xf32, #tpu.memory_space<vmem_shared>>
      tpu.enqueue_dma source(%arg14 : memref<32x64xf32, #tpu.memory_space<vmem>>) target(%dma_start3A_177 : memref<32x64xf32, #tpu.memory_space<vmem_shared>>) target_semaphore(%run_scoped3A : memref<!tpu.dma_semaphore, #tpu.memory_space<semaphore_mem>>)
      %dma_wait3A_178 = arith.constant 0 : i32
      %dma_wait3A_179 = tpu.memref_slice %arg17[%add3A_21, %dma_wait3A_178] : memref<10240x64xf32, #tpu.memory_space<vmem_shared>> -> memref<32x64xf32, #tpu.memory_space<vmem_shared>>
      %dma_wait3A_180 = arith.constant 0 : i32
      %dma_wait3A_181 = tpu.memref_slice %arg17[%add3A_21, %dma_wait3A_180] : memref<10240x64xf32, #tpu.memory_space<vmem_shared>> -> memref<32x64xf32, #tpu.memory_space<vmem_shared>>
      tpu.wait_dma2 semaphore(%run_scoped3A : memref<!tpu.dma_semaphore, #tpu.memory_space<semaphore_mem>>) src(%arg14 : memref<32x64xf32, #tpu.memory_space<vmem>>) dst(%dma_wait3A_181 : memref<32x64xf32, #tpu.memory_space<vmem_shared>>)
      tpu.yield
    }) : () -> ()
    "tpu.region"() ({
      %run_scoped3A = tpu.sem_alloc : memref<!tpu.dma_semaphore, #tpu.memory_space<semaphore_mem>>
      %dma_start3A = arith.constant 0 : i32
      %dma_start3A_175 = tpu.memref_slice %arg18[%add3A_21, %dma_start3A] : memref<10240x16xf32, #tpu.memory_space<vmem_shared>> -> memref<32x16xf32, #tpu.memory_space<vmem_shared>>
      %dma_start3A_176 = arith.constant 0 : i32
      %dma_start3A_177 = tpu.memref_slice %arg18[%add3A_21, %dma_start3A_176] : memref<10240x16xf32, #tpu.memory_space<vmem_shared>> -> memref<32x16xf32, #tpu.memory_space<vmem_shared>>
      tpu.enqueue_dma source(%arg16 : memref<32x16xf32, #tpu.memory_space<vmem>>) target(%dma_start3A_177 : memref<32x16xf32, #tpu.memory_space<vmem_shared>>) target_semaphore(%run_scoped3A : memref<!tpu.dma_semaphore, #tpu.memory_space<semaphore_mem>>)
      %dma_wait3A_178 = arith.constant 0 : i32
      %dma_wait3A_179 = tpu.memref_slice %arg18[%add3A_21, %dma_wait3A_178] : memref<10240x16xf32, #tpu.memory_space<vmem_shared>> -> memref<32x16xf32, #tpu.memory_space<vmem_shared>>
      %dma_wait3A_180 = arith.constant 0 : i32
      %dma_wait3A_181 = tpu.memref_slice %arg18[%add3A_21, %dma_wait3A_180] : memref<10240x16xf32, #tpu.memory_space<vmem_shared>> -> memref<32x16xf32, #tpu.memory_space<vmem_shared>>
      tpu.wait_dma2 semaphore(%run_scoped3A : memref<!tpu.dma_semaphore, #tpu.memory_space<semaphore_mem>>) src(%arg16 : memref<32x16xf32, #tpu.memory_space<vmem>>) dst(%dma_wait3A_181 : memref<32x16xf32, #tpu.memory_space<vmem_shared>>)
      tpu.yield
    }) : () -> ()
    %add3A_22 = arith.constant 128 : i32
    %add3A_23 = arith.addi %mul3A_14, %add3A_22 : i32
    "tpu.region"() ({
      %run_scoped3A = tpu.sem_alloc : memref<!tpu.dma_semaphore, #tpu.memory_space<semaphore_mem>>
      %dma_start3A = arith.constant 0 : i32
      %dma_start3A_175 = tpu.memref_slice %arg17[%add3A_23, %dma_start3A] : memref<10240x64xf32, #tpu.memory_space<vmem_shared>> -> memref<32x64xf32, #tpu.memory_space<vmem_shared>>
      %dma_start3A_176 = arith.constant 0 : i32
      %dma_start3A_177 = tpu.memref_slice %arg17[%add3A_23, %dma_start3A_176] : memref<10240x64xf32, #tpu.memory_space<vmem_shared>> -> memref<32x64xf32, #tpu.memory_space<vmem_shared>>
      tpu.enqueue_dma source(%arg14 : memref<32x64xf32, #tpu.memory_space<vmem>>) target(%dma_start3A_177 : memref<32x64xf32, #tpu.memory_space<vmem_shared>>) target_semaphore(%run_scoped3A : memref<!tpu.dma_semaphore, #tpu.memory_space<semaphore_mem>>)
      %dma_wait3A_178 = arith.constant 0 : i32
      %dma_wait3A_179 = tpu.memref_slice %arg17[%add3A_23, %dma_wait3A_178] : memref<10240x64xf32, #tpu.memory_space<vmem_shared>> -> memref<32x64xf32, #tpu.memory_space<vmem_shared>>
      %dma_wait3A_180 = arith.constant 0 : i32
      %dma_wait3A_181 = tpu.memref_slice %arg17[%add3A_23, %dma_wait3A_180] : memref<10240x64xf32, #tpu.memory_space<vmem_shared>> -> memref<32x64xf32, #tpu.memory_space<vmem_shared>>
      tpu.wait_dma2 semaphore(%run_scoped3A : memref<!tpu.dma_semaphore, #tpu.memory_space<semaphore_mem>>) src(%arg14 : memref<32x64xf32, #tpu.memory_space<vmem>>) dst(%dma_wait3A_181 : memref<32x64xf32, #tpu.memory_space<vmem_shared>>)
      tpu.yield
    }) : () -> ()
    "tpu.region"() ({
      %run_scoped3A = tpu.sem_alloc : memref<!tpu.dma_semaphore, #tpu.memory_space<semaphore_mem>>
      %dma_start3A = arith.constant 0 : i32
      %dma_start3A_175 = tpu.memref_slice %arg18[%add3A_23, %dma_start3A] : memref<10240x16xf32, #tpu.memory_space<vmem_shared>> -> memref<32x16xf32, #tpu.memory_space<vmem_shared>>
      %dma_start3A_176 = arith.constant 0 : i32
      %dma_start3A_177 = tpu.memref_slice %arg18[%add3A_23, %dma_start3A_176] : memref<10240x16xf32, #tpu.memory_space<vmem_shared>> -> memref<32x16xf32, #tpu.memory_space<vmem_shared>>
      tpu.enqueue_dma source(%arg16 : memref<32x16xf32, #tpu.memory_space<vmem>>) target(%dma_start3A_177 : memref<32x16xf32, #tpu.memory_space<vmem_shared>>) target_semaphore(%run_scoped3A : memref<!tpu.dma_semaphore, #tpu.memory_space<semaphore_mem>>)
      %dma_wait3A_178 = arith.constant 0 : i32
      %dma_wait3A_179 = tpu.memref_slice %arg18[%add3A_23, %dma_wait3A_178] : memref<10240x16xf32, #tpu.memory_space<vmem_shared>> -> memref<32x16xf32, #tpu.memory_space<vmem_shared>>
      %dma_wait3A_180 = arith.constant 0 : i32
      %dma_wait3A_181 = tpu.memref_slice %arg18[%add3A_23, %dma_wait3A_180] : memref<10240x16xf32, #tpu.memory_space<vmem_shared>> -> memref<32x16xf32, #tpu.memory_space<vmem_shared>>
      tpu.wait_dma2 semaphore(%run_scoped3A : memref<!tpu.dma_semaphore, #tpu.memory_space<semaphore_mem>>) src(%arg16 : memref<32x16xf32, #tpu.memory_space<vmem>>) dst(%dma_wait3A_181 : memref<32x16xf32, #tpu.memory_space<vmem_shared>>)
      tpu.yield
    }) : () -> ()
    %add3A_24 = arith.constant 160 : i32
    %add3A_25 = arith.addi %mul3A_14, %add3A_24 : i32
    "tpu.region"() ({
      %run_scoped3A = tpu.sem_alloc : memref<!tpu.dma_semaphore, #tpu.memory_space<semaphore_mem>>
      %dma_start3A = arith.constant 0 : i32
      %dma_start3A_175 = tpu.memref_slice %arg17[%add3A_25, %dma_start3A] : memref<10240x64xf32, #tpu.memory_space<vmem_shared>> -> memref<32x64xf32, #tpu.memory_space<vmem_shared>>
      %dma_start3A_176 = arith.constant 0 : i32
      %dma_start3A_177 = tpu.memref_slice %arg17[%add3A_25, %dma_start3A_176] : memref<10240x64xf32, #tpu.memory_space<vmem_shared>> -> memref<32x64xf32, #tpu.memory_space<vmem_shared>>
      tpu.enqueue_dma source(%arg14 : memref<32x64xf32, #tpu.memory_space<vmem>>) target(%dma_start3A_177 : memref<32x64xf32, #tpu.memory_space<vmem_shared>>) target_semaphore(%run_scoped3A : memref<!tpu.dma_semaphore, #tpu.memory_space<semaphore_mem>>)
      %dma_wait3A_178 = arith.constant 0 : i32
      %dma_wait3A_179 = tpu.memref_slice %arg17[%add3A_25, %dma_wait3A_178] : memref<10240x64xf32, #tpu.memory_space<vmem_shared>> -> memref<32x64xf32, #tpu.memory_space<vmem_shared>>
      %dma_wait3A_180 = arith.constant 0 : i32
      %dma_wait3A_181 = tpu.memref_slice %arg17[%add3A_25, %dma_wait3A_180] : memref<10240x64xf32, #tpu.memory_space<vmem_shared>> -> memref<32x64xf32, #tpu.memory_space<vmem_shared>>
      tpu.wait_dma2 semaphore(%run_scoped3A : memref<!tpu.dma_semaphore, #tpu.memory_space<semaphore_mem>>) src(%arg14 : memref<32x64xf32, #tpu.memory_space<vmem>>) dst(%dma_wait3A_181 : memref<32x64xf32, #tpu.memory_space<vmem_shared>>)
      tpu.yield
    }) : () -> ()
    "tpu.region"() ({
      %run_scoped3A = tpu.sem_alloc : memref<!tpu.dma_semaphore, #tpu.memory_space<semaphore_mem>>
      %dma_start3A = arith.constant 0 : i32
      %dma_start3A_175 = tpu.memref_slice %arg18[%add3A_25, %dma_start3A] : memref<10240x16xf32, #tpu.memory_space<vmem_shared>> -> memref<32x16xf32, #tpu.memory_space<vmem_shared>>
      %dma_start3A_176 = arith.constant 0 : i32
      %dma_start3A_177 = tpu.memref_slice %arg18[%add3A_25, %dma_start3A_176] : memref<10240x16xf32, #tpu.memory_space<vmem_shared>> -> memref<32x16xf32, #tpu.memory_space<vmem_shared>>
      tpu.enqueue_dma source(%arg16 : memref<32x16xf32, #tpu.memory_space<vmem>>) target(%dma_start3A_177 : memref<32x16xf32, #tpu.memory_space<vmem_shared>>) target_semaphore(%run_scoped3A : memref<!tpu.dma_semaphore, #tpu.memory_space<semaphore_mem>>)
      %dma_wait3A_178 = arith.constant 0 : i32
      %dma_wait3A_179 = tpu.memref_slice %arg18[%add3A_25, %dma_wait3A_178] : memref<10240x16xf32, #tpu.memory_space<vmem_shared>> -> memref<32x16xf32, #tpu.memory_space<vmem_shared>>
      %dma_wait3A_180 = arith.constant 0 : i32
      %dma_wait3A_181 = tpu.memref_slice %arg18[%add3A_25, %dma_wait3A_180] : memref<10240x16xf32, #tpu.memory_space<vmem_shared>> -> memref<32x16xf32, #tpu.memory_space<vmem_shared>>
      tpu.wait_dma2 semaphore(%run_scoped3A : memref<!tpu.dma_semaphore, #tpu.memory_space<semaphore_mem>>) src(%arg16 : memref<32x16xf32, #tpu.memory_space<vmem>>) dst(%dma_wait3A_181 : memref<32x16xf32, #tpu.memory_space<vmem_shared>>)
      tpu.yield
    }) : () -> ()
    %add3A_26 = arith.constant 192 : i32
    %add3A_27 = arith.addi %mul3A_14, %add3A_26 : i32
    "tpu.region"() ({
      %run_scoped3A = tpu.sem_alloc : memref<!tpu.dma_semaphore, #tpu.memory_space<semaphore_mem>>
      %dma_start3A = arith.constant 0 : i32
      %dma_start3A_175 = tpu.memref_slice %arg17[%add3A_27, %dma_start3A] : memref<10240x64xf32, #tpu.memory_space<vmem_shared>> -> memref<32x64xf32, #tpu.memory_space<vmem_shared>>
      %dma_start3A_176 = arith.constant 0 : i32
      %dma_start3A_177 = tpu.memref_slice %arg17[%add3A_27, %dma_start3A_176] : memref<10240x64xf32, #tpu.memory_space<vmem_shared>> -> memref<32x64xf32, #tpu.memory_space<vmem_shared>>
      tpu.enqueue_dma source(%arg14 : memref<32x64xf32, #tpu.memory_space<vmem>>) target(%dma_start3A_177 : memref<32x64xf32, #tpu.memory_space<vmem_shared>>) target_semaphore(%run_scoped3A : memref<!tpu.dma_semaphore, #tpu.memory_space<semaphore_mem>>)
      %dma_wait3A_178 = arith.constant 0 : i32
      %dma_wait3A_179 = tpu.memref_slice %arg17[%add3A_27, %dma_wait3A_178] : memref<10240x64xf32, #tpu.memory_space<vmem_shared>> -> memref<32x64xf32, #tpu.memory_space<vmem_shared>>
      %dma_wait3A_180 = arith.constant 0 : i32
      %dma_wait3A_181 = tpu.memref_slice %arg17[%add3A_27, %dma_wait3A_180] : memref<10240x64xf32, #tpu.memory_space<vmem_shared>> -> memref<32x64xf32, #tpu.memory_space<vmem_shared>>
      tpu.wait_dma2 semaphore(%run_scoped3A : memref<!tpu.dma_semaphore, #tpu.memory_space<semaphore_mem>>) src(%arg14 : memref<32x64xf32, #tpu.memory_space<vmem>>) dst(%dma_wait3A_181 : memref<32x64xf32, #tpu.memory_space<vmem_shared>>)
      tpu.yield
    }) : () -> ()
    "tpu.region"() ({
      %run_scoped3A = tpu.sem_alloc : memref<!tpu.dma_semaphore, #tpu.memory_space<semaphore_mem>>
      %dma_start3A = arith.constant 0 : i32
      %dma_start3A_175 = tpu.memref_slice %arg18[%add3A_27, %dma_start3A] : memref<10240x16xf32, #tpu.memory_space<vmem_shared>> -> memref<32x16xf32, #tpu.memory_space<vmem_shared>>
      %dma_start3A_176 = arith.constant 0 : i32
      %dma_start3A_177 = tpu.memref_slice %arg18[%add3A_27, %dma_start3A_176] : memref<10240x16xf32, #tpu.memory_space<vmem_shared>> -> memref<32x16xf32, #tpu.memory_space<vmem_shared>>
      tpu.enqueue_dma source(%arg16 : memref<32x16xf32, #tpu.memory_space<vmem>>) target(%dma_start3A_177 : memref<32x16xf32, #tpu.memory_space<vmem_shared>>) target_semaphore(%run_scoped3A : memref<!tpu.dma_semaphore, #tpu.memory_space<semaphore_mem>>)
      %dma_wait3A_178 = arith.constant 0 : i32
      %dma_wait3A_179 = tpu.memref_slice %arg18[%add3A_27, %dma_wait3A_178] : memref<10240x16xf32, #tpu.memory_space<vmem_shared>> -> memref<32x16xf32, #tpu.memory_space<vmem_shared>>
      %dma_wait3A_180 = arith.constant 0 : i32
      %dma_wait3A_181 = tpu.memref_slice %arg18[%add3A_27, %dma_wait3A_180] : memref<10240x16xf32, #tpu.memory_space<vmem_shared>> -> memref<32x16xf32, #tpu.memory_space<vmem_shared>>
      tpu.wait_dma2 semaphore(%run_scoped3A : memref<!tpu.dma_semaphore, #tpu.memory_space<semaphore_mem>>) src(%arg16 : memref<32x16xf32, #tpu.memory_space<vmem>>) dst(%dma_wait3A_181 : memref<32x16xf32, #tpu.memory_space<vmem_shared>>)
      tpu.yield
    }) : () -> ()
    %add3A_28 = arith.constant 224 : i32
    %add3A_29 = arith.addi %mul3A_14, %add3A_28 : i32
    "tpu.region"() ({
      %run_scoped3A = tpu.sem_alloc : memref<!tpu.dma_semaphore, #tpu.memory_space<semaphore_mem>>
      %dma_start3A = arith.constant 0 : i32
      %dma_start3A_175 = tpu.memref_slice %arg17[%add3A_29, %dma_start3A] : memref<10240x64xf32, #tpu.memory_space<vmem_shared>> -> memref<32x64xf32, #tpu.memory_space<vmem_shared>>
      %dma_start3A_176 = arith.constant 0 : i32
      %dma_start3A_177 = tpu.memref_slice %arg17[%add3A_29, %dma_start3A_176] : memref<10240x64xf32, #tpu.memory_space<vmem_shared>> -> memref<32x64xf32, #tpu.memory_space<vmem_shared>>
      tpu.enqueue_dma source(%arg14 : memref<32x64xf32, #tpu.memory_space<vmem>>) target(%dma_start3A_177 : memref<32x64xf32, #tpu.memory_space<vmem_shared>>) target_semaphore(%run_scoped3A : memref<!tpu.dma_semaphore, #tpu.memory_space<semaphore_mem>>)
      %dma_wait3A_178 = arith.constant 0 : i32
      %dma_wait3A_179 = tpu.memref_slice %arg17[%add3A_29, %dma_wait3A_178] : memref<10240x64xf32, #tpu.memory_space<vmem_shared>> -> memref<32x64xf32, #tpu.memory_space<vmem_shared>>
      %dma_wait3A_180 = arith.constant 0 : i32
      %dma_wait3A_181 = tpu.memref_slice %arg17[%add3A_29, %dma_wait3A_180] : memref<10240x64xf32, #tpu.memory_space<vmem_shared>> -> memref<32x64xf32, #tpu.memory_space<vmem_shared>>
      tpu.wait_dma2 semaphore(%run_scoped3A : memref<!tpu.dma_semaphore, #tpu.memory_space<semaphore_mem>>) src(%arg14 : memref<32x64xf32, #tpu.memory_space<vmem>>) dst(%dma_wait3A_181 : memref<32x64xf32, #tpu.memory_space<vmem_shared>>)
      tpu.yield
    }) : () -> ()
    "tpu.region"() ({
      %run_scoped3A = tpu.sem_alloc : memref<!tpu.dma_semaphore, #tpu.memory_space<semaphore_mem>>
      %dma_start3A = arith.constant 0 : i32
      %dma_start3A_175 = tpu.memref_slice %arg18[%add3A_29, %dma_start3A] : memref<10240x16xf32, #tpu.memory_space<vmem_shared>> -> memref<32x16xf32, #tpu.memory_space<vmem_shared>>
      %dma_start3A_176 = arith.constant 0 : i32
      %dma_start3A_177 = tpu.memref_slice %arg18[%add3A_29, %dma_start3A_176] : memref<10240x16xf32, #tpu.memory_space<vmem_shared>> -> memref<32x16xf32, #tpu.memory_space<vmem_shared>>
      tpu.enqueue_dma source(%arg16 : memref<32x16xf32, #tpu.memory_space<vmem>>) target(%dma_start3A_177 : memref<32x16xf32, #tpu.memory_space<vmem_shared>>) target_semaphore(%run_scoped3A : memref<!tpu.dma_semaphore, #tpu.memory_space<semaphore_mem>>)
      %dma_wait3A_178 = arith.constant 0 : i32
      %dma_wait3A_179 = tpu.memref_slice %arg18[%add3A_29, %dma_wait3A_178] : memref<10240x16xf32, #tpu.memory_space<vmem_shared>> -> memref<32x16xf32, #tpu.memory_space<vmem_shared>>
      %dma_wait3A_180 = arith.constant 0 : i32
      %dma_wait3A_181 = tpu.memref_slice %arg18[%add3A_29, %dma_wait3A_180] : memref<10240x16xf32, #tpu.memory_space<vmem_shared>> -> memref<32x16xf32, #tpu.memory_space<vmem_shared>>
      tpu.wait_dma2 semaphore(%run_scoped3A : memref<!tpu.dma_semaphore, #tpu.memory_space<semaphore_mem>>) src(%arg16 : memref<32x16xf32, #tpu.memory_space<vmem>>) dst(%dma_wait3A_181 : memref<32x16xf32, #tpu.memory_space<vmem_shared>>)
      tpu.yield
    }) : () -> ()
    %add3A_30 = arith.constant 256 : i32
    %add3A_31 = arith.addi %mul3A_14, %add3A_30 : i32
    "tpu.region"() ({
      %run_scoped3A = tpu.sem_alloc : memref<!tpu.dma_semaphore, #tpu.memory_space<semaphore_mem>>
      %dma_start3A = arith.constant 0 : i32
      %dma_start3A_175 = tpu.memref_slice %arg17[%add3A_31, %dma_start3A] : memref<10240x64xf32, #tpu.memory_space<vmem_shared>> -> memref<32x64xf32, #tpu.memory_space<vmem_shared>>
      %dma_start3A_176 = arith.constant 0 : i32
      %dma_start3A_177 = tpu.memref_slice %arg17[%add3A_31, %dma_start3A_176] : memref<10240x64xf32, #tpu.memory_space<vmem_shared>> -> memref<32x64xf32, #tpu.memory_space<vmem_shared>>
      tpu.enqueue_dma source(%arg14 : memref<32x64xf32, #tpu.memory_space<vmem>>) target(%dma_start3A_177 : memref<32x64xf32, #tpu.memory_space<vmem_shared>>) target_semaphore(%run_scoped3A : memref<!tpu.dma_semaphore, #tpu.memory_space<semaphore_mem>>)
      %dma_wait3A_178 = arith.constant 0 : i32
      %dma_wait3A_179 = tpu.memref_slice %arg17[%add3A_31, %dma_wait3A_178] : memref<10240x64xf32, #tpu.memory_space<vmem_shared>> -> memref<32x64xf32, #tpu.memory_space<vmem_shared>>
      %dma_wait3A_180 = arith.constant 0 : i32
      %dma_wait3A_181 = tpu.memref_slice %arg17[%add3A_31, %dma_wait3A_180] : memref<10240x64xf32, #tpu.memory_space<vmem_shared>> -> memref<32x64xf32, #tpu.memory_space<vmem_shared>>
      tpu.wait_dma2 semaphore(%run_scoped3A : memref<!tpu.dma_semaphore, #tpu.memory_space<semaphore_mem>>) src(%arg14 : memref<32x64xf32, #tpu.memory_space<vmem>>) dst(%dma_wait3A_181 : memref<32x64xf32, #tpu.memory_space<vmem_shared>>)
      tpu.yield
    }) : () -> ()
    "tpu.region"() ({
      %run_scoped3A = tpu.sem_alloc : memref<!tpu.dma_semaphore, #tpu.memory_space<semaphore_mem>>
      %dma_start3A = arith.constant 0 : i32
      %dma_start3A_175 = tpu.memref_slice %arg18[%add3A_31, %dma_start3A] : memref<10240x16xf32, #tpu.memory_space<vmem_shared>> -> memref<32x16xf32, #tpu.memory_space<vmem_shared>>
      %dma_start3A_176 = arith.constant 0 : i32
      %dma_start3A_177 = tpu.memref_slice %arg18[%add3A_31, %dma_start3A_176] : memref<10240x16xf32, #tpu.memory_space<vmem_shared>> -> memref<32x16xf32, #tpu.memory_space<vmem_shared>>
      tpu.enqueue_dma source(%arg16 : memref<32x16xf32, #tpu.memory_space<vmem>>) target(%dma_start3A_177 : memref<32x16xf32, #tpu.memory_space<vmem_shared>>) target_semaphore(%run_scoped3A : memref<!tpu.dma_semaphore, #tpu.memory_space<semaphore_mem>>)
      %dma_wait3A_178 = arith.constant 0 : i32
      %dma_wait3A_179 = tpu.memref_slice %arg18[%add3A_31, %dma_wait3A_178] : memref<10240x16xf32, #tpu.memory_space<vmem_shared>> -> memref<32x16xf32, #tpu.memory_space<vmem_shared>>
      %dma_wait3A_180 = arith.constant 0 : i32
      %dma_wait3A_181 = tpu.memref_slice %arg18[%add3A_31, %dma_wait3A_180] : memref<10240x16xf32, #tpu.memory_space<vmem_shared>> -> memref<32x16xf32, #tpu.memory_space<vmem_shared>>
      tpu.wait_dma2 semaphore(%run_scoped3A : memref<!tpu.dma_semaphore, #tpu.memory_space<semaphore_mem>>) src(%arg16 : memref<32x16xf32, #tpu.memory_space<vmem>>) dst(%dma_wait3A_181 : memref<32x16xf32, #tpu.memory_space<vmem_shared>>)
      tpu.yield
    }) : () -> ()
    %add3A_32 = arith.constant 288 : i32
    %add3A_33 = arith.addi %mul3A_14, %add3A_32 : i32
    "tpu.region"() ({
      %run_scoped3A = tpu.sem_alloc : memref<!tpu.dma_semaphore, #tpu.memory_space<semaphore_mem>>
      %dma_start3A = arith.constant 0 : i32
      %dma_start3A_175 = tpu.memref_slice %arg17[%add3A_33, %dma_start3A] : memref<10240x64xf32, #tpu.memory_space<vmem_shared>> -> memref<32x64xf32, #tpu.memory_space<vmem_shared>>
      %dma_start3A_176 = arith.constant 0 : i32
      %dma_start3A_177 = tpu.memref_slice %arg17[%add3A_33, %dma_start3A_176] : memref<10240x64xf32, #tpu.memory_space<vmem_shared>> -> memref<32x64xf32, #tpu.memory_space<vmem_shared>>
      tpu.enqueue_dma source(%arg14 : memref<32x64xf32, #tpu.memory_space<vmem>>) target(%dma_start3A_177 : memref<32x64xf32, #tpu.memory_space<vmem_shared>>) target_semaphore(%run_scoped3A : memref<!tpu.dma_semaphore, #tpu.memory_space<semaphore_mem>>)
      %dma_wait3A_178 = arith.constant 0 : i32
      %dma_wait3A_179 = tpu.memref_slice %arg17[%add3A_33, %dma_wait3A_178] : memref<10240x64xf32, #tpu.memory_space<vmem_shared>> -> memref<32x64xf32, #tpu.memory_space<vmem_shared>>
      %dma_wait3A_180 = arith.constant 0 : i32
      %dma_wait3A_181 = tpu.memref_slice %arg17[%add3A_33, %dma_wait3A_180] : memref<10240x64xf32, #tpu.memory_space<vmem_shared>> -> memref<32x64xf32, #tpu.memory_space<vmem_shared>>
      tpu.wait_dma2 semaphore(%run_scoped3A : memref<!tpu.dma_semaphore, #tpu.memory_space<semaphore_mem>>) src(%arg14 : memref<32x64xf32, #tpu.memory_space<vmem>>) dst(%dma_wait3A_181 : memref<32x64xf32, #tpu.memory_space<vmem_shared>>)
      tpu.yield
    }) : () -> ()
    "tpu.region"() ({
      %run_scoped3A = tpu.sem_alloc : memref<!tpu.dma_semaphore, #tpu.memory_space<semaphore_mem>>
      %dma_start3A = arith.constant 0 : i32
      %dma_start3A_175 = tpu.memref_slice %arg18[%add3A_33, %dma_start3A] : memref<10240x16xf32, #tpu.memory_space<vmem_shared>> -> memref<32x16xf32, #tpu.memory_space<vmem_shared>>
      %dma_start3A_176 = arith.constant 0 : i32
      %dma_start3A_177 = tpu.memref_slice %arg18[%add3A_33, %dma_start3A_176] : memref<10240x16xf32, #tpu.memory_space<vmem_shared>> -> memref<32x16xf32, #tpu.memory_space<vmem_shared>>
      tpu.enqueue_dma source(%arg16 : memref<32x16xf32, #tpu.memory_space<vmem>>) target(%dma_start3A_177 : memref<32x16xf32, #tpu.memory_space<vmem_shared>>) target_semaphore(%run_scoped3A : memref<!tpu.dma_semaphore, #tpu.memory_space<semaphore_mem>>)
      %dma_wait3A_178 = arith.constant 0 : i32
      %dma_wait3A_179 = tpu.memref_slice %arg18[%add3A_33, %dma_wait3A_178] : memref<10240x16xf32, #tpu.memory_space<vmem_shared>> -> memref<32x16xf32, #tpu.memory_space<vmem_shared>>
      %dma_wait3A_180 = arith.constant 0 : i32
      %dma_wait3A_181 = tpu.memref_slice %arg18[%add3A_33, %dma_wait3A_180] : memref<10240x16xf32, #tpu.memory_space<vmem_shared>> -> memref<32x16xf32, #tpu.memory_space<vmem_shared>>
      tpu.wait_dma2 semaphore(%run_scoped3A : memref<!tpu.dma_semaphore, #tpu.memory_space<semaphore_mem>>) src(%arg16 : memref<32x16xf32, #tpu.memory_space<vmem>>) dst(%dma_wait3A_181 : memref<32x16xf32, #tpu.memory_space<vmem_shared>>)
      tpu.yield
    }) : () -> ()
    %add3A_34 = arith.constant 320 : i32
    %add3A_35 = arith.addi %mul3A_14, %add3A_34 : i32
    "tpu.region"() ({
      %run_scoped3A = tpu.sem_alloc : memref<!tpu.dma_semaphore, #tpu.memory_space<semaphore_mem>>
      %dma_start3A = arith.constant 0 : i32
      %dma_start3A_175 = tpu.memref_slice %arg17[%add3A_35, %dma_start3A] : memref<10240x64xf32, #tpu.memory_space<vmem_shared>> -> memref<32x64xf32, #tpu.memory_space<vmem_shared>>
      %dma_start3A_176 = arith.constant 0 : i32
      %dma_start3A_177 = tpu.memref_slice %arg17[%add3A_35, %dma_start3A_176] : memref<10240x64xf32, #tpu.memory_space<vmem_shared>> -> memref<32x64xf32, #tpu.memory_space<vmem_shared>>
      tpu.enqueue_dma source(%arg14 : memref<32x64xf32, #tpu.memory_space<vmem>>) target(%dma_start3A_177 : memref<32x64xf32, #tpu.memory_space<vmem_shared>>) target_semaphore(%run_scoped3A : memref<!tpu.dma_semaphore, #tpu.memory_space<semaphore_mem>>)
      %dma_wait3A_178 = arith.constant 0 : i32
      %dma_wait3A_179 = tpu.memref_slice %arg17[%add3A_35, %dma_wait3A_178] : memref<10240x64xf32, #tpu.memory_space<vmem_shared>> -> memref<32x64xf32, #tpu.memory_space<vmem_shared>>
      %dma_wait3A_180 = arith.constant 0 : i32
      %dma_wait3A_181 = tpu.memref_slice %arg17[%add3A_35, %dma_wait3A_180] : memref<10240x64xf32, #tpu.memory_space<vmem_shared>> -> memref<32x64xf32, #tpu.memory_space<vmem_shared>>
      tpu.wait_dma2 semaphore(%run_scoped3A : memref<!tpu.dma_semaphore, #tpu.memory_space<semaphore_mem>>) src(%arg14 : memref<32x64xf32, #tpu.memory_space<vmem>>) dst(%dma_wait3A_181 : memref<32x64xf32, #tpu.memory_space<vmem_shared>>)
      tpu.yield
    }) : () -> ()
    "tpu.region"() ({
      %run_scoped3A = tpu.sem_alloc : memref<!tpu.dma_semaphore, #tpu.memory_space<semaphore_mem>>
      %dma_start3A = arith.constant 0 : i32
      %dma_start3A_175 = tpu.memref_slice %arg18[%add3A_35, %dma_start3A] : memref<10240x16xf32, #tpu.memory_space<vmem_shared>> -> memref<32x16xf32, #tpu.memory_space<vmem_shared>>
      %dma_start3A_176 = arith.constant 0 : i32
      %dma_start3A_177 = tpu.memref_slice %arg18[%add3A_35, %dma_start3A_176] : memref<10240x16xf32, #tpu.memory_space<vmem_shared>> -> memref<32x16xf32, #tpu.memory_space<vmem_shared>>
      tpu.enqueue_dma source(%arg16 : memref<32x16xf32, #tpu.memory_space<vmem>>) target(%dma_start3A_177 : memref<32x16xf32, #tpu.memory_space<vmem_shared>>) target_semaphore(%run_scoped3A : memref<!tpu.dma_semaphore, #tpu.memory_space<semaphore_mem>>)
      %dma_wait3A_178 = arith.constant 0 : i32
      %dma_wait3A_179 = tpu.memref_slice %arg18[%add3A_35, %dma_wait3A_178] : memref<10240x16xf32, #tpu.memory_space<vmem_shared>> -> memref<32x16xf32, #tpu.memory_space<vmem_shared>>
      %dma_wait3A_180 = arith.constant 0 : i32
      %dma_wait3A_181 = tpu.memref_slice %arg18[%add3A_35, %dma_wait3A_180] : memref<10240x16xf32, #tpu.memory_space<vmem_shared>> -> memref<32x16xf32, #tpu.memory_space<vmem_shared>>
      tpu.wait_dma2 semaphore(%run_scoped3A : memref<!tpu.dma_semaphore, #tpu.memory_space<semaphore_mem>>) src(%arg16 : memref<32x16xf32, #tpu.memory_space<vmem>>) dst(%dma_wait3A_181 : memref<32x16xf32, #tpu.memory_space<vmem_shared>>)
      tpu.yield
    }) : () -> ()
    %add3A_36 = arith.constant 352 : i32
    %add3A_37 = arith.addi %mul3A_14, %add3A_36 : i32
    "tpu.region"() ({
      %run_scoped3A = tpu.sem_alloc : memref<!tpu.dma_semaphore, #tpu.memory_space<semaphore_mem>>
      %dma_start3A = arith.constant 0 : i32
      %dma_start3A_175 = tpu.memref_slice %arg17[%add3A_37, %dma_start3A] : memref<10240x64xf32, #tpu.memory_space<vmem_shared>> -> memref<32x64xf32, #tpu.memory_space<vmem_shared>>
      %dma_start3A_176 = arith.constant 0 : i32
      %dma_start3A_177 = tpu.memref_slice %arg17[%add3A_37, %dma_start3A_176] : memref<10240x64xf32, #tpu.memory_space<vmem_shared>> -> memref<32x64xf32, #tpu.memory_space<vmem_shared>>
      tpu.enqueue_dma source(%arg14 : memref<32x64xf32, #tpu.memory_space<vmem>>) target(%dma_start3A_177 : memref<32x64xf32, #tpu.memory_space<vmem_shared>>) target_semaphore(%run_scoped3A : memref<!tpu.dma_semaphore, #tpu.memory_space<semaphore_mem>>)
      %dma_wait3A_178 = arith.constant 0 : i32
      %dma_wait3A_179 = tpu.memref_slice %arg17[%add3A_37, %dma_wait3A_178] : memref<10240x64xf32, #tpu.memory_space<vmem_shared>> -> memref<32x64xf32, #tpu.memory_space<vmem_shared>>
      %dma_wait3A_180 = arith.constant 0 : i32
      %dma_wait3A_181 = tpu.memref_slice %arg17[%add3A_37, %dma_wait3A_180] : memref<10240x64xf32, #tpu.memory_space<vmem_shared>> -> memref<32x64xf32, #tpu.memory_space<vmem_shared>>
      tpu.wait_dma2 semaphore(%run_scoped3A : memref<!tpu.dma_semaphore, #tpu.memory_space<semaphore_mem>>) src(%arg14 : memref<32x64xf32, #tpu.memory_space<vmem>>) dst(%dma_wait3A_181 : memref<32x64xf32, #tpu.memory_space<vmem_shared>>)
      tpu.yield
    }) : () -> ()
    "tpu.region"() ({
      %run_scoped3A = tpu.sem_alloc : memref<!tpu.dma_semaphore, #tpu.memory_space<semaphore_mem>>
      %dma_start3A = arith.constant 0 : i32
      %dma_start3A_175 = tpu.memref_slice %arg18[%add3A_37, %dma_start3A] : memref<10240x16xf32, #tpu.memory_space<vmem_shared>> -> memref<32x16xf32, #tpu.memory_space<vmem_shared>>
      %dma_start3A_176 = arith.constant 0 : i32
      %dma_start3A_177 = tpu.memref_slice %arg18[%add3A_37, %dma_start3A_176] : memref<10240x16xf32, #tpu.memory_space<vmem_shared>> -> memref<32x16xf32, #tpu.memory_space<vmem_shared>>
      tpu.enqueue_dma source(%arg16 : memref<32x16xf32, #tpu.memory_space<vmem>>) target(%dma_start3A_177 : memref<32x16xf32, #tpu.memory_space<vmem_shared>>) target_semaphore(%run_scoped3A : memref<!tpu.dma_semaphore, #tpu.memory_space<semaphore_mem>>)
      %dma_wait3A_178 = arith.constant 0 : i32
      %dma_wait3A_179 = tpu.memref_slice %arg18[%add3A_37, %dma_wait3A_178] : memref<10240x16xf32, #tpu.memory_space<vmem_shared>> -> memref<32x16xf32, #tpu.memory_space<vmem_shared>>
      %dma_wait3A_180 = arith.constant 0 : i32
      %dma_wait3A_181 = tpu.memref_slice %arg18[%add3A_37, %dma_wait3A_180] : memref<10240x16xf32, #tpu.memory_space<vmem_shared>> -> memref<32x16xf32, #tpu.memory_space<vmem_shared>>
      tpu.wait_dma2 semaphore(%run_scoped3A : memref<!tpu.dma_semaphore, #tpu.memory_space<semaphore_mem>>) src(%arg16 : memref<32x16xf32, #tpu.memory_space<vmem>>) dst(%dma_wait3A_181 : memref<32x16xf32, #tpu.memory_space<vmem_shared>>)
      tpu.yield
    }) : () -> ()
    %add3A_38 = arith.constant 384 : i32
    %add3A_39 = arith.addi %mul3A_14, %add3A_38 : i32
    "tpu.region"() ({
      %run_scoped3A = tpu.sem_alloc : memref<!tpu.dma_semaphore, #tpu.memory_space<semaphore_mem>>
      %dma_start3A = arith.constant 0 : i32
      %dma_start3A_175 = tpu.memref_slice %arg17[%add3A_39, %dma_start3A] : memref<10240x64xf32, #tpu.memory_space<vmem_shared>> -> memref<32x64xf32, #tpu.memory_space<vmem_shared>>
      %dma_start3A_176 = arith.constant 0 : i32
      %dma_start3A_177 = tpu.memref_slice %arg17[%add3A_39, %dma_start3A_176] : memref<10240x64xf32, #tpu.memory_space<vmem_shared>> -> memref<32x64xf32, #tpu.memory_space<vmem_shared>>
      tpu.enqueue_dma source(%arg14 : memref<32x64xf32, #tpu.memory_space<vmem>>) target(%dma_start3A_177 : memref<32x64xf32, #tpu.memory_space<vmem_shared>>) target_semaphore(%run_scoped3A : memref<!tpu.dma_semaphore, #tpu.memory_space<semaphore_mem>>)
      %dma_wait3A_178 = arith.constant 0 : i32
      %dma_wait3A_179 = tpu.memref_slice %arg17[%add3A_39, %dma_wait3A_178] : memref<10240x64xf32, #tpu.memory_space<vmem_shared>> -> memref<32x64xf32, #tpu.memory_space<vmem_shared>>
      %dma_wait3A_180 = arith.constant 0 : i32
      %dma_wait3A_181 = tpu.memref_slice %arg17[%add3A_39, %dma_wait3A_180] : memref<10240x64xf32, #tpu.memory_space<vmem_shared>> -> memref<32x64xf32, #tpu.memory_space<vmem_shared>>
      tpu.wait_dma2 semaphore(%run_scoped3A : memref<!tpu.dma_semaphore, #tpu.memory_space<semaphore_mem>>) src(%arg14 : memref<32x64xf32, #tpu.memory_space<vmem>>) dst(%dma_wait3A_181 : memref<32x64xf32, #tpu.memory_space<vmem_shared>>)
      tpu.yield
    }) : () -> ()
    "tpu.region"() ({
      %run_scoped3A = tpu.sem_alloc : memref<!tpu.dma_semaphore, #tpu.memory_space<semaphore_mem>>
      %dma_start3A = arith.constant 0 : i32
      %dma_start3A_175 = tpu.memref_slice %arg18[%add3A_39, %dma_start3A] : memref<10240x16xf32, #tpu.memory_space<vmem_shared>> -> memref<32x16xf32, #tpu.memory_space<vmem_shared>>
      %dma_start3A_176 = arith.constant 0 : i32
      %dma_start3A_177 = tpu.memref_slice %arg18[%add3A_39, %dma_start3A_176] : memref<10240x16xf32, #tpu.memory_space<vmem_shared>> -> memref<32x16xf32, #tpu.memory_space<vmem_shared>>
      tpu.enqueue_dma source(%arg16 : memref<32x16xf32, #tpu.memory_space<vmem>>) target(%dma_start3A_177 : memref<32x16xf32, #tpu.memory_space<vmem_shared>>) target_semaphore(%run_scoped3A : memref<!tpu.dma_semaphore, #tpu.memory_space<semaphore_mem>>)
      %dma_wait3A_178 = arith.constant 0 : i32
      %dma_wait3A_179 = tpu.memref_slice %arg18[%add3A_39, %dma_wait3A_178] : memref<10240x16xf32, #tpu.memory_space<vmem_shared>> -> memref<32x16xf32, #tpu.memory_space<vmem_shared>>
      %dma_wait3A_180 = arith.constant 0 : i32
      %dma_wait3A_181 = tpu.memref_slice %arg18[%add3A_39, %dma_wait3A_180] : memref<10240x16xf32, #tpu.memory_space<vmem_shared>> -> memref<32x16xf32, #tpu.memory_space<vmem_shared>>
      tpu.wait_dma2 semaphore(%run_scoped3A : memref<!tpu.dma_semaphore, #tpu.memory_space<semaphore_mem>>) src(%arg16 : memref<32x16xf32, #tpu.memory_space<vmem>>) dst(%dma_wait3A_181 : memref<32x16xf32, #tpu.memory_space<vmem_shared>>)
      tpu.yield
    }) : () -> ()
    %add3A_40 = arith.constant 416 : i32
    %add3A_41 = arith.addi %mul3A_14, %add3A_40 : i32
    "tpu.region"() ({
      %run_scoped3A = tpu.sem_alloc : memref<!tpu.dma_semaphore, #tpu.memory_space<semaphore_mem>>
      %dma_start3A = arith.constant 0 : i32
      %dma_start3A_175 = tpu.memref_slice %arg17[%add3A_41, %dma_start3A] : memref<10240x64xf32, #tpu.memory_space<vmem_shared>> -> memref<32x64xf32, #tpu.memory_space<vmem_shared>>
      %dma_start3A_176 = arith.constant 0 : i32
      %dma_start3A_177 = tpu.memref_slice %arg17[%add3A_41, %dma_start3A_176] : memref<10240x64xf32, #tpu.memory_space<vmem_shared>> -> memref<32x64xf32, #tpu.memory_space<vmem_shared>>
      tpu.enqueue_dma source(%arg14 : memref<32x64xf32, #tpu.memory_space<vmem>>) target(%dma_start3A_177 : memref<32x64xf32, #tpu.memory_space<vmem_shared>>) target_semaphore(%run_scoped3A : memref<!tpu.dma_semaphore, #tpu.memory_space<semaphore_mem>>)
      %dma_wait3A_178 = arith.constant 0 : i32
      %dma_wait3A_179 = tpu.memref_slice %arg17[%add3A_41, %dma_wait3A_178] : memref<10240x64xf32, #tpu.memory_space<vmem_shared>> -> memref<32x64xf32, #tpu.memory_space<vmem_shared>>
      %dma_wait3A_180 = arith.constant 0 : i32
      %dma_wait3A_181 = tpu.memref_slice %arg17[%add3A_41, %dma_wait3A_180] : memref<10240x64xf32, #tpu.memory_space<vmem_shared>> -> memref<32x64xf32, #tpu.memory_space<vmem_shared>>
      tpu.wait_dma2 semaphore(%run_scoped3A : memref<!tpu.dma_semaphore, #tpu.memory_space<semaphore_mem>>) src(%arg14 : memref<32x64xf32, #tpu.memory_space<vmem>>) dst(%dma_wait3A_181 : memref<32x64xf32, #tpu.memory_space<vmem_shared>>)
      tpu.yield
    }) : () -> ()
    "tpu.region"() ({
      %run_scoped3A = tpu.sem_alloc : memref<!tpu.dma_semaphore, #tpu.memory_space<semaphore_mem>>
      %dma_start3A = arith.constant 0 : i32
      %dma_start3A_175 = tpu.memref_slice %arg18[%add3A_41, %dma_start3A] : memref<10240x16xf32, #tpu.memory_space<vmem_shared>> -> memref<32x16xf32, #tpu.memory_space<vmem_shared>>
      %dma_start3A_176 = arith.constant 0 : i32
      %dma_start3A_177 = tpu.memref_slice %arg18[%add3A_41, %dma_start3A_176] : memref<10240x16xf32, #tpu.memory_space<vmem_shared>> -> memref<32x16xf32, #tpu.memory_space<vmem_shared>>
      tpu.enqueue_dma source(%arg16 : memref<32x16xf32, #tpu.memory_space<vmem>>) target(%dma_start3A_177 : memref<32x16xf32, #tpu.memory_space<vmem_shared>>) target_semaphore(%run_scoped3A : memref<!tpu.dma_semaphore, #tpu.memory_space<semaphore_mem>>)
      %dma_wait3A_178 = arith.constant 0 : i32
      %dma_wait3A_179 = tpu.memref_slice %arg18[%add3A_41, %dma_wait3A_178] : memref<10240x16xf32, #tpu.memory_space<vmem_shared>> -> memref<32x16xf32, #tpu.memory_space<vmem_shared>>
      %dma_wait3A_180 = arith.constant 0 : i32
      %dma_wait3A_181 = tpu.memref_slice %arg18[%add3A_41, %dma_wait3A_180] : memref<10240x16xf32, #tpu.memory_space<vmem_shared>> -> memref<32x16xf32, #tpu.memory_space<vmem_shared>>
      tpu.wait_dma2 semaphore(%run_scoped3A : memref<!tpu.dma_semaphore, #tpu.memory_space<semaphore_mem>>) src(%arg16 : memref<32x16xf32, #tpu.memory_space<vmem>>) dst(%dma_wait3A_181 : memref<32x16xf32, #tpu.memory_space<vmem_shared>>)
      tpu.yield
    }) : () -> ()
    %add3A_42 = arith.constant 448 : i32
    %add3A_43 = arith.addi %mul3A_14, %add3A_42 : i32
    "tpu.region"() ({
      %run_scoped3A = tpu.sem_alloc : memref<!tpu.dma_semaphore, #tpu.memory_space<semaphore_mem>>
      %dma_start3A = arith.constant 0 : i32
      %dma_start3A_175 = tpu.memref_slice %arg17[%add3A_43, %dma_start3A] : memref<10240x64xf32, #tpu.memory_space<vmem_shared>> -> memref<32x64xf32, #tpu.memory_space<vmem_shared>>
      %dma_start3A_176 = arith.constant 0 : i32
      %dma_start3A_177 = tpu.memref_slice %arg17[%add3A_43, %dma_start3A_176] : memref<10240x64xf32, #tpu.memory_space<vmem_shared>> -> memref<32x64xf32, #tpu.memory_space<vmem_shared>>
      tpu.enqueue_dma source(%arg14 : memref<32x64xf32, #tpu.memory_space<vmem>>) target(%dma_start3A_177 : memref<32x64xf32, #tpu.memory_space<vmem_shared>>) target_semaphore(%run_scoped3A : memref<!tpu.dma_semaphore, #tpu.memory_space<semaphore_mem>>)
      %dma_wait3A_178 = arith.constant 0 : i32
      %dma_wait3A_179 = tpu.memref_slice %arg17[%add3A_43, %dma_wait3A_178] : memref<10240x64xf32, #tpu.memory_space<vmem_shared>> -> memref<32x64xf32, #tpu.memory_space<vmem_shared>>
      %dma_wait3A_180 = arith.constant 0 : i32
      %dma_wait3A_181 = tpu.memref_slice %arg17[%add3A_43, %dma_wait3A_180] : memref<10240x64xf32, #tpu.memory_space<vmem_shared>> -> memref<32x64xf32, #tpu.memory_space<vmem_shared>>
      tpu.wait_dma2 semaphore(%run_scoped3A : memref<!tpu.dma_semaphore, #tpu.memory_space<semaphore_mem>>) src(%arg14 : memref<32x64xf32, #tpu.memory_space<vmem>>) dst(%dma_wait3A_181 : memref<32x64xf32, #tpu.memory_space<vmem_shared>>)
      tpu.yield
    }) : () -> ()
    "tpu.region"() ({
      %run_scoped3A = tpu.sem_alloc : memref<!tpu.dma_semaphore, #tpu.memory_space<semaphore_mem>>
      %dma_start3A = arith.constant 0 : i32
      %dma_start3A_175 = tpu.memref_slice %arg18[%add3A_43, %dma_start3A] : memref<10240x16xf32, #tpu.memory_space<vmem_shared>> -> memref<32x16xf32, #tpu.memory_space<vmem_shared>>
      %dma_start3A_176 = arith.constant 0 : i32
      %dma_start3A_177 = tpu.memref_slice %arg18[%add3A_43, %dma_start3A_176] : memref<10240x16xf32, #tpu.memory_space<vmem_shared>> -> memref<32x16xf32, #tpu.memory_space<vmem_shared>>
      tpu.enqueue_dma source(%arg16 : memref<32x16xf32, #tpu.memory_space<vmem>>) target(%dma_start3A_177 : memref<32x16xf32, #tpu.memory_space<vmem_shared>>) target_semaphore(%run_scoped3A : memref<!tpu.dma_semaphore, #tpu.memory_space<semaphore_mem>>)
      %dma_wait3A_178 = arith.constant 0 : i32
      %dma_wait3A_179 = tpu.memref_slice %arg18[%add3A_43, %dma_wait3A_178] : memref<10240x16xf32, #tpu.memory_space<vmem_shared>> -> memref<32x16xf32, #tpu.memory_space<vmem_shared>>
      %dma_wait3A_180 = arith.constant 0 : i32
      %dma_wait3A_181 = tpu.memref_slice %arg18[%add3A_43, %dma_wait3A_180] : memref<10240x16xf32, #tpu.memory_space<vmem_shared>> -> memref<32x16xf32, #tpu.memory_space<vmem_shared>>
      tpu.wait_dma2 semaphore(%run_scoped3A : memref<!tpu.dma_semaphore, #tpu.memory_space<semaphore_mem>>) src(%arg16 : memref<32x16xf32, #tpu.memory_space<vmem>>) dst(%dma_wait3A_181 : memref<32x16xf32, #tpu.memory_space<vmem_shared>>)
      tpu.yield
    }) : () -> ()
    %add3A_44 = arith.constant 480 : i32
    %add3A_45 = arith.addi %mul3A_14, %add3A_44 : i32
    "tpu.region"() ({
      %run_scoped3A = tpu.sem_alloc : memref<!tpu.dma_semaphore, #tpu.memory_space<semaphore_mem>>
      %dma_start3A = arith.constant 0 : i32
      %dma_start3A_175 = tpu.memref_slice %arg17[%add3A_45, %dma_start3A] : memref<10240x64xf32, #tpu.memory_space<vmem_shared>> -> memref<32x64xf32, #tpu.memory_space<vmem_shared>>
      %dma_start3A_176 = arith.constant 0 : i32
      %dma_start3A_177 = tpu.memref_slice %arg17[%add3A_45, %dma_start3A_176] : memref<10240x64xf32, #tpu.memory_space<vmem_shared>> -> memref<32x64xf32, #tpu.memory_space<vmem_shared>>
      tpu.enqueue_dma source(%arg14 : memref<32x64xf32, #tpu.memory_space<vmem>>) target(%dma_start3A_177 : memref<32x64xf32, #tpu.memory_space<vmem_shared>>) target_semaphore(%run_scoped3A : memref<!tpu.dma_semaphore, #tpu.memory_space<semaphore_mem>>)
      %dma_wait3A_178 = arith.constant 0 : i32
      %dma_wait3A_179 = tpu.memref_slice %arg17[%add3A_45, %dma_wait3A_178] : memref<10240x64xf32, #tpu.memory_space<vmem_shared>> -> memref<32x64xf32, #tpu.memory_space<vmem_shared>>
      %dma_wait3A_180 = arith.constant 0 : i32
      %dma_wait3A_181 = tpu.memref_slice %arg17[%add3A_45, %dma_wait3A_180] : memref<10240x64xf32, #tpu.memory_space<vmem_shared>> -> memref<32x64xf32, #tpu.memory_space<vmem_shared>>
      tpu.wait_dma2 semaphore(%run_scoped3A : memref<!tpu.dma_semaphore, #tpu.memory_space<semaphore_mem>>) src(%arg14 : memref<32x64xf32, #tpu.memory_space<vmem>>) dst(%dma_wait3A_181 : memref<32x64xf32, #tpu.memory_space<vmem_shared>>)
      tpu.yield
    }) : () -> ()
    "tpu.region"() ({
      %run_scoped3A = tpu.sem_alloc : memref<!tpu.dma_semaphore, #tpu.memory_space<semaphore_mem>>
      %dma_start3A = arith.constant 0 : i32
      %dma_start3A_175 = tpu.memref_slice %arg18[%add3A_45, %dma_start3A] : memref<10240x16xf32, #tpu.memory_space<vmem_shared>> -> memref<32x16xf32, #tpu.memory_space<vmem_shared>>
      %dma_start3A_176 = arith.constant 0 : i32
      %dma_start3A_177 = tpu.memref_slice %arg18[%add3A_45, %dma_start3A_176] : memref<10240x16xf32, #tpu.memory_space<vmem_shared>> -> memref<32x16xf32, #tpu.memory_space<vmem_shared>>
      tpu.enqueue_dma source(%arg16 : memref<32x16xf32, #tpu.memory_space<vmem>>) target(%dma_start3A_177 : memref<32x16xf32, #tpu.memory_space<vmem_shared>>) target_semaphore(%run_scoped3A : memref<!tpu.dma_semaphore, #tpu.memory_space<semaphore_mem>>)
      %dma_wait3A_178 = arith.constant 0 : i32
      %dma_wait3A_179 = tpu.memref_slice %arg18[%add3A_45, %dma_wait3A_178] : memref<10240x16xf32, #tpu.memory_space<vmem_shared>> -> memref<32x16xf32, #tpu.memory_space<vmem_shared>>
      %dma_wait3A_180 = arith.constant 0 : i32
      %dma_wait3A_181 = tpu.memref_slice %arg18[%add3A_45, %dma_wait3A_180] : memref<10240x16xf32, #tpu.memory_space<vmem_shared>> -> memref<32x16xf32, #tpu.memory_space<vmem_shared>>
      tpu.wait_dma2 semaphore(%run_scoped3A : memref<!tpu.dma_semaphore, #tpu.memory_space<semaphore_mem>>) src(%arg16 : memref<32x16xf32, #tpu.memory_space<vmem>>) dst(%dma_wait3A_181 : memref<32x16xf32, #tpu.memory_space<vmem_shared>>)
      tpu.yield
    }) : () -> ()
    %add3A_46 = arith.constant 512 : i32
    %add3A_47 = arith.addi %mul3A_14, %add3A_46 : i32
    "tpu.region"() ({
      %run_scoped3A = tpu.sem_alloc : memref<!tpu.dma_semaphore, #tpu.memory_space<semaphore_mem>>
      %dma_start3A = arith.constant 0 : i32
      %dma_start3A_175 = tpu.memref_slice %arg17[%add3A_47, %dma_start3A] : memref<10240x64xf32, #tpu.memory_space<vmem_shared>> -> memref<32x64xf32, #tpu.memory_space<vmem_shared>>
      %dma_start3A_176 = arith.constant 0 : i32
      %dma_start3A_177 = tpu.memref_slice %arg17[%add3A_47, %dma_start3A_176] : memref<10240x64xf32, #tpu.memory_space<vmem_shared>> -> memref<32x64xf32, #tpu.memory_space<vmem_shared>>
      tpu.enqueue_dma source(%arg14 : memref<32x64xf32, #tpu.memory_space<vmem>>) target(%dma_start3A_177 : memref<32x64xf32, #tpu.memory_space<vmem_shared>>) target_semaphore(%run_scoped3A : memref<!tpu.dma_semaphore, #tpu.memory_space<semaphore_mem>>)
      %dma_wait3A_178 = arith.constant 0 : i32
      %dma_wait3A_179 = tpu.memref_slice %arg17[%add3A_47, %dma_wait3A_178] : memref<10240x64xf32, #tpu.memory_space<vmem_shared>> -> memref<32x64xf32, #tpu.memory_space<vmem_shared>>
      %dma_wait3A_180 = arith.constant 0 : i32
      %dma_wait3A_181 = tpu.memref_slice %arg17[%add3A_47, %dma_wait3A_180] : memref<10240x64xf32, #tpu.memory_space<vmem_shared>> -> memref<32x64xf32, #tpu.memory_space<vmem_shared>>
      tpu.wait_dma2 semaphore(%run_scoped3A : memref<!tpu.dma_semaphore, #tpu.memory_space<semaphore_mem>>) src(%arg14 : memref<32x64xf32, #tpu.memory_space<vmem>>) dst(%dma_wait3A_181 : memref<32x64xf32, #tpu.memory_space<vmem_shared>>)
      tpu.yield
    }) : () -> ()
    "tpu.region"() ({
      %run_scoped3A = tpu.sem_alloc : memref<!tpu.dma_semaphore, #tpu.memory_space<semaphore_mem>>
      %dma_start3A = arith.constant 0 : i32
      %dma_start3A_175 = tpu.memref_slice %arg18[%add3A_47, %dma_start3A] : memref<10240x16xf32, #tpu.memory_space<vmem_shared>> -> memref<32x16xf32, #tpu.memory_space<vmem_shared>>
      %dma_start3A_176 = arith.constant 0 : i32
      %dma_start3A_177 = tpu.memref_slice %arg18[%add3A_47, %dma_start3A_176] : memref<10240x16xf32, #tpu.memory_space<vmem_shared>> -> memref<32x16xf32, #tpu.memory_space<vmem_shared>>
      tpu.enqueue_dma source(%arg16 : memref<32x16xf32, #tpu.memory_space<vmem>>) target(%dma_start3A_177 : memref<32x16xf32, #tpu.memory_space<vmem_shared>>) target_semaphore(%run_scoped3A : memref<!tpu.dma_semaphore, #tpu.memory_space<semaphore_mem>>)
      %dma_wait3A_178 = arith.constant 0 : i32
      %dma_wait3A_179 = tpu.memref_slice %arg18[%add3A_47, %dma_wait3A_178] : memref<10240x16xf32, #tpu.memory_space<vmem_shared>> -> memref<32x16xf32, #tpu.memory_space<vmem_shared>>
      %dma_wait3A_180 = arith.constant 0 : i32
      %dma_wait3A_181 = tpu.memref_slice %arg18[%add3A_47, %dma_wait3A_180] : memref<10240x16xf32, #tpu.memory_space<vmem_shared>> -> memref<32x16xf32, #tpu.memory_space<vmem_shared>>
      tpu.wait_dma2 semaphore(%run_scoped3A : memref<!tpu.dma_semaphore, #tpu.memory_space<semaphore_mem>>) src(%arg16 : memref<32x16xf32, #tpu.memory_space<vmem>>) dst(%dma_wait3A_181 : memref<32x16xf32, #tpu.memory_space<vmem_shared>>)
      tpu.yield
    }) : () -> ()
    %add3A_48 = arith.constant 544 : i32
    %add3A_49 = arith.addi %mul3A_14, %add3A_48 : i32
    "tpu.region"() ({
      %run_scoped3A = tpu.sem_alloc : memref<!tpu.dma_semaphore, #tpu.memory_space<semaphore_mem>>
      %dma_start3A = arith.constant 0 : i32
      %dma_start3A_175 = tpu.memref_slice %arg17[%add3A_49, %dma_start3A] : memref<10240x64xf32, #tpu.memory_space<vmem_shared>> -> memref<32x64xf32, #tpu.memory_space<vmem_shared>>
      %dma_start3A_176 = arith.constant 0 : i32
      %dma_start3A_177 = tpu.memref_slice %arg17[%add3A_49, %dma_start3A_176] : memref<10240x64xf32, #tpu.memory_space<vmem_shared>> -> memref<32x64xf32, #tpu.memory_space<vmem_shared>>
      tpu.enqueue_dma source(%arg14 : memref<32x64xf32, #tpu.memory_space<vmem>>) target(%dma_start3A_177 : memref<32x64xf32, #tpu.memory_space<vmem_shared>>) target_semaphore(%run_scoped3A : memref<!tpu.dma_semaphore, #tpu.memory_space<semaphore_mem>>)
      %dma_wait3A_178 = arith.constant 0 : i32
      %dma_wait3A_179 = tpu.memref_slice %arg17[%add3A_49, %dma_wait3A_178] : memref<10240x64xf32, #tpu.memory_space<vmem_shared>> -> memref<32x64xf32, #tpu.memory_space<vmem_shared>>
      %dma_wait3A_180 = arith.constant 0 : i32
      %dma_wait3A_181 = tpu.memref_slice %arg17[%add3A_49, %dma_wait3A_180] : memref<10240x64xf32, #tpu.memory_space<vmem_shared>> -> memref<32x64xf32, #tpu.memory_space<vmem_shared>>
      tpu.wait_dma2 semaphore(%run_scoped3A : memref<!tpu.dma_semaphore, #tpu.memory_space<semaphore_mem>>) src(%arg14 : memref<32x64xf32, #tpu.memory_space<vmem>>) dst(%dma_wait3A_181 : memref<32x64xf32, #tpu.memory_space<vmem_shared>>)
      tpu.yield
    }) : () -> ()
    "tpu.region"() ({
      %run_scoped3A = tpu.sem_alloc : memref<!tpu.dma_semaphore, #tpu.memory_space<semaphore_mem>>
      %dma_start3A = arith.constant 0 : i32
      %dma_start3A_175 = tpu.memref_slice %arg18[%add3A_49, %dma_start3A] : memref<10240x16xf32, #tpu.memory_space<vmem_shared>> -> memref<32x16xf32, #tpu.memory_space<vmem_shared>>
      %dma_start3A_176 = arith.constant 0 : i32
      %dma_start3A_177 = tpu.memref_slice %arg18[%add3A_49, %dma_start3A_176] : memref<10240x16xf32, #tpu.memory_space<vmem_shared>> -> memref<32x16xf32, #tpu.memory_space<vmem_shared>>
      tpu.enqueue_dma source(%arg16 : memref<32x16xf32, #tpu.memory_space<vmem>>) target(%dma_start3A_177 : memref<32x16xf32, #tpu.memory_space<vmem_shared>>) target_semaphore(%run_scoped3A : memref<!tpu.dma_semaphore, #tpu.memory_space<semaphore_mem>>)
      %dma_wait3A_178 = arith.constant 0 : i32
      %dma_wait3A_179 = tpu.memref_slice %arg18[%add3A_49, %dma_wait3A_178] : memref<10240x16xf32, #tpu.memory_space<vmem_shared>> -> memref<32x16xf32, #tpu.memory_space<vmem_shared>>
      %dma_wait3A_180 = arith.constant 0 : i32
      %dma_wait3A_181 = tpu.memref_slice %arg18[%add3A_49, %dma_wait3A_180] : memref<10240x16xf32, #tpu.memory_space<vmem_shared>> -> memref<32x16xf32, #tpu.memory_space<vmem_shared>>
      tpu.wait_dma2 semaphore(%run_scoped3A : memref<!tpu.dma_semaphore, #tpu.memory_space<semaphore_mem>>) src(%arg16 : memref<32x16xf32, #tpu.memory_space<vmem>>) dst(%dma_wait3A_181 : memref<32x16xf32, #tpu.memory_space<vmem_shared>>)
      tpu.yield
    }) : () -> ()
    %add3A_50 = arith.constant 576 : i32
    %add3A_51 = arith.addi %mul3A_14, %add3A_50 : i32
    "tpu.region"() ({
      %run_scoped3A = tpu.sem_alloc : memref<!tpu.dma_semaphore, #tpu.memory_space<semaphore_mem>>
      %dma_start3A = arith.constant 0 : i32
      %dma_start3A_175 = tpu.memref_slice %arg17[%add3A_51, %dma_start3A] : memref<10240x64xf32, #tpu.memory_space<vmem_shared>> -> memref<32x64xf32, #tpu.memory_space<vmem_shared>>
      %dma_start3A_176 = arith.constant 0 : i32
      %dma_start3A_177 = tpu.memref_slice %arg17[%add3A_51, %dma_start3A_176] : memref<10240x64xf32, #tpu.memory_space<vmem_shared>> -> memref<32x64xf32, #tpu.memory_space<vmem_shared>>
      tpu.enqueue_dma source(%arg14 : memref<32x64xf32, #tpu.memory_space<vmem>>) target(%dma_start3A_177 : memref<32x64xf32, #tpu.memory_space<vmem_shared>>) target_semaphore(%run_scoped3A : memref<!tpu.dma_semaphore, #tpu.memory_space<semaphore_mem>>)
      %dma_wait3A_178 = arith.constant 0 : i32
      %dma_wait3A_179 = tpu.memref_slice %arg17[%add3A_51, %dma_wait3A_178] : memref<10240x64xf32, #tpu.memory_space<vmem_shared>> -> memref<32x64xf32, #tpu.memory_space<vmem_shared>>
      %dma_wait3A_180 = arith.constant 0 : i32
      %dma_wait3A_181 = tpu.memref_slice %arg17[%add3A_51, %dma_wait3A_180] : memref<10240x64xf32, #tpu.memory_space<vmem_shared>> -> memref<32x64xf32, #tpu.memory_space<vmem_shared>>
      tpu.wait_dma2 semaphore(%run_scoped3A : memref<!tpu.dma_semaphore, #tpu.memory_space<semaphore_mem>>) src(%arg14 : memref<32x64xf32, #tpu.memory_space<vmem>>) dst(%dma_wait3A_181 : memref<32x64xf32, #tpu.memory_space<vmem_shared>>)
      tpu.yield
    }) : () -> ()
    "tpu.region"() ({
      %run_scoped3A = tpu.sem_alloc : memref<!tpu.dma_semaphore, #tpu.memory_space<semaphore_mem>>
      %dma_start3A = arith.constant 0 : i32
      %dma_start3A_175 = tpu.memref_slice %arg18[%add3A_51, %dma_start3A] : memref<10240x16xf32, #tpu.memory_space<vmem_shared>> -> memref<32x16xf32, #tpu.memory_space<vmem_shared>>
      %dma_start3A_176 = arith.constant 0 : i32
      %dma_start3A_177 = tpu.memref_slice %arg18[%add3A_51, %dma_start3A_176] : memref<10240x16xf32, #tpu.memory_space<vmem_shared>> -> memref<32x16xf32, #tpu.memory_space<vmem_shared>>
      tpu.enqueue_dma source(%arg16 : memref<32x16xf32, #tpu.memory_space<vmem>>) target(%dma_start3A_177 : memref<32x16xf32, #tpu.memory_space<vmem_shared>>) target_semaphore(%run_scoped3A : memref<!tpu.dma_semaphore, #tpu.memory_space<semaphore_mem>>)
      %dma_wait3A_178 = arith.constant 0 : i32
      %dma_wait3A_179 = tpu.memref_slice %arg18[%add3A_51, %dma_wait3A_178] : memref<10240x16xf32, #tpu.memory_space<vmem_shared>> -> memref<32x16xf32, #tpu.memory_space<vmem_shared>>
      %dma_wait3A_180 = arith.constant 0 : i32
      %dma_wait3A_181 = tpu.memref_slice %arg18[%add3A_51, %dma_wait3A_180] : memref<10240x16xf32, #tpu.memory_space<vmem_shared>> -> memref<32x16xf32, #tpu.memory_space<vmem_shared>>
      tpu.wait_dma2 semaphore(%run_scoped3A : memref<!tpu.dma_semaphore, #tpu.memory_space<semaphore_mem>>) src(%arg16 : memref<32x16xf32, #tpu.memory_space<vmem>>) dst(%dma_wait3A_181 : memref<32x16xf32, #tpu.memory_space<vmem_shared>>)
      tpu.yield
    }) : () -> ()
    %add3A_52 = arith.constant 608 : i32
    %add3A_53 = arith.addi %mul3A_14, %add3A_52 : i32
    "tpu.region"() ({
      %run_scoped3A = tpu.sem_alloc : memref<!tpu.dma_semaphore, #tpu.memory_space<semaphore_mem>>
      %dma_start3A = arith.constant 0 : i32
      %dma_start3A_175 = tpu.memref_slice %arg17[%add3A_53, %dma_start3A] : memref<10240x64xf32, #tpu.memory_space<vmem_shared>> -> memref<32x64xf32, #tpu.memory_space<vmem_shared>>
      %dma_start3A_176 = arith.constant 0 : i32
      %dma_start3A_177 = tpu.memref_slice %arg17[%add3A_53, %dma_start3A_176] : memref<10240x64xf32, #tpu.memory_space<vmem_shared>> -> memref<32x64xf32, #tpu.memory_space<vmem_shared>>
      tpu.enqueue_dma source(%arg14 : memref<32x64xf32, #tpu.memory_space<vmem>>) target(%dma_start3A_177 : memref<32x64xf32, #tpu.memory_space<vmem_shared>>) target_semaphore(%run_scoped3A : memref<!tpu.dma_semaphore, #tpu.memory_space<semaphore_mem>>)
      %dma_wait3A_178 = arith.constant 0 : i32
      %dma_wait3A_179 = tpu.memref_slice %arg17[%add3A_53, %dma_wait3A_178] : memref<10240x64xf32, #tpu.memory_space<vmem_shared>> -> memref<32x64xf32, #tpu.memory_space<vmem_shared>>
      %dma_wait3A_180 = arith.constant 0 : i32
      %dma_wait3A_181 = tpu.memref_slice %arg17[%add3A_53, %dma_wait3A_180] : memref<10240x64xf32, #tpu.memory_space<vmem_shared>> -> memref<32x64xf32, #tpu.memory_space<vmem_shared>>
      tpu.wait_dma2 semaphore(%run_scoped3A : memref<!tpu.dma_semaphore, #tpu.memory_space<semaphore_mem>>) src(%arg14 : memref<32x64xf32, #tpu.memory_space<vmem>>) dst(%dma_wait3A_181 : memref<32x64xf32, #tpu.memory_space<vmem_shared>>)
      tpu.yield
    }) : () -> ()
    "tpu.region"() ({
      %run_scoped3A = tpu.sem_alloc : memref<!tpu.dma_semaphore, #tpu.memory_space<semaphore_mem>>
      %dma_start3A = arith.constant 0 : i32
      %dma_start3A_175 = tpu.memref_slice %arg18[%add3A_53, %dma_start3A] : memref<10240x16xf32, #tpu.memory_space<vmem_shared>> -> memref<32x16xf32, #tpu.memory_space<vmem_shared>>
      %dma_start3A_176 = arith.constant 0 : i32
      %dma_start3A_177 = tpu.memref_slice %arg18[%add3A_53, %dma_start3A_176] : memref<10240x16xf32, #tpu.memory_space<vmem_shared>> -> memref<32x16xf32, #tpu.memory_space<vmem_shared>>
      tpu.enqueue_dma source(%arg16 : memref<32x16xf32, #tpu.memory_space<vmem>>) target(%dma_start3A_177 : memref<32x16xf32, #tpu.memory_space<vmem_shared>>) target_semaphore(%run_scoped3A : memref<!tpu.dma_semaphore, #tpu.memory_space<semaphore_mem>>)
      %dma_wait3A_178 = arith.constant 0 : i32
      %dma_wait3A_179 = tpu.memref_slice %arg18[%add3A_53, %dma_wait3A_178] : memref<10240x16xf32, #tpu.memory_space<vmem_shared>> -> memref<32x16xf32, #tpu.memory_space<vmem_shared>>
      %dma_wait3A_180 = arith.constant 0 : i32
      %dma_wait3A_181 = tpu.memref_slice %arg18[%add3A_53, %dma_wait3A_180] : memref<10240x16xf32, #tpu.memory_space<vmem_shared>> -> memref<32x16xf32, #tpu.memory_space<vmem_shared>>
      tpu.wait_dma2 semaphore(%run_scoped3A : memref<!tpu.dma_semaphore, #tpu.memory_space<semaphore_mem>>) src(%arg16 : memref<32x16xf32, #tpu.memory_space<vmem>>) dst(%dma_wait3A_181 : memref<32x16xf32, #tpu.memory_space<vmem_shared>>)
      tpu.yield
    }) : () -> ()
    %barrier3A = arith.constant 0 : index
    tpu.barrier barrier_id(%barrier3A)
    "tpu.region"() ({
      %run_scoped3A = tpu.sem_alloc : memref<!tpu.dma_semaphore, #tpu.memory_space<semaphore_mem>>
      %dma_start3A = arith.constant 0 : i32
      %dma_start3A_175 = arith.constant 0 : i32
      %dma_start3A_176 = tpu.memref_slice %arg3[%arg0, %arg1, %dma_start3A, %dma_start3A_175] : memref<2x16x160x125xi32, #tpu.memory_space<hbm>> -> memref<1x1x80x125xi32, #tpu.memory_space<hbm>>
      %dma_start3A_177 = tpu.memref_squeeze %dma_start3A_176 : memref<1x1x80x125xi32, #tpu.memory_space<hbm>> -> memref<80x125xi32, #tpu.memory_space<hbm>>
      %dma_start3A_178 = arith.constant 0 : i32
      %dma_start3A_179 = arith.constant 0 : i32
      %dma_start3A_180 = tpu.memref_slice %arg3[%arg0, %arg1, %dma_start3A_178, %dma_start3A_179] : memref<2x16x160x125xi32, #tpu.memory_space<hbm>> -> memref<1x1x80x125xi32, #tpu.memory_space<hbm>>
      %dma_start3A_181 = tpu.memref_squeeze %dma_start3A_180 : memref<1x1x80x125xi32, #tpu.memory_space<hbm>> -> memref<80x125xi32, #tpu.memory_space<hbm>>
      tpu.enqueue_dma source(%dma_start3A_181 : memref<80x125xi32, #tpu.memory_space<hbm>>) target(%arg7 : memref<80x125xi32, #tpu.memory_space<vmem>>) target_semaphore(%run_scoped3A : memref<!tpu.dma_semaphore, #tpu.memory_space<semaphore_mem>>)
      %dma_wait3A_182 = arith.constant 0 : i32
      %dma_wait3A_183 = arith.constant 0 : i32
      %dma_wait3A_184 = tpu.memref_slice %arg3[%arg0, %arg1, %dma_wait3A_182, %dma_wait3A_183] : memref<2x16x160x125xi32, #tpu.memory_space<hbm>> -> memref<1x1x80x125xi32, #tpu.memory_space<hbm>>
      %dma_wait3A_185 = tpu.memref_squeeze %dma_wait3A_184 : memref<1x1x80x125xi32, #tpu.memory_space<hbm>> -> memref<80x125xi32, #tpu.memory_space<hbm>>
      %dma_wait3A_186 = arith.constant 0 : i32
      %dma_wait3A_187 = arith.constant 0 : i32
      %dma_wait3A_188 = tpu.memref_slice %arg3[%arg0, %arg1, %dma_wait3A_186, %dma_wait3A_187] : memref<2x16x160x125xi32, #tpu.memory_space<hbm>> -> memref<1x1x80x125xi32, #tpu.memory_space<hbm>>
      %dma_wait3A_189 = tpu.memref_squeeze %dma_wait3A_188 : memref<1x1x80x125xi32, #tpu.memory_space<hbm>> -> memref<80x125xi32, #tpu.memory_space<hbm>>
      tpu.wait_dma2 semaphore(%run_scoped3A : memref<!tpu.dma_semaphore, #tpu.memory_space<semaphore_mem>>) src(%dma_wait3A_189 : memref<80x125xi32, #tpu.memory_space<hbm>>) dst(%arg7 : memref<80x125xi32, #tpu.memory_space<vmem>>)
      tpu.yield
    }) : () -> ()
    "tpu.region"() ({
      %run_scoped3A = tpu.sem_alloc : memref<!tpu.dma_semaphore, #tpu.memory_space<semaphore_mem>>
      %dma_start3A = arith.constant 0 : i32
      %dma_start3A_175 = arith.constant 0 : i32
      %dma_start3A_176 = tpu.memref_slice %arg4[%arg1, %dma_start3A, %dma_start3A_175] : memref<16x160x125xi32, #tpu.memory_space<hbm>> -> memref<1x80x125xi32, #tpu.memory_space<hbm>>
      %dma_start3A_177 = tpu.memref_squeeze %dma_start3A_176 : memref<1x80x125xi32, #tpu.memory_space<hbm>> -> memref<80x125xi32, #tpu.memory_space<hbm>>
      %dma_start3A_178 = arith.constant 0 : i32
      %dma_start3A_179 = arith.constant 0 : i32
      %dma_start3A_180 = tpu.memref_slice %arg4[%arg1, %dma_start3A_178, %dma_start3A_179] : memref<16x160x125xi32, #tpu.memory_space<hbm>> -> memref<1x80x125xi32, #tpu.memory_space<hbm>>
      %dma_start3A_181 = tpu.memref_squeeze %dma_start3A_180 : memref<1x80x125xi32, #tpu.memory_space<hbm>> -> memref<80x125xi32, #tpu.memory_space<hbm>>
      tpu.enqueue_dma source(%dma_start3A_181 : memref<80x125xi32, #tpu.memory_space<hbm>>) target(%arg8 : memref<80x125xi32, #tpu.memory_space<vmem>>) target_semaphore(%run_scoped3A : memref<!tpu.dma_semaphore, #tpu.memory_space<semaphore_mem>>)
      %dma_wait3A_182 = arith.constant 0 : i32
      %dma_wait3A_183 = arith.constant 0 : i32
      %dma_wait3A_184 = tpu.memref_slice %arg4[%arg1, %dma_wait3A_182, %dma_wait3A_183] : memref<16x160x125xi32, #tpu.memory_space<hbm>> -> memref<1x80x125xi32, #tpu.memory_space<hbm>>
      %dma_wait3A_185 = tpu.memref_squeeze %dma_wait3A_184 : memref<1x80x125xi32, #tpu.memory_space<hbm>> -> memref<80x125xi32, #tpu.memory_space<hbm>>
      %dma_wait3A_186 = arith.constant 0 : i32
      %dma_wait3A_187 = arith.constant 0 : i32
      %dma_wait3A_188 = tpu.memref_slice %arg4[%arg1, %dma_wait3A_186, %dma_wait3A_187] : memref<16x160x125xi32, #tpu.memory_space<hbm>> -> memref<1x80x125xi32, #tpu.memory_space<hbm>>
      %dma_wait3A_189 = tpu.memref_squeeze %dma_wait3A_188 : memref<1x80x125xi32, #tpu.memory_space<hbm>> -> memref<80x125xi32, #tpu.memory_space<hbm>>
      tpu.wait_dma2 semaphore(%run_scoped3A : memref<!tpu.dma_semaphore, #tpu.memory_space<semaphore_mem>>) src(%dma_wait3A_189 : memref<80x125xi32, #tpu.memory_space<hbm>>) dst(%arg8 : memref<80x125xi32, #tpu.memory_space<vmem>>)
      tpu.yield
    }) : () -> ()
    %eq3A = arith.constant 0 : i32
    %eq3A_54 = arith.cmpi eq, %arg0, %eq3A : i32
    %scan3A_55 = arith.constant 0 : i32
    %scan3A_56 = arith.constant 16 : i32
    %scan3A_57 = arith.addi %scan3A_55, %scan3A_56 : i32
    %scan3A_58 = arith.constant 1 : i32
    scf.for %scan3A_175 = %scan3A_55 to %scan3A_57 step %scan3A_58  : i32 {
      %mul3A_176 = arith.constant 5 : i32
      %mul3A_177 = arith.muli %scan3A_175, %mul3A_176 : i32
      %add3A_178 = arith.constant 0 : i32
      %add3A_179 = arith.addi %add3A_178, %mul3A_177 : i32
      %gt3A = arith.constant 0 : i32
      %gt3A_180 = arith.cmpi sgt, %add3A_179, %gt3A : i32
      %convert_element_type3A_181 = arith.extui %gt3A_180 : i1 to i32
      %cond3A_182 = arith.constant 0 : i32
      %cond3A_183 = arith.cmpi ne, %convert_element_type3A_181, %cond3A_182 : i32
      scf.if %cond3A_183 {
        %dma_wait3A_328 = arith.constant 0 : i32
        %dma_wait3A_329 = arith.constant 0 : i32
        %dma_wait3A_330 = tpu.memref_slice %arg8[%dma_wait3A_328, %dma_wait3A_329] : memref<80x125xi32, #tpu.memory_space<vmem>> -> memref<1x125xi32, #tpu.memory_space<vmem>>
        %dma_wait3A_331 = tpu.memref_squeeze %dma_wait3A_330 : memref<1x125xi32, #tpu.memory_space<vmem>> -> memref<125xi32, #tpu.memory_space<vmem>>
        %dma_wait3A_332 = arith.constant 0 : i32
        %dma_wait3A_333 = arith.constant 0 : i32
        %dma_wait3A_334 = tpu.memref_slice %arg17[%dma_wait3A_332, %dma_wait3A_333] : memref<10240x64xf32, #tpu.memory_space<vmem_shared>> -> memref<10240x64xf32, #tpu.memory_space<vmem_shared>>
        tpu.wait_indirect_dma semaphore(%arg24 : memref<!tpu.dma_semaphore, #tpu.memory_space<semaphore_mem>>) src(%arg9 : memref<125x64xf32, #tpu.memory_space<vmem>>) dst(%dma_wait3A_334 : memref<10240x64xf32, #tpu.memory_space<vmem_shared>>)
        %convert_element_type3A_335 = arith.extui %eq3A_54 : i1 to i32
        %cond3A_336 = arith.constant 0 : i32
        %cond3A_337 = arith.cmpi ne, %convert_element_type3A_335, %cond3A_336 : i32
        scf.if %cond3A_337 {
          %dma_wait3A_338 = arith.constant 0 : i32
          %dma_wait3A_339 = arith.constant 0 : i32
          %dma_wait3A_340 = tpu.memref_slice %arg8[%dma_wait3A_338, %dma_wait3A_339] : memref<80x125xi32, #tpu.memory_space<vmem>> -> memref<1x125xi32, #tpu.memory_space<vmem>>
          %dma_wait3A_341 = tpu.memref_squeeze %dma_wait3A_340 : memref<1x125xi32, #tpu.memory_space<vmem>> -> memref<125xi32, #tpu.memory_space<vmem>>
          %dma_wait3A_342 = arith.constant 0 : i32
          %dma_wait3A_343 = arith.constant 0 : i32
          %dma_wait3A_344 = tpu.memref_slice %arg18[%dma_wait3A_342, %dma_wait3A_343] : memref<10240x16xf32, #tpu.memory_space<vmem_shared>> -> memref<10240x16xf32, #tpu.memory_space<vmem_shared>>
          tpu.wait_indirect_dma semaphore(%arg24 : memref<!tpu.dma_semaphore, #tpu.memory_space<semaphore_mem>>) src(%arg15 : memref<125x16xf32, #tpu.memory_space<vmem>>) dst(%dma_wait3A_344 : memref<10240x16xf32, #tpu.memory_space<vmem_shared>>)
        } else {
        }
      } else {
      }
      %add3A_184 = arith.constant 0 : i32
      %add3A_185 = arith.addi %add3A_179, %add3A_184 : i32
      %dma_start3A = arith.constant 0 : i32
      %dma_start3A_186 = tpu.memref_slice %arg7[%add3A_185, %dma_start3A] : memref<80x125xi32, #tpu.memory_space<vmem>> -> memref<1x125xi32, #tpu.memory_space<vmem>>
      %dma_start3A_187 = tpu.memref_squeeze %dma_start3A_186 : memref<1x125xi32, #tpu.memory_space<vmem>> -> memref<125xi32, #tpu.memory_space<vmem>>
      %dma_start3A_188 = arith.constant 0 : i32
      %dma_start3A_189 = arith.constant 0 : i32
      %dma_start3A_190 = tpu.memref_slice %arg2[%dma_start3A_188, %dma_start3A_189] : memref<20000x64xf32, #tpu.memory_space<hbm>> -> memref<20000x64xf32, #tpu.memory_space<hbm>>
      tpu.enqueue_indirect_dma source(%dma_start3A_190 : memref<20000x64xf32, #tpu.memory_space<hbm>>) target(%arg9 : memref<125x64xf32, #tpu.memory_space<vmem>>) offsets(%dma_start3A_187 : memref<125xi32, #tpu.memory_space<vmem>>) semaphore(%arg19 : memref<!tpu.dma_semaphore, #tpu.memory_space<semaphore_mem>>)
      %gt3A_191 = arith.constant 0 : i32
      %gt3A_192 = arith.cmpi sgt, %add3A_179, %gt3A_191 : i32
      %convert_element_type3A_193 = arith.extui %gt3A_192 : i1 to i32
      %cond3A_194 = arith.constant 0 : i32
      %cond3A_195 = arith.cmpi ne, %convert_element_type3A_193, %cond3A_194 : i32
      scf.if %cond3A_195 {
        %dma_wait3A_328 = arith.constant 1 : i32
        %dma_wait3A_329 = arith.constant 0 : i32
        %dma_wait3A_330 = tpu.memref_slice %arg8[%dma_wait3A_328, %dma_wait3A_329] : memref<80x125xi32, #tpu.memory_space<vmem>> -> memref<1x125xi32, #tpu.memory_space<vmem>>
        %dma_wait3A_331 = tpu.memref_squeeze %dma_wait3A_330 : memref<1x125xi32, #tpu.memory_space<vmem>> -> memref<125xi32, #tpu.memory_space<vmem>>
        %dma_wait3A_332 = arith.constant 0 : i32
        %dma_wait3A_333 = arith.constant 0 : i32
        %dma_wait3A_334 = tpu.memref_slice %arg17[%dma_wait3A_332, %dma_wait3A_333] : memref<10240x64xf32, #tpu.memory_space<vmem_shared>> -> memref<10240x64xf32, #tpu.memory_space<vmem_shared>>
        tpu.wait_indirect_dma semaphore(%arg25 : memref<!tpu.dma_semaphore, #tpu.memory_space<semaphore_mem>>) src(%arg10 : memref<125x64xf32, #tpu.memory_space<vmem>>) dst(%dma_wait3A_334 : memref<10240x64xf32, #tpu.memory_space<vmem_shared>>)
        %convert_element_type3A_335 = arith.extui %eq3A_54 : i1 to i32
        %cond3A_336 = arith.constant 0 : i32
        %cond3A_337 = arith.cmpi ne, %convert_element_type3A_335, %cond3A_336 : i32
        scf.if %cond3A_337 {
          %dma_wait3A_338 = arith.constant 1 : i32
          %dma_wait3A_339 = arith.constant 0 : i32
          %dma_wait3A_340 = tpu.memref_slice %arg8[%dma_wait3A_338, %dma_wait3A_339] : memref<80x125xi32, #tpu.memory_space<vmem>> -> memref<1x125xi32, #tpu.memory_space<vmem>>
          %dma_wait3A_341 = tpu.memref_squeeze %dma_wait3A_340 : memref<1x125xi32, #tpu.memory_space<vmem>> -> memref<125xi32, #tpu.memory_space<vmem>>
          %dma_wait3A_342 = arith.constant 0 : i32
          %dma_wait3A_343 = arith.constant 0 : i32
          %dma_wait3A_344 = tpu.memref_slice %arg18[%dma_wait3A_342, %dma_wait3A_343] : memref<10240x16xf32, #tpu.memory_space<vmem_shared>> -> memref<10240x16xf32, #tpu.memory_space<vmem_shared>>
          tpu.wait_indirect_dma semaphore(%arg25 : memref<!tpu.dma_semaphore, #tpu.memory_space<semaphore_mem>>) src(%arg15 : memref<125x16xf32, #tpu.memory_space<vmem>>) dst(%dma_wait3A_344 : memref<10240x16xf32, #tpu.memory_space<vmem_shared>>)
        } else {
        }
      } else {
      }
      %add3A_196 = arith.constant 1 : i32
      %add3A_197 = arith.addi %add3A_179, %add3A_196 : i32
      %dma_start3A_198 = arith.constant 0 : i32
      %dma_start3A_199 = tpu.memref_slice %arg7[%add3A_197, %dma_start3A_198] : memref<80x125xi32, #tpu.memory_space<vmem>> -> memref<1x125xi32, #tpu.memory_space<vmem>>
      %dma_start3A_200 = tpu.memref_squeeze %dma_start3A_199 : memref<1x125xi32, #tpu.memory_space<vmem>> -> memref<125xi32, #tpu.memory_space<vmem>>
      %dma_start3A_201 = arith.constant 0 : i32
      %dma_start3A_202 = arith.constant 0 : i32
      %dma_start3A_203 = tpu.memref_slice %arg2[%dma_start3A_201, %dma_start3A_202] : memref<20000x64xf32, #tpu.memory_space<hbm>> -> memref<20000x64xf32, #tpu.memory_space<hbm>>
      tpu.enqueue_indirect_dma source(%dma_start3A_203 : memref<20000x64xf32, #tpu.memory_space<hbm>>) target(%arg10 : memref<125x64xf32, #tpu.memory_space<vmem>>) offsets(%dma_start3A_200 : memref<125xi32, #tpu.memory_space<vmem>>) semaphore(%arg20 : memref<!tpu.dma_semaphore, #tpu.memory_space<semaphore_mem>>)
      %gt3A_204 = arith.constant 0 : i32
      %gt3A_205 = arith.cmpi sgt, %add3A_179, %gt3A_204 : i32
      %convert_element_type3A_206 = arith.extui %gt3A_205 : i1 to i32
      %cond3A_207 = arith.constant 0 : i32
      %cond3A_208 = arith.cmpi ne, %convert_element_type3A_206, %cond3A_207 : i32
      scf.if %cond3A_208 {
        %dma_wait3A_328 = arith.constant 2 : i32
        %dma_wait3A_329 = arith.constant 0 : i32
        %dma_wait3A_330 = tpu.memref_slice %arg8[%dma_wait3A_328, %dma_wait3A_329] : memref<80x125xi32, #tpu.memory_space<vmem>> -> memref<1x125xi32, #tpu.memory_space<vmem>>
        %dma_wait3A_331 = tpu.memref_squeeze %dma_wait3A_330 : memref<1x125xi32, #tpu.memory_space<vmem>> -> memref<125xi32, #tpu.memory_space<vmem>>
        %dma_wait3A_332 = arith.constant 0 : i32
        %dma_wait3A_333 = arith.constant 0 : i32
        %dma_wait3A_334 = tpu.memref_slice %arg17[%dma_wait3A_332, %dma_wait3A_333] : memref<10240x64xf32, #tpu.memory_space<vmem_shared>> -> memref<10240x64xf32, #tpu.memory_space<vmem_shared>>
        tpu.wait_indirect_dma semaphore(%arg26 : memref<!tpu.dma_semaphore, #tpu.memory_space<semaphore_mem>>) src(%arg11 : memref<125x64xf32, #tpu.memory_space<vmem>>) dst(%dma_wait3A_334 : memref<10240x64xf32, #tpu.memory_space<vmem_shared>>)
        %convert_element_type3A_335 = arith.extui %eq3A_54 : i1 to i32
        %cond3A_336 = arith.constant 0 : i32
        %cond3A_337 = arith.cmpi ne, %convert_element_type3A_335, %cond3A_336 : i32
        scf.if %cond3A_337 {
          %dma_wait3A_338 = arith.constant 2 : i32
          %dma_wait3A_339 = arith.constant 0 : i32
          %dma_wait3A_340 = tpu.memref_slice %arg8[%dma_wait3A_338, %dma_wait3A_339] : memref<80x125xi32, #tpu.memory_space<vmem>> -> memref<1x125xi32, #tpu.memory_space<vmem>>
          %dma_wait3A_341 = tpu.memref_squeeze %dma_wait3A_340 : memref<1x125xi32, #tpu.memory_space<vmem>> -> memref<125xi32, #tpu.memory_space<vmem>>
          %dma_wait3A_342 = arith.constant 0 : i32
          %dma_wait3A_343 = arith.constant 0 : i32
          %dma_wait3A_344 = tpu.memref_slice %arg18[%dma_wait3A_342, %dma_wait3A_343] : memref<10240x16xf32, #tpu.memory_space<vmem_shared>> -> memref<10240x16xf32, #tpu.memory_space<vmem_shared>>
          tpu.wait_indirect_dma semaphore(%arg26 : memref<!tpu.dma_semaphore, #tpu.memory_space<semaphore_mem>>) src(%arg15 : memref<125x16xf32, #tpu.memory_space<vmem>>) dst(%dma_wait3A_344 : memref<10240x16xf32, #tpu.memory_space<vmem_shared>>)
        } else {
        }
      } else {
      }
      %add3A_209 = arith.constant 2 : i32
      %add3A_210 = arith.addi %add3A_179, %add3A_209 : i32
      %dma_start3A_211 = arith.constant 0 : i32
      %dma_start3A_212 = tpu.memref_slice %arg7[%add3A_210, %dma_start3A_211] : memref<80x125xi32, #tpu.memory_space<vmem>> -> memref<1x125xi32, #tpu.memory_space<vmem>>
      %dma_start3A_213 = tpu.memref_squeeze %dma_start3A_212 : memref<1x125xi32, #tpu.memory_space<vmem>> -> memref<125xi32, #tpu.memory_space<vmem>>
      %dma_start3A_214 = arith.constant 0 : i32
      %dma_start3A_215 = arith.constant 0 : i32
      %dma_start3A_216 = tpu.memref_slice %arg2[%dma_start3A_214, %dma_start3A_215] : memref<20000x64xf32, #tpu.memory_space<hbm>> -> memref<20000x64xf32, #tpu.memory_space<hbm>>
      tpu.enqueue_indirect_dma source(%dma_start3A_216 : memref<20000x64xf32, #tpu.memory_space<hbm>>) target(%arg11 : memref<125x64xf32, #tpu.memory_space<vmem>>) offsets(%dma_start3A_213 : memref<125xi32, #tpu.memory_space<vmem>>) semaphore(%arg21 : memref<!tpu.dma_semaphore, #tpu.memory_space<semaphore_mem>>)
      %gt3A_217 = arith.constant 0 : i32
      %gt3A_218 = arith.cmpi sgt, %add3A_179, %gt3A_217 : i32
      %convert_element_type3A_219 = arith.extui %gt3A_218 : i1 to i32
      %cond3A_220 = arith.constant 0 : i32
      %cond3A_221 = arith.cmpi ne, %convert_element_type3A_219, %cond3A_220 : i32
      scf.if %cond3A_221 {
        %dma_wait3A_328 = arith.constant 3 : i32
        %dma_wait3A_329 = arith.constant 0 : i32
        %dma_wait3A_330 = tpu.memref_slice %arg8[%dma_wait3A_328, %dma_wait3A_329] : memref<80x125xi32, #tpu.memory_space<vmem>> -> memref<1x125xi32, #tpu.memory_space<vmem>>
        %dma_wait3A_331 = tpu.memref_squeeze %dma_wait3A_330 : memref<1x125xi32, #tpu.memory_space<vmem>> -> memref<125xi32, #tpu.memory_space<vmem>>
        %dma_wait3A_332 = arith.constant 0 : i32
        %dma_wait3A_333 = arith.constant 0 : i32
        %dma_wait3A_334 = tpu.memref_slice %arg17[%dma_wait3A_332, %dma_wait3A_333] : memref<10240x64xf32, #tpu.memory_space<vmem_shared>> -> memref<10240x64xf32, #tpu.memory_space<vmem_shared>>
        tpu.wait_indirect_dma semaphore(%arg27 : memref<!tpu.dma_semaphore, #tpu.memory_space<semaphore_mem>>) src(%arg12 : memref<125x64xf32, #tpu.memory_space<vmem>>) dst(%dma_wait3A_334 : memref<10240x64xf32, #tpu.memory_space<vmem_shared>>)
        %convert_element_type3A_335 = arith.extui %eq3A_54 : i1 to i32
        %cond3A_336 = arith.constant 0 : i32
        %cond3A_337 = arith.cmpi ne, %convert_element_type3A_335, %cond3A_336 : i32
        scf.if %cond3A_337 {
          %dma_wait3A_338 = arith.constant 3 : i32
          %dma_wait3A_339 = arith.constant 0 : i32
          %dma_wait3A_340 = tpu.memref_slice %arg8[%dma_wait3A_338, %dma_wait3A_339] : memref<80x125xi32, #tpu.memory_space<vmem>> -> memref<1x125xi32, #tpu.memory_space<vmem>>
          %dma_wait3A_341 = tpu.memref_squeeze %dma_wait3A_340 : memref<1x125xi32, #tpu.memory_space<vmem>> -> memref<125xi32, #tpu.memory_space<vmem>>
          %dma_wait3A_342 = arith.constant 0 : i32
          %dma_wait3A_343 = arith.constant 0 : i32
          %dma_wait3A_344 = tpu.memref_slice %arg18[%dma_wait3A_342, %dma_wait3A_343] : memref<10240x16xf32, #tpu.memory_space<vmem_shared>> -> memref<10240x16xf32, #tpu.memory_space<vmem_shared>>
          tpu.wait_indirect_dma semaphore(%arg27 : memref<!tpu.dma_semaphore, #tpu.memory_space<semaphore_mem>>) src(%arg15 : memref<125x16xf32, #tpu.memory_space<vmem>>) dst(%dma_wait3A_344 : memref<10240x16xf32, #tpu.memory_space<vmem_shared>>)
        } else {
        }
      } else {
      }
      %add3A_222 = arith.constant 3 : i32
      %add3A_223 = arith.addi %add3A_179, %add3A_222 : i32
      %dma_start3A_224 = arith.constant 0 : i32
      %dma_start3A_225 = tpu.memref_slice %arg7[%add3A_223, %dma_start3A_224] : memref<80x125xi32, #tpu.memory_space<vmem>> -> memref<1x125xi32, #tpu.memory_space<vmem>>
      %dma_start3A_226 = tpu.memref_squeeze %dma_start3A_225 : memref<1x125xi32, #tpu.memory_space<vmem>> -> memref<125xi32, #tpu.memory_space<vmem>>
      %dma_start3A_227 = arith.constant 0 : i32
      %dma_start3A_228 = arith.constant 0 : i32
      %dma_start3A_229 = tpu.memref_slice %arg2[%dma_start3A_227, %dma_start3A_228] : memref<20000x64xf32, #tpu.memory_space<hbm>> -> memref<20000x64xf32, #tpu.memory_space<hbm>>
      tpu.enqueue_indirect_dma source(%dma_start3A_229 : memref<20000x64xf32, #tpu.memory_space<hbm>>) target(%arg12 : memref<125x64xf32, #tpu.memory_space<vmem>>) offsets(%dma_start3A_226 : memref<125xi32, #tpu.memory_space<vmem>>) semaphore(%arg22 : memref<!tpu.dma_semaphore, #tpu.memory_space<semaphore_mem>>)
      %gt3A_230 = arith.constant 0 : i32
      %gt3A_231 = arith.cmpi sgt, %add3A_179, %gt3A_230 : i32
      %convert_element_type3A_232 = arith.extui %gt3A_231 : i1 to i32
      %cond3A_233 = arith.constant 0 : i32
      %cond3A_234 = arith.cmpi ne, %convert_element_type3A_232, %cond3A_233 : i32
      scf.if %cond3A_234 {
        %dma_wait3A_328 = arith.constant 4 : i32
        %dma_wait3A_329 = arith.constant 0 : i32
        %dma_wait3A_330 = tpu.memref_slice %arg8[%dma_wait3A_328, %dma_wait3A_329] : memref<80x125xi32, #tpu.memory_space<vmem>> -> memref<1x125xi32, #tpu.memory_space<vmem>>
        %dma_wait3A_331 = tpu.memref_squeeze %dma_wait3A_330 : memref<1x125xi32, #tpu.memory_space<vmem>> -> memref<125xi32, #tpu.memory_space<vmem>>
        %dma_wait3A_332 = arith.constant 0 : i32
        %dma_wait3A_333 = arith.constant 0 : i32
        %dma_wait3A_334 = tpu.memref_slice %arg17[%dma_wait3A_332, %dma_wait3A_333] : memref<10240x64xf32, #tpu.memory_space<vmem_shared>> -> memref<10240x64xf32, #tpu.memory_space<vmem_shared>>
        tpu.wait_indirect_dma semaphore(%arg28 : memref<!tpu.dma_semaphore, #tpu.memory_space<semaphore_mem>>) src(%arg13 : memref<125x64xf32, #tpu.memory_space<vmem>>) dst(%dma_wait3A_334 : memref<10240x64xf32, #tpu.memory_space<vmem_shared>>)
        %convert_element_type3A_335 = arith.extui %eq3A_54 : i1 to i32
        %cond3A_336 = arith.constant 0 : i32
        %cond3A_337 = arith.cmpi ne, %convert_element_type3A_335, %cond3A_336 : i32
        scf.if %cond3A_337 {
          %dma_wait3A_338 = arith.constant 4 : i32
          %dma_wait3A_339 = arith.constant 0 : i32
          %dma_wait3A_340 = tpu.memref_slice %arg8[%dma_wait3A_338, %dma_wait3A_339] : memref<80x125xi32, #tpu.memory_space<vmem>> -> memref<1x125xi32, #tpu.memory_space<vmem>>
          %dma_wait3A_341 = tpu.memref_squeeze %dma_wait3A_340 : memref<1x125xi32, #tpu.memory_space<vmem>> -> memref<125xi32, #tpu.memory_space<vmem>>
          %dma_wait3A_342 = arith.constant 0 : i32
          %dma_wait3A_343 = arith.constant 0 : i32
          %dma_wait3A_344 = tpu.memref_slice %arg18[%dma_wait3A_342, %dma_wait3A_343] : memref<10240x16xf32, #tpu.memory_space<vmem_shared>> -> memref<10240x16xf32, #tpu.memory_space<vmem_shared>>
          tpu.wait_indirect_dma semaphore(%arg28 : memref<!tpu.dma_semaphore, #tpu.memory_space<semaphore_mem>>) src(%arg15 : memref<125x16xf32, #tpu.memory_space<vmem>>) dst(%dma_wait3A_344 : memref<10240x16xf32, #tpu.memory_space<vmem_shared>>)
        } else {
        }
      } else {
      }
      %add3A_235 = arith.constant 4 : i32
      %add3A_236 = arith.addi %add3A_179, %add3A_235 : i32
      %dma_start3A_237 = arith.constant 0 : i32
      %dma_start3A_238 = tpu.memref_slice %arg7[%add3A_236, %dma_start3A_237] : memref<80x125xi32, #tpu.memory_space<vmem>> -> memref<1x125xi32, #tpu.memory_space<vmem>>
      %dma_start3A_239 = tpu.memref_squeeze %dma_start3A_238 : memref<1x125xi32, #tpu.memory_space<vmem>> -> memref<125xi32, #tpu.memory_space<vmem>>
      %dma_start3A_240 = arith.constant 0 : i32
      %dma_start3A_241 = arith.constant 0 : i32
      %dma_start3A_242 = tpu.memref_slice %arg2[%dma_start3A_240, %dma_start3A_241] : memref<20000x64xf32, #tpu.memory_space<hbm>> -> memref<20000x64xf32, #tpu.memory_space<hbm>>
      tpu.enqueue_indirect_dma source(%dma_start3A_242 : memref<20000x64xf32, #tpu.memory_space<hbm>>) target(%arg13 : memref<125x64xf32, #tpu.memory_space<vmem>>) offsets(%dma_start3A_239 : memref<125xi32, #tpu.memory_space<vmem>>) semaphore(%arg23 : memref<!tpu.dma_semaphore, #tpu.memory_space<semaphore_mem>>)
      %dma_wait3A_243 = arith.constant 0 : i32
      %dma_wait3A_244 = tpu.memref_slice %arg7[%add3A_185, %dma_wait3A_243] : memref<80x125xi32, #tpu.memory_space<vmem>> -> memref<1x125xi32, #tpu.memory_space<vmem>>
      %dma_wait3A_245 = tpu.memref_squeeze %dma_wait3A_244 : memref<1x125xi32, #tpu.memory_space<vmem>> -> memref<125xi32, #tpu.memory_space<vmem>>
      %dma_wait3A_246 = arith.constant 0 : i32
      %dma_wait3A_247 = arith.constant 0 : i32
      %dma_wait3A_248 = tpu.memref_slice %arg2[%dma_wait3A_246, %dma_wait3A_247] : memref<20000x64xf32, #tpu.memory_space<hbm>> -> memref<20000x64xf32, #tpu.memory_space<hbm>>
      tpu.wait_indirect_dma semaphore(%arg19 : memref<!tpu.dma_semaphore, #tpu.memory_space<semaphore_mem>>) src(%dma_wait3A_248 : memref<20000x64xf32, #tpu.memory_space<hbm>>) dst(%arg9 : memref<125x64xf32, #tpu.memory_space<vmem>>)
      %add3A_249 = arith.constant 0 : i32
      %add3A_250 = arith.addi %add3A_179, %add3A_249 : i32
      %dma_start3A_251 = arith.constant 0 : i32
      %dma_start3A_252 = tpu.memref_slice %arg8[%add3A_250, %dma_start3A_251] : memref<80x125xi32, #tpu.memory_space<vmem>> -> memref<1x125xi32, #tpu.memory_space<vmem>>
      %dma_start3A_253 = tpu.memref_squeeze %dma_start3A_252 : memref<1x125xi32, #tpu.memory_space<vmem>> -> memref<125xi32, #tpu.memory_space<vmem>>
      %dma_start3A_254 = arith.constant 0 : i32
      %dma_start3A_255 = arith.constant 0 : i32
      %dma_start3A_256 = tpu.memref_slice %arg17[%dma_start3A_254, %dma_start3A_255] : memref<10240x64xf32, #tpu.memory_space<vmem_shared>> -> memref<10240x64xf32, #tpu.memory_space<vmem_shared>>
      tpu.enqueue_indirect_dma source(%arg9 : memref<125x64xf32, #tpu.memory_space<vmem>>) target(%dma_start3A_256 : memref<10240x64xf32, #tpu.memory_space<vmem_shared>>) offsets(%dma_start3A_253 : memref<125xi32, #tpu.memory_space<vmem>>) semaphore(%arg24 : memref<!tpu.dma_semaphore, #tpu.memory_space<semaphore_mem>>) {add = true}
      %convert_element_type3A_257 = arith.extui %eq3A_54 : i1 to i32
      %cond3A_258 = arith.constant 0 : i32
      %cond3A_259 = arith.cmpi ne, %convert_element_type3A_257, %cond3A_258 : i32
      scf.if %cond3A_259 {
        %add3A_328 = arith.constant 0 : i32
        %add3A_329 = arith.addi %add3A_179, %add3A_328 : i32
        %dma_start3A_330 = arith.constant 0 : i32
        %dma_start3A_331 = tpu.memref_slice %arg8[%add3A_329, %dma_start3A_330] : memref<80x125xi32, #tpu.memory_space<vmem>> -> memref<1x125xi32, #tpu.memory_space<vmem>>
        %dma_start3A_332 = tpu.memref_squeeze %dma_start3A_331 : memref<1x125xi32, #tpu.memory_space<vmem>> -> memref<125xi32, #tpu.memory_space<vmem>>
        %dma_start3A_333 = arith.constant 0 : i32
        %dma_start3A_334 = arith.constant 0 : i32
        %dma_start3A_335 = tpu.memref_slice %arg18[%dma_start3A_333, %dma_start3A_334] : memref<10240x16xf32, #tpu.memory_space<vmem_shared>> -> memref<10240x16xf32, #tpu.memory_space<vmem_shared>>
        tpu.enqueue_indirect_dma source(%arg15 : memref<125x16xf32, #tpu.memory_space<vmem>>) target(%dma_start3A_335 : memref<10240x16xf32, #tpu.memory_space<vmem_shared>>) offsets(%dma_start3A_332 : memref<125xi32, #tpu.memory_space<vmem>>) semaphore(%arg24 : memref<!tpu.dma_semaphore, #tpu.memory_space<semaphore_mem>>) {add = true}
      } else {
      }
      %dma_wait3A_260 = arith.constant 0 : i32
      %dma_wait3A_261 = tpu.memref_slice %arg7[%add3A_197, %dma_wait3A_260] : memref<80x125xi32, #tpu.memory_space<vmem>> -> memref<1x125xi32, #tpu.memory_space<vmem>>
      %dma_wait3A_262 = tpu.memref_squeeze %dma_wait3A_261 : memref<1x125xi32, #tpu.memory_space<vmem>> -> memref<125xi32, #tpu.memory_space<vmem>>
      %dma_wait3A_263 = arith.constant 0 : i32
      %dma_wait3A_264 = arith.constant 0 : i32
      %dma_wait3A_265 = tpu.memref_slice %arg2[%dma_wait3A_263, %dma_wait3A_264] : memref<20000x64xf32, #tpu.memory_space<hbm>> -> memref<20000x64xf32, #tpu.memory_space<hbm>>
      tpu.wait_indirect_dma semaphore(%arg20 : memref<!tpu.dma_semaphore, #tpu.memory_space<semaphore_mem>>) src(%dma_wait3A_265 : memref<20000x64xf32, #tpu.memory_space<hbm>>) dst(%arg10 : memref<125x64xf32, #tpu.memory_space<vmem>>)
      %add3A_266 = arith.constant 1 : i32
      %add3A_267 = arith.addi %add3A_179, %add3A_266 : i32
      %dma_start3A_268 = arith.constant 0 : i32
      %dma_start3A_269 = tpu.memref_slice %arg8[%add3A_267, %dma_start3A_268] : memref<80x125xi32, #tpu.memory_space<vmem>> -> memref<1x125xi32, #tpu.memory_space<vmem>>
      %dma_start3A_270 = tpu.memref_squeeze %dma_start3A_269 : memref<1x125xi32, #tpu.memory_space<vmem>> -> memref<125xi32, #tpu.memory_space<vmem>>
      %dma_start3A_271 = arith.constant 0 : i32
      %dma_start3A_272 = arith.constant 0 : i32
      %dma_start3A_273 = tpu.memref_slice %arg17[%dma_start3A_271, %dma_start3A_272] : memref<10240x64xf32, #tpu.memory_space<vmem_shared>> -> memref<10240x64xf32, #tpu.memory_space<vmem_shared>>
      tpu.enqueue_indirect_dma source(%arg10 : memref<125x64xf32, #tpu.memory_space<vmem>>) target(%dma_start3A_273 : memref<10240x64xf32, #tpu.memory_space<vmem_shared>>) offsets(%dma_start3A_270 : memref<125xi32, #tpu.memory_space<vmem>>) semaphore(%arg25 : memref<!tpu.dma_semaphore, #tpu.memory_space<semaphore_mem>>) {add = true}
      %convert_element_type3A_274 = arith.extui %eq3A_54 : i1 to i32
      %cond3A_275 = arith.constant 0 : i32
      %cond3A_276 = arith.cmpi ne, %convert_element_type3A_274, %cond3A_275 : i32
      scf.if %cond3A_276 {
        %add3A_328 = arith.constant 1 : i32
        %add3A_329 = arith.addi %add3A_179, %add3A_328 : i32
        %dma_start3A_330 = arith.constant 0 : i32
        %dma_start3A_331 = tpu.memref_slice %arg8[%add3A_329, %dma_start3A_330] : memref<80x125xi32, #tpu.memory_space<vmem>> -> memref<1x125xi32, #tpu.memory_space<vmem>>
        %dma_start3A_332 = tpu.memref_squeeze %dma_start3A_331 : memref<1x125xi32, #tpu.memory_space<vmem>> -> memref<125xi32, #tpu.memory_space<vmem>>
        %dma_start3A_333 = arith.constant 0 : i32
        %dma_start3A_334 = arith.constant 0 : i32
        %dma_start3A_335 = tpu.memref_slice %arg18[%dma_start3A_333, %dma_start3A_334] : memref<10240x16xf32, #tpu.memory_space<vmem_shared>> -> memref<10240x16xf32, #tpu.memory_space<vmem_shared>>
        tpu.enqueue_indirect_dma source(%arg15 : memref<125x16xf32, #tpu.memory_space<vmem>>) target(%dma_start3A_335 : memref<10240x16xf32, #tpu.memory_space<vmem_shared>>) offsets(%dma_start3A_332 : memref<125xi32, #tpu.memory_space<vmem>>) semaphore(%arg25 : memref<!tpu.dma_semaphore, #tpu.memory_space<semaphore_mem>>) {add = true}
      } else {
      }
      %dma_wait3A_277 = arith.constant 0 : i32
      %dma_wait3A_278 = tpu.memref_slice %arg7[%add3A_210, %dma_wait3A_277] : memref<80x125xi32, #tpu.memory_space<vmem>> -> memref<1x125xi32, #tpu.memory_space<vmem>>
      %dma_wait3A_279 = tpu.memref_squeeze %dma_wait3A_278 : memref<1x125xi32, #tpu.memory_space<vmem>> -> memref<125xi32, #tpu.memory_space<vmem>>
      %dma_wait3A_280 = arith.constant 0 : i32
      %dma_wait3A_281 = arith.constant 0 : i32
      %dma_wait3A_282 = tpu.memref_slice %arg2[%dma_wait3A_280, %dma_wait3A_281] : memref<20000x64xf32, #tpu.memory_space<hbm>> -> memref<20000x64xf32, #tpu.memory_space<hbm>>
      tpu.wait_indirect_dma semaphore(%arg21 : memref<!tpu.dma_semaphore, #tpu.memory_space<semaphore_mem>>) src(%dma_wait3A_282 : memref<20000x64xf32, #tpu.memory_space<hbm>>) dst(%arg11 : memref<125x64xf32, #tpu.memory_space<vmem>>)
      %add3A_283 = arith.constant 2 : i32
      %add3A_284 = arith.addi %add3A_179, %add3A_283 : i32
      %dma_start3A_285 = arith.constant 0 : i32
      %dma_start3A_286 = tpu.memref_slice %arg8[%add3A_284, %dma_start3A_285] : memref<80x125xi32, #tpu.memory_space<vmem>> -> memref<1x125xi32, #tpu.memory_space<vmem>>
      %dma_start3A_287 = tpu.memref_squeeze %dma_start3A_286 : memref<1x125xi32, #tpu.memory_space<vmem>> -> memref<125xi32, #tpu.memory_space<vmem>>
      %dma_start3A_288 = arith.constant 0 : i32
      %dma_start3A_289 = arith.constant 0 : i32
      %dma_start3A_290 = tpu.memref_slice %arg17[%dma_start3A_288, %dma_start3A_289] : memref<10240x64xf32, #tpu.memory_space<vmem_shared>> -> memref<10240x64xf32, #tpu.memory_space<vmem_shared>>
      tpu.enqueue_indirect_dma source(%arg11 : memref<125x64xf32, #tpu.memory_space<vmem>>) target(%dma_start3A_290 : memref<10240x64xf32, #tpu.memory_space<vmem_shared>>) offsets(%dma_start3A_287 : memref<125xi32, #tpu.memory_space<vmem>>) semaphore(%arg26 : memref<!tpu.dma_semaphore, #tpu.memory_space<semaphore_mem>>) {add = true}
      %convert_element_type3A_291 = arith.extui %eq3A_54 : i1 to i32
      %cond3A_292 = arith.constant 0 : i32
      %cond3A_293 = arith.cmpi ne, %convert_element_type3A_291, %cond3A_292 : i32
      scf.if %cond3A_293 {
        %add3A_328 = arith.constant 2 : i32
        %add3A_329 = arith.addi %add3A_179, %add3A_328 : i32
        %dma_start3A_330 = arith.constant 0 : i32
        %dma_start3A_331 = tpu.memref_slice %arg8[%add3A_329, %dma_start3A_330] : memref<80x125xi32, #tpu.memory_space<vmem>> -> memref<1x125xi32, #tpu.memory_space<vmem>>
        %dma_start3A_332 = tpu.memref_squeeze %dma_start3A_331 : memref<1x125xi32, #tpu.memory_space<vmem>> -> memref<125xi32, #tpu.memory_space<vmem>>
        %dma_start3A_333 = arith.constant 0 : i32
        %dma_start3A_334 = arith.constant 0 : i32
        %dma_start3A_335 = tpu.memref_slice %arg18[%dma_start3A_333, %dma_start3A_334] : memref<10240x16xf32, #tpu.memory_space<vmem_shared>> -> memref<10240x16xf32, #tpu.memory_space<vmem_shared>>
        tpu.enqueue_indirect_dma source(%arg15 : memref<125x16xf32, #tpu.memory_space<vmem>>) target(%dma_start3A_335 : memref<10240x16xf32, #tpu.memory_space<vmem_shared>>) offsets(%dma_start3A_332 : memref<125xi32, #tpu.memory_space<vmem>>) semaphore(%arg26 : memref<!tpu.dma_semaphore, #tpu.memory_space<semaphore_mem>>) {add = true}
      } else {
      }
      %dma_wait3A_294 = arith.constant 0 : i32
      %dma_wait3A_295 = tpu.memref_slice %arg7[%add3A_223, %dma_wait3A_294] : memref<80x125xi32, #tpu.memory_space<vmem>> -> memref<1x125xi32, #tpu.memory_space<vmem>>
      %dma_wait3A_296 = tpu.memref_squeeze %dma_wait3A_295 : memref<1x125xi32, #tpu.memory_space<vmem>> -> memref<125xi32, #tpu.memory_space<vmem>>
      %dma_wait3A_297 = arith.constant 0 : i32
      %dma_wait3A_298 = arith.constant 0 : i32
      %dma_wait3A_299 = tpu.memref_slice %arg2[%dma_wait3A_297, %dma_wait3A_298] : memref<20000x64xf32, #tpu.memory_space<hbm>> -> memref<20000x64xf32, #tpu.memory_space<hbm>>
      tpu.wait_indirect_dma semaphore(%arg22 : memref<!tpu.dma_semaphore, #tpu.memory_space<semaphore_mem>>) src(%dma_wait3A_299 : memref<20000x64xf32, #tpu.memory_space<hbm>>) dst(%arg12 : memref<125x64xf32, #tpu.memory_space<vmem>>)
      %add3A_300 = arith.constant 3 : i32
      %add3A_301 = arith.addi %add3A_179, %add3A_300 : i32
      %dma_start3A_302 = arith.constant 0 : i32
      %dma_start3A_303 = tpu.memref_slice %arg8[%add3A_301, %dma_start3A_302] : memref<80x125xi32, #tpu.memory_space<vmem>> -> memref<1x125xi32, #tpu.memory_space<vmem>>
      %dma_start3A_304 = tpu.memref_squeeze %dma_start3A_303 : memref<1x125xi32, #tpu.memory_space<vmem>> -> memref<125xi32, #tpu.memory_space<vmem>>
      %dma_start3A_305 = arith.constant 0 : i32
      %dma_start3A_306 = arith.constant 0 : i32
      %dma_start3A_307 = tpu.memref_slice %arg17[%dma_start3A_305, %dma_start3A_306] : memref<10240x64xf32, #tpu.memory_space<vmem_shared>> -> memref<10240x64xf32, #tpu.memory_space<vmem_shared>>
      tpu.enqueue_indirect_dma source(%arg12 : memref<125x64xf32, #tpu.memory_space<vmem>>) target(%dma_start3A_307 : memref<10240x64xf32, #tpu.memory_space<vmem_shared>>) offsets(%dma_start3A_304 : memref<125xi32, #tpu.memory_space<vmem>>) semaphore(%arg27 : memref<!tpu.dma_semaphore, #tpu.memory_space<semaphore_mem>>) {add = true}
      %convert_element_type3A_308 = arith.extui %eq3A_54 : i1 to i32
      %cond3A_309 = arith.constant 0 : i32
      %cond3A_310 = arith.cmpi ne, %convert_element_type3A_308, %cond3A_309 : i32
      scf.if %cond3A_310 {
        %add3A_328 = arith.constant 3 : i32
        %add3A_329 = arith.addi %add3A_179, %add3A_328 : i32
        %dma_start3A_330 = arith.constant 0 : i32
        %dma_start3A_331 = tpu.memref_slice %arg8[%add3A_329, %dma_start3A_330] : memref<80x125xi32, #tpu.memory_space<vmem>> -> memref<1x125xi32, #tpu.memory_space<vmem>>
        %dma_start3A_332 = tpu.memref_squeeze %dma_start3A_331 : memref<1x125xi32, #tpu.memory_space<vmem>> -> memref<125xi32, #tpu.memory_space<vmem>>
        %dma_start3A_333 = arith.constant 0 : i32
        %dma_start3A_334 = arith.constant 0 : i32
        %dma_start3A_335 = tpu.memref_slice %arg18[%dma_start3A_333, %dma_start3A_334] : memref<10240x16xf32, #tpu.memory_space<vmem_shared>> -> memref<10240x16xf32, #tpu.memory_space<vmem_shared>>
        tpu.enqueue_indirect_dma source(%arg15 : memref<125x16xf32, #tpu.memory_space<vmem>>) target(%dma_start3A_335 : memref<10240x16xf32, #tpu.memory_space<vmem_shared>>) offsets(%dma_start3A_332 : memref<125xi32, #tpu.memory_space<vmem>>) semaphore(%arg27 : memref<!tpu.dma_semaphore, #tpu.memory_space<semaphore_mem>>) {add = true}
      } else {
      }
      %dma_wait3A_311 = arith.constant 0 : i32
      %dma_wait3A_312 = tpu.memref_slice %arg7[%add3A_236, %dma_wait3A_311] : memref<80x125xi32, #tpu.memory_space<vmem>> -> memref<1x125xi32, #tpu.memory_space<vmem>>
      %dma_wait3A_313 = tpu.memref_squeeze %dma_wait3A_312 : memref<1x125xi32, #tpu.memory_space<vmem>> -> memref<125xi32, #tpu.memory_space<vmem>>
      %dma_wait3A_314 = arith.constant 0 : i32
      %dma_wait3A_315 = arith.constant 0 : i32
      %dma_wait3A_316 = tpu.memref_slice %arg2[%dma_wait3A_314, %dma_wait3A_315] : memref<20000x64xf32, #tpu.memory_space<hbm>> -> memref<20000x64xf32, #tpu.memory_space<hbm>>
      tpu.wait_indirect_dma semaphore(%arg23 : memref<!tpu.dma_semaphore, #tpu.memory_space<semaphore_mem>>) src(%dma_wait3A_316 : memref<20000x64xf32, #tpu.memory_space<hbm>>) dst(%arg13 : memref<125x64xf32, #tpu.memory_space<vmem>>)
      %add3A_317 = arith.constant 4 : i32
      %add3A_318 = arith.addi %add3A_179, %add3A_317 : i32
      %dma_start3A_319 = arith.constant 0 : i32
      %dma_start3A_320 = tpu.memref_slice %arg8[%add3A_318, %dma_start3A_319] : memref<80x125xi32, #tpu.memory_space<vmem>> -> memref<1x125xi32, #tpu.memory_space<vmem>>
      %dma_start3A_321 = tpu.memref_squeeze %dma_start3A_320 : memref<1x125xi32, #tpu.memory_space<vmem>> -> memref<125xi32, #tpu.memory_space<vmem>>
      %dma_start3A_322 = arith.constant 0 : i32
      %dma_start3A_323 = arith.constant 0 : i32
      %dma_start3A_324 = tpu.memref_slice %arg17[%dma_start3A_322, %dma_start3A_323] : memref<10240x64xf32, #tpu.memory_space<vmem_shared>> -> memref<10240x64xf32, #tpu.memory_space<vmem_shared>>
      tpu.enqueue_indirect_dma source(%arg13 : memref<125x64xf32, #tpu.memory_space<vmem>>) target(%dma_start3A_324 : memref<10240x64xf32, #tpu.memory_space<vmem_shared>>) offsets(%dma_start3A_321 : memref<125xi32, #tpu.memory_space<vmem>>) semaphore(%arg28 : memref<!tpu.dma_semaphore, #tpu.memory_space<semaphore_mem>>) {add = true}
      %convert_element_type3A_325 = arith.extui %eq3A_54 : i1 to i32
      %cond3A_326 = arith.constant 0 : i32
      %cond3A_327 = arith.cmpi ne, %convert_element_type3A_325, %cond3A_326 : i32
      scf.if %cond3A_327 {
        %add3A_328 = arith.constant 4 : i32
        %add3A_329 = arith.addi %add3A_179, %add3A_328 : i32
        %dma_start3A_330 = arith.constant 0 : i32
        %dma_start3A_331 = tpu.memref_slice %arg8[%add3A_329, %dma_start3A_330] : memref<80x125xi32, #tpu.memory_space<vmem>> -> memref<1x125xi32, #tpu.memory_space<vmem>>
        %dma_start3A_332 = tpu.memref_squeeze %dma_start3A_331 : memref<1x125xi32, #tpu.memory_space<vmem>> -> memref<125xi32, #tpu.memory_space<vmem>>
        %dma_start3A_333 = arith.constant 0 : i32
        %dma_start3A_334 = arith.constant 0 : i32
        %dma_start3A_335 = tpu.memref_slice %arg18[%dma_start3A_333, %dma_start3A_334] : memref<10240x16xf32, #tpu.memory_space<vmem_shared>> -> memref<10240x16xf32, #tpu.memory_space<vmem_shared>>
        tpu.enqueue_indirect_dma source(%arg15 : memref<125x16xf32, #tpu.memory_space<vmem>>) target(%dma_start3A_335 : memref<10240x16xf32, #tpu.memory_space<vmem_shared>>) offsets(%dma_start3A_332 : memref<125xi32, #tpu.memory_space<vmem>>) semaphore(%arg28 : memref<!tpu.dma_semaphore, #tpu.memory_space<semaphore_mem>>) {add = true}
      } else {
      }
    }
    %scan3A_59 = arith.constant 16 : i32
    %dma_wait3A = arith.constant 0 : i32
    %dma_wait3A_60 = arith.constant 0 : i32
    %dma_wait3A_61 = tpu.memref_slice %arg8[%dma_wait3A, %dma_wait3A_60] : memref<80x125xi32, #tpu.memory_space<vmem>> -> memref<1x125xi32, #tpu.memory_space<vmem>>
    %dma_wait3A_62 = tpu.memref_squeeze %dma_wait3A_61 : memref<1x125xi32, #tpu.memory_space<vmem>> -> memref<125xi32, #tpu.memory_space<vmem>>
    %dma_wait3A_63 = arith.constant 0 : i32
    %dma_wait3A_64 = arith.constant 0 : i32
    %dma_wait3A_65 = tpu.memref_slice %arg17[%dma_wait3A_63, %dma_wait3A_64] : memref<10240x64xf32, #tpu.memory_space<vmem_shared>> -> memref<10240x64xf32, #tpu.memory_space<vmem_shared>>
    tpu.wait_indirect_dma semaphore(%arg24 : memref<!tpu.dma_semaphore, #tpu.memory_space<semaphore_mem>>) src(%arg9 : memref<125x64xf32, #tpu.memory_space<vmem>>) dst(%dma_wait3A_65 : memref<10240x64xf32, #tpu.memory_space<vmem_shared>>)
    %convert_element_type3A = arith.extui %eq3A_54 : i1 to i32
    %cond3A = arith.constant 0 : i32
    %cond3A_66 = arith.cmpi ne, %convert_element_type3A, %cond3A : i32
    scf.if %cond3A_66 {
      %dma_wait3A_175 = arith.constant 0 : i32
      %dma_wait3A_176 = arith.constant 0 : i32
      %dma_wait3A_177 = tpu.memref_slice %arg8[%dma_wait3A_175, %dma_wait3A_176] : memref<80x125xi32, #tpu.memory_space<vmem>> -> memref<1x125xi32, #tpu.memory_space<vmem>>
      %dma_wait3A_178 = tpu.memref_squeeze %dma_wait3A_177 : memref<1x125xi32, #tpu.memory_space<vmem>> -> memref<125xi32, #tpu.memory_space<vmem>>
      %dma_wait3A_179 = arith.constant 0 : i32
      %dma_wait3A_180 = arith.constant 0 : i32
      %dma_wait3A_181 = tpu.memref_slice %arg18[%dma_wait3A_179, %dma_wait3A_180] : memref<10240x16xf32, #tpu.memory_space<vmem_shared>> -> memref<10240x16xf32, #tpu.memory_space<vmem_shared>>
      tpu.wait_indirect_dma semaphore(%arg24 : memref<!tpu.dma_semaphore, #tpu.memory_space<semaphore_mem>>) src(%arg15 : memref<125x16xf32, #tpu.memory_space<vmem>>) dst(%dma_wait3A_181 : memref<10240x16xf32, #tpu.memory_space<vmem_shared>>)
    } else {
    }
    %dma_wait3A_67 = arith.constant 1 : i32
    %dma_wait3A_68 = arith.constant 0 : i32
    %dma_wait3A_69 = tpu.memref_slice %arg8[%dma_wait3A_67, %dma_wait3A_68] : memref<80x125xi32, #tpu.memory_space<vmem>> -> memref<1x125xi32, #tpu.memory_space<vmem>>
    %dma_wait3A_70 = tpu.memref_squeeze %dma_wait3A_69 : memref<1x125xi32, #tpu.memory_space<vmem>> -> memref<125xi32, #tpu.memory_space<vmem>>
    %dma_wait3A_71 = arith.constant 0 : i32
    %dma_wait3A_72 = arith.constant 0 : i32
    %dma_wait3A_73 = tpu.memref_slice %arg17[%dma_wait3A_71, %dma_wait3A_72] : memref<10240x64xf32, #tpu.memory_space<vmem_shared>> -> memref<10240x64xf32, #tpu.memory_space<vmem_shared>>
    tpu.wait_indirect_dma semaphore(%arg25 : memref<!tpu.dma_semaphore, #tpu.memory_space<semaphore_mem>>) src(%arg10 : memref<125x64xf32, #tpu.memory_space<vmem>>) dst(%dma_wait3A_73 : memref<10240x64xf32, #tpu.memory_space<vmem_shared>>)
    %convert_element_type3A_74 = arith.extui %eq3A_54 : i1 to i32
    %cond3A_75 = arith.constant 0 : i32
    %cond3A_76 = arith.cmpi ne, %convert_element_type3A_74, %cond3A_75 : i32
    scf.if %cond3A_76 {
      %dma_wait3A_175 = arith.constant 1 : i32
      %dma_wait3A_176 = arith.constant 0 : i32
      %dma_wait3A_177 = tpu.memref_slice %arg8[%dma_wait3A_175, %dma_wait3A_176] : memref<80x125xi32, #tpu.memory_space<vmem>> -> memref<1x125xi32, #tpu.memory_space<vmem>>
      %dma_wait3A_178 = tpu.memref_squeeze %dma_wait3A_177 : memref<1x125xi32, #tpu.memory_space<vmem>> -> memref<125xi32, #tpu.memory_space<vmem>>
      %dma_wait3A_179 = arith.constant 0 : i32
      %dma_wait3A_180 = arith.constant 0 : i32
      %dma_wait3A_181 = tpu.memref_slice %arg18[%dma_wait3A_179, %dma_wait3A_180] : memref<10240x16xf32, #tpu.memory_space<vmem_shared>> -> memref<10240x16xf32, #tpu.memory_space<vmem_shared>>
      tpu.wait_indirect_dma semaphore(%arg25 : memref<!tpu.dma_semaphore, #tpu.memory_space<semaphore_mem>>) src(%arg15 : memref<125x16xf32, #tpu.memory_space<vmem>>) dst(%dma_wait3A_181 : memref<10240x16xf32, #tpu.memory_space<vmem_shared>>)
    } else {
    }
    %dma_wait3A_77 = arith.constant 2 : i32
    %dma_wait3A_78 = arith.constant 0 : i32
    %dma_wait3A_79 = tpu.memref_slice %arg8[%dma_wait3A_77, %dma_wait3A_78] : memref<80x125xi32, #tpu.memory_space<vmem>> -> memref<1x125xi32, #tpu.memory_space<vmem>>
    %dma_wait3A_80 = tpu.memref_squeeze %dma_wait3A_79 : memref<1x125xi32, #tpu.memory_space<vmem>> -> memref<125xi32, #tpu.memory_space<vmem>>
    %dma_wait3A_81 = arith.constant 0 : i32
    %dma_wait3A_82 = arith.constant 0 : i32
    %dma_wait3A_83 = tpu.memref_slice %arg17[%dma_wait3A_81, %dma_wait3A_82] : memref<10240x64xf32, #tpu.memory_space<vmem_shared>> -> memref<10240x64xf32, #tpu.memory_space<vmem_shared>>
    tpu.wait_indirect_dma semaphore(%arg26 : memref<!tpu.dma_semaphore, #tpu.memory_space<semaphore_mem>>) src(%arg11 : memref<125x64xf32, #tpu.memory_space<vmem>>) dst(%dma_wait3A_83 : memref<10240x64xf32, #tpu.memory_space<vmem_shared>>)
    %convert_element_type3A_84 = arith.extui %eq3A_54 : i1 to i32
    %cond3A_85 = arith.constant 0 : i32
    %cond3A_86 = arith.cmpi ne, %convert_element_type3A_84, %cond3A_85 : i32
    scf.if %cond3A_86 {
      %dma_wait3A_175 = arith.constant 2 : i32
      %dma_wait3A_176 = arith.constant 0 : i32
      %dma_wait3A_177 = tpu.memref_slice %arg8[%dma_wait3A_175, %dma_wait3A_176] : memref<80x125xi32, #tpu.memory_space<vmem>> -> memref<1x125xi32, #tpu.memory_space<vmem>>
      %dma_wait3A_178 = tpu.memref_squeeze %dma_wait3A_177 : memref<1x125xi32, #tpu.memory_space<vmem>> -> memref<125xi32, #tpu.memory_space<vmem>>
      %dma_wait3A_179 = arith.constant 0 : i32
      %dma_wait3A_180 = arith.constant 0 : i32
      %dma_wait3A_181 = tpu.memref_slice %arg18[%dma_wait3A_179, %dma_wait3A_180] : memref<10240x16xf32, #tpu.memory_space<vmem_shared>> -> memref<10240x16xf32, #tpu.memory_space<vmem_shared>>
      tpu.wait_indirect_dma semaphore(%arg26 : memref<!tpu.dma_semaphore, #tpu.memory_space<semaphore_mem>>) src(%arg15 : memref<125x16xf32, #tpu.memory_space<vmem>>) dst(%dma_wait3A_181 : memref<10240x16xf32, #tpu.memory_space<vmem_shared>>)
    } else {
    }
    %dma_wait3A_87 = arith.constant 3 : i32
    %dma_wait3A_88 = arith.constant 0 : i32
    %dma_wait3A_89 = tpu.memref_slice %arg8[%dma_wait3A_87, %dma_wait3A_88] : memref<80x125xi32, #tpu.memory_space<vmem>> -> memref<1x125xi32, #tpu.memory_space<vmem>>
    %dma_wait3A_90 = tpu.memref_squeeze %dma_wait3A_89 : memref<1x125xi32, #tpu.memory_space<vmem>> -> memref<125xi32, #tpu.memory_space<vmem>>
    %dma_wait3A_91 = arith.constant 0 : i32
    %dma_wait3A_92 = arith.constant 0 : i32
    %dma_wait3A_93 = tpu.memref_slice %arg17[%dma_wait3A_91, %dma_wait3A_92] : memref<10240x64xf32, #tpu.memory_space<vmem_shared>> -> memref<10240x64xf32, #tpu.memory_space<vmem_shared>>
    tpu.wait_indirect_dma semaphore(%arg27 : memref<!tpu.dma_semaphore, #tpu.memory_space<semaphore_mem>>) src(%arg12 : memref<125x64xf32, #tpu.memory_space<vmem>>) dst(%dma_wait3A_93 : memref<10240x64xf32, #tpu.memory_space<vmem_shared>>)
    %convert_element_type3A_94 = arith.extui %eq3A_54 : i1 to i32
    %cond3A_95 = arith.constant 0 : i32
    %cond3A_96 = arith.cmpi ne, %convert_element_type3A_94, %cond3A_95 : i32
    scf.if %cond3A_96 {
      %dma_wait3A_175 = arith.constant 3 : i32
      %dma_wait3A_176 = arith.constant 0 : i32
      %dma_wait3A_177 = tpu.memref_slice %arg8[%dma_wait3A_175, %dma_wait3A_176] : memref<80x125xi32, #tpu.memory_space<vmem>> -> memref<1x125xi32, #tpu.memory_space<vmem>>
      %dma_wait3A_178 = tpu.memref_squeeze %dma_wait3A_177 : memref<1x125xi32, #tpu.memory_space<vmem>> -> memref<125xi32, #tpu.memory_space<vmem>>
      %dma_wait3A_179 = arith.constant 0 : i32
      %dma_wait3A_180 = arith.constant 0 : i32
      %dma_wait3A_181 = tpu.memref_slice %arg18[%dma_wait3A_179, %dma_wait3A_180] : memref<10240x16xf32, #tpu.memory_space<vmem_shared>> -> memref<10240x16xf32, #tpu.memory_space<vmem_shared>>
      tpu.wait_indirect_dma semaphore(%arg27 : memref<!tpu.dma_semaphore, #tpu.memory_space<semaphore_mem>>) src(%arg15 : memref<125x16xf32, #tpu.memory_space<vmem>>) dst(%dma_wait3A_181 : memref<10240x16xf32, #tpu.memory_space<vmem_shared>>)
    } else {
    }
    %dma_wait3A_97 = arith.constant 4 : i32
    %dma_wait3A_98 = arith.constant 0 : i32
    %dma_wait3A_99 = tpu.memref_slice %arg8[%dma_wait3A_97, %dma_wait3A_98] : memref<80x125xi32, #tpu.memory_space<vmem>> -> memref<1x125xi32, #tpu.memory_space<vmem>>
    %dma_wait3A_100 = tpu.memref_squeeze %dma_wait3A_99 : memref<1x125xi32, #tpu.memory_space<vmem>> -> memref<125xi32, #tpu.memory_space<vmem>>
    %dma_wait3A_101 = arith.constant 0 : i32
    %dma_wait3A_102 = arith.constant 0 : i32
    %dma_wait3A_103 = tpu.memref_slice %arg17[%dma_wait3A_101, %dma_wait3A_102] : memref<10240x64xf32, #tpu.memory_space<vmem_shared>> -> memref<10240x64xf32, #tpu.memory_space<vmem_shared>>
    tpu.wait_indirect_dma semaphore(%arg28 : memref<!tpu.dma_semaphore, #tpu.memory_space<semaphore_mem>>) src(%arg13 : memref<125x64xf32, #tpu.memory_space<vmem>>) dst(%dma_wait3A_103 : memref<10240x64xf32, #tpu.memory_space<vmem_shared>>)
    %convert_element_type3A_104 = arith.extui %eq3A_54 : i1 to i32
    %cond3A_105 = arith.constant 0 : i32
    %cond3A_106 = arith.cmpi ne, %convert_element_type3A_104, %cond3A_105 : i32
    scf.if %cond3A_106 {
      %dma_wait3A_175 = arith.constant 4 : i32
      %dma_wait3A_176 = arith.constant 0 : i32
      %dma_wait3A_177 = tpu.memref_slice %arg8[%dma_wait3A_175, %dma_wait3A_176] : memref<80x125xi32, #tpu.memory_space<vmem>> -> memref<1x125xi32, #tpu.memory_space<vmem>>
      %dma_wait3A_178 = tpu.memref_squeeze %dma_wait3A_177 : memref<1x125xi32, #tpu.memory_space<vmem>> -> memref<125xi32, #tpu.memory_space<vmem>>
      %dma_wait3A_179 = arith.constant 0 : i32
      %dma_wait3A_180 = arith.constant 0 : i32
      %dma_wait3A_181 = tpu.memref_slice %arg18[%dma_wait3A_179, %dma_wait3A_180] : memref<10240x16xf32, #tpu.memory_space<vmem_shared>> -> memref<10240x16xf32, #tpu.memory_space<vmem_shared>>
      tpu.wait_indirect_dma semaphore(%arg28 : memref<!tpu.dma_semaphore, #tpu.memory_space<semaphore_mem>>) src(%arg15 : memref<125x16xf32, #tpu.memory_space<vmem>>) dst(%dma_wait3A_181 : memref<10240x16xf32, #tpu.memory_space<vmem_shared>>)
    } else {
    }
    "tpu.region"() ({
      %run_scoped3A = tpu.sem_alloc : memref<!tpu.dma_semaphore, #tpu.memory_space<semaphore_mem>>
      %dma_start3A = arith.constant 80 : i32
      %dma_start3A_175 = arith.constant 0 : i32
      %dma_start3A_176 = tpu.memref_slice %arg3[%arg0, %arg1, %dma_start3A, %dma_start3A_175] : memref<2x16x160x125xi32, #tpu.memory_space<hbm>> -> memref<1x1x80x125xi32, #tpu.memory_space<hbm>>
      %dma_start3A_177 = tpu.memref_squeeze %dma_start3A_176 : memref<1x1x80x125xi32, #tpu.memory_space<hbm>> -> memref<80x125xi32, #tpu.memory_space<hbm>>
      %dma_start3A_178 = arith.constant 80 : i32
      %dma_start3A_179 = arith.constant 0 : i32
      %dma_start3A_180 = tpu.memref_slice %arg3[%arg0, %arg1, %dma_start3A_178, %dma_start3A_179] : memref<2x16x160x125xi32, #tpu.memory_space<hbm>> -> memref<1x1x80x125xi32, #tpu.memory_space<hbm>>
      %dma_start3A_181 = tpu.memref_squeeze %dma_start3A_180 : memref<1x1x80x125xi32, #tpu.memory_space<hbm>> -> memref<80x125xi32, #tpu.memory_space<hbm>>
      tpu.enqueue_dma source(%dma_start3A_181 : memref<80x125xi32, #tpu.memory_space<hbm>>) target(%arg7 : memref<80x125xi32, #tpu.memory_space<vmem>>) target_semaphore(%run_scoped3A : memref<!tpu.dma_semaphore, #tpu.memory_space<semaphore_mem>>)
      %dma_wait3A_182 = arith.constant 80 : i32
      %dma_wait3A_183 = arith.constant 0 : i32
      %dma_wait3A_184 = tpu.memref_slice %arg3[%arg0, %arg1, %dma_wait3A_182, %dma_wait3A_183] : memref<2x16x160x125xi32, #tpu.memory_space<hbm>> -> memref<1x1x80x125xi32, #tpu.memory_space<hbm>>
      %dma_wait3A_185 = tpu.memref_squeeze %dma_wait3A_184 : memref<1x1x80x125xi32, #tpu.memory_space<hbm>> -> memref<80x125xi32, #tpu.memory_space<hbm>>
      %dma_wait3A_186 = arith.constant 80 : i32
      %dma_wait3A_187 = arith.constant 0 : i32
      %dma_wait3A_188 = tpu.memref_slice %arg3[%arg0, %arg1, %dma_wait3A_186, %dma_wait3A_187] : memref<2x16x160x125xi32, #tpu.memory_space<hbm>> -> memref<1x1x80x125xi32, #tpu.memory_space<hbm>>
      %dma_wait3A_189 = tpu.memref_squeeze %dma_wait3A_188 : memref<1x1x80x125xi32, #tpu.memory_space<hbm>> -> memref<80x125xi32, #tpu.memory_space<hbm>>
      tpu.wait_dma2 semaphore(%run_scoped3A : memref<!tpu.dma_semaphore, #tpu.memory_space<semaphore_mem>>) src(%dma_wait3A_189 : memref<80x125xi32, #tpu.memory_space<hbm>>) dst(%arg7 : memref<80x125xi32, #tpu.memory_space<vmem>>)
      tpu.yield
    }) : () -> ()
    "tpu.region"() ({
      %run_scoped3A = tpu.sem_alloc : memref<!tpu.dma_semaphore, #tpu.memory_space<semaphore_mem>>
      %dma_start3A = arith.constant 80 : i32
      %dma_start3A_175 = arith.constant 0 : i32
      %dma_start3A_176 = tpu.memref_slice %arg4[%arg1, %dma_start3A, %dma_start3A_175] : memref<16x160x125xi32, #tpu.memory_space<hbm>> -> memref<1x80x125xi32, #tpu.memory_space<hbm>>
      %dma_start3A_177 = tpu.memref_squeeze %dma_start3A_176 : memref<1x80x125xi32, #tpu.memory_space<hbm>> -> memref<80x125xi32, #tpu.memory_space<hbm>>
      %dma_start3A_178 = arith.constant 80 : i32
      %dma_start3A_179 = arith.constant 0 : i32
      %dma_start3A_180 = tpu.memref_slice %arg4[%arg1, %dma_start3A_178, %dma_start3A_179] : memref<16x160x125xi32, #tpu.memory_space<hbm>> -> memref<1x80x125xi32, #tpu.memory_space<hbm>>
      %dma_start3A_181 = tpu.memref_squeeze %dma_start3A_180 : memref<1x80x125xi32, #tpu.memory_space<hbm>> -> memref<80x125xi32, #tpu.memory_space<hbm>>
      tpu.enqueue_dma source(%dma_start3A_181 : memref<80x125xi32, #tpu.memory_space<hbm>>) target(%arg8 : memref<80x125xi32, #tpu.memory_space<vmem>>) target_semaphore(%run_scoped3A : memref<!tpu.dma_semaphore, #tpu.memory_space<semaphore_mem>>)
      %dma_wait3A_182 = arith.constant 80 : i32
      %dma_wait3A_183 = arith.constant 0 : i32
      %dma_wait3A_184 = tpu.memref_slice %arg4[%arg1, %dma_wait3A_182, %dma_wait3A_183] : memref<16x160x125xi32, #tpu.memory_space<hbm>> -> memref<1x80x125xi32, #tpu.memory_space<hbm>>
      %dma_wait3A_185 = tpu.memref_squeeze %dma_wait3A_184 : memref<1x80x125xi32, #tpu.memory_space<hbm>> -> memref<80x125xi32, #tpu.memory_space<hbm>>
      %dma_wait3A_186 = arith.constant 80 : i32
      %dma_wait3A_187 = arith.constant 0 : i32
      %dma_wait3A_188 = tpu.memref_slice %arg4[%arg1, %dma_wait3A_186, %dma_wait3A_187] : memref<16x160x125xi32, #tpu.memory_space<hbm>> -> memref<1x80x125xi32, #tpu.memory_space<hbm>>
      %dma_wait3A_189 = tpu.memref_squeeze %dma_wait3A_188 : memref<1x80x125xi32, #tpu.memory_space<hbm>> -> memref<80x125xi32, #tpu.memory_space<hbm>>
      tpu.wait_dma2 semaphore(%run_scoped3A : memref<!tpu.dma_semaphore, #tpu.memory_space<semaphore_mem>>) src(%dma_wait3A_189 : memref<80x125xi32, #tpu.memory_space<hbm>>) dst(%arg8 : memref<80x125xi32, #tpu.memory_space<vmem>>)
      tpu.yield
    }) : () -> ()
    %eq3A_107 = arith.constant 1 : i32
    %eq3A_108 = arith.cmpi eq, %arg0, %eq3A_107 : i32
    %scan3A_109 = arith.constant 0 : i32
    %scan3A_110 = arith.constant 16 : i32
    %scan3A_111 = arith.addi %scan3A_109, %scan3A_110 : i32
    %scan3A_112 = arith.constant 1 : i32
    scf.for %scan3A_175 = %scan3A_109 to %scan3A_111 step %scan3A_112  : i32 {
      %mul3A_176 = arith.constant 5 : i32
      %mul3A_177 = arith.muli %scan3A_175, %mul3A_176 : i32
      %add3A_178 = arith.constant 0 : i32
      %add3A_179 = arith.addi %add3A_178, %mul3A_177 : i32
      %gt3A = arith.constant 0 : i32
      %gt3A_180 = arith.cmpi sgt, %add3A_179, %gt3A : i32
      %convert_element_type3A_181 = arith.extui %gt3A_180 : i1 to i32
      %cond3A_182 = arith.constant 0 : i32
      %cond3A_183 = arith.cmpi ne, %convert_element_type3A_181, %cond3A_182 : i32
      scf.if %cond3A_183 {
        %dma_wait3A_328 = arith.constant 0 : i32
        %dma_wait3A_329 = arith.constant 0 : i32
        %dma_wait3A_330 = tpu.memref_slice %arg8[%dma_wait3A_328, %dma_wait3A_329] : memref<80x125xi32, #tpu.memory_space<vmem>> -> memref<1x125xi32, #tpu.memory_space<vmem>>
        %dma_wait3A_331 = tpu.memref_squeeze %dma_wait3A_330 : memref<1x125xi32, #tpu.memory_space<vmem>> -> memref<125xi32, #tpu.memory_space<vmem>>
        %dma_wait3A_332 = arith.constant 0 : i32
        %dma_wait3A_333 = arith.constant 0 : i32
        %dma_wait3A_334 = tpu.memref_slice %arg17[%dma_wait3A_332, %dma_wait3A_333] : memref<10240x64xf32, #tpu.memory_space<vmem_shared>> -> memref<10240x64xf32, #tpu.memory_space<vmem_shared>>
        tpu.wait_indirect_dma semaphore(%arg24 : memref<!tpu.dma_semaphore, #tpu.memory_space<semaphore_mem>>) src(%arg9 : memref<125x64xf32, #tpu.memory_space<vmem>>) dst(%dma_wait3A_334 : memref<10240x64xf32, #tpu.memory_space<vmem_shared>>)
        %convert_element_type3A_335 = arith.extui %eq3A_108 : i1 to i32
        %cond3A_336 = arith.constant 0 : i32
        %cond3A_337 = arith.cmpi ne, %convert_element_type3A_335, %cond3A_336 : i32
        scf.if %cond3A_337 {
          %dma_wait3A_338 = arith.constant 0 : i32
          %dma_wait3A_339 = arith.constant 0 : i32
          %dma_wait3A_340 = tpu.memref_slice %arg8[%dma_wait3A_338, %dma_wait3A_339] : memref<80x125xi32, #tpu.memory_space<vmem>> -> memref<1x125xi32, #tpu.memory_space<vmem>>
          %dma_wait3A_341 = tpu.memref_squeeze %dma_wait3A_340 : memref<1x125xi32, #tpu.memory_space<vmem>> -> memref<125xi32, #tpu.memory_space<vmem>>
          %dma_wait3A_342 = arith.constant 0 : i32
          %dma_wait3A_343 = arith.constant 0 : i32
          %dma_wait3A_344 = tpu.memref_slice %arg18[%dma_wait3A_342, %dma_wait3A_343] : memref<10240x16xf32, #tpu.memory_space<vmem_shared>> -> memref<10240x16xf32, #tpu.memory_space<vmem_shared>>
          tpu.wait_indirect_dma semaphore(%arg24 : memref<!tpu.dma_semaphore, #tpu.memory_space<semaphore_mem>>) src(%arg15 : memref<125x16xf32, #tpu.memory_space<vmem>>) dst(%dma_wait3A_344 : memref<10240x16xf32, #tpu.memory_space<vmem_shared>>)
        } else {
        }
      } else {
      }
      %add3A_184 = arith.constant 0 : i32
      %add3A_185 = arith.addi %add3A_179, %add3A_184 : i32
      %dma_start3A = arith.constant 0 : i32
      %dma_start3A_186 = tpu.memref_slice %arg7[%add3A_185, %dma_start3A] : memref<80x125xi32, #tpu.memory_space<vmem>> -> memref<1x125xi32, #tpu.memory_space<vmem>>
      %dma_start3A_187 = tpu.memref_squeeze %dma_start3A_186 : memref<1x125xi32, #tpu.memory_space<vmem>> -> memref<125xi32, #tpu.memory_space<vmem>>
      %dma_start3A_188 = arith.constant 0 : i32
      %dma_start3A_189 = arith.constant 0 : i32
      %dma_start3A_190 = tpu.memref_slice %arg2[%dma_start3A_188, %dma_start3A_189] : memref<20000x64xf32, #tpu.memory_space<hbm>> -> memref<20000x64xf32, #tpu.memory_space<hbm>>
      tpu.enqueue_indirect_dma source(%dma_start3A_190 : memref<20000x64xf32, #tpu.memory_space<hbm>>) target(%arg9 : memref<125x64xf32, #tpu.memory_space<vmem>>) offsets(%dma_start3A_187 : memref<125xi32, #tpu.memory_space<vmem>>) semaphore(%arg19 : memref<!tpu.dma_semaphore, #tpu.memory_space<semaphore_mem>>)
      %gt3A_191 = arith.constant 0 : i32
      %gt3A_192 = arith.cmpi sgt, %add3A_179, %gt3A_191 : i32
      %convert_element_type3A_193 = arith.extui %gt3A_192 : i1 to i32
      %cond3A_194 = arith.constant 0 : i32
      %cond3A_195 = arith.cmpi ne, %convert_element_type3A_193, %cond3A_194 : i32
      scf.if %cond3A_195 {
        %dma_wait3A_328 = arith.constant 1 : i32
        %dma_wait3A_329 = arith.constant 0 : i32
        %dma_wait3A_330 = tpu.memref_slice %arg8[%dma_wait3A_328, %dma_wait3A_329] : memref<80x125xi32, #tpu.memory_space<vmem>> -> memref<1x125xi32, #tpu.memory_space<vmem>>
        %dma_wait3A_331 = tpu.memref_squeeze %dma_wait3A_330 : memref<1x125xi32, #tpu.memory_space<vmem>> -> memref<125xi32, #tpu.memory_space<vmem>>
        %dma_wait3A_332 = arith.constant 0 : i32
        %dma_wait3A_333 = arith.constant 0 : i32
        %dma_wait3A_334 = tpu.memref_slice %arg17[%dma_wait3A_332, %dma_wait3A_333] : memref<10240x64xf32, #tpu.memory_space<vmem_shared>> -> memref<10240x64xf32, #tpu.memory_space<vmem_shared>>
        tpu.wait_indirect_dma semaphore(%arg25 : memref<!tpu.dma_semaphore, #tpu.memory_space<semaphore_mem>>) src(%arg10 : memref<125x64xf32, #tpu.memory_space<vmem>>) dst(%dma_wait3A_334 : memref<10240x64xf32, #tpu.memory_space<vmem_shared>>)
        %convert_element_type3A_335 = arith.extui %eq3A_108 : i1 to i32
        %cond3A_336 = arith.constant 0 : i32
        %cond3A_337 = arith.cmpi ne, %convert_element_type3A_335, %cond3A_336 : i32
        scf.if %cond3A_337 {
          %dma_wait3A_338 = arith.constant 1 : i32
          %dma_wait3A_339 = arith.constant 0 : i32
          %dma_wait3A_340 = tpu.memref_slice %arg8[%dma_wait3A_338, %dma_wait3A_339] : memref<80x125xi32, #tpu.memory_space<vmem>> -> memref<1x125xi32, #tpu.memory_space<vmem>>
          %dma_wait3A_341 = tpu.memref_squeeze %dma_wait3A_340 : memref<1x125xi32, #tpu.memory_space<vmem>> -> memref<125xi32, #tpu.memory_space<vmem>>
          %dma_wait3A_342 = arith.constant 0 : i32
          %dma_wait3A_343 = arith.constant 0 : i32
          %dma_wait3A_344 = tpu.memref_slice %arg18[%dma_wait3A_342, %dma_wait3A_343] : memref<10240x16xf32, #tpu.memory_space<vmem_shared>> -> memref<10240x16xf32, #tpu.memory_space<vmem_shared>>
          tpu.wait_indirect_dma semaphore(%arg25 : memref<!tpu.dma_semaphore, #tpu.memory_space<semaphore_mem>>) src(%arg15 : memref<125x16xf32, #tpu.memory_space<vmem>>) dst(%dma_wait3A_344 : memref<10240x16xf32, #tpu.memory_space<vmem_shared>>)
        } else {
        }
      } else {
      }
      %add3A_196 = arith.constant 1 : i32
      %add3A_197 = arith.addi %add3A_179, %add3A_196 : i32
      %dma_start3A_198 = arith.constant 0 : i32
      %dma_start3A_199 = tpu.memref_slice %arg7[%add3A_197, %dma_start3A_198] : memref<80x125xi32, #tpu.memory_space<vmem>> -> memref<1x125xi32, #tpu.memory_space<vmem>>
      %dma_start3A_200 = tpu.memref_squeeze %dma_start3A_199 : memref<1x125xi32, #tpu.memory_space<vmem>> -> memref<125xi32, #tpu.memory_space<vmem>>
      %dma_start3A_201 = arith.constant 0 : i32
      %dma_start3A_202 = arith.constant 0 : i32
      %dma_start3A_203 = tpu.memref_slice %arg2[%dma_start3A_201, %dma_start3A_202] : memref<20000x64xf32, #tpu.memory_space<hbm>> -> memref<20000x64xf32, #tpu.memory_space<hbm>>
      tpu.enqueue_indirect_dma source(%dma_start3A_203 : memref<20000x64xf32, #tpu.memory_space<hbm>>) target(%arg10 : memref<125x64xf32, #tpu.memory_space<vmem>>) offsets(%dma_start3A_200 : memref<125xi32, #tpu.memory_space<vmem>>) semaphore(%arg20 : memref<!tpu.dma_semaphore, #tpu.memory_space<semaphore_mem>>)
      %gt3A_204 = arith.constant 0 : i32
      %gt3A_205 = arith.cmpi sgt, %add3A_179, %gt3A_204 : i32
      %convert_element_type3A_206 = arith.extui %gt3A_205 : i1 to i32
      %cond3A_207 = arith.constant 0 : i32
      %cond3A_208 = arith.cmpi ne, %convert_element_type3A_206, %cond3A_207 : i32
      scf.if %cond3A_208 {
        %dma_wait3A_328 = arith.constant 2 : i32
        %dma_wait3A_329 = arith.constant 0 : i32
        %dma_wait3A_330 = tpu.memref_slice %arg8[%dma_wait3A_328, %dma_wait3A_329] : memref<80x125xi32, #tpu.memory_space<vmem>> -> memref<1x125xi32, #tpu.memory_space<vmem>>
        %dma_wait3A_331 = tpu.memref_squeeze %dma_wait3A_330 : memref<1x125xi32, #tpu.memory_space<vmem>> -> memref<125xi32, #tpu.memory_space<vmem>>
        %dma_wait3A_332 = arith.constant 0 : i32
        %dma_wait3A_333 = arith.constant 0 : i32
        %dma_wait3A_334 = tpu.memref_slice %arg17[%dma_wait3A_332, %dma_wait3A_333] : memref<10240x64xf32, #tpu.memory_space<vmem_shared>> -> memref<10240x64xf32, #tpu.memory_space<vmem_shared>>
        tpu.wait_indirect_dma semaphore(%arg26 : memref<!tpu.dma_semaphore, #tpu.memory_space<semaphore_mem>>) src(%arg11 : memref<125x64xf32, #tpu.memory_space<vmem>>) dst(%dma_wait3A_334 : memref<10240x64xf32, #tpu.memory_space<vmem_shared>>)
        %convert_element_type3A_335 = arith.extui %eq3A_108 : i1 to i32
        %cond3A_336 = arith.constant 0 : i32
        %cond3A_337 = arith.cmpi ne, %convert_element_type3A_335, %cond3A_336 : i32
        scf.if %cond3A_337 {
          %dma_wait3A_338 = arith.constant 2 : i32
          %dma_wait3A_339 = arith.constant 0 : i32
          %dma_wait3A_340 = tpu.memref_slice %arg8[%dma_wait3A_338, %dma_wait3A_339] : memref<80x125xi32, #tpu.memory_space<vmem>> -> memref<1x125xi32, #tpu.memory_space<vmem>>
          %dma_wait3A_341 = tpu.memref_squeeze %dma_wait3A_340 : memref<1x125xi32, #tpu.memory_space<vmem>> -> memref<125xi32, #tpu.memory_space<vmem>>
          %dma_wait3A_342 = arith.constant 0 : i32
          %dma_wait3A_343 = arith.constant 0 : i32
          %dma_wait3A_344 = tpu.memref_slice %arg18[%dma_wait3A_342, %dma_wait3A_343] : memref<10240x16xf32, #tpu.memory_space<vmem_shared>> -> memref<10240x16xf32, #tpu.memory_space<vmem_shared>>
          tpu.wait_indirect_dma semaphore(%arg26 : memref<!tpu.dma_semaphore, #tpu.memory_space<semaphore_mem>>) src(%arg15 : memref<125x16xf32, #tpu.memory_space<vmem>>) dst(%dma_wait3A_344 : memref<10240x16xf32, #tpu.memory_space<vmem_shared>>)
        } else {
        }
      } else {
      }
      %add3A_209 = arith.constant 2 : i32
      %add3A_210 = arith.addi %add3A_179, %add3A_209 : i32
      %dma_start3A_211 = arith.constant 0 : i32
      %dma_start3A_212 = tpu.memref_slice %arg7[%add3A_210, %dma_start3A_211] : memref<80x125xi32, #tpu.memory_space<vmem>> -> memref<1x125xi32, #tpu.memory_space<vmem>>
      %dma_start3A_213 = tpu.memref_squeeze %dma_start3A_212 : memref<1x125xi32, #tpu.memory_space<vmem>> -> memref<125xi32, #tpu.memory_space<vmem>>
      %dma_start3A_214 = arith.constant 0 : i32
      %dma_start3A_215 = arith.constant 0 : i32
      %dma_start3A_216 = tpu.memref_slice %arg2[%dma_start3A_214, %dma_start3A_215] : memref<20000x64xf32, #tpu.memory_space<hbm>> -> memref<20000x64xf32, #tpu.memory_space<hbm>>
      tpu.enqueue_indirect_dma source(%dma_start3A_216 : memref<20000x64xf32, #tpu.memory_space<hbm>>) target(%arg11 : memref<125x64xf32, #tpu.memory_space<vmem>>) offsets(%dma_start3A_213 : memref<125xi32, #tpu.memory_space<vmem>>) semaphore(%arg21 : memref<!tpu.dma_semaphore, #tpu.memory_space<semaphore_mem>>)
      %gt3A_217 = arith.constant 0 : i32
      %gt3A_218 = arith.cmpi sgt, %add3A_179, %gt3A_217 : i32
      %convert_element_type3A_219 = arith.extui %gt3A_218 : i1 to i32
      %cond3A_220 = arith.constant 0 : i32
      %cond3A_221 = arith.cmpi ne, %convert_element_type3A_219, %cond3A_220 : i32
      scf.if %cond3A_221 {
        %dma_wait3A_328 = arith.constant 3 : i32
        %dma_wait3A_329 = arith.constant 0 : i32
        %dma_wait3A_330 = tpu.memref_slice %arg8[%dma_wait3A_328, %dma_wait3A_329] : memref<80x125xi32, #tpu.memory_space<vmem>> -> memref<1x125xi32, #tpu.memory_space<vmem>>
        %dma_wait3A_331 = tpu.memref_squeeze %dma_wait3A_330 : memref<1x125xi32, #tpu.memory_space<vmem>> -> memref<125xi32, #tpu.memory_space<vmem>>
        %dma_wait3A_332 = arith.constant 0 : i32
        %dma_wait3A_333 = arith.constant 0 : i32
        %dma_wait3A_334 = tpu.memref_slice %arg17[%dma_wait3A_332, %dma_wait3A_333] : memref<10240x64xf32, #tpu.memory_space<vmem_shared>> -> memref<10240x64xf32, #tpu.memory_space<vmem_shared>>
        tpu.wait_indirect_dma semaphore(%arg27 : memref<!tpu.dma_semaphore, #tpu.memory_space<semaphore_mem>>) src(%arg12 : memref<125x64xf32, #tpu.memory_space<vmem>>) dst(%dma_wait3A_334 : memref<10240x64xf32, #tpu.memory_space<vmem_shared>>)
        %convert_element_type3A_335 = arith.extui %eq3A_108 : i1 to i32
        %cond3A_336 = arith.constant 0 : i32
        %cond3A_337 = arith.cmpi ne, %convert_element_type3A_335, %cond3A_336 : i32
        scf.if %cond3A_337 {
          %dma_wait3A_338 = arith.constant 3 : i32
          %dma_wait3A_339 = arith.constant 0 : i32
          %dma_wait3A_340 = tpu.memref_slice %arg8[%dma_wait3A_338, %dma_wait3A_339] : memref<80x125xi32, #tpu.memory_space<vmem>> -> memref<1x125xi32, #tpu.memory_space<vmem>>
          %dma_wait3A_341 = tpu.memref_squeeze %dma_wait3A_340 : memref<1x125xi32, #tpu.memory_space<vmem>> -> memref<125xi32, #tpu.memory_space<vmem>>
          %dma_wait3A_342 = arith.constant 0 : i32
          %dma_wait3A_343 = arith.constant 0 : i32
          %dma_wait3A_344 = tpu.memref_slice %arg18[%dma_wait3A_342, %dma_wait3A_343] : memref<10240x16xf32, #tpu.memory_space<vmem_shared>> -> memref<10240x16xf32, #tpu.memory_space<vmem_shared>>
          tpu.wait_indirect_dma semaphore(%arg27 : memref<!tpu.dma_semaphore, #tpu.memory_space<semaphore_mem>>) src(%arg15 : memref<125x16xf32, #tpu.memory_space<vmem>>) dst(%dma_wait3A_344 : memref<10240x16xf32, #tpu.memory_space<vmem_shared>>)
        } else {
        }
      } else {
      }
      %add3A_222 = arith.constant 3 : i32
      %add3A_223 = arith.addi %add3A_179, %add3A_222 : i32
      %dma_start3A_224 = arith.constant 0 : i32
      %dma_start3A_225 = tpu.memref_slice %arg7[%add3A_223, %dma_start3A_224] : memref<80x125xi32, #tpu.memory_space<vmem>> -> memref<1x125xi32, #tpu.memory_space<vmem>>
      %dma_start3A_226 = tpu.memref_squeeze %dma_start3A_225 : memref<1x125xi32, #tpu.memory_space<vmem>> -> memref<125xi32, #tpu.memory_space<vmem>>
      %dma_start3A_227 = arith.constant 0 : i32
      %dma_start3A_228 = arith.constant 0 : i32
      %dma_start3A_229 = tpu.memref_slice %arg2[%dma_start3A_227, %dma_start3A_228] : memref<20000x64xf32, #tpu.memory_space<hbm>> -> memref<20000x64xf32, #tpu.memory_space<hbm>>
      tpu.enqueue_indirect_dma source(%dma_start3A_229 : memref<20000x64xf32, #tpu.memory_space<hbm>>) target(%arg12 : memref<125x64xf32, #tpu.memory_space<vmem>>) offsets(%dma_start3A_226 : memref<125xi32, #tpu.memory_space<vmem>>) semaphore(%arg22 : memref<!tpu.dma_semaphore, #tpu.memory_space<semaphore_mem>>)
      %gt3A_230 = arith.constant 0 : i32
      %gt3A_231 = arith.cmpi sgt, %add3A_179, %gt3A_230 : i32
      %convert_element_type3A_232 = arith.extui %gt3A_231 : i1 to i32
      %cond3A_233 = arith.constant 0 : i32
      %cond3A_234 = arith.cmpi ne, %convert_element_type3A_232, %cond3A_233 : i32
      scf.if %cond3A_234 {
        %dma_wait3A_328 = arith.constant 4 : i32
        %dma_wait3A_329 = arith.constant 0 : i32
        %dma_wait3A_330 = tpu.memref_slice %arg8[%dma_wait3A_328, %dma_wait3A_329] : memref<80x125xi32, #tpu.memory_space<vmem>> -> memref<1x125xi32, #tpu.memory_space<vmem>>
        %dma_wait3A_331 = tpu.memref_squeeze %dma_wait3A_330 : memref<1x125xi32, #tpu.memory_space<vmem>> -> memref<125xi32, #tpu.memory_space<vmem>>
        %dma_wait3A_332 = arith.constant 0 : i32
        %dma_wait3A_333 = arith.constant 0 : i32
        %dma_wait3A_334 = tpu.memref_slice %arg17[%dma_wait3A_332, %dma_wait3A_333] : memref<10240x64xf32, #tpu.memory_space<vmem_shared>> -> memref<10240x64xf32, #tpu.memory_space<vmem_shared>>
        tpu.wait_indirect_dma semaphore(%arg28 : memref<!tpu.dma_semaphore, #tpu.memory_space<semaphore_mem>>) src(%arg13 : memref<125x64xf32, #tpu.memory_space<vmem>>) dst(%dma_wait3A_334 : memref<10240x64xf32, #tpu.memory_space<vmem_shared>>)
        %convert_element_type3A_335 = arith.extui %eq3A_108 : i1 to i32
        %cond3A_336 = arith.constant 0 : i32
        %cond3A_337 = arith.cmpi ne, %convert_element_type3A_335, %cond3A_336 : i32
        scf.if %cond3A_337 {
          %dma_wait3A_338 = arith.constant 4 : i32
          %dma_wait3A_339 = arith.constant 0 : i32
          %dma_wait3A_340 = tpu.memref_slice %arg8[%dma_wait3A_338, %dma_wait3A_339] : memref<80x125xi32, #tpu.memory_space<vmem>> -> memref<1x125xi32, #tpu.memory_space<vmem>>
          %dma_wait3A_341 = tpu.memref_squeeze %dma_wait3A_340 : memref<1x125xi32, #tpu.memory_space<vmem>> -> memref<125xi32, #tpu.memory_space<vmem>>
          %dma_wait3A_342 = arith.constant 0 : i32
          %dma_wait3A_343 = arith.constant 0 : i32
          %dma_wait3A_344 = tpu.memref_slice %arg18[%dma_wait3A_342, %dma_wait3A_343] : memref<10240x16xf32, #tpu.memory_space<vmem_shared>> -> memref<10240x16xf32, #tpu.memory_space<vmem_shared>>
          tpu.wait_indirect_dma semaphore(%arg28 : memref<!tpu.dma_semaphore, #tpu.memory_space<semaphore_mem>>) src(%arg15 : memref<125x16xf32, #tpu.memory_space<vmem>>) dst(%dma_wait3A_344 : memref<10240x16xf32, #tpu.memory_space<vmem_shared>>)
        } else {
        }
      } else {
      }
      %add3A_235 = arith.constant 4 : i32
      %add3A_236 = arith.addi %add3A_179, %add3A_235 : i32
      %dma_start3A_237 = arith.constant 0 : i32
      %dma_start3A_238 = tpu.memref_slice %arg7[%add3A_236, %dma_start3A_237] : memref<80x125xi32, #tpu.memory_space<vmem>> -> memref<1x125xi32, #tpu.memory_space<vmem>>
      %dma_start3A_239 = tpu.memref_squeeze %dma_start3A_238 : memref<1x125xi32, #tpu.memory_space<vmem>> -> memref<125xi32, #tpu.memory_space<vmem>>
      %dma_start3A_240 = arith.constant 0 : i32
      %dma_start3A_241 = arith.constant 0 : i32
      %dma_start3A_242 = tpu.memref_slice %arg2[%dma_start3A_240, %dma_start3A_241] : memref<20000x64xf32, #tpu.memory_space<hbm>> -> memref<20000x64xf32, #tpu.memory_space<hbm>>
      tpu.enqueue_indirect_dma source(%dma_start3A_242 : memref<20000x64xf32, #tpu.memory_space<hbm>>) target(%arg13 : memref<125x64xf32, #tpu.memory_space<vmem>>) offsets(%dma_start3A_239 : memref<125xi32, #tpu.memory_space<vmem>>) semaphore(%arg23 : memref<!tpu.dma_semaphore, #tpu.memory_space<semaphore_mem>>)
      %dma_wait3A_243 = arith.constant 0 : i32
      %dma_wait3A_244 = tpu.memref_slice %arg7[%add3A_185, %dma_wait3A_243] : memref<80x125xi32, #tpu.memory_space<vmem>> -> memref<1x125xi32, #tpu.memory_space<vmem>>
      %dma_wait3A_245 = tpu.memref_squeeze %dma_wait3A_244 : memref<1x125xi32, #tpu.memory_space<vmem>> -> memref<125xi32, #tpu.memory_space<vmem>>
      %dma_wait3A_246 = arith.constant 0 : i32
      %dma_wait3A_247 = arith.constant 0 : i32
      %dma_wait3A_248 = tpu.memref_slice %arg2[%dma_wait3A_246, %dma_wait3A_247] : memref<20000x64xf32, #tpu.memory_space<hbm>> -> memref<20000x64xf32, #tpu.memory_space<hbm>>
      tpu.wait_indirect_dma semaphore(%arg19 : memref<!tpu.dma_semaphore, #tpu.memory_space<semaphore_mem>>) src(%dma_wait3A_248 : memref<20000x64xf32, #tpu.memory_space<hbm>>) dst(%arg9 : memref<125x64xf32, #tpu.memory_space<vmem>>)
      %add3A_249 = arith.constant 0 : i32
      %add3A_250 = arith.addi %add3A_179, %add3A_249 : i32
      %dma_start3A_251 = arith.constant 0 : i32
      %dma_start3A_252 = tpu.memref_slice %arg8[%add3A_250, %dma_start3A_251] : memref<80x125xi32, #tpu.memory_space<vmem>> -> memref<1x125xi32, #tpu.memory_space<vmem>>
      %dma_start3A_253 = tpu.memref_squeeze %dma_start3A_252 : memref<1x125xi32, #tpu.memory_space<vmem>> -> memref<125xi32, #tpu.memory_space<vmem>>
      %dma_start3A_254 = arith.constant 0 : i32
      %dma_start3A_255 = arith.constant 0 : i32
      %dma_start3A_256 = tpu.memref_slice %arg17[%dma_start3A_254, %dma_start3A_255] : memref<10240x64xf32, #tpu.memory_space<vmem_shared>> -> memref<10240x64xf32, #tpu.memory_space<vmem_shared>>
      tpu.enqueue_indirect_dma source(%arg9 : memref<125x64xf32, #tpu.memory_space<vmem>>) target(%dma_start3A_256 : memref<10240x64xf32, #tpu.memory_space<vmem_shared>>) offsets(%dma_start3A_253 : memref<125xi32, #tpu.memory_space<vmem>>) semaphore(%arg24 : memref<!tpu.dma_semaphore, #tpu.memory_space<semaphore_mem>>) {add = true}
      %convert_element_type3A_257 = arith.extui %eq3A_108 : i1 to i32
      %cond3A_258 = arith.constant 0 : i32
      %cond3A_259 = arith.cmpi ne, %convert_element_type3A_257, %cond3A_258 : i32
      scf.if %cond3A_259 {
        %add3A_328 = arith.constant 0 : i32
        %add3A_329 = arith.addi %add3A_179, %add3A_328 : i32
        %dma_start3A_330 = arith.constant 0 : i32
        %dma_start3A_331 = tpu.memref_slice %arg8[%add3A_329, %dma_start3A_330] : memref<80x125xi32, #tpu.memory_space<vmem>> -> memref<1x125xi32, #tpu.memory_space<vmem>>
        %dma_start3A_332 = tpu.memref_squeeze %dma_start3A_331 : memref<1x125xi32, #tpu.memory_space<vmem>> -> memref<125xi32, #tpu.memory_space<vmem>>
        %dma_start3A_333 = arith.constant 0 : i32
        %dma_start3A_334 = arith.constant 0 : i32
        %dma_start3A_335 = tpu.memref_slice %arg18[%dma_start3A_333, %dma_start3A_334] : memref<10240x16xf32, #tpu.memory_space<vmem_shared>> -> memref<10240x16xf32, #tpu.memory_space<vmem_shared>>
        tpu.enqueue_indirect_dma source(%arg15 : memref<125x16xf32, #tpu.memory_space<vmem>>) target(%dma_start3A_335 : memref<10240x16xf32, #tpu.memory_space<vmem_shared>>) offsets(%dma_start3A_332 : memref<125xi32, #tpu.memory_space<vmem>>) semaphore(%arg24 : memref<!tpu.dma_semaphore, #tpu.memory_space<semaphore_mem>>) {add = true}
      } else {
      }
      %dma_wait3A_260 = arith.constant 0 : i32
      %dma_wait3A_261 = tpu.memref_slice %arg7[%add3A_197, %dma_wait3A_260] : memref<80x125xi32, #tpu.memory_space<vmem>> -> memref<1x125xi32, #tpu.memory_space<vmem>>
      %dma_wait3A_262 = tpu.memref_squeeze %dma_wait3A_261 : memref<1x125xi32, #tpu.memory_space<vmem>> -> memref<125xi32, #tpu.memory_space<vmem>>
      %dma_wait3A_263 = arith.constant 0 : i32
      %dma_wait3A_264 = arith.constant 0 : i32
      %dma_wait3A_265 = tpu.memref_slice %arg2[%dma_wait3A_263, %dma_wait3A_264] : memref<20000x64xf32, #tpu.memory_space<hbm>> -> memref<20000x64xf32, #tpu.memory_space<hbm>>
      tpu.wait_indirect_dma semaphore(%arg20 : memref<!tpu.dma_semaphore, #tpu.memory_space<semaphore_mem>>) src(%dma_wait3A_265 : memref<20000x64xf32, #tpu.memory_space<hbm>>) dst(%arg10 : memref<125x64xf32, #tpu.memory_space<vmem>>)
      %add3A_266 = arith.constant 1 : i32
      %add3A_267 = arith.addi %add3A_179, %add3A_266 : i32
      %dma_start3A_268 = arith.constant 0 : i32
      %dma_start3A_269 = tpu.memref_slice %arg8[%add3A_267, %dma_start3A_268] : memref<80x125xi32, #tpu.memory_space<vmem>> -> memref<1x125xi32, #tpu.memory_space<vmem>>
      %dma_start3A_270 = tpu.memref_squeeze %dma_start3A_269 : memref<1x125xi32, #tpu.memory_space<vmem>> -> memref<125xi32, #tpu.memory_space<vmem>>
      %dma_start3A_271 = arith.constant 0 : i32
      %dma_start3A_272 = arith.constant 0 : i32
      %dma_start3A_273 = tpu.memref_slice %arg17[%dma_start3A_271, %dma_start3A_272] : memref<10240x64xf32, #tpu.memory_space<vmem_shared>> -> memref<10240x64xf32, #tpu.memory_space<vmem_shared>>
      tpu.enqueue_indirect_dma source(%arg10 : memref<125x64xf32, #tpu.memory_space<vmem>>) target(%dma_start3A_273 : memref<10240x64xf32, #tpu.memory_space<vmem_shared>>) offsets(%dma_start3A_270 : memref<125xi32, #tpu.memory_space<vmem>>) semaphore(%arg25 : memref<!tpu.dma_semaphore, #tpu.memory_space<semaphore_mem>>) {add = true}
      %convert_element_type3A_274 = arith.extui %eq3A_108 : i1 to i32
      %cond3A_275 = arith.constant 0 : i32
      %cond3A_276 = arith.cmpi ne, %convert_element_type3A_274, %cond3A_275 : i32
      scf.if %cond3A_276 {
        %add3A_328 = arith.constant 1 : i32
        %add3A_329 = arith.addi %add3A_179, %add3A_328 : i32
        %dma_start3A_330 = arith.constant 0 : i32
        %dma_start3A_331 = tpu.memref_slice %arg8[%add3A_329, %dma_start3A_330] : memref<80x125xi32, #tpu.memory_space<vmem>> -> memref<1x125xi32, #tpu.memory_space<vmem>>
        %dma_start3A_332 = tpu.memref_squeeze %dma_start3A_331 : memref<1x125xi32, #tpu.memory_space<vmem>> -> memref<125xi32, #tpu.memory_space<vmem>>
        %dma_start3A_333 = arith.constant 0 : i32
        %dma_start3A_334 = arith.constant 0 : i32
        %dma_start3A_335 = tpu.memref_slice %arg18[%dma_start3A_333, %dma_start3A_334] : memref<10240x16xf32, #tpu.memory_space<vmem_shared>> -> memref<10240x16xf32, #tpu.memory_space<vmem_shared>>
        tpu.enqueue_indirect_dma source(%arg15 : memref<125x16xf32, #tpu.memory_space<vmem>>) target(%dma_start3A_335 : memref<10240x16xf32, #tpu.memory_space<vmem_shared>>) offsets(%dma_start3A_332 : memref<125xi32, #tpu.memory_space<vmem>>) semaphore(%arg25 : memref<!tpu.dma_semaphore, #tpu.memory_space<semaphore_mem>>) {add = true}
      } else {
      }
      %dma_wait3A_277 = arith.constant 0 : i32
      %dma_wait3A_278 = tpu.memref_slice %arg7[%add3A_210, %dma_wait3A_277] : memref<80x125xi32, #tpu.memory_space<vmem>> -> memref<1x125xi32, #tpu.memory_space<vmem>>
      %dma_wait3A_279 = tpu.memref_squeeze %dma_wait3A_278 : memref<1x125xi32, #tpu.memory_space<vmem>> -> memref<125xi32, #tpu.memory_space<vmem>>
      %dma_wait3A_280 = arith.constant 0 : i32
      %dma_wait3A_281 = arith.constant 0 : i32
      %dma_wait3A_282 = tpu.memref_slice %arg2[%dma_wait3A_280, %dma_wait3A_281] : memref<20000x64xf32, #tpu.memory_space<hbm>> -> memref<20000x64xf32, #tpu.memory_space<hbm>>
      tpu.wait_indirect_dma semaphore(%arg21 : memref<!tpu.dma_semaphore, #tpu.memory_space<semaphore_mem>>) src(%dma_wait3A_282 : memref<20000x64xf32, #tpu.memory_space<hbm>>) dst(%arg11 : memref<125x64xf32, #tpu.memory_space<vmem>>)
      %add3A_283 = arith.constant 2 : i32
      %add3A_284 = arith.addi %add3A_179, %add3A_283 : i32
      %dma_start3A_285 = arith.constant 0 : i32
      %dma_start3A_286 = tpu.memref_slice %arg8[%add3A_284, %dma_start3A_285] : memref<80x125xi32, #tpu.memory_space<vmem>> -> memref<1x125xi32, #tpu.memory_space<vmem>>
      %dma_start3A_287 = tpu.memref_squeeze %dma_start3A_286 : memref<1x125xi32, #tpu.memory_space<vmem>> -> memref<125xi32, #tpu.memory_space<vmem>>
      %dma_start3A_288 = arith.constant 0 : i32
      %dma_start3A_289 = arith.constant 0 : i32
      %dma_start3A_290 = tpu.memref_slice %arg17[%dma_start3A_288, %dma_start3A_289] : memref<10240x64xf32, #tpu.memory_space<vmem_shared>> -> memref<10240x64xf32, #tpu.memory_space<vmem_shared>>
      tpu.enqueue_indirect_dma source(%arg11 : memref<125x64xf32, #tpu.memory_space<vmem>>) target(%dma_start3A_290 : memref<10240x64xf32, #tpu.memory_space<vmem_shared>>) offsets(%dma_start3A_287 : memref<125xi32, #tpu.memory_space<vmem>>) semaphore(%arg26 : memref<!tpu.dma_semaphore, #tpu.memory_space<semaphore_mem>>) {add = true}
      %convert_element_type3A_291 = arith.extui %eq3A_108 : i1 to i32
      %cond3A_292 = arith.constant 0 : i32
      %cond3A_293 = arith.cmpi ne, %convert_element_type3A_291, %cond3A_292 : i32
      scf.if %cond3A_293 {
        %add3A_328 = arith.constant 2 : i32
        %add3A_329 = arith.addi %add3A_179, %add3A_328 : i32
        %dma_start3A_330 = arith.constant 0 : i32
        %dma_start3A_331 = tpu.memref_slice %arg8[%add3A_329, %dma_start3A_330] : memref<80x125xi32, #tpu.memory_space<vmem>> -> memref<1x125xi32, #tpu.memory_space<vmem>>
        %dma_start3A_332 = tpu.memref_squeeze %dma_start3A_331 : memref<1x125xi32, #tpu.memory_space<vmem>> -> memref<125xi32, #tpu.memory_space<vmem>>
        %dma_start3A_333 = arith.constant 0 : i32
        %dma_start3A_334 = arith.constant 0 : i32
        %dma_start3A_335 = tpu.memref_slice %arg18[%dma_start3A_333, %dma_start3A_334] : memref<10240x16xf32, #tpu.memory_space<vmem_shared>> -> memref<10240x16xf32, #tpu.memory_space<vmem_shared>>
        tpu.enqueue_indirect_dma source(%arg15 : memref<125x16xf32, #tpu.memory_space<vmem>>) target(%dma_start3A_335 : memref<10240x16xf32, #tpu.memory_space<vmem_shared>>) offsets(%dma_start3A_332 : memref<125xi32, #tpu.memory_space<vmem>>) semaphore(%arg26 : memref<!tpu.dma_semaphore, #tpu.memory_space<semaphore_mem>>) {add = true}
      } else {
      }
      %dma_wait3A_294 = arith.constant 0 : i32
      %dma_wait3A_295 = tpu.memref_slice %arg7[%add3A_223, %dma_wait3A_294] : memref<80x125xi32, #tpu.memory_space<vmem>> -> memref<1x125xi32, #tpu.memory_space<vmem>>
      %dma_wait3A_296 = tpu.memref_squeeze %dma_wait3A_295 : memref<1x125xi32, #tpu.memory_space<vmem>> -> memref<125xi32, #tpu.memory_space<vmem>>
      %dma_wait3A_297 = arith.constant 0 : i32
      %dma_wait3A_298 = arith.constant 0 : i32
      %dma_wait3A_299 = tpu.memref_slice %arg2[%dma_wait3A_297, %dma_wait3A_298] : memref<20000x64xf32, #tpu.memory_space<hbm>> -> memref<20000x64xf32, #tpu.memory_space<hbm>>
      tpu.wait_indirect_dma semaphore(%arg22 : memref<!tpu.dma_semaphore, #tpu.memory_space<semaphore_mem>>) src(%dma_wait3A_299 : memref<20000x64xf32, #tpu.memory_space<hbm>>) dst(%arg12 : memref<125x64xf32, #tpu.memory_space<vmem>>)
      %add3A_300 = arith.constant 3 : i32
      %add3A_301 = arith.addi %add3A_179, %add3A_300 : i32
      %dma_start3A_302 = arith.constant 0 : i32
      %dma_start3A_303 = tpu.memref_slice %arg8[%add3A_301, %dma_start3A_302] : memref<80x125xi32, #tpu.memory_space<vmem>> -> memref<1x125xi32, #tpu.memory_space<vmem>>
      %dma_start3A_304 = tpu.memref_squeeze %dma_start3A_303 : memref<1x125xi32, #tpu.memory_space<vmem>> -> memref<125xi32, #tpu.memory_space<vmem>>
      %dma_start3A_305 = arith.constant 0 : i32
      %dma_start3A_306 = arith.constant 0 : i32
      %dma_start3A_307 = tpu.memref_slice %arg17[%dma_start3A_305, %dma_start3A_306] : memref<10240x64xf32, #tpu.memory_space<vmem_shared>> -> memref<10240x64xf32, #tpu.memory_space<vmem_shared>>
      tpu.enqueue_indirect_dma source(%arg12 : memref<125x64xf32, #tpu.memory_space<vmem>>) target(%dma_start3A_307 : memref<10240x64xf32, #tpu.memory_space<vmem_shared>>) offsets(%dma_start3A_304 : memref<125xi32, #tpu.memory_space<vmem>>) semaphore(%arg27 : memref<!tpu.dma_semaphore, #tpu.memory_space<semaphore_mem>>) {add = true}
      %convert_element_type3A_308 = arith.extui %eq3A_108 : i1 to i32
      %cond3A_309 = arith.constant 0 : i32
      %cond3A_310 = arith.cmpi ne, %convert_element_type3A_308, %cond3A_309 : i32
      scf.if %cond3A_310 {
        %add3A_328 = arith.constant 3 : i32
        %add3A_329 = arith.addi %add3A_179, %add3A_328 : i32
        %dma_start3A_330 = arith.constant 0 : i32
        %dma_start3A_331 = tpu.memref_slice %arg8[%add3A_329, %dma_start3A_330] : memref<80x125xi32, #tpu.memory_space<vmem>> -> memref<1x125xi32, #tpu.memory_space<vmem>>
        %dma_start3A_332 = tpu.memref_squeeze %dma_start3A_331 : memref<1x125xi32, #tpu.memory_space<vmem>> -> memref<125xi32, #tpu.memory_space<vmem>>
        %dma_start3A_333 = arith.constant 0 : i32
        %dma_start3A_334 = arith.constant 0 : i32
        %dma_start3A_335 = tpu.memref_slice %arg18[%dma_start3A_333, %dma_start3A_334] : memref<10240x16xf32, #tpu.memory_space<vmem_shared>> -> memref<10240x16xf32, #tpu.memory_space<vmem_shared>>
        tpu.enqueue_indirect_dma source(%arg15 : memref<125x16xf32, #tpu.memory_space<vmem>>) target(%dma_start3A_335 : memref<10240x16xf32, #tpu.memory_space<vmem_shared>>) offsets(%dma_start3A_332 : memref<125xi32, #tpu.memory_space<vmem>>) semaphore(%arg27 : memref<!tpu.dma_semaphore, #tpu.memory_space<semaphore_mem>>) {add = true}
      } else {
      }
      %dma_wait3A_311 = arith.constant 0 : i32
      %dma_wait3A_312 = tpu.memref_slice %arg7[%add3A_236, %dma_wait3A_311] : memref<80x125xi32, #tpu.memory_space<vmem>> -> memref<1x125xi32, #tpu.memory_space<vmem>>
      %dma_wait3A_313 = tpu.memref_squeeze %dma_wait3A_312 : memref<1x125xi32, #tpu.memory_space<vmem>> -> memref<125xi32, #tpu.memory_space<vmem>>
      %dma_wait3A_314 = arith.constant 0 : i32
      %dma_wait3A_315 = arith.constant 0 : i32
      %dma_wait3A_316 = tpu.memref_slice %arg2[%dma_wait3A_314, %dma_wait3A_315] : memref<20000x64xf32, #tpu.memory_space<hbm>> -> memref<20000x64xf32, #tpu.memory_space<hbm>>
      tpu.wait_indirect_dma semaphore(%arg23 : memref<!tpu.dma_semaphore, #tpu.memory_space<semaphore_mem>>) src(%dma_wait3A_316 : memref<20000x64xf32, #tpu.memory_space<hbm>>) dst(%arg13 : memref<125x64xf32, #tpu.memory_space<vmem>>)
      %add3A_317 = arith.constant 4 : i32
      %add3A_318 = arith.addi %add3A_179, %add3A_317 : i32
      %dma_start3A_319 = arith.constant 0 : i32
      %dma_start3A_320 = tpu.memref_slice %arg8[%add3A_318, %dma_start3A_319] : memref<80x125xi32, #tpu.memory_space<vmem>> -> memref<1x125xi32, #tpu.memory_space<vmem>>
      %dma_start3A_321 = tpu.memref_squeeze %dma_start3A_320 : memref<1x125xi32, #tpu.memory_space<vmem>> -> memref<125xi32, #tpu.memory_space<vmem>>
      %dma_start3A_322 = arith.constant 0 : i32
      %dma_start3A_323 = arith.constant 0 : i32
      %dma_start3A_324 = tpu.memref_slice %arg17[%dma_start3A_322, %dma_start3A_323] : memref<10240x64xf32, #tpu.memory_space<vmem_shared>> -> memref<10240x64xf32, #tpu.memory_space<vmem_shared>>
      tpu.enqueue_indirect_dma source(%arg13 : memref<125x64xf32, #tpu.memory_space<vmem>>) target(%dma_start3A_324 : memref<10240x64xf32, #tpu.memory_space<vmem_shared>>) offsets(%dma_start3A_321 : memref<125xi32, #tpu.memory_space<vmem>>) semaphore(%arg28 : memref<!tpu.dma_semaphore, #tpu.memory_space<semaphore_mem>>) {add = true}
      %convert_element_type3A_325 = arith.extui %eq3A_108 : i1 to i32
      %cond3A_326 = arith.constant 0 : i32
      %cond3A_327 = arith.cmpi ne, %convert_element_type3A_325, %cond3A_326 : i32
      scf.if %cond3A_327 {
        %add3A_328 = arith.constant 4 : i32
        %add3A_329 = arith.addi %add3A_179, %add3A_328 : i32
        %dma_start3A_330 = arith.constant 0 : i32
        %dma_start3A_331 = tpu.memref_slice %arg8[%add3A_329, %dma_start3A_330] : memref<80x125xi32, #tpu.memory_space<vmem>> -> memref<1x125xi32, #tpu.memory_space<vmem>>
        %dma_start3A_332 = tpu.memref_squeeze %dma_start3A_331 : memref<1x125xi32, #tpu.memory_space<vmem>> -> memref<125xi32, #tpu.memory_space<vmem>>
        %dma_start3A_333 = arith.constant 0 : i32
        %dma_start3A_334 = arith.constant 0 : i32
        %dma_start3A_335 = tpu.memref_slice %arg18[%dma_start3A_333, %dma_start3A_334] : memref<10240x16xf32, #tpu.memory_space<vmem_shared>> -> memref<10240x16xf32, #tpu.memory_space<vmem_shared>>
        tpu.enqueue_indirect_dma source(%arg15 : memref<125x16xf32, #tpu.memory_space<vmem>>) target(%dma_start3A_335 : memref<10240x16xf32, #tpu.memory_space<vmem_shared>>) offsets(%dma_start3A_332 : memref<125xi32, #tpu.memory_space<vmem>>) semaphore(%arg28 : memref<!tpu.dma_semaphore, #tpu.memory_space<semaphore_mem>>) {add = true}
      } else {
      }
    }
    %scan3A_113 = arith.constant 16 : i32
    %dma_wait3A_114 = arith.constant 0 : i32
    %dma_wait3A_115 = arith.constant 0 : i32
    %dma_wait3A_116 = tpu.memref_slice %arg8[%dma_wait3A_114, %dma_wait3A_115] : memref<80x125xi32, #tpu.memory_space<vmem>> -> memref<1x125xi32, #tpu.memory_space<vmem>>
    %dma_wait3A_117 = tpu.memref_squeeze %dma_wait3A_116 : memref<1x125xi32, #tpu.memory_space<vmem>> -> memref<125xi32, #tpu.memory_space<vmem>>
    %dma_wait3A_118 = arith.constant 0 : i32
    %dma_wait3A_119 = arith.constant 0 : i32
    %dma_wait3A_120 = tpu.memref_slice %arg17[%dma_wait3A_118, %dma_wait3A_119] : memref<10240x64xf32, #tpu.memory_space<vmem_shared>> -> memref<10240x64xf32, #tpu.memory_space<vmem_shared>>
    tpu.wait_indirect_dma semaphore(%arg24 : memref<!tpu.dma_semaphore, #tpu.memory_space<semaphore_mem>>) src(%arg9 : memref<125x64xf32, #tpu.memory_space<vmem>>) dst(%dma_wait3A_120 : memref<10240x64xf32, #tpu.memory_space<vmem_shared>>)
    %convert_element_type3A_121 = arith.extui %eq3A_108 : i1 to i32
    %cond3A_122 = arith.constant 0 : i32
    %cond3A_123 = arith.cmpi ne, %convert_element_type3A_121, %cond3A_122 : i32
    scf.if %cond3A_123 {
      %dma_wait3A_175 = arith.constant 0 : i32
      %dma_wait3A_176 = arith.constant 0 : i32
      %dma_wait3A_177 = tpu.memref_slice %arg8[%dma_wait3A_175, %dma_wait3A_176] : memref<80x125xi32, #tpu.memory_space<vmem>> -> memref<1x125xi32, #tpu.memory_space<vmem>>
      %dma_wait3A_178 = tpu.memref_squeeze %dma_wait3A_177 : memref<1x125xi32, #tpu.memory_space<vmem>> -> memref<125xi32, #tpu.memory_space<vmem>>
      %dma_wait3A_179 = arith.constant 0 : i32
      %dma_wait3A_180 = arith.constant 0 : i32
      %dma_wait3A_181 = tpu.memref_slice %arg18[%dma_wait3A_179, %dma_wait3A_180] : memref<10240x16xf32, #tpu.memory_space<vmem_shared>> -> memref<10240x16xf32, #tpu.memory_space<vmem_shared>>
      tpu.wait_indirect_dma semaphore(%arg24 : memref<!tpu.dma_semaphore, #tpu.memory_space<semaphore_mem>>) src(%arg15 : memref<125x16xf32, #tpu.memory_space<vmem>>) dst(%dma_wait3A_181 : memref<10240x16xf32, #tpu.memory_space<vmem_shared>>)
    } else {
    }
    %dma_wait3A_124 = arith.constant 1 : i32
    %dma_wait3A_125 = arith.constant 0 : i32
    %dma_wait3A_126 = tpu.memref_slice %arg8[%dma_wait3A_124, %dma_wait3A_125] : memref<80x125xi32, #tpu.memory_space<vmem>> -> memref<1x125xi32, #tpu.memory_space<vmem>>
    %dma_wait3A_127 = tpu.memref_squeeze %dma_wait3A_126 : memref<1x125xi32, #tpu.memory_space<vmem>> -> memref<125xi32, #tpu.memory_space<vmem>>
    %dma_wait3A_128 = arith.constant 0 : i32
    %dma_wait3A_129 = arith.constant 0 : i32
    %dma_wait3A_130 = tpu.memref_slice %arg17[%dma_wait3A_128, %dma_wait3A_129] : memref<10240x64xf32, #tpu.memory_space<vmem_shared>> -> memref<10240x64xf32, #tpu.memory_space<vmem_shared>>
    tpu.wait_indirect_dma semaphore(%arg25 : memref<!tpu.dma_semaphore, #tpu.memory_space<semaphore_mem>>) src(%arg10 : memref<125x64xf32, #tpu.memory_space<vmem>>) dst(%dma_wait3A_130 : memref<10240x64xf32, #tpu.memory_space<vmem_shared>>)
    %convert_element_type3A_131 = arith.extui %eq3A_108 : i1 to i32
    %cond3A_132 = arith.constant 0 : i32
    %cond3A_133 = arith.cmpi ne, %convert_element_type3A_131, %cond3A_132 : i32
    scf.if %cond3A_133 {
      %dma_wait3A_175 = arith.constant 1 : i32
      %dma_wait3A_176 = arith.constant 0 : i32
      %dma_wait3A_177 = tpu.memref_slice %arg8[%dma_wait3A_175, %dma_wait3A_176] : memref<80x125xi32, #tpu.memory_space<vmem>> -> memref<1x125xi32, #tpu.memory_space<vmem>>
      %dma_wait3A_178 = tpu.memref_squeeze %dma_wait3A_177 : memref<1x125xi32, #tpu.memory_space<vmem>> -> memref<125xi32, #tpu.memory_space<vmem>>
      %dma_wait3A_179 = arith.constant 0 : i32
      %dma_wait3A_180 = arith.constant 0 : i32
      %dma_wait3A_181 = tpu.memref_slice %arg18[%dma_wait3A_179, %dma_wait3A_180] : memref<10240x16xf32, #tpu.memory_space<vmem_shared>> -> memref<10240x16xf32, #tpu.memory_space<vmem_shared>>
      tpu.wait_indirect_dma semaphore(%arg25 : memref<!tpu.dma_semaphore, #tpu.memory_space<semaphore_mem>>) src(%arg15 : memref<125x16xf32, #tpu.memory_space<vmem>>) dst(%dma_wait3A_181 : memref<10240x16xf32, #tpu.memory_space<vmem_shared>>)
    } else {
    }
    %dma_wait3A_134 = arith.constant 2 : i32
    %dma_wait3A_135 = arith.constant 0 : i32
    %dma_wait3A_136 = tpu.memref_slice %arg8[%dma_wait3A_134, %dma_wait3A_135] : memref<80x125xi32, #tpu.memory_space<vmem>> -> memref<1x125xi32, #tpu.memory_space<vmem>>
    %dma_wait3A_137 = tpu.memref_squeeze %dma_wait3A_136 : memref<1x125xi32, #tpu.memory_space<vmem>> -> memref<125xi32, #tpu.memory_space<vmem>>
    %dma_wait3A_138 = arith.constant 0 : i32
    %dma_wait3A_139 = arith.constant 0 : i32
    %dma_wait3A_140 = tpu.memref_slice %arg17[%dma_wait3A_138, %dma_wait3A_139] : memref<10240x64xf32, #tpu.memory_space<vmem_shared>> -> memref<10240x64xf32, #tpu.memory_space<vmem_shared>>
    tpu.wait_indirect_dma semaphore(%arg26 : memref<!tpu.dma_semaphore, #tpu.memory_space<semaphore_mem>>) src(%arg11 : memref<125x64xf32, #tpu.memory_space<vmem>>) dst(%dma_wait3A_140 : memref<10240x64xf32, #tpu.memory_space<vmem_shared>>)
    %convert_element_type3A_141 = arith.extui %eq3A_108 : i1 to i32
    %cond3A_142 = arith.constant 0 : i32
    %cond3A_143 = arith.cmpi ne, %convert_element_type3A_141, %cond3A_142 : i32
    scf.if %cond3A_143 {
      %dma_wait3A_175 = arith.constant 2 : i32
      %dma_wait3A_176 = arith.constant 0 : i32
      %dma_wait3A_177 = tpu.memref_slice %arg8[%dma_wait3A_175, %dma_wait3A_176] : memref<80x125xi32, #tpu.memory_space<vmem>> -> memref<1x125xi32, #tpu.memory_space<vmem>>
      %dma_wait3A_178 = tpu.memref_squeeze %dma_wait3A_177 : memref<1x125xi32, #tpu.memory_space<vmem>> -> memref<125xi32, #tpu.memory_space<vmem>>
      %dma_wait3A_179 = arith.constant 0 : i32
      %dma_wait3A_180 = arith.constant 0 : i32
      %dma_wait3A_181 = tpu.memref_slice %arg18[%dma_wait3A_179, %dma_wait3A_180] : memref<10240x16xf32, #tpu.memory_space<vmem_shared>> -> memref<10240x16xf32, #tpu.memory_space<vmem_shared>>
      tpu.wait_indirect_dma semaphore(%arg26 : memref<!tpu.dma_semaphore, #tpu.memory_space<semaphore_mem>>) src(%arg15 : memref<125x16xf32, #tpu.memory_space<vmem>>) dst(%dma_wait3A_181 : memref<10240x16xf32, #tpu.memory_space<vmem_shared>>)
    } else {
    }
    %dma_wait3A_144 = arith.constant 3 : i32
    %dma_wait3A_145 = arith.constant 0 : i32
    %dma_wait3A_146 = tpu.memref_slice %arg8[%dma_wait3A_144, %dma_wait3A_145] : memref<80x125xi32, #tpu.memory_space<vmem>> -> memref<1x125xi32, #tpu.memory_space<vmem>>
    %dma_wait3A_147 = tpu.memref_squeeze %dma_wait3A_146 : memref<1x125xi32, #tpu.memory_space<vmem>> -> memref<125xi32, #tpu.memory_space<vmem>>
    %dma_wait3A_148 = arith.constant 0 : i32
    %dma_wait3A_149 = arith.constant 0 : i32
    %dma_wait3A_150 = tpu.memref_slice %arg17[%dma_wait3A_148, %dma_wait3A_149] : memref<10240x64xf32, #tpu.memory_space<vmem_shared>> -> memref<10240x64xf32, #tpu.memory_space<vmem_shared>>
    tpu.wait_indirect_dma semaphore(%arg27 : memref<!tpu.dma_semaphore, #tpu.memory_space<semaphore_mem>>) src(%arg12 : memref<125x64xf32, #tpu.memory_space<vmem>>) dst(%dma_wait3A_150 : memref<10240x64xf32, #tpu.memory_space<vmem_shared>>)
    %convert_element_type3A_151 = arith.extui %eq3A_108 : i1 to i32
    %cond3A_152 = arith.constant 0 : i32
    %cond3A_153 = arith.cmpi ne, %convert_element_type3A_151, %cond3A_152 : i32
    scf.if %cond3A_153 {
      %dma_wait3A_175 = arith.constant 3 : i32
      %dma_wait3A_176 = arith.constant 0 : i32
      %dma_wait3A_177 = tpu.memref_slice %arg8[%dma_wait3A_175, %dma_wait3A_176] : memref<80x125xi32, #tpu.memory_space<vmem>> -> memref<1x125xi32, #tpu.memory_space<vmem>>
      %dma_wait3A_178 = tpu.memref_squeeze %dma_wait3A_177 : memref<1x125xi32, #tpu.memory_space<vmem>> -> memref<125xi32, #tpu.memory_space<vmem>>
      %dma_wait3A_179 = arith.constant 0 : i32
      %dma_wait3A_180 = arith.constant 0 : i32
      %dma_wait3A_181 = tpu.memref_slice %arg18[%dma_wait3A_179, %dma_wait3A_180] : memref<10240x16xf32, #tpu.memory_space<vmem_shared>> -> memref<10240x16xf32, #tpu.memory_space<vmem_shared>>
      tpu.wait_indirect_dma semaphore(%arg27 : memref<!tpu.dma_semaphore, #tpu.memory_space<semaphore_mem>>) src(%arg15 : memref<125x16xf32, #tpu.memory_space<vmem>>) dst(%dma_wait3A_181 : memref<10240x16xf32, #tpu.memory_space<vmem_shared>>)
    } else {
    }
    %dma_wait3A_154 = arith.constant 4 : i32
    %dma_wait3A_155 = arith.constant 0 : i32
    %dma_wait3A_156 = tpu.memref_slice %arg8[%dma_wait3A_154, %dma_wait3A_155] : memref<80x125xi32, #tpu.memory_space<vmem>> -> memref<1x125xi32, #tpu.memory_space<vmem>>
    %dma_wait3A_157 = tpu.memref_squeeze %dma_wait3A_156 : memref<1x125xi32, #tpu.memory_space<vmem>> -> memref<125xi32, #tpu.memory_space<vmem>>
    %dma_wait3A_158 = arith.constant 0 : i32
    %dma_wait3A_159 = arith.constant 0 : i32
    %dma_wait3A_160 = tpu.memref_slice %arg17[%dma_wait3A_158, %dma_wait3A_159] : memref<10240x64xf32, #tpu.memory_space<vmem_shared>> -> memref<10240x64xf32, #tpu.memory_space<vmem_shared>>
    tpu.wait_indirect_dma semaphore(%arg28 : memref<!tpu.dma_semaphore, #tpu.memory_space<semaphore_mem>>) src(%arg13 : memref<125x64xf32, #tpu.memory_space<vmem>>) dst(%dma_wait3A_160 : memref<10240x64xf32, #tpu.memory_space<vmem_shared>>)
    %convert_element_type3A_161 = arith.extui %eq3A_108 : i1 to i32
    %cond3A_162 = arith.constant 0 : i32
    %cond3A_163 = arith.cmpi ne, %convert_element_type3A_161, %cond3A_162 : i32
    scf.if %cond3A_163 {
      %dma_wait3A_175 = arith.constant 4 : i32
      %dma_wait3A_176 = arith.constant 0 : i32
      %dma_wait3A_177 = tpu.memref_slice %arg8[%dma_wait3A_175, %dma_wait3A_176] : memref<80x125xi32, #tpu.memory_space<vmem>> -> memref<1x125xi32, #tpu.memory_space<vmem>>
      %dma_wait3A_178 = tpu.memref_squeeze %dma_wait3A_177 : memref<1x125xi32, #tpu.memory_space<vmem>> -> memref<125xi32, #tpu.memory_space<vmem>>
      %dma_wait3A_179 = arith.constant 0 : i32
      %dma_wait3A_180 = arith.constant 0 : i32
      %dma_wait3A_181 = tpu.memref_slice %arg18[%dma_wait3A_179, %dma_wait3A_180] : memref<10240x16xf32, #tpu.memory_space<vmem_shared>> -> memref<10240x16xf32, #tpu.memory_space<vmem_shared>>
      tpu.wait_indirect_dma semaphore(%arg28 : memref<!tpu.dma_semaphore, #tpu.memory_space<semaphore_mem>>) src(%arg15 : memref<125x16xf32, #tpu.memory_space<vmem>>) dst(%dma_wait3A_181 : memref<10240x16xf32, #tpu.memory_space<vmem_shared>>)
    } else {
    }
    %barrier3A_164 = arith.constant 0 : index
    tpu.barrier barrier_id(%barrier3A_164)
    %add3A_165 = arith.constant 0 : i32
    %add3A_166 = arith.addi %mul3A_14, %add3A_165 : i32
    "tpu.region"() ({
      %run_scoped3A = tpu.sem_alloc : memref<!tpu.dma_semaphore, #tpu.memory_space<semaphore_mem>>
      %dma_start3A = arith.constant 0 : i32
      %dma_start3A_175 = tpu.memref_slice %arg5[%arg0, %add3A_166, %dma_start3A] : memref<2x10240x64xf32, #tpu.memory_space<hbm>> -> memref<1x128x64xf32, #tpu.memory_space<hbm>>
      %dma_start3A_176 = tpu.memref_squeeze %dma_start3A_175 : memref<1x128x64xf32, #tpu.memory_space<hbm>> -> memref<128x64xf32, #tpu.memory_space<hbm>>
      %dma_start3A_177 = arith.constant 0 : i32
      %dma_start3A_178 = tpu.memref_slice %arg17[%add3A_166, %dma_start3A_177] : memref<10240x64xf32, #tpu.memory_space<vmem_shared>> -> memref<128x64xf32, #tpu.memory_space<vmem_shared>>
      tpu.enqueue_dma source(%dma_start3A_178 : memref<128x64xf32, #tpu.memory_space<vmem_shared>>) target(%dma_start3A_176 : memref<128x64xf32, #tpu.memory_space<hbm>>) target_semaphore(%run_scoped3A : memref<!tpu.dma_semaphore, #tpu.memory_space<semaphore_mem>>)
      %dma_wait3A_179 = arith.constant 0 : i32
      %dma_wait3A_180 = tpu.memref_slice %arg5[%arg0, %add3A_166, %dma_wait3A_179] : memref<2x10240x64xf32, #tpu.memory_space<hbm>> -> memref<1x128x64xf32, #tpu.memory_space<hbm>>
      %dma_wait3A_181 = tpu.memref_squeeze %dma_wait3A_180 : memref<1x128x64xf32, #tpu.memory_space<hbm>> -> memref<128x64xf32, #tpu.memory_space<hbm>>
      %dma_wait3A_182 = arith.constant 0 : i32
      %dma_wait3A_183 = tpu.memref_slice %arg17[%add3A_166, %dma_wait3A_182] : memref<10240x64xf32, #tpu.memory_space<vmem_shared>> -> memref<128x64xf32, #tpu.memory_space<vmem_shared>>
      tpu.wait_dma2 semaphore(%run_scoped3A : memref<!tpu.dma_semaphore, #tpu.memory_space<semaphore_mem>>) src(%dma_wait3A_183 : memref<128x64xf32, #tpu.memory_space<vmem_shared>>) dst(%dma_wait3A_181 : memref<128x64xf32, #tpu.memory_space<hbm>>)
      tpu.yield
    }) : () -> ()
    "tpu.region"() ({
      %run_scoped3A = tpu.sem_alloc : memref<!tpu.dma_semaphore, #tpu.memory_space<semaphore_mem>>
      %dma_start3A = arith.constant 0 : i32
      %dma_start3A_175 = tpu.memref_slice %arg6[%arg0, %add3A_166, %dma_start3A] : memref<2x10240x16xf32, #tpu.memory_space<hbm>> -> memref<1x128x16xf32, #tpu.memory_space<hbm>>
      %dma_start3A_176 = tpu.memref_squeeze %dma_start3A_175 : memref<1x128x16xf32, #tpu.memory_space<hbm>> -> memref<128x16xf32, #tpu.memory_space<hbm>>
      %dma_start3A_177 = arith.constant 0 : i32
      %dma_start3A_178 = tpu.memref_slice %arg18[%add3A_166, %dma_start3A_177] : memref<10240x16xf32, #tpu.memory_space<vmem_shared>> -> memref<128x16xf32, #tpu.memory_space<vmem_shared>>
      tpu.enqueue_dma source(%dma_start3A_178 : memref<128x16xf32, #tpu.memory_space<vmem_shared>>) target(%dma_start3A_176 : memref<128x16xf32, #tpu.memory_space<hbm>>) target_semaphore(%run_scoped3A : memref<!tpu.dma_semaphore, #tpu.memory_space<semaphore_mem>>)
      %dma_wait3A_179 = arith.constant 0 : i32
      %dma_wait3A_180 = tpu.memref_slice %arg6[%arg0, %add3A_166, %dma_wait3A_179] : memref<2x10240x16xf32, #tpu.memory_space<hbm>> -> memref<1x128x16xf32, #tpu.memory_space<hbm>>
      %dma_wait3A_181 = tpu.memref_squeeze %dma_wait3A_180 : memref<1x128x16xf32, #tpu.memory_space<hbm>> -> memref<128x16xf32, #tpu.memory_space<hbm>>
      %dma_wait3A_182 = arith.constant 0 : i32
      %dma_wait3A_183 = tpu.memref_slice %arg18[%add3A_166, %dma_wait3A_182] : memref<10240x16xf32, #tpu.memory_space<vmem_shared>> -> memref<128x16xf32, #tpu.memory_space<vmem_shared>>
      tpu.wait_dma2 semaphore(%run_scoped3A : memref<!tpu.dma_semaphore, #tpu.memory_space<semaphore_mem>>) src(%dma_wait3A_183 : memref<128x16xf32, #tpu.memory_space<vmem_shared>>) dst(%dma_wait3A_181 : memref<128x16xf32, #tpu.memory_space<hbm>>)
      tpu.yield
    }) : () -> ()
    %add3A_167 = arith.constant 128 : i32
    %add3A_168 = arith.addi %mul3A_14, %add3A_167 : i32
    "tpu.region"() ({
      %run_scoped3A = tpu.sem_alloc : memref<!tpu.dma_semaphore, #tpu.memory_space<semaphore_mem>>
      %dma_start3A = arith.constant 0 : i32
      %dma_start3A_175 = tpu.memref_slice %arg5[%arg0, %add3A_168, %dma_start3A] : memref<2x10240x64xf32, #tpu.memory_space<hbm>> -> memref<1x128x64xf32, #tpu.memory_space<hbm>>
      %dma_start3A_176 = tpu.memref_squeeze %dma_start3A_175 : memref<1x128x64xf32, #tpu.memory_space<hbm>> -> memref<128x64xf32, #tpu.memory_space<hbm>>
      %dma_start3A_177 = arith.constant 0 : i32
      %dma_start3A_178 = tpu.memref_slice %arg17[%add3A_168, %dma_start3A_177] : memref<10240x64xf32, #tpu.memory_space<vmem_shared>> -> memref<128x64xf32, #tpu.memory_space<vmem_shared>>
      tpu.enqueue_dma source(%dma_start3A_178 : memref<128x64xf32, #tpu.memory_space<vmem_shared>>) target(%dma_start3A_176 : memref<128x64xf32, #tpu.memory_space<hbm>>) target_semaphore(%run_scoped3A : memref<!tpu.dma_semaphore, #tpu.memory_space<semaphore_mem>>)
      %dma_wait3A_179 = arith.constant 0 : i32
      %dma_wait3A_180 = tpu.memref_slice %arg5[%arg0, %add3A_168, %dma_wait3A_179] : memref<2x10240x64xf32, #tpu.memory_space<hbm>> -> memref<1x128x64xf32, #tpu.memory_space<hbm>>
      %dma_wait3A_181 = tpu.memref_squeeze %dma_wait3A_180 : memref<1x128x64xf32, #tpu.memory_space<hbm>> -> memref<128x64xf32, #tpu.memory_space<hbm>>
      %dma_wait3A_182 = arith.constant 0 : i32
      %dma_wait3A_183 = tpu.memref_slice %arg17[%add3A_168, %dma_wait3A_182] : memref<10240x64xf32, #tpu.memory_space<vmem_shared>> -> memref<128x64xf32, #tpu.memory_space<vmem_shared>>
      tpu.wait_dma2 semaphore(%run_scoped3A : memref<!tpu.dma_semaphore, #tpu.memory_space<semaphore_mem>>) src(%dma_wait3A_183 : memref<128x64xf32, #tpu.memory_space<vmem_shared>>) dst(%dma_wait3A_181 : memref<128x64xf32, #tpu.memory_space<hbm>>)
      tpu.yield
    }) : () -> ()
    "tpu.region"() ({
      %run_scoped3A = tpu.sem_alloc : memref<!tpu.dma_semaphore, #tpu.memory_space<semaphore_mem>>
      %dma_start3A = arith.constant 0 : i32
      %dma_start3A_175 = tpu.memref_slice %arg6[%arg0, %add3A_168, %dma_start3A] : memref<2x10240x16xf32, #tpu.memory_space<hbm>> -> memref<1x128x16xf32, #tpu.memory_space<hbm>>
      %dma_start3A_176 = tpu.memref_squeeze %dma_start3A_175 : memref<1x128x16xf32, #tpu.memory_space<hbm>> -> memref<128x16xf32, #tpu.memory_space<hbm>>
      %dma_start3A_177 = arith.constant 0 : i32
      %dma_start3A_178 = tpu.memref_slice %arg18[%add3A_168, %dma_start3A_177] : memref<10240x16xf32, #tpu.memory_space<vmem_shared>> -> memref<128x16xf32, #tpu.memory_space<vmem_shared>>
      tpu.enqueue_dma source(%dma_start3A_178 : memref<128x16xf32, #tpu.memory_space<vmem_shared>>) target(%dma_start3A_176 : memref<128x16xf32, #tpu.memory_space<hbm>>) target_semaphore(%run_scoped3A : memref<!tpu.dma_semaphore, #tpu.memory_space<semaphore_mem>>)
      %dma_wait3A_179 = arith.constant 0 : i32
      %dma_wait3A_180 = tpu.memref_slice %arg6[%arg0, %add3A_168, %dma_wait3A_179] : memref<2x10240x16xf32, #tpu.memory_space<hbm>> -> memref<1x128x16xf32, #tpu.memory_space<hbm>>
      %dma_wait3A_181 = tpu.memref_squeeze %dma_wait3A_180 : memref<1x128x16xf32, #tpu.memory_space<hbm>> -> memref<128x16xf32, #tpu.memory_space<hbm>>
      %dma_wait3A_182 = arith.constant 0 : i32
      %dma_wait3A_183 = tpu.memref_slice %arg18[%add3A_168, %dma_wait3A_182] : memref<10240x16xf32, #tpu.memory_space<vmem_shared>> -> memref<128x16xf32, #tpu.memory_space<vmem_shared>>
      tpu.wait_dma2 semaphore(%run_scoped3A : memref<!tpu.dma_semaphore, #tpu.memory_space<semaphore_mem>>) src(%dma_wait3A_183 : memref<128x16xf32, #tpu.memory_space<vmem_shared>>) dst(%dma_wait3A_181 : memref<128x16xf32, #tpu.memory_space<hbm>>)
      tpu.yield
    }) : () -> ()
    %add3A_169 = arith.constant 256 : i32
    %add3A_170 = arith.addi %mul3A_14, %add3A_169 : i32
    "tpu.region"() ({
      %run_scoped3A = tpu.sem_alloc : memref<!tpu.dma_semaphore, #tpu.memory_space<semaphore_mem>>
      %dma_start3A = arith.constant 0 : i32
      %dma_start3A_175 = tpu.memref_slice %arg5[%arg0, %add3A_170, %dma_start3A] : memref<2x10240x64xf32, #tpu.memory_space<hbm>> -> memref<1x128x64xf32, #tpu.memory_space<hbm>>
      %dma_start3A_176 = tpu.memref_squeeze %dma_start3A_175 : memref<1x128x64xf32, #tpu.memory_space<hbm>> -> memref<128x64xf32, #tpu.memory_space<hbm>>
      %dma_start3A_177 = arith.constant 0 : i32
      %dma_start3A_178 = tpu.memref_slice %arg17[%add3A_170, %dma_start3A_177] : memref<10240x64xf32, #tpu.memory_space<vmem_shared>> -> memref<128x64xf32, #tpu.memory_space<vmem_shared>>
      tpu.enqueue_dma source(%dma_start3A_178 : memref<128x64xf32, #tpu.memory_space<vmem_shared>>) target(%dma_start3A_176 : memref<128x64xf32, #tpu.memory_space<hbm>>) target_semaphore(%run_scoped3A : memref<!tpu.dma_semaphore, #tpu.memory_space<semaphore_mem>>)
      %dma_wait3A_179 = arith.constant 0 : i32
      %dma_wait3A_180 = tpu.memref_slice %arg5[%arg0, %add3A_170, %dma_wait3A_179] : memref<2x10240x64xf32, #tpu.memory_space<hbm>> -> memref<1x128x64xf32, #tpu.memory_space<hbm>>
      %dma_wait3A_181 = tpu.memref_squeeze %dma_wait3A_180 : memref<1x128x64xf32, #tpu.memory_space<hbm>> -> memref<128x64xf32, #tpu.memory_space<hbm>>
      %dma_wait3A_182 = arith.constant 0 : i32
      %dma_wait3A_183 = tpu.memref_slice %arg17[%add3A_170, %dma_wait3A_182] : memref<10240x64xf32, #tpu.memory_space<vmem_shared>> -> memref<128x64xf32, #tpu.memory_space<vmem_shared>>
      tpu.wait_dma2 semaphore(%run_scoped3A : memref<!tpu.dma_semaphore, #tpu.memory_space<semaphore_mem>>) src(%dma_wait3A_183 : memref<128x64xf32, #tpu.memory_space<vmem_shared>>) dst(%dma_wait3A_181 : memref<128x64xf32, #tpu.memory_space<hbm>>)
      tpu.yield
    }) : () -> ()
    "tpu.region"() ({
      %run_scoped3A = tpu.sem_alloc : memref<!tpu.dma_semaphore, #tpu.memory_space<semaphore_mem>>
      %dma_start3A = arith.constant 0 : i32
      %dma_start3A_175 = tpu.memref_slice %arg6[%arg0, %add3A_170, %dma_start3A] : memref<2x10240x16xf32, #tpu.memory_space<hbm>> -> memref<1x128x16xf32, #tpu.memory_space<hbm>>
      %dma_start3A_176 = tpu.memref_squeeze %dma_start3A_175 : memref<1x128x16xf32, #tpu.memory_space<hbm>> -> memref<128x16xf32, #tpu.memory_space<hbm>>
      %dma_start3A_177 = arith.constant 0 : i32
      %dma_start3A_178 = tpu.memref_slice %arg18[%add3A_170, %dma_start3A_177] : memref<10240x16xf32, #tpu.memory_space<vmem_shared>> -> memref<128x16xf32, #tpu.memory_space<vmem_shared>>
      tpu.enqueue_dma source(%dma_start3A_178 : memref<128x16xf32, #tpu.memory_space<vmem_shared>>) target(%dma_start3A_176 : memref<128x16xf32, #tpu.memory_space<hbm>>) target_semaphore(%run_scoped3A : memref<!tpu.dma_semaphore, #tpu.memory_space<semaphore_mem>>)
      %dma_wait3A_179 = arith.constant 0 : i32
      %dma_wait3A_180 = tpu.memref_slice %arg6[%arg0, %add3A_170, %dma_wait3A_179] : memref<2x10240x16xf32, #tpu.memory_space<hbm>> -> memref<1x128x16xf32, #tpu.memory_space<hbm>>
      %dma_wait3A_181 = tpu.memref_squeeze %dma_wait3A_180 : memref<1x128x16xf32, #tpu.memory_space<hbm>> -> memref<128x16xf32, #tpu.memory_space<hbm>>
      %dma_wait3A_182 = arith.constant 0 : i32
      %dma_wait3A_183 = tpu.memref_slice %arg18[%add3A_170, %dma_wait3A_182] : memref<10240x16xf32, #tpu.memory_space<vmem_shared>> -> memref<128x16xf32, #tpu.memory_space<vmem_shared>>
      tpu.wait_dma2 semaphore(%run_scoped3A : memref<!tpu.dma_semaphore, #tpu.memory_space<semaphore_mem>>) src(%dma_wait3A_183 : memref<128x16xf32, #tpu.memory_space<vmem_shared>>) dst(%dma_wait3A_181 : memref<128x16xf32, #tpu.memory_space<hbm>>)
      tpu.yield
    }) : () -> ()
    %add3A_171 = arith.constant 384 : i32
    %add3A_172 = arith.addi %mul3A_14, %add3A_171 : i32
    "tpu.region"() ({
      %run_scoped3A = tpu.sem_alloc : memref<!tpu.dma_semaphore, #tpu.memory_space<semaphore_mem>>
      %dma_start3A = arith.constant 0 : i32
      %dma_start3A_175 = tpu.memref_slice %arg5[%arg0, %add3A_172, %dma_start3A] : memref<2x10240x64xf32, #tpu.memory_space<hbm>> -> memref<1x128x64xf32, #tpu.memory_space<hbm>>
      %dma_start3A_176 = tpu.memref_squeeze %dma_start3A_175 : memref<1x128x64xf32, #tpu.memory_space<hbm>> -> memref<128x64xf32, #tpu.memory_space<hbm>>
      %dma_start3A_177 = arith.constant 0 : i32
      %dma_start3A_178 = tpu.memref_slice %arg17[%add3A_172, %dma_start3A_177] : memref<10240x64xf32, #tpu.memory_space<vmem_shared>> -> memref<128x64xf32, #tpu.memory_space<vmem_shared>>
      tpu.enqueue_dma source(%dma_start3A_178 : memref<128x64xf32, #tpu.memory_space<vmem_shared>>) target(%dma_start3A_176 : memref<128x64xf32, #tpu.memory_space<hbm>>) target_semaphore(%run_scoped3A : memref<!tpu.dma_semaphore, #tpu.memory_space<semaphore_mem>>)
      %dma_wait3A_179 = arith.constant 0 : i32
      %dma_wait3A_180 = tpu.memref_slice %arg5[%arg0, %add3A_172, %dma_wait3A_179] : memref<2x10240x64xf32, #tpu.memory_space<hbm>> -> memref<1x128x64xf32, #tpu.memory_space<hbm>>
      %dma_wait3A_181 = tpu.memref_squeeze %dma_wait3A_180 : memref<1x128x64xf32, #tpu.memory_space<hbm>> -> memref<128x64xf32, #tpu.memory_space<hbm>>
      %dma_wait3A_182 = arith.constant 0 : i32
      %dma_wait3A_183 = tpu.memref_slice %arg17[%add3A_172, %dma_wait3A_182] : memref<10240x64xf32, #tpu.memory_space<vmem_shared>> -> memref<128x64xf32, #tpu.memory_space<vmem_shared>>
      tpu.wait_dma2 semaphore(%run_scoped3A : memref<!tpu.dma_semaphore, #tpu.memory_space<semaphore_mem>>) src(%dma_wait3A_183 : memref<128x64xf32, #tpu.memory_space<vmem_shared>>) dst(%dma_wait3A_181 : memref<128x64xf32, #tpu.memory_space<hbm>>)
      tpu.yield
    }) : () -> ()
    "tpu.region"() ({
      %run_scoped3A = tpu.sem_alloc : memref<!tpu.dma_semaphore, #tpu.memory_space<semaphore_mem>>
      %dma_start3A = arith.constant 0 : i32
      %dma_start3A_175 = tpu.memref_slice %arg6[%arg0, %add3A_172, %dma_start3A] : memref<2x10240x16xf32, #tpu.memory_space<hbm>> -> memref<1x128x16xf32, #tpu.memory_space<hbm>>
      %dma_start3A_176 = tpu.memref_squeeze %dma_start3A_175 : memref<1x128x16xf32, #tpu.memory_space<hbm>> -> memref<128x16xf32, #tpu.memory_space<hbm>>
      %dma_start3A_177 = arith.constant 0 : i32
      %dma_start3A_178 = tpu.memref_slice %arg18[%add3A_172, %dma_start3A_177] : memref<10240x16xf32, #tpu.memory_space<vmem_shared>> -> memref<128x16xf32, #tpu.memory_space<vmem_shared>>
      tpu.enqueue_dma source(%dma_start3A_178 : memref<128x16xf32, #tpu.memory_space<vmem_shared>>) target(%dma_start3A_176 : memref<128x16xf32, #tpu.memory_space<hbm>>) target_semaphore(%run_scoped3A : memref<!tpu.dma_semaphore, #tpu.memory_space<semaphore_mem>>)
      %dma_wait3A_179 = arith.constant 0 : i32
      %dma_wait3A_180 = tpu.memref_slice %arg6[%arg0, %add3A_172, %dma_wait3A_179] : memref<2x10240x16xf32, #tpu.memory_space<hbm>> -> memref<1x128x16xf32, #tpu.memory_space<hbm>>
      %dma_wait3A_181 = tpu.memref_squeeze %dma_wait3A_180 : memref<1x128x16xf32, #tpu.memory_space<hbm>> -> memref<128x16xf32, #tpu.memory_space<hbm>>
      %dma_wait3A_182 = arith.constant 0 : i32
      %dma_wait3A_183 = tpu.memref_slice %arg18[%add3A_172, %dma_wait3A_182] : memref<10240x16xf32, #tpu.memory_space<vmem_shared>> -> memref<128x16xf32, #tpu.memory_space<vmem_shared>>
      tpu.wait_dma2 semaphore(%run_scoped3A : memref<!tpu.dma_semaphore, #tpu.memory_space<semaphore_mem>>) src(%dma_wait3A_183 : memref<128x16xf32, #tpu.memory_space<vmem_shared>>) dst(%dma_wait3A_181 : memref<128x16xf32, #tpu.memory_space<hbm>>)
      tpu.yield
    }) : () -> ()
    %add3A_173 = arith.constant 512 : i32
    %add3A_174 = arith.addi %mul3A_14, %add3A_173 : i32
    "tpu.region"() ({
      %run_scoped3A = tpu.sem_alloc : memref<!tpu.dma_semaphore, #tpu.memory_space<semaphore_mem>>
      %dma_start3A = arith.constant 0 : i32
      %dma_start3A_175 = tpu.memref_slice %arg5[%arg0, %add3A_174, %dma_start3A] : memref<2x10240x64xf32, #tpu.memory_space<hbm>> -> memref<1x128x64xf32, #tpu.memory_space<hbm>>
      %dma_start3A_176 = tpu.memref_squeeze %dma_start3A_175 : memref<1x128x64xf32, #tpu.memory_space<hbm>> -> memref<128x64xf32, #tpu.memory_space<hbm>>
      %dma_start3A_177 = arith.constant 0 : i32
      %dma_start3A_178 = tpu.memref_slice %arg17[%add3A_174, %dma_start3A_177] : memref<10240x64xf32, #tpu.memory_space<vmem_shared>> -> memref<128x64xf32, #tpu.memory_space<vmem_shared>>
      tpu.enqueue_dma source(%dma_start3A_178 : memref<128x64xf32, #tpu.memory_space<vmem_shared>>) target(%dma_start3A_176 : memref<128x64xf32, #tpu.memory_space<hbm>>) target_semaphore(%run_scoped3A : memref<!tpu.dma_semaphore, #tpu.memory_space<semaphore_mem>>)
      %dma_wait3A_179 = arith.constant 0 : i32
      %dma_wait3A_180 = tpu.memref_slice %arg5[%arg0, %add3A_174, %dma_wait3A_179] : memref<2x10240x64xf32, #tpu.memory_space<hbm>> -> memref<1x128x64xf32, #tpu.memory_space<hbm>>
      %dma_wait3A_181 = tpu.memref_squeeze %dma_wait3A_180 : memref<1x128x64xf32, #tpu.memory_space<hbm>> -> memref<128x64xf32, #tpu.memory_space<hbm>>
      %dma_wait3A_182 = arith.constant 0 : i32
      %dma_wait3A_183 = tpu.memref_slice %arg17[%add3A_174, %dma_wait3A_182] : memref<10240x64xf32, #tpu.memory_space<vmem_shared>> -> memref<128x64xf32, #tpu.memory_space<vmem_shared>>
      tpu.wait_dma2 semaphore(%run_scoped3A : memref<!tpu.dma_semaphore, #tpu.memory_space<semaphore_mem>>) src(%dma_wait3A_183 : memref<128x64xf32, #tpu.memory_space<vmem_shared>>) dst(%dma_wait3A_181 : memref<128x64xf32, #tpu.memory_space<hbm>>)
      tpu.yield
    }) : () -> ()
    "tpu.region"() ({
      %run_scoped3A = tpu.sem_alloc : memref<!tpu.dma_semaphore, #tpu.memory_space<semaphore_mem>>
      %dma_start3A = arith.constant 0 : i32
      %dma_start3A_175 = tpu.memref_slice %arg6[%arg0, %add3A_174, %dma_start3A] : memref<2x10240x16xf32, #tpu.memory_space<hbm>> -> memref<1x128x16xf32, #tpu.memory_space<hbm>>
      %dma_start3A_176 = tpu.memref_squeeze %dma_start3A_175 : memref<1x128x16xf32, #tpu.memory_space<hbm>> -> memref<128x16xf32, #tpu.memory_space<hbm>>
      %dma_start3A_177 = arith.constant 0 : i32
      %dma_start3A_178 = tpu.memref_slice %arg18[%add3A_174, %dma_start3A_177] : memref<10240x16xf32, #tpu.memory_space<vmem_shared>> -> memref<128x16xf32, #tpu.memory_space<vmem_shared>>
      tpu.enqueue_dma source(%dma_start3A_178 : memref<128x16xf32, #tpu.memory_space<vmem_shared>>) target(%dma_start3A_176 : memref<128x16xf32, #tpu.memory_space<hbm>>) target_semaphore(%run_scoped3A : memref<!tpu.dma_semaphore, #tpu.memory_space<semaphore_mem>>)
      %dma_wait3A_179 = arith.constant 0 : i32
      %dma_wait3A_180 = tpu.memref_slice %arg6[%arg0, %add3A_174, %dma_wait3A_179] : memref<2x10240x16xf32, #tpu.memory_space<hbm>> -> memref<1x128x16xf32, #tpu.memory_space<hbm>>
      %dma_wait3A_181 = tpu.memref_squeeze %dma_wait3A_180 : memref<1x128x16xf32, #tpu.memory_space<hbm>> -> memref<128x16xf32, #tpu.memory_space<hbm>>
      %dma_wait3A_182 = arith.constant 0 : i32
      %dma_wait3A_183 = tpu.memref_slice %arg18[%add3A_174, %dma_wait3A_182] : memref<10240x16xf32, #tpu.memory_space<vmem_shared>> -> memref<128x16xf32, #tpu.memory_space<vmem_shared>>
      tpu.wait_dma2 semaphore(%run_scoped3A : memref<!tpu.dma_semaphore, #tpu.memory_space<semaphore_mem>>) src(%dma_wait3A_183 : memref<128x16xf32, #tpu.memory_space<vmem_shared>>) dst(%dma_wait3A_181 : memref<128x16xf32, #tpu.memory_space<hbm>>)
      tpu.yield
    }) : () -> ()
    return
  }
}

#map = affine_map<(d0, d1) -> (0, 0)>
#map1 = affine_map<(d0, d1) -> (0, 0, 0)>
module attributes {stable_mosaic.version = 14 : i64} {
  func.func @k(%arg0: i32, %arg1: i32, %arg2: memref<10000x32xf32, #tpu.memory_space<hbm>>, %arg3: memref<16x160x125xi32, #tpu.memory_space<hbm>>, %arg4: memref<16x160x125xi32, #tpu.memory_space<hbm>>, %arg5: memref<2x10240x32xf32, #tpu.memory_space<hbm>>, %arg6: memref<80x125xi32, #tpu.memory_space<vmem>>, %arg7: memref<80x125xi32, #tpu.memory_space<vmem>>, %arg8: memref<125x32xf32, #tpu.memory_space<vmem>>, %arg9: memref<125x32xf32, #tpu.memory_space<vmem>>, %arg10: memref<125x32xf32, #tpu.memory_space<vmem>>, %arg11: memref<125x32xf32, #tpu.memory_space<vmem>>, %arg12: memref<125x32xf32, #tpu.memory_space<vmem>>, %arg13: memref<125x32xf32, #tpu.memory_space<vmem>>, %arg14: memref<125x32xf32, #tpu.memory_space<vmem>>, %arg15: memref<125x32xf32, #tpu.memory_space<vmem>>, %arg16: memref<32x32xf32, #tpu.memory_space<vmem>>, %arg17: memref<10240x32xf32, #tpu.memory_space<vmem_shared>>, %arg18: memref<!tpu.dma_semaphore, #tpu.memory_space<semaphore_mem>>, %arg19: memref<!tpu.dma_semaphore, #tpu.memory_space<semaphore_mem>>, %arg20: memref<!tpu.dma_semaphore, #tpu.memory_space<semaphore_mem>>, %arg21: memref<!tpu.dma_semaphore, #tpu.memory_space<semaphore_mem>>, %arg22: memref<!tpu.dma_semaphore, #tpu.memory_space<semaphore_mem>>, %arg23: memref<!tpu.dma_semaphore, #tpu.memory_space<semaphore_mem>>, %arg24: memref<!tpu.dma_semaphore, #tpu.memory_space<semaphore_mem>>, %arg25: memref<!tpu.dma_semaphore, #tpu.memory_space<semaphore_mem>>, %arg26: memref<!tpu.dma_semaphore, #tpu.memory_space<semaphore_mem>>, %arg27: memref<!tpu.dma_semaphore, #tpu.memory_space<semaphore_mem>>, %arg28: memref<!tpu.dma_semaphore, #tpu.memory_space<semaphore_mem>>, %arg29: memref<!tpu.dma_semaphore, #tpu.memory_space<semaphore_mem>>, %arg30: memref<!tpu.dma_semaphore, #tpu.memory_space<semaphore_mem>>, %arg31: memref<!tpu.dma_semaphore, #tpu.memory_space<semaphore_mem>>, %arg32: memref<!tpu.dma_semaphore, #tpu.memory_space<semaphore_mem>>, %arg33: memref<!tpu.dma_semaphore, #tpu.memory_space<semaphore_mem>>) attributes {dimension_semantics = [#tpu.dimension_semantics<core_parallel>, #tpu.dimension_semantics<subcore_parallel>], iteration_bounds = array<i64: 2, 16>, scalar_prefetch = 0 : i64, scratch_operands = 28 : i64, tpu.core_type = #tpu.core_type<sc_vector_subcore>, window_params = [{transform_indices = #map}, {transform_indices = #map1}, {transform_indices = #map1}, {transform_indices = #map1}]} {
    %scan3A = arith.constant 0 : i32
    %scan3A_0 = arith.constant 32 : i32
    %scan3A_1 = arith.addi %scan3A, %scan3A_0 : i32
    %scan3A_2 = arith.constant 1 : i32
    scf.for %scan3A_119 = %scan3A to %scan3A_1 step %scan3A_2  : i32 {
      %mul3A_120 = arith.constant 1 : i32
      %mul3A_121 = arith.muli %scan3A_119, %mul3A_120 : i32
      %add3A_122 = arith.constant 0 : i32
      %add3A_123 = arith.addi %add3A_122, %mul3A_121 : i32
      %scan3A_124 = arith.constant 0 : i32
      %scan3A_125 = arith.constant 2 : i32
      %scan3A_126 = arith.addi %scan3A_124, %scan3A_125 : i32
      %scan3A_127 = arith.constant 1 : i32
      scf.for %scan3A_129 = %scan3A_124 to %scan3A_126 step %scan3A_127  : i32 {
        %mul3A_130 = arith.constant 16 : i32
        %mul3A_131 = arith.muli %scan3A_129, %mul3A_130 : i32
        %add3A_132 = arith.constant 0 : i32
        %add3A_133 = arith.addi %add3A_132, %mul3A_131 : i32
        %broadcast_in_dim3A = arith.constant 0.000000e+00 : f32
        %broadcast_in_dim3A_134 = vector.broadcast %broadcast_in_dim3A : f32 to vector<16xf32>
        %swap3A = arith.index_cast %add3A_123 : i32 to index
        %swap3A_135 = arith.index_cast %add3A_133 : i32 to index
        %swap3A_136 = tpu.vector_load %arg16[%swap3A, %swap3A_135] {strides = array<i32>} : memref<32x32xf32, #tpu.memory_space<vmem>>, vector<1x16xf32>,
        %swap3A_137 = vector.shape_cast %swap3A_136 : vector<1x16xf32> to vector<16xf32>
        %swap3A_138 = vector.shape_cast %broadcast_in_dim3A_134 : vector<16xf32> to vector<1x16xf32>
        tpu.vector_store %arg16[%swap3A, %swap3A_135], %swap3A_138 {strides = array<i32>} : memref<32x32xf32, #tpu.memory_space<vmem>>, vector<1x16xf32>,
      }
      %scan3A_128 = arith.constant 2 : i32
    }
    %scan3A_3 = arith.constant 32 : i32
    %mul3A = arith.constant 640 : i32
    %mul3A_4 = arith.muli %arg1, %mul3A : i32
    %add3A = arith.constant 0 : i32
    %add3A_5 = arith.addi %mul3A_4, %add3A : i32
    "tpu.region"() ({
      %run_scoped3A = tpu.sem_alloc : memref<!tpu.dma_semaphore, #tpu.memory_space<semaphore_mem>>
      %dma_start3A = arith.constant 0 : i32
      %dma_start3A_119 = tpu.memref_slice %arg17[%add3A_5, %dma_start3A] : memref<10240x32xf32, #tpu.memory_space<vmem_shared>> -> memref<32x32xf32, #tpu.memory_space<vmem_shared>>
      %dma_start3A_120 = arith.constant 0 : i32
      %dma_start3A_121 = tpu.memref_slice %arg17[%add3A_5, %dma_start3A_120] : memref<10240x32xf32, #tpu.memory_space<vmem_shared>> -> memref<32x32xf32, #tpu.memory_space<vmem_shared>>
      tpu.enqueue_dma source(%arg16 : memref<32x32xf32, #tpu.memory_space<vmem>>) target(%dma_start3A_121 : memref<32x32xf32, #tpu.memory_space<vmem_shared>>) target_semaphore(%run_scoped3A : memref<!tpu.dma_semaphore, #tpu.memory_space<semaphore_mem>>)
      %dma_wait3A_122 = arith.constant 0 : i32
      %dma_wait3A_123 = tpu.memref_slice %arg17[%add3A_5, %dma_wait3A_122] : memref<10240x32xf32, #tpu.memory_space<vmem_shared>> -> memref<32x32xf32, #tpu.memory_space<vmem_shared>>
      %dma_wait3A_124 = arith.constant 0 : i32
      %dma_wait3A_125 = tpu.memref_slice %arg17[%add3A_5, %dma_wait3A_124] : memref<10240x32xf32, #tpu.memory_space<vmem_shared>> -> memref<32x32xf32, #tpu.memory_space<vmem_shared>>
      tpu.wait_dma2 semaphore(%run_scoped3A : memref<!tpu.dma_semaphore, #tpu.memory_space<semaphore_mem>>) src(%arg16 : memref<32x32xf32, #tpu.memory_space<vmem>>) dst(%dma_wait3A_125 : memref<32x32xf32, #tpu.memory_space<vmem_shared>>)
      tpu.yield
    }) : () -> ()
    %add3A_6 = arith.constant 32 : i32
    %add3A_7 = arith.addi %mul3A_4, %add3A_6 : i32
    "tpu.region"() ({
      %run_scoped3A = tpu.sem_alloc : memref<!tpu.dma_semaphore, #tpu.memory_space<semaphore_mem>>
      %dma_start3A = arith.constant 0 : i32
      %dma_start3A_119 = tpu.memref_slice %arg17[%add3A_7, %dma_start3A] : memref<10240x32xf32, #tpu.memory_space<vmem_shared>> -> memref<32x32xf32, #tpu.memory_space<vmem_shared>>
      %dma_start3A_120 = arith.constant 0 : i32
      %dma_start3A_121 = tpu.memref_slice %arg17[%add3A_7, %dma_start3A_120] : memref<10240x32xf32, #tpu.memory_space<vmem_shared>> -> memref<32x32xf32, #tpu.memory_space<vmem_shared>>
      tpu.enqueue_dma source(%arg16 : memref<32x32xf32, #tpu.memory_space<vmem>>) target(%dma_start3A_121 : memref<32x32xf32, #tpu.memory_space<vmem_shared>>) target_semaphore(%run_scoped3A : memref<!tpu.dma_semaphore, #tpu.memory_space<semaphore_mem>>)
      %dma_wait3A_122 = arith.constant 0 : i32
      %dma_wait3A_123 = tpu.memref_slice %arg17[%add3A_7, %dma_wait3A_122] : memref<10240x32xf32, #tpu.memory_space<vmem_shared>> -> memref<32x32xf32, #tpu.memory_space<vmem_shared>>
      %dma_wait3A_124 = arith.constant 0 : i32
      %dma_wait3A_125 = tpu.memref_slice %arg17[%add3A_7, %dma_wait3A_124] : memref<10240x32xf32, #tpu.memory_space<vmem_shared>> -> memref<32x32xf32, #tpu.memory_space<vmem_shared>>
      tpu.wait_dma2 semaphore(%run_scoped3A : memref<!tpu.dma_semaphore, #tpu.memory_space<semaphore_mem>>) src(%arg16 : memref<32x32xf32, #tpu.memory_space<vmem>>) dst(%dma_wait3A_125 : memref<32x32xf32, #tpu.memory_space<vmem_shared>>)
      tpu.yield
    }) : () -> ()
    %add3A_8 = arith.constant 64 : i32
    %add3A_9 = arith.addi %mul3A_4, %add3A_8 : i32
    "tpu.region"() ({
      %run_scoped3A = tpu.sem_alloc : memref<!tpu.dma_semaphore, #tpu.memory_space<semaphore_mem>>
      %dma_start3A = arith.constant 0 : i32
      %dma_start3A_119 = tpu.memref_slice %arg17[%add3A_9, %dma_start3A] : memref<10240x32xf32, #tpu.memory_space<vmem_shared>> -> memref<32x32xf32, #tpu.memory_space<vmem_shared>>
      %dma_start3A_120 = arith.constant 0 : i32
      %dma_start3A_121 = tpu.memref_slice %arg17[%add3A_9, %dma_start3A_120] : memref<10240x32xf32, #tpu.memory_space<vmem_shared>> -> memref<32x32xf32, #tpu.memory_space<vmem_shared>>
      tpu.enqueue_dma source(%arg16 : memref<32x32xf32, #tpu.memory_space<vmem>>) target(%dma_start3A_121 : memref<32x32xf32, #tpu.memory_space<vmem_shared>>) target_semaphore(%run_scoped3A : memref<!tpu.dma_semaphore, #tpu.memory_space<semaphore_mem>>)
      %dma_wait3A_122 = arith.constant 0 : i32
      %dma_wait3A_123 = tpu.memref_slice %arg17[%add3A_9, %dma_wait3A_122] : memref<10240x32xf32, #tpu.memory_space<vmem_shared>> -> memref<32x32xf32, #tpu.memory_space<vmem_shared>>
      %dma_wait3A_124 = arith.constant 0 : i32
      %dma_wait3A_125 = tpu.memref_slice %arg17[%add3A_9, %dma_wait3A_124] : memref<10240x32xf32, #tpu.memory_space<vmem_shared>> -> memref<32x32xf32, #tpu.memory_space<vmem_shared>>
      tpu.wait_dma2 semaphore(%run_scoped3A : memref<!tpu.dma_semaphore, #tpu.memory_space<semaphore_mem>>) src(%arg16 : memref<32x32xf32, #tpu.memory_space<vmem>>) dst(%dma_wait3A_125 : memref<32x32xf32, #tpu.memory_space<vmem_shared>>)
      tpu.yield
    }) : () -> ()
    %add3A_10 = arith.constant 96 : i32
    %add3A_11 = arith.addi %mul3A_4, %add3A_10 : i32
    "tpu.region"() ({
      %run_scoped3A = tpu.sem_alloc : memref<!tpu.dma_semaphore, #tpu.memory_space<semaphore_mem>>
      %dma_start3A = arith.constant 0 : i32
      %dma_start3A_119 = tpu.memref_slice %arg17[%add3A_11, %dma_start3A] : memref<10240x32xf32, #tpu.memory_space<vmem_shared>> -> memref<32x32xf32, #tpu.memory_space<vmem_shared>>
      %dma_start3A_120 = arith.constant 0 : i32
      %dma_start3A_121 = tpu.memref_slice %arg17[%add3A_11, %dma_start3A_120] : memref<10240x32xf32, #tpu.memory_space<vmem_shared>> -> memref<32x32xf32, #tpu.memory_space<vmem_shared>>
      tpu.enqueue_dma source(%arg16 : memref<32x32xf32, #tpu.memory_space<vmem>>) target(%dma_start3A_121 : memref<32x32xf32, #tpu.memory_space<vmem_shared>>) target_semaphore(%run_scoped3A : memref<!tpu.dma_semaphore, #tpu.memory_space<semaphore_mem>>)
      %dma_wait3A_122 = arith.constant 0 : i32
      %dma_wait3A_123 = tpu.memref_slice %arg17[%add3A_11, %dma_wait3A_122] : memref<10240x32xf32, #tpu.memory_space<vmem_shared>> -> memref<32x32xf32, #tpu.memory_space<vmem_shared>>
      %dma_wait3A_124 = arith.constant 0 : i32
      %dma_wait3A_125 = tpu.memref_slice %arg17[%add3A_11, %dma_wait3A_124] : memref<10240x32xf32, #tpu.memory_space<vmem_shared>> -> memref<32x32xf32, #tpu.memory_space<vmem_shared>>
      tpu.wait_dma2 semaphore(%run_scoped3A : memref<!tpu.dma_semaphore, #tpu.memory_space<semaphore_mem>>) src(%arg16 : memref<32x32xf32, #tpu.memory_space<vmem>>) dst(%dma_wait3A_125 : memref<32x32xf32, #tpu.memory_space<vmem_shared>>)
      tpu.yield
    }) : () -> ()
    %add3A_12 = arith.constant 128 : i32
    %add3A_13 = arith.addi %mul3A_4, %add3A_12 : i32
    "tpu.region"() ({
      %run_scoped3A = tpu.sem_alloc : memref<!tpu.dma_semaphore, #tpu.memory_space<semaphore_mem>>
      %dma_start3A = arith.constant 0 : i32
      %dma_start3A_119 = tpu.memref_slice %arg17[%add3A_13, %dma_start3A] : memref<10240x32xf32, #tpu.memory_space<vmem_shared>> -> memref<32x32xf32, #tpu.memory_space<vmem_shared>>
      %dma_start3A_120 = arith.constant 0 : i32
      %dma_start3A_121 = tpu.memref_slice %arg17[%add3A_13, %dma_start3A_120] : memref<10240x32xf32, #tpu.memory_space<vmem_shared>> -> memref<32x32xf32, #tpu.memory_space<vmem_shared>>
      tpu.enqueue_dma source(%arg16 : memref<32x32xf32, #tpu.memory_space<vmem>>) target(%dma_start3A_121 : memref<32x32xf32, #tpu.memory_space<vmem_shared>>) target_semaphore(%run_scoped3A : memref<!tpu.dma_semaphore, #tpu.memory_space<semaphore_mem>>)
      %dma_wait3A_122 = arith.constant 0 : i32
      %dma_wait3A_123 = tpu.memref_slice %arg17[%add3A_13, %dma_wait3A_122] : memref<10240x32xf32, #tpu.memory_space<vmem_shared>> -> memref<32x32xf32, #tpu.memory_space<vmem_shared>>
      %dma_wait3A_124 = arith.constant 0 : i32
      %dma_wait3A_125 = tpu.memref_slice %arg17[%add3A_13, %dma_wait3A_124] : memref<10240x32xf32, #tpu.memory_space<vmem_shared>> -> memref<32x32xf32, #tpu.memory_space<vmem_shared>>
      tpu.wait_dma2 semaphore(%run_scoped3A : memref<!tpu.dma_semaphore, #tpu.memory_space<semaphore_mem>>) src(%arg16 : memref<32x32xf32, #tpu.memory_space<vmem>>) dst(%dma_wait3A_125 : memref<32x32xf32, #tpu.memory_space<vmem_shared>>)
      tpu.yield
    }) : () -> ()
    %add3A_14 = arith.constant 160 : i32
    %add3A_15 = arith.addi %mul3A_4, %add3A_14 : i32
    "tpu.region"() ({
      %run_scoped3A = tpu.sem_alloc : memref<!tpu.dma_semaphore, #tpu.memory_space<semaphore_mem>>
      %dma_start3A = arith.constant 0 : i32
      %dma_start3A_119 = tpu.memref_slice %arg17[%add3A_15, %dma_start3A] : memref<10240x32xf32, #tpu.memory_space<vmem_shared>> -> memref<32x32xf32, #tpu.memory_space<vmem_shared>>
      %dma_start3A_120 = arith.constant 0 : i32
      %dma_start3A_121 = tpu.memref_slice %arg17[%add3A_15, %dma_start3A_120] : memref<10240x32xf32, #tpu.memory_space<vmem_shared>> -> memref<32x32xf32, #tpu.memory_space<vmem_shared>>
      tpu.enqueue_dma source(%arg16 : memref<32x32xf32, #tpu.memory_space<vmem>>) target(%dma_start3A_121 : memref<32x32xf32, #tpu.memory_space<vmem_shared>>) target_semaphore(%run_scoped3A : memref<!tpu.dma_semaphore, #tpu.memory_space<semaphore_mem>>)
      %dma_wait3A_122 = arith.constant 0 : i32
      %dma_wait3A_123 = tpu.memref_slice %arg17[%add3A_15, %dma_wait3A_122] : memref<10240x32xf32, #tpu.memory_space<vmem_shared>> -> memref<32x32xf32, #tpu.memory_space<vmem_shared>>
      %dma_wait3A_124 = arith.constant 0 : i32
      %dma_wait3A_125 = tpu.memref_slice %arg17[%add3A_15, %dma_wait3A_124] : memref<10240x32xf32, #tpu.memory_space<vmem_shared>> -> memref<32x32xf32, #tpu.memory_space<vmem_shared>>
      tpu.wait_dma2 semaphore(%run_scoped3A : memref<!tpu.dma_semaphore, #tpu.memory_space<semaphore_mem>>) src(%arg16 : memref<32x32xf32, #tpu.memory_space<vmem>>) dst(%dma_wait3A_125 : memref<32x32xf32, #tpu.memory_space<vmem_shared>>)
      tpu.yield
    }) : () -> ()
    %add3A_16 = arith.constant 192 : i32
    %add3A_17 = arith.addi %mul3A_4, %add3A_16 : i32
    "tpu.region"() ({
      %run_scoped3A = tpu.sem_alloc : memref<!tpu.dma_semaphore, #tpu.memory_space<semaphore_mem>>
      %dma_start3A = arith.constant 0 : i32
      %dma_start3A_119 = tpu.memref_slice %arg17[%add3A_17, %dma_start3A] : memref<10240x32xf32, #tpu.memory_space<vmem_shared>> -> memref<32x32xf32, #tpu.memory_space<vmem_shared>>
      %dma_start3A_120 = arith.constant 0 : i32
      %dma_start3A_121 = tpu.memref_slice %arg17[%add3A_17, %dma_start3A_120] : memref<10240x32xf32, #tpu.memory_space<vmem_shared>> -> memref<32x32xf32, #tpu.memory_space<vmem_shared>>
      tpu.enqueue_dma source(%arg16 : memref<32x32xf32, #tpu.memory_space<vmem>>) target(%dma_start3A_121 : memref<32x32xf32, #tpu.memory_space<vmem_shared>>) target_semaphore(%run_scoped3A : memref<!tpu.dma_semaphore, #tpu.memory_space<semaphore_mem>>)
      %dma_wait3A_122 = arith.constant 0 : i32
      %dma_wait3A_123 = tpu.memref_slice %arg17[%add3A_17, %dma_wait3A_122] : memref<10240x32xf32, #tpu.memory_space<vmem_shared>> -> memref<32x32xf32, #tpu.memory_space<vmem_shared>>
      %dma_wait3A_124 = arith.constant 0 : i32
      %dma_wait3A_125 = tpu.memref_slice %arg17[%add3A_17, %dma_wait3A_124] : memref<10240x32xf32, #tpu.memory_space<vmem_shared>> -> memref<32x32xf32, #tpu.memory_space<vmem_shared>>
      tpu.wait_dma2 semaphore(%run_scoped3A : memref<!tpu.dma_semaphore, #tpu.memory_space<semaphore_mem>>) src(%arg16 : memref<32x32xf32, #tpu.memory_space<vmem>>) dst(%dma_wait3A_125 : memref<32x32xf32, #tpu.memory_space<vmem_shared>>)
      tpu.yield
    }) : () -> ()
    %add3A_18 = arith.constant 224 : i32
    %add3A_19 = arith.addi %mul3A_4, %add3A_18 : i32
    "tpu.region"() ({
      %run_scoped3A = tpu.sem_alloc : memref<!tpu.dma_semaphore, #tpu.memory_space<semaphore_mem>>
      %dma_start3A = arith.constant 0 : i32
      %dma_start3A_119 = tpu.memref_slice %arg17[%add3A_19, %dma_start3A] : memref<10240x32xf32, #tpu.memory_space<vmem_shared>> -> memref<32x32xf32, #tpu.memory_space<vmem_shared>>
      %dma_start3A_120 = arith.constant 0 : i32
      %dma_start3A_121 = tpu.memref_slice %arg17[%add3A_19, %dma_start3A_120] : memref<10240x32xf32, #tpu.memory_space<vmem_shared>> -> memref<32x32xf32, #tpu.memory_space<vmem_shared>>
      tpu.enqueue_dma source(%arg16 : memref<32x32xf32, #tpu.memory_space<vmem>>) target(%dma_start3A_121 : memref<32x32xf32, #tpu.memory_space<vmem_shared>>) target_semaphore(%run_scoped3A : memref<!tpu.dma_semaphore, #tpu.memory_space<semaphore_mem>>)
      %dma_wait3A_122 = arith.constant 0 : i32
      %dma_wait3A_123 = tpu.memref_slice %arg17[%add3A_19, %dma_wait3A_122] : memref<10240x32xf32, #tpu.memory_space<vmem_shared>> -> memref<32x32xf32, #tpu.memory_space<vmem_shared>>
      %dma_wait3A_124 = arith.constant 0 : i32
      %dma_wait3A_125 = tpu.memref_slice %arg17[%add3A_19, %dma_wait3A_124] : memref<10240x32xf32, #tpu.memory_space<vmem_shared>> -> memref<32x32xf32, #tpu.memory_space<vmem_shared>>
      tpu.wait_dma2 semaphore(%run_scoped3A : memref<!tpu.dma_semaphore, #tpu.memory_space<semaphore_mem>>) src(%arg16 : memref<32x32xf32, #tpu.memory_space<vmem>>) dst(%dma_wait3A_125 : memref<32x32xf32, #tpu.memory_space<vmem_shared>>)
      tpu.yield
    }) : () -> ()
    %add3A_20 = arith.constant 256 : i32
    %add3A_21 = arith.addi %mul3A_4, %add3A_20 : i32
    "tpu.region"() ({
      %run_scoped3A = tpu.sem_alloc : memref<!tpu.dma_semaphore, #tpu.memory_space<semaphore_mem>>
      %dma_start3A = arith.constant 0 : i32
      %dma_start3A_119 = tpu.memref_slice %arg17[%add3A_21, %dma_start3A] : memref<10240x32xf32, #tpu.memory_space<vmem_shared>> -> memref<32x32xf32, #tpu.memory_space<vmem_shared>>
      %dma_start3A_120 = arith.constant 0 : i32
      %dma_start3A_121 = tpu.memref_slice %arg17[%add3A_21, %dma_start3A_120] : memref<10240x32xf32, #tpu.memory_space<vmem_shared>> -> memref<32x32xf32, #tpu.memory_space<vmem_shared>>
      tpu.enqueue_dma source(%arg16 : memref<32x32xf32, #tpu.memory_space<vmem>>) target(%dma_start3A_121 : memref<32x32xf32, #tpu.memory_space<vmem_shared>>) target_semaphore(%run_scoped3A : memref<!tpu.dma_semaphore, #tpu.memory_space<semaphore_mem>>)
      %dma_wait3A_122 = arith.constant 0 : i32
      %dma_wait3A_123 = tpu.memref_slice %arg17[%add3A_21, %dma_wait3A_122] : memref<10240x32xf32, #tpu.memory_space<vmem_shared>> -> memref<32x32xf32, #tpu.memory_space<vmem_shared>>
      %dma_wait3A_124 = arith.constant 0 : i32
      %dma_wait3A_125 = tpu.memref_slice %arg17[%add3A_21, %dma_wait3A_124] : memref<10240x32xf32, #tpu.memory_space<vmem_shared>> -> memref<32x32xf32, #tpu.memory_space<vmem_shared>>
      tpu.wait_dma2 semaphore(%run_scoped3A : memref<!tpu.dma_semaphore, #tpu.memory_space<semaphore_mem>>) src(%arg16 : memref<32x32xf32, #tpu.memory_space<vmem>>) dst(%dma_wait3A_125 : memref<32x32xf32, #tpu.memory_space<vmem_shared>>)
      tpu.yield
    }) : () -> ()
    %add3A_22 = arith.constant 288 : i32
    %add3A_23 = arith.addi %mul3A_4, %add3A_22 : i32
    "tpu.region"() ({
      %run_scoped3A = tpu.sem_alloc : memref<!tpu.dma_semaphore, #tpu.memory_space<semaphore_mem>>
      %dma_start3A = arith.constant 0 : i32
      %dma_start3A_119 = tpu.memref_slice %arg17[%add3A_23, %dma_start3A] : memref<10240x32xf32, #tpu.memory_space<vmem_shared>> -> memref<32x32xf32, #tpu.memory_space<vmem_shared>>
      %dma_start3A_120 = arith.constant 0 : i32
      %dma_start3A_121 = tpu.memref_slice %arg17[%add3A_23, %dma_start3A_120] : memref<10240x32xf32, #tpu.memory_space<vmem_shared>> -> memref<32x32xf32, #tpu.memory_space<vmem_shared>>
      tpu.enqueue_dma source(%arg16 : memref<32x32xf32, #tpu.memory_space<vmem>>) target(%dma_start3A_121 : memref<32x32xf32, #tpu.memory_space<vmem_shared>>) target_semaphore(%run_scoped3A : memref<!tpu.dma_semaphore, #tpu.memory_space<semaphore_mem>>)
      %dma_wait3A_122 = arith.constant 0 : i32
      %dma_wait3A_123 = tpu.memref_slice %arg17[%add3A_23, %dma_wait3A_122] : memref<10240x32xf32, #tpu.memory_space<vmem_shared>> -> memref<32x32xf32, #tpu.memory_space<vmem_shared>>
      %dma_wait3A_124 = arith.constant 0 : i32
      %dma_wait3A_125 = tpu.memref_slice %arg17[%add3A_23, %dma_wait3A_124] : memref<10240x32xf32, #tpu.memory_space<vmem_shared>> -> memref<32x32xf32, #tpu.memory_space<vmem_shared>>
      tpu.wait_dma2 semaphore(%run_scoped3A : memref<!tpu.dma_semaphore, #tpu.memory_space<semaphore_mem>>) src(%arg16 : memref<32x32xf32, #tpu.memory_space<vmem>>) dst(%dma_wait3A_125 : memref<32x32xf32, #tpu.memory_space<vmem_shared>>)
      tpu.yield
    }) : () -> ()
    %add3A_24 = arith.constant 320 : i32
    %add3A_25 = arith.addi %mul3A_4, %add3A_24 : i32
    "tpu.region"() ({
      %run_scoped3A = tpu.sem_alloc : memref<!tpu.dma_semaphore, #tpu.memory_space<semaphore_mem>>
      %dma_start3A = arith.constant 0 : i32
      %dma_start3A_119 = tpu.memref_slice %arg17[%add3A_25, %dma_start3A] : memref<10240x32xf32, #tpu.memory_space<vmem_shared>> -> memref<32x32xf32, #tpu.memory_space<vmem_shared>>
      %dma_start3A_120 = arith.constant 0 : i32
      %dma_start3A_121 = tpu.memref_slice %arg17[%add3A_25, %dma_start3A_120] : memref<10240x32xf32, #tpu.memory_space<vmem_shared>> -> memref<32x32xf32, #tpu.memory_space<vmem_shared>>
      tpu.enqueue_dma source(%arg16 : memref<32x32xf32, #tpu.memory_space<vmem>>) target(%dma_start3A_121 : memref<32x32xf32, #tpu.memory_space<vmem_shared>>) target_semaphore(%run_scoped3A : memref<!tpu.dma_semaphore, #tpu.memory_space<semaphore_mem>>)
      %dma_wait3A_122 = arith.constant 0 : i32
      %dma_wait3A_123 = tpu.memref_slice %arg17[%add3A_25, %dma_wait3A_122] : memref<10240x32xf32, #tpu.memory_space<vmem_shared>> -> memref<32x32xf32, #tpu.memory_space<vmem_shared>>
      %dma_wait3A_124 = arith.constant 0 : i32
      %dma_wait3A_125 = tpu.memref_slice %arg17[%add3A_25, %dma_wait3A_124] : memref<10240x32xf32, #tpu.memory_space<vmem_shared>> -> memref<32x32xf32, #tpu.memory_space<vmem_shared>>
      tpu.wait_dma2 semaphore(%run_scoped3A : memref<!tpu.dma_semaphore, #tpu.memory_space<semaphore_mem>>) src(%arg16 : memref<32x32xf32, #tpu.memory_space<vmem>>) dst(%dma_wait3A_125 : memref<32x32xf32, #tpu.memory_space<vmem_shared>>)
      tpu.yield
    }) : () -> ()
    %add3A_26 = arith.constant 352 : i32
    %add3A_27 = arith.addi %mul3A_4, %add3A_26 : i32
    "tpu.region"() ({
      %run_scoped3A = tpu.sem_alloc : memref<!tpu.dma_semaphore, #tpu.memory_space<semaphore_mem>>
      %dma_start3A = arith.constant 0 : i32
      %dma_start3A_119 = tpu.memref_slice %arg17[%add3A_27, %dma_start3A] : memref<10240x32xf32, #tpu.memory_space<vmem_shared>> -> memref<32x32xf32, #tpu.memory_space<vmem_shared>>
      %dma_start3A_120 = arith.constant 0 : i32
      %dma_start3A_121 = tpu.memref_slice %arg17[%add3A_27, %dma_start3A_120] : memref<10240x32xf32, #tpu.memory_space<vmem_shared>> -> memref<32x32xf32, #tpu.memory_space<vmem_shared>>
      tpu.enqueue_dma source(%arg16 : memref<32x32xf32, #tpu.memory_space<vmem>>) target(%dma_start3A_121 : memref<32x32xf32, #tpu.memory_space<vmem_shared>>) target_semaphore(%run_scoped3A : memref<!tpu.dma_semaphore, #tpu.memory_space<semaphore_mem>>)
      %dma_wait3A_122 = arith.constant 0 : i32
      %dma_wait3A_123 = tpu.memref_slice %arg17[%add3A_27, %dma_wait3A_122] : memref<10240x32xf32, #tpu.memory_space<vmem_shared>> -> memref<32x32xf32, #tpu.memory_space<vmem_shared>>
      %dma_wait3A_124 = arith.constant 0 : i32
      %dma_wait3A_125 = tpu.memref_slice %arg17[%add3A_27, %dma_wait3A_124] : memref<10240x32xf32, #tpu.memory_space<vmem_shared>> -> memref<32x32xf32, #tpu.memory_space<vmem_shared>>
      tpu.wait_dma2 semaphore(%run_scoped3A : memref<!tpu.dma_semaphore, #tpu.memory_space<semaphore_mem>>) src(%arg16 : memref<32x32xf32, #tpu.memory_space<vmem>>) dst(%dma_wait3A_125 : memref<32x32xf32, #tpu.memory_space<vmem_shared>>)
      tpu.yield
    }) : () -> ()
    %add3A_28 = arith.constant 384 : i32
    %add3A_29 = arith.addi %mul3A_4, %add3A_28 : i32
    "tpu.region"() ({
      %run_scoped3A = tpu.sem_alloc : memref<!tpu.dma_semaphore, #tpu.memory_space<semaphore_mem>>
      %dma_start3A = arith.constant 0 : i32
      %dma_start3A_119 = tpu.memref_slice %arg17[%add3A_29, %dma_start3A] : memref<10240x32xf32, #tpu.memory_space<vmem_shared>> -> memref<32x32xf32, #tpu.memory_space<vmem_shared>>
      %dma_start3A_120 = arith.constant 0 : i32
      %dma_start3A_121 = tpu.memref_slice %arg17[%add3A_29, %dma_start3A_120] : memref<10240x32xf32, #tpu.memory_space<vmem_shared>> -> memref<32x32xf32, #tpu.memory_space<vmem_shared>>
      tpu.enqueue_dma source(%arg16 : memref<32x32xf32, #tpu.memory_space<vmem>>) target(%dma_start3A_121 : memref<32x32xf32, #tpu.memory_space<vmem_shared>>) target_semaphore(%run_scoped3A : memref<!tpu.dma_semaphore, #tpu.memory_space<semaphore_mem>>)
      %dma_wait3A_122 = arith.constant 0 : i32
      %dma_wait3A_123 = tpu.memref_slice %arg17[%add3A_29, %dma_wait3A_122] : memref<10240x32xf32, #tpu.memory_space<vmem_shared>> -> memref<32x32xf32, #tpu.memory_space<vmem_shared>>
      %dma_wait3A_124 = arith.constant 0 : i32
      %dma_wait3A_125 = tpu.memref_slice %arg17[%add3A_29, %dma_wait3A_124] : memref<10240x32xf32, #tpu.memory_space<vmem_shared>> -> memref<32x32xf32, #tpu.memory_space<vmem_shared>>
      tpu.wait_dma2 semaphore(%run_scoped3A : memref<!tpu.dma_semaphore, #tpu.memory_space<semaphore_mem>>) src(%arg16 : memref<32x32xf32, #tpu.memory_space<vmem>>) dst(%dma_wait3A_125 : memref<32x32xf32, #tpu.memory_space<vmem_shared>>)
      tpu.yield
    }) : () -> ()
    %add3A_30 = arith.constant 416 : i32
    %add3A_31 = arith.addi %mul3A_4, %add3A_30 : i32
    "tpu.region"() ({
      %run_scoped3A = tpu.sem_alloc : memref<!tpu.dma_semaphore, #tpu.memory_space<semaphore_mem>>
      %dma_start3A = arith.constant 0 : i32
      %dma_start3A_119 = tpu.memref_slice %arg17[%add3A_31, %dma_start3A] : memref<10240x32xf32, #tpu.memory_space<vmem_shared>> -> memref<32x32xf32, #tpu.memory_space<vmem_shared>>
      %dma_start3A_120 = arith.constant 0 : i32
      %dma_start3A_121 = tpu.memref_slice %arg17[%add3A_31, %dma_start3A_120] : memref<10240x32xf32, #tpu.memory_space<vmem_shared>> -> memref<32x32xf32, #tpu.memory_space<vmem_shared>>
      tpu.enqueue_dma source(%arg16 : memref<32x32xf32, #tpu.memory_space<vmem>>) target(%dma_start3A_121 : memref<32x32xf32, #tpu.memory_space<vmem_shared>>) target_semaphore(%run_scoped3A : memref<!tpu.dma_semaphore, #tpu.memory_space<semaphore_mem>>)
      %dma_wait3A_122 = arith.constant 0 : i32
      %dma_wait3A_123 = tpu.memref_slice %arg17[%add3A_31, %dma_wait3A_122] : memref<10240x32xf32, #tpu.memory_space<vmem_shared>> -> memref<32x32xf32, #tpu.memory_space<vmem_shared>>
      %dma_wait3A_124 = arith.constant 0 : i32
      %dma_wait3A_125 = tpu.memref_slice %arg17[%add3A_31, %dma_wait3A_124] : memref<10240x32xf32, #tpu.memory_space<vmem_shared>> -> memref<32x32xf32, #tpu.memory_space<vmem_shared>>
      tpu.wait_dma2 semaphore(%run_scoped3A : memref<!tpu.dma_semaphore, #tpu.memory_space<semaphore_mem>>) src(%arg16 : memref<32x32xf32, #tpu.memory_space<vmem>>) dst(%dma_wait3A_125 : memref<32x32xf32, #tpu.memory_space<vmem_shared>>)
      tpu.yield
    }) : () -> ()
    %add3A_32 = arith.constant 448 : i32
    %add3A_33 = arith.addi %mul3A_4, %add3A_32 : i32
    "tpu.region"() ({
      %run_scoped3A = tpu.sem_alloc : memref<!tpu.dma_semaphore, #tpu.memory_space<semaphore_mem>>
      %dma_start3A = arith.constant 0 : i32
      %dma_start3A_119 = tpu.memref_slice %arg17[%add3A_33, %dma_start3A] : memref<10240x32xf32, #tpu.memory_space<vmem_shared>> -> memref<32x32xf32, #tpu.memory_space<vmem_shared>>
      %dma_start3A_120 = arith.constant 0 : i32
      %dma_start3A_121 = tpu.memref_slice %arg17[%add3A_33, %dma_start3A_120] : memref<10240x32xf32, #tpu.memory_space<vmem_shared>> -> memref<32x32xf32, #tpu.memory_space<vmem_shared>>
      tpu.enqueue_dma source(%arg16 : memref<32x32xf32, #tpu.memory_space<vmem>>) target(%dma_start3A_121 : memref<32x32xf32, #tpu.memory_space<vmem_shared>>) target_semaphore(%run_scoped3A : memref<!tpu.dma_semaphore, #tpu.memory_space<semaphore_mem>>)
      %dma_wait3A_122 = arith.constant 0 : i32
      %dma_wait3A_123 = tpu.memref_slice %arg17[%add3A_33, %dma_wait3A_122] : memref<10240x32xf32, #tpu.memory_space<vmem_shared>> -> memref<32x32xf32, #tpu.memory_space<vmem_shared>>
      %dma_wait3A_124 = arith.constant 0 : i32
      %dma_wait3A_125 = tpu.memref_slice %arg17[%add3A_33, %dma_wait3A_124] : memref<10240x32xf32, #tpu.memory_space<vmem_shared>> -> memref<32x32xf32, #tpu.memory_space<vmem_shared>>
      tpu.wait_dma2 semaphore(%run_scoped3A : memref<!tpu.dma_semaphore, #tpu.memory_space<semaphore_mem>>) src(%arg16 : memref<32x32xf32, #tpu.memory_space<vmem>>) dst(%dma_wait3A_125 : memref<32x32xf32, #tpu.memory_space<vmem_shared>>)
      tpu.yield
    }) : () -> ()
    %add3A_34 = arith.constant 480 : i32
    %add3A_35 = arith.addi %mul3A_4, %add3A_34 : i32
    "tpu.region"() ({
      %run_scoped3A = tpu.sem_alloc : memref<!tpu.dma_semaphore, #tpu.memory_space<semaphore_mem>>
      %dma_start3A = arith.constant 0 : i32
      %dma_start3A_119 = tpu.memref_slice %arg17[%add3A_35, %dma_start3A] : memref<10240x32xf32, #tpu.memory_space<vmem_shared>> -> memref<32x32xf32, #tpu.memory_space<vmem_shared>>
      %dma_start3A_120 = arith.constant 0 : i32
      %dma_start3A_121 = tpu.memref_slice %arg17[%add3A_35, %dma_start3A_120] : memref<10240x32xf32, #tpu.memory_space<vmem_shared>> -> memref<32x32xf32, #tpu.memory_space<vmem_shared>>
      tpu.enqueue_dma source(%arg16 : memref<32x32xf32, #tpu.memory_space<vmem>>) target(%dma_start3A_121 : memref<32x32xf32, #tpu.memory_space<vmem_shared>>) target_semaphore(%run_scoped3A : memref<!tpu.dma_semaphore, #tpu.memory_space<semaphore_mem>>)
      %dma_wait3A_122 = arith.constant 0 : i32
      %dma_wait3A_123 = tpu.memref_slice %arg17[%add3A_35, %dma_wait3A_122] : memref<10240x32xf32, #tpu.memory_space<vmem_shared>> -> memref<32x32xf32, #tpu.memory_space<vmem_shared>>
      %dma_wait3A_124 = arith.constant 0 : i32
      %dma_wait3A_125 = tpu.memref_slice %arg17[%add3A_35, %dma_wait3A_124] : memref<10240x32xf32, #tpu.memory_space<vmem_shared>> -> memref<32x32xf32, #tpu.memory_space<vmem_shared>>
      tpu.wait_dma2 semaphore(%run_scoped3A : memref<!tpu.dma_semaphore, #tpu.memory_space<semaphore_mem>>) src(%arg16 : memref<32x32xf32, #tpu.memory_space<vmem>>) dst(%dma_wait3A_125 : memref<32x32xf32, #tpu.memory_space<vmem_shared>>)
      tpu.yield
    }) : () -> ()
    %add3A_36 = arith.constant 512 : i32
    %add3A_37 = arith.addi %mul3A_4, %add3A_36 : i32
    "tpu.region"() ({
      %run_scoped3A = tpu.sem_alloc : memref<!tpu.dma_semaphore, #tpu.memory_space<semaphore_mem>>
      %dma_start3A = arith.constant 0 : i32
      %dma_start3A_119 = tpu.memref_slice %arg17[%add3A_37, %dma_start3A] : memref<10240x32xf32, #tpu.memory_space<vmem_shared>> -> memref<32x32xf32, #tpu.memory_space<vmem_shared>>
      %dma_start3A_120 = arith.constant 0 : i32
      %dma_start3A_121 = tpu.memref_slice %arg17[%add3A_37, %dma_start3A_120] : memref<10240x32xf32, #tpu.memory_space<vmem_shared>> -> memref<32x32xf32, #tpu.memory_space<vmem_shared>>
      tpu.enqueue_dma source(%arg16 : memref<32x32xf32, #tpu.memory_space<vmem>>) target(%dma_start3A_121 : memref<32x32xf32, #tpu.memory_space<vmem_shared>>) target_semaphore(%run_scoped3A : memref<!tpu.dma_semaphore, #tpu.memory_space<semaphore_mem>>)
      %dma_wait3A_122 = arith.constant 0 : i32
      %dma_wait3A_123 = tpu.memref_slice %arg17[%add3A_37, %dma_wait3A_122] : memref<10240x32xf32, #tpu.memory_space<vmem_shared>> -> memref<32x32xf32, #tpu.memory_space<vmem_shared>>
      %dma_wait3A_124 = arith.constant 0 : i32
      %dma_wait3A_125 = tpu.memref_slice %arg17[%add3A_37, %dma_wait3A_124] : memref<10240x32xf32, #tpu.memory_space<vmem_shared>> -> memref<32x32xf32, #tpu.memory_space<vmem_shared>>
      tpu.wait_dma2 semaphore(%run_scoped3A : memref<!tpu.dma_semaphore, #tpu.memory_space<semaphore_mem>>) src(%arg16 : memref<32x32xf32, #tpu.memory_space<vmem>>) dst(%dma_wait3A_125 : memref<32x32xf32, #tpu.memory_space<vmem_shared>>)
      tpu.yield
    }) : () -> ()
    %add3A_38 = arith.constant 544 : i32
    %add3A_39 = arith.addi %mul3A_4, %add3A_38 : i32
    "tpu.region"() ({
      %run_scoped3A = tpu.sem_alloc : memref<!tpu.dma_semaphore, #tpu.memory_space<semaphore_mem>>
      %dma_start3A = arith.constant 0 : i32
      %dma_start3A_119 = tpu.memref_slice %arg17[%add3A_39, %dma_start3A] : memref<10240x32xf32, #tpu.memory_space<vmem_shared>> -> memref<32x32xf32, #tpu.memory_space<vmem_shared>>
      %dma_start3A_120 = arith.constant 0 : i32
      %dma_start3A_121 = tpu.memref_slice %arg17[%add3A_39, %dma_start3A_120] : memref<10240x32xf32, #tpu.memory_space<vmem_shared>> -> memref<32x32xf32, #tpu.memory_space<vmem_shared>>
      tpu.enqueue_dma source(%arg16 : memref<32x32xf32, #tpu.memory_space<vmem>>) target(%dma_start3A_121 : memref<32x32xf32, #tpu.memory_space<vmem_shared>>) target_semaphore(%run_scoped3A : memref<!tpu.dma_semaphore, #tpu.memory_space<semaphore_mem>>)
      %dma_wait3A_122 = arith.constant 0 : i32
      %dma_wait3A_123 = tpu.memref_slice %arg17[%add3A_39, %dma_wait3A_122] : memref<10240x32xf32, #tpu.memory_space<vmem_shared>> -> memref<32x32xf32, #tpu.memory_space<vmem_shared>>
      %dma_wait3A_124 = arith.constant 0 : i32
      %dma_wait3A_125 = tpu.memref_slice %arg17[%add3A_39, %dma_wait3A_124] : memref<10240x32xf32, #tpu.memory_space<vmem_shared>> -> memref<32x32xf32, #tpu.memory_space<vmem_shared>>
      tpu.wait_dma2 semaphore(%run_scoped3A : memref<!tpu.dma_semaphore, #tpu.memory_space<semaphore_mem>>) src(%arg16 : memref<32x32xf32, #tpu.memory_space<vmem>>) dst(%dma_wait3A_125 : memref<32x32xf32, #tpu.memory_space<vmem_shared>>)
      tpu.yield
    }) : () -> ()
    %add3A_40 = arith.constant 576 : i32
    %add3A_41 = arith.addi %mul3A_4, %add3A_40 : i32
    "tpu.region"() ({
      %run_scoped3A = tpu.sem_alloc : memref<!tpu.dma_semaphore, #tpu.memory_space<semaphore_mem>>
      %dma_start3A = arith.constant 0 : i32
      %dma_start3A_119 = tpu.memref_slice %arg17[%add3A_41, %dma_start3A] : memref<10240x32xf32, #tpu.memory_space<vmem_shared>> -> memref<32x32xf32, #tpu.memory_space<vmem_shared>>
      %dma_start3A_120 = arith.constant 0 : i32
      %dma_start3A_121 = tpu.memref_slice %arg17[%add3A_41, %dma_start3A_120] : memref<10240x32xf32, #tpu.memory_space<vmem_shared>> -> memref<32x32xf32, #tpu.memory_space<vmem_shared>>
      tpu.enqueue_dma source(%arg16 : memref<32x32xf32, #tpu.memory_space<vmem>>) target(%dma_start3A_121 : memref<32x32xf32, #tpu.memory_space<vmem_shared>>) target_semaphore(%run_scoped3A : memref<!tpu.dma_semaphore, #tpu.memory_space<semaphore_mem>>)
      %dma_wait3A_122 = arith.constant 0 : i32
      %dma_wait3A_123 = tpu.memref_slice %arg17[%add3A_41, %dma_wait3A_122] : memref<10240x32xf32, #tpu.memory_space<vmem_shared>> -> memref<32x32xf32, #tpu.memory_space<vmem_shared>>
      %dma_wait3A_124 = arith.constant 0 : i32
      %dma_wait3A_125 = tpu.memref_slice %arg17[%add3A_41, %dma_wait3A_124] : memref<10240x32xf32, #tpu.memory_space<vmem_shared>> -> memref<32x32xf32, #tpu.memory_space<vmem_shared>>
      tpu.wait_dma2 semaphore(%run_scoped3A : memref<!tpu.dma_semaphore, #tpu.memory_space<semaphore_mem>>) src(%arg16 : memref<32x32xf32, #tpu.memory_space<vmem>>) dst(%dma_wait3A_125 : memref<32x32xf32, #tpu.memory_space<vmem_shared>>)
      tpu.yield
    }) : () -> ()
    %add3A_42 = arith.constant 608 : i32
    %add3A_43 = arith.addi %mul3A_4, %add3A_42 : i32
    "tpu.region"() ({
      %run_scoped3A = tpu.sem_alloc : memref<!tpu.dma_semaphore, #tpu.memory_space<semaphore_mem>>
      %dma_start3A = arith.constant 0 : i32
      %dma_start3A_119 = tpu.memref_slice %arg17[%add3A_43, %dma_start3A] : memref<10240x32xf32, #tpu.memory_space<vmem_shared>> -> memref<32x32xf32, #tpu.memory_space<vmem_shared>>
      %dma_start3A_120 = arith.constant 0 : i32
      %dma_start3A_121 = tpu.memref_slice %arg17[%add3A_43, %dma_start3A_120] : memref<10240x32xf32, #tpu.memory_space<vmem_shared>> -> memref<32x32xf32, #tpu.memory_space<vmem_shared>>
      tpu.enqueue_dma source(%arg16 : memref<32x32xf32, #tpu.memory_space<vmem>>) target(%dma_start3A_121 : memref<32x32xf32, #tpu.memory_space<vmem_shared>>) target_semaphore(%run_scoped3A : memref<!tpu.dma_semaphore, #tpu.memory_space<semaphore_mem>>)
      %dma_wait3A_122 = arith.constant 0 : i32
      %dma_wait3A_123 = tpu.memref_slice %arg17[%add3A_43, %dma_wait3A_122] : memref<10240x32xf32, #tpu.memory_space<vmem_shared>> -> memref<32x32xf32, #tpu.memory_space<vmem_shared>>
      %dma_wait3A_124 = arith.constant 0 : i32
      %dma_wait3A_125 = tpu.memref_slice %arg17[%add3A_43, %dma_wait3A_124] : memref<10240x32xf32, #tpu.memory_space<vmem_shared>> -> memref<32x32xf32, #tpu.memory_space<vmem_shared>>
      tpu.wait_dma2 semaphore(%run_scoped3A : memref<!tpu.dma_semaphore, #tpu.memory_space<semaphore_mem>>) src(%arg16 : memref<32x32xf32, #tpu.memory_space<vmem>>) dst(%dma_wait3A_125 : memref<32x32xf32, #tpu.memory_space<vmem_shared>>)
      tpu.yield
    }) : () -> ()
    %barrier3A = arith.constant 0 : index
    tpu.barrier barrier_id(%barrier3A)
    %mul3A_44 = arith.constant 80 : i32
    %mul3A_45 = arith.muli %arg0, %mul3A_44 : i32
    "tpu.region"() ({
      %run_scoped3A = tpu.sem_alloc : memref<!tpu.dma_semaphore, #tpu.memory_space<semaphore_mem>>
      %dma_start3A = arith.constant 0 : i32
      %dma_start3A_119 = tpu.memref_slice %arg3[%arg1, %mul3A_45, %dma_start3A] : memref<16x160x125xi32, #tpu.memory_space<hbm>> -> memref<1x80x125xi32, #tpu.memory_space<hbm>>
      %dma_start3A_120 = tpu.memref_squeeze %dma_start3A_119 : memref<1x80x125xi32, #tpu.memory_space<hbm>> -> memref<80x125xi32, #tpu.memory_space<hbm>>
      %dma_start3A_121 = arith.constant 0 : i32
      %dma_start3A_122 = tpu.memref_slice %arg3[%arg1, %mul3A_45, %dma_start3A_121] : memref<16x160x125xi32, #tpu.memory_space<hbm>> -> memref<1x80x125xi32, #tpu.memory_space<hbm>>
      %dma_start3A_123 = tpu.memref_squeeze %dma_start3A_122 : memref<1x80x125xi32, #tpu.memory_space<hbm>> -> memref<80x125xi32, #tpu.memory_space<hbm>>
      tpu.enqueue_dma source(%dma_start3A_123 : memref<80x125xi32, #tpu.memory_space<hbm>>) target(%arg6 : memref<80x125xi32, #tpu.memory_space<vmem>>) target_semaphore(%run_scoped3A : memref<!tpu.dma_semaphore, #tpu.memory_space<semaphore_mem>>)
      %dma_wait3A_124 = arith.constant 0 : i32
      %dma_wait3A_125 = tpu.memref_slice %arg3[%arg1, %mul3A_45, %dma_wait3A_124] : memref<16x160x125xi32, #tpu.memory_space<hbm>> -> memref<1x80x125xi32, #tpu.memory_space<hbm>>
      %dma_wait3A_126 = tpu.memref_squeeze %dma_wait3A_125 : memref<1x80x125xi32, #tpu.memory_space<hbm>> -> memref<80x125xi32, #tpu.memory_space<hbm>>
      %dma_wait3A_127 = arith.constant 0 : i32
      %dma_wait3A_128 = tpu.memref_slice %arg3[%arg1, %mul3A_45, %dma_wait3A_127] : memref<16x160x125xi32, #tpu.memory_space<hbm>> -> memref<1x80x125xi32, #tpu.memory_space<hbm>>
      %dma_wait3A_129 = tpu.memref_squeeze %dma_wait3A_128 : memref<1x80x125xi32, #tpu.memory_space<hbm>> -> memref<80x125xi32, #tpu.memory_space<hbm>>
      tpu.wait_dma2 semaphore(%run_scoped3A : memref<!tpu.dma_semaphore, #tpu.memory_space<semaphore_mem>>) src(%dma_wait3A_129 : memref<80x125xi32, #tpu.memory_space<hbm>>) dst(%arg6 : memref<80x125xi32, #tpu.memory_space<vmem>>)
      tpu.yield
    }) : () -> ()
    %mul3A_46 = arith.constant 80 : i32
    %mul3A_47 = arith.muli %arg0, %mul3A_46 : i32
    "tpu.region"() ({
      %run_scoped3A = tpu.sem_alloc : memref<!tpu.dma_semaphore, #tpu.memory_space<semaphore_mem>>
      %dma_start3A = arith.constant 0 : i32
      %dma_start3A_119 = tpu.memref_slice %arg4[%arg1, %mul3A_47, %dma_start3A] : memref<16x160x125xi32, #tpu.memory_space<hbm>> -> memref<1x80x125xi32, #tpu.memory_space<hbm>>
      %dma_start3A_120 = tpu.memref_squeeze %dma_start3A_119 : memref<1x80x125xi32, #tpu.memory_space<hbm>> -> memref<80x125xi32, #tpu.memory_space<hbm>>
      %dma_start3A_121 = arith.constant 0 : i32
      %dma_start3A_122 = tpu.memref_slice %arg4[%arg1, %mul3A_47, %dma_start3A_121] : memref<16x160x125xi32, #tpu.memory_space<hbm>> -> memref<1x80x125xi32, #tpu.memory_space<hbm>>
      %dma_start3A_123 = tpu.memref_squeeze %dma_start3A_122 : memref<1x80x125xi32, #tpu.memory_space<hbm>> -> memref<80x125xi32, #tpu.memory_space<hbm>>
      tpu.enqueue_dma source(%dma_start3A_123 : memref<80x125xi32, #tpu.memory_space<hbm>>) target(%arg7 : memref<80x125xi32, #tpu.memory_space<vmem>>) target_semaphore(%run_scoped3A : memref<!tpu.dma_semaphore, #tpu.memory_space<semaphore_mem>>)
      %dma_wait3A_124 = arith.constant 0 : i32
      %dma_wait3A_125 = tpu.memref_slice %arg4[%arg1, %mul3A_47, %dma_wait3A_124] : memref<16x160x125xi32, #tpu.memory_space<hbm>> -> memref<1x80x125xi32, #tpu.memory_space<hbm>>
      %dma_wait3A_126 = tpu.memref_squeeze %dma_wait3A_125 : memref<1x80x125xi32, #tpu.memory_space<hbm>> -> memref<80x125xi32, #tpu.memory_space<hbm>>
      %dma_wait3A_127 = arith.constant 0 : i32
      %dma_wait3A_128 = tpu.memref_slice %arg4[%arg1, %mul3A_47, %dma_wait3A_127] : memref<16x160x125xi32, #tpu.memory_space<hbm>> -> memref<1x80x125xi32, #tpu.memory_space<hbm>>
      %dma_wait3A_129 = tpu.memref_squeeze %dma_wait3A_128 : memref<1x80x125xi32, #tpu.memory_space<hbm>> -> memref<80x125xi32, #tpu.memory_space<hbm>>
      tpu.wait_dma2 semaphore(%run_scoped3A : memref<!tpu.dma_semaphore, #tpu.memory_space<semaphore_mem>>) src(%dma_wait3A_129 : memref<80x125xi32, #tpu.memory_space<hbm>>) dst(%arg7 : memref<80x125xi32, #tpu.memory_space<vmem>>)
      tpu.yield
    }) : () -> ()
    %scan3A_48 = arith.constant 0 : i32
    %scan3A_49 = arith.constant 10 : i32
    %scan3A_50 = arith.addi %scan3A_48, %scan3A_49 : i32
    %scan3A_51 = arith.constant 1 : i32
    scf.for %scan3A_119 = %scan3A_48 to %scan3A_50 step %scan3A_51  : i32 {
      %mul3A_120 = arith.constant 8 : i32
      %mul3A_121 = arith.muli %scan3A_119, %mul3A_120 : i32
      %add3A_122 = arith.constant 0 : i32
      %add3A_123 = arith.addi %add3A_122, %mul3A_121 : i32
      %gt3A = arith.constant 0 : i32
      %gt3A_124 = arith.cmpi sgt, %add3A_123, %gt3A : i32
      %convert_element_type3A = arith.extui %gt3A_124 : i1 to i32
      %cond3A = arith.constant 0 : i32
      %cond3A_125 = arith.cmpi ne, %convert_element_type3A, %cond3A : i32
      scf.if %cond3A_125 {
        %dma_wait3A_336 = arith.constant 0 : i32
        %dma_wait3A_337 = arith.constant 0 : i32
        %dma_wait3A_338 = tpu.memref_slice %arg7[%dma_wait3A_336, %dma_wait3A_337] : memref<80x125xi32, #tpu.memory_space<vmem>> -> memref<1x125xi32, #tpu.memory_space<vmem>>
        %dma_wait3A_339 = tpu.memref_squeeze %dma_wait3A_338 : memref<1x125xi32, #tpu.memory_space<vmem>> -> memref<125xi32, #tpu.memory_space<vmem>>
        %dma_wait3A_340 = arith.constant 0 : i32
        %dma_wait3A_341 = arith.constant 0 : i32
        %dma_wait3A_342 = tpu.memref_slice %arg17[%dma_wait3A_340, %dma_wait3A_341] : memref<10240x32xf32, #tpu.memory_space<vmem_shared>> -> memref<10240x32xf32, #tpu.memory_space<vmem_shared>>
        tpu.wait_indirect_dma semaphore(%arg26 : memref<!tpu.dma_semaphore, #tpu.memory_space<semaphore_mem>>) src(%arg8 : memref<125x32xf32, #tpu.memory_space<vmem>>) dst(%dma_wait3A_342 : memref<10240x32xf32, #tpu.memory_space<vmem_shared>>)
      } else {
      }
      %add3A_126 = arith.constant 0 : i32
      %add3A_127 = arith.addi %add3A_123, %add3A_126 : i32
      %dma_start3A = arith.constant 0 : i32
      %dma_start3A_128 = tpu.memref_slice %arg6[%add3A_127, %dma_start3A] : memref<80x125xi32, #tpu.memory_space<vmem>> -> memref<1x125xi32, #tpu.memory_space<vmem>>
      %dma_start3A_129 = tpu.memref_squeeze %dma_start3A_128 : memref<1x125xi32, #tpu.memory_space<vmem>> -> memref<125xi32, #tpu.memory_space<vmem>>
      %dma_start3A_130 = arith.constant 0 : i32
      %dma_start3A_131 = arith.constant 0 : i32
      %dma_start3A_132 = tpu.memref_slice %arg2[%dma_start3A_130, %dma_start3A_131] : memref<10000x32xf32, #tpu.memory_space<hbm>> -> memref<10000x32xf32, #tpu.memory_space<hbm>>
      tpu.enqueue_indirect_dma source(%dma_start3A_132 : memref<10000x32xf32, #tpu.memory_space<hbm>>) target(%arg8 : memref<125x32xf32, #tpu.memory_space<vmem>>) offsets(%dma_start3A_129 : memref<125xi32, #tpu.memory_space<vmem>>) semaphore(%arg18 : memref<!tpu.dma_semaphore, #tpu.memory_space<semaphore_mem>>)
      %gt3A_133 = arith.constant 0 : i32
      %gt3A_134 = arith.cmpi sgt, %add3A_123, %gt3A_133 : i32
      %convert_element_type3A_135 = arith.extui %gt3A_134 : i1 to i32
      %cond3A_136 = arith.constant 0 : i32
      %cond3A_137 = arith.cmpi ne, %convert_element_type3A_135, %cond3A_136 : i32
      scf.if %cond3A_137 {
        %dma_wait3A_336 = arith.constant 1 : i32
        %dma_wait3A_337 = arith.constant 0 : i32
        %dma_wait3A_338 = tpu.memref_slice %arg7[%dma_wait3A_336, %dma_wait3A_337] : memref<80x125xi32, #tpu.memory_space<vmem>> -> memref<1x125xi32, #tpu.memory_space<vmem>>
        %dma_wait3A_339 = tpu.memref_squeeze %dma_wait3A_338 : memref<1x125xi32, #tpu.memory_space<vmem>> -> memref<125xi32, #tpu.memory_space<vmem>>
        %dma_wait3A_340 = arith.constant 0 : i32
        %dma_wait3A_341 = arith.constant 0 : i32
        %dma_wait3A_342 = tpu.memref_slice %arg17[%dma_wait3A_340, %dma_wait3A_341] : memref<10240x32xf32, #tpu.memory_space<vmem_shared>> -> memref<10240x32xf32, #tpu.memory_space<vmem_shared>>
        tpu.wait_indirect_dma semaphore(%arg27 : memref<!tpu.dma_semaphore, #tpu.memory_space<semaphore_mem>>) src(%arg9 : memref<125x32xf32, #tpu.memory_space<vmem>>) dst(%dma_wait3A_342 : memref<10240x32xf32, #tpu.memory_space<vmem_shared>>)
      } else {
      }
      %add3A_138 = arith.constant 1 : i32
      %add3A_139 = arith.addi %add3A_123, %add3A_138 : i32
      %dma_start3A_140 = arith.constant 0 : i32
      %dma_start3A_141 = tpu.memref_slice %arg6[%add3A_139, %dma_start3A_140] : memref<80x125xi32, #tpu.memory_space<vmem>> -> memref<1x125xi32, #tpu.memory_space<vmem>>
      %dma_start3A_142 = tpu.memref_squeeze %dma_start3A_141 : memref<1x125xi32, #tpu.memory_space<vmem>> -> memref<125xi32, #tpu.memory_space<vmem>>
      %dma_start3A_143 = arith.constant 0 : i32
      %dma_start3A_144 = arith.constant 0 : i32
      %dma_start3A_145 = tpu.memref_slice %arg2[%dma_start3A_143, %dma_start3A_144] : memref<10000x32xf32, #tpu.memory_space<hbm>> -> memref<10000x32xf32, #tpu.memory_space<hbm>>
      tpu.enqueue_indirect_dma source(%dma_start3A_145 : memref<10000x32xf32, #tpu.memory_space<hbm>>) target(%arg9 : memref<125x32xf32, #tpu.memory_space<vmem>>) offsets(%dma_start3A_142 : memref<125xi32, #tpu.memory_space<vmem>>) semaphore(%arg19 : memref<!tpu.dma_semaphore, #tpu.memory_space<semaphore_mem>>)
      %gt3A_146 = arith.constant 0 : i32
      %gt3A_147 = arith.cmpi sgt, %add3A_123, %gt3A_146 : i32
      %convert_element_type3A_148 = arith.extui %gt3A_147 : i1 to i32
      %cond3A_149 = arith.constant 0 : i32
      %cond3A_150 = arith.cmpi ne, %convert_element_type3A_148, %cond3A_149 : i32
      scf.if %cond3A_150 {
        %dma_wait3A_336 = arith.constant 2 : i32
        %dma_wait3A_337 = arith.constant 0 : i32
        %dma_wait3A_338 = tpu.memref_slice %arg7[%dma_wait3A_336, %dma_wait3A_337] : memref<80x125xi32, #tpu.memory_space<vmem>> -> memref<1x125xi32, #tpu.memory_space<vmem>>
        %dma_wait3A_339 = tpu.memref_squeeze %dma_wait3A_338 : memref<1x125xi32, #tpu.memory_space<vmem>> -> memref<125xi32, #tpu.memory_space<vmem>>
        %dma_wait3A_340 = arith.constant 0 : i32
        %dma_wait3A_341 = arith.constant 0 : i32
        %dma_wait3A_342 = tpu.memref_slice %arg17[%dma_wait3A_340, %dma_wait3A_341] : memref<10240x32xf32, #tpu.memory_space<vmem_shared>> -> memref<10240x32xf32, #tpu.memory_space<vmem_shared>>
        tpu.wait_indirect_dma semaphore(%arg28 : memref<!tpu.dma_semaphore, #tpu.memory_space<semaphore_mem>>) src(%arg10 : memref<125x32xf32, #tpu.memory_space<vmem>>) dst(%dma_wait3A_342 : memref<10240x32xf32, #tpu.memory_space<vmem_shared>>)
      } else {
      }
      %add3A_151 = arith.constant 2 : i32
      %add3A_152 = arith.addi %add3A_123, %add3A_151 : i32
      %dma_start3A_153 = arith.constant 0 : i32
      %dma_start3A_154 = tpu.memref_slice %arg6[%add3A_152, %dma_start3A_153] : memref<80x125xi32, #tpu.memory_space<vmem>> -> memref<1x125xi32, #tpu.memory_space<vmem>>
      %dma_start3A_155 = tpu.memref_squeeze %dma_start3A_154 : memref<1x125xi32, #tpu.memory_space<vmem>> -> memref<125xi32, #tpu.memory_space<vmem>>
      %dma_start3A_156 = arith.constant 0 : i32
      %dma_start3A_157 = arith.constant 0 : i32
      %dma_start3A_158 = tpu.memref_slice %arg2[%dma_start3A_156, %dma_start3A_157] : memref<10000x32xf32, #tpu.memory_space<hbm>> -> memref<10000x32xf32, #tpu.memory_space<hbm>>
      tpu.enqueue_indirect_dma source(%dma_start3A_158 : memref<10000x32xf32, #tpu.memory_space<hbm>>) target(%arg10 : memref<125x32xf32, #tpu.memory_space<vmem>>) offsets(%dma_start3A_155 : memref<125xi32, #tpu.memory_space<vmem>>) semaphore(%arg20 : memref<!tpu.dma_semaphore, #tpu.memory_space<semaphore_mem>>)
      %gt3A_159 = arith.constant 0 : i32
      %gt3A_160 = arith.cmpi sgt, %add3A_123, %gt3A_159 : i32
      %convert_element_type3A_161 = arith.extui %gt3A_160 : i1 to i32
      %cond3A_162 = arith.constant 0 : i32
      %cond3A_163 = arith.cmpi ne, %convert_element_type3A_161, %cond3A_162 : i32
      scf.if %cond3A_163 {
        %dma_wait3A_336 = arith.constant 3 : i32
        %dma_wait3A_337 = arith.constant 0 : i32
        %dma_wait3A_338 = tpu.memref_slice %arg7[%dma_wait3A_336, %dma_wait3A_337] : memref<80x125xi32, #tpu.memory_space<vmem>> -> memref<1x125xi32, #tpu.memory_space<vmem>>
        %dma_wait3A_339 = tpu.memref_squeeze %dma_wait3A_338 : memref<1x125xi32, #tpu.memory_space<vmem>> -> memref<125xi32, #tpu.memory_space<vmem>>
        %dma_wait3A_340 = arith.constant 0 : i32
        %dma_wait3A_341 = arith.constant 0 : i32
        %dma_wait3A_342 = tpu.memref_slice %arg17[%dma_wait3A_340, %dma_wait3A_341] : memref<10240x32xf32, #tpu.memory_space<vmem_shared>> -> memref<10240x32xf32, #tpu.memory_space<vmem_shared>>
        tpu.wait_indirect_dma semaphore(%arg29 : memref<!tpu.dma_semaphore, #tpu.memory_space<semaphore_mem>>) src(%arg11 : memref<125x32xf32, #tpu.memory_space<vmem>>) dst(%dma_wait3A_342 : memref<10240x32xf32, #tpu.memory_space<vmem_shared>>)
      } else {
      }
      %add3A_164 = arith.constant 3 : i32
      %add3A_165 = arith.addi %add3A_123, %add3A_164 : i32
      %dma_start3A_166 = arith.constant 0 : i32
      %dma_start3A_167 = tpu.memref_slice %arg6[%add3A_165, %dma_start3A_166] : memref<80x125xi32, #tpu.memory_space<vmem>> -> memref<1x125xi32, #tpu.memory_space<vmem>>
      %dma_start3A_168 = tpu.memref_squeeze %dma_start3A_167 : memref<1x125xi32, #tpu.memory_space<vmem>> -> memref<125xi32, #tpu.memory_space<vmem>>
      %dma_start3A_169 = arith.constant 0 : i32
      %dma_start3A_170 = arith.constant 0 : i32
      %dma_start3A_171 = tpu.memref_slice %arg2[%dma_start3A_169, %dma_start3A_170] : memref<10000x32xf32, #tpu.memory_space<hbm>> -> memref<10000x32xf32, #tpu.memory_space<hbm>>
      tpu.enqueue_indirect_dma source(%dma_start3A_171 : memref<10000x32xf32, #tpu.memory_space<hbm>>) target(%arg11 : memref<125x32xf32, #tpu.memory_space<vmem>>) offsets(%dma_start3A_168 : memref<125xi32, #tpu.memory_space<vmem>>) semaphore(%arg21 : memref<!tpu.dma_semaphore, #tpu.memory_space<semaphore_mem>>)
      %gt3A_172 = arith.constant 0 : i32
      %gt3A_173 = arith.cmpi sgt, %add3A_123, %gt3A_172 : i32
      %convert_element_type3A_174 = arith.extui %gt3A_173 : i1 to i32
      %cond3A_175 = arith.constant 0 : i32
      %cond3A_176 = arith.cmpi ne, %convert_element_type3A_174, %cond3A_175 : i32
      scf.if %cond3A_176 {
        %dma_wait3A_336 = arith.constant 4 : i32
        %dma_wait3A_337 = arith.constant 0 : i32
        %dma_wait3A_338 = tpu.memref_slice %arg7[%dma_wait3A_336, %dma_wait3A_337] : memref<80x125xi32, #tpu.memory_space<vmem>> -> memref<1x125xi32, #tpu.memory_space<vmem>>
        %dma_wait3A_339 = tpu.memref_squeeze %dma_wait3A_338 : memref<1x125xi32, #tpu.memory_space<vmem>> -> memref<125xi32, #tpu.memory_space<vmem>>
        %dma_wait3A_340 = arith.constant 0 : i32
        %dma_wait3A_341 = arith.constant 0 : i32
        %dma_wait3A_342 = tpu.memref_slice %arg17[%dma_wait3A_340, %dma_wait3A_341] : memref<10240x32xf32, #tpu.memory_space<vmem_shared>> -> memref<10240x32xf32, #tpu.memory_space<vmem_shared>>
        tpu.wait_indirect_dma semaphore(%arg30 : memref<!tpu.dma_semaphore, #tpu.memory_space<semaphore_mem>>) src(%arg12 : memref<125x32xf32, #tpu.memory_space<vmem>>) dst(%dma_wait3A_342 : memref<10240x32xf32, #tpu.memory_space<vmem_shared>>)
      } else {
      }
      %add3A_177 = arith.constant 4 : i32
      %add3A_178 = arith.addi %add3A_123, %add3A_177 : i32
      %dma_start3A_179 = arith.constant 0 : i32
      %dma_start3A_180 = tpu.memref_slice %arg6[%add3A_178, %dma_start3A_179] : memref<80x125xi32, #tpu.memory_space<vmem>> -> memref<1x125xi32, #tpu.memory_space<vmem>>
      %dma_start3A_181 = tpu.memref_squeeze %dma_start3A_180 : memref<1x125xi32, #tpu.memory_space<vmem>> -> memref<125xi32, #tpu.memory_space<vmem>>
      %dma_start3A_182 = arith.constant 0 : i32
      %dma_start3A_183 = arith.constant 0 : i32
      %dma_start3A_184 = tpu.memref_slice %arg2[%dma_start3A_182, %dma_start3A_183] : memref<10000x32xf32, #tpu.memory_space<hbm>> -> memref<10000x32xf32, #tpu.memory_space<hbm>>
      tpu.enqueue_indirect_dma source(%dma_start3A_184 : memref<10000x32xf32, #tpu.memory_space<hbm>>) target(%arg12 : memref<125x32xf32, #tpu.memory_space<vmem>>) offsets(%dma_start3A_181 : memref<125xi32, #tpu.memory_space<vmem>>) semaphore(%arg22 : memref<!tpu.dma_semaphore, #tpu.memory_space<semaphore_mem>>)
      %gt3A_185 = arith.constant 0 : i32
      %gt3A_186 = arith.cmpi sgt, %add3A_123, %gt3A_185 : i32
      %convert_element_type3A_187 = arith.extui %gt3A_186 : i1 to i32
      %cond3A_188 = arith.constant 0 : i32
      %cond3A_189 = arith.cmpi ne, %convert_element_type3A_187, %cond3A_188 : i32
      scf.if %cond3A_189 {
        %dma_wait3A_336 = arith.constant 5 : i32
        %dma_wait3A_337 = arith.constant 0 : i32
        %dma_wait3A_338 = tpu.memref_slice %arg7[%dma_wait3A_336, %dma_wait3A_337] : memref<80x125xi32, #tpu.memory_space<vmem>> -> memref<1x125xi32, #tpu.memory_space<vmem>>
        %dma_wait3A_339 = tpu.memref_squeeze %dma_wait3A_338 : memref<1x125xi32, #tpu.memory_space<vmem>> -> memref<125xi32, #tpu.memory_space<vmem>>
        %dma_wait3A_340 = arith.constant 0 : i32
        %dma_wait3A_341 = arith.constant 0 : i32
        %dma_wait3A_342 = tpu.memref_slice %arg17[%dma_wait3A_340, %dma_wait3A_341] : memref<10240x32xf32, #tpu.memory_space<vmem_shared>> -> memref<10240x32xf32, #tpu.memory_space<vmem_shared>>
        tpu.wait_indirect_dma semaphore(%arg31 : memref<!tpu.dma_semaphore, #tpu.memory_space<semaphore_mem>>) src(%arg13 : memref<125x32xf32, #tpu.memory_space<vmem>>) dst(%dma_wait3A_342 : memref<10240x32xf32, #tpu.memory_space<vmem_shared>>)
      } else {
      }
      %add3A_190 = arith.constant 5 : i32
      %add3A_191 = arith.addi %add3A_123, %add3A_190 : i32
      %dma_start3A_192 = arith.constant 0 : i32
      %dma_start3A_193 = tpu.memref_slice %arg6[%add3A_191, %dma_start3A_192] : memref<80x125xi32, #tpu.memory_space<vmem>> -> memref<1x125xi32, #tpu.memory_space<vmem>>
      %dma_start3A_194 = tpu.memref_squeeze %dma_start3A_193 : memref<1x125xi32, #tpu.memory_space<vmem>> -> memref<125xi32, #tpu.memory_space<vmem>>
      %dma_start3A_195 = arith.constant 0 : i32
      %dma_start3A_196 = arith.constant 0 : i32
      %dma_start3A_197 = tpu.memref_slice %arg2[%dma_start3A_195, %dma_start3A_196] : memref<10000x32xf32, #tpu.memory_space<hbm>> -> memref<10000x32xf32, #tpu.memory_space<hbm>>
      tpu.enqueue_indirect_dma source(%dma_start3A_197 : memref<10000x32xf32, #tpu.memory_space<hbm>>) target(%arg13 : memref<125x32xf32, #tpu.memory_space<vmem>>) offsets(%dma_start3A_194 : memref<125xi32, #tpu.memory_space<vmem>>) semaphore(%arg23 : memref<!tpu.dma_semaphore, #tpu.memory_space<semaphore_mem>>)
      %gt3A_198 = arith.constant 0 : i32
      %gt3A_199 = arith.cmpi sgt, %add3A_123, %gt3A_198 : i32
      %convert_element_type3A_200 = arith.extui %gt3A_199 : i1 to i32
      %cond3A_201 = arith.constant 0 : i32
      %cond3A_202 = arith.cmpi ne, %convert_element_type3A_200, %cond3A_201 : i32
      scf.if %cond3A_202 {
        %dma_wait3A_336 = arith.constant 6 : i32
        %dma_wait3A_337 = arith.constant 0 : i32
        %dma_wait3A_338 = tpu.memref_slice %arg7[%dma_wait3A_336, %dma_wait3A_337] : memref<80x125xi32, #tpu.memory_space<vmem>> -> memref<1x125xi32, #tpu.memory_space<vmem>>
        %dma_wait3A_339 = tpu.memref_squeeze %dma_wait3A_338 : memref<1x125xi32, #tpu.memory_space<vmem>> -> memref<125xi32, #tpu.memory_space<vmem>>
        %dma_wait3A_340 = arith.constant 0 : i32
        %dma_wait3A_341 = arith.constant 0 : i32
        %dma_wait3A_342 = tpu.memref_slice %arg17[%dma_wait3A_340, %dma_wait3A_341] : memref<10240x32xf32, #tpu.memory_space<vmem_shared>> -> memref<10240x32xf32, #tpu.memory_space<vmem_shared>>
        tpu.wait_indirect_dma semaphore(%arg32 : memref<!tpu.dma_semaphore, #tpu.memory_space<semaphore_mem>>) src(%arg14 : memref<125x32xf32, #tpu.memory_space<vmem>>) dst(%dma_wait3A_342 : memref<10240x32xf32, #tpu.memory_space<vmem_shared>>)
      } else {
      }
      %add3A_203 = arith.constant 6 : i32
      %add3A_204 = arith.addi %add3A_123, %add3A_203 : i32
      %dma_start3A_205 = arith.constant 0 : i32
      %dma_start3A_206 = tpu.memref_slice %arg6[%add3A_204, %dma_start3A_205] : memref<80x125xi32, #tpu.memory_space<vmem>> -> memref<1x125xi32, #tpu.memory_space<vmem>>
      %dma_start3A_207 = tpu.memref_squeeze %dma_start3A_206 : memref<1x125xi32, #tpu.memory_space<vmem>> -> memref<125xi32, #tpu.memory_space<vmem>>
      %dma_start3A_208 = arith.constant 0 : i32
      %dma_start3A_209 = arith.constant 0 : i32
      %dma_start3A_210 = tpu.memref_slice %arg2[%dma_start3A_208, %dma_start3A_209] : memref<10000x32xf32, #tpu.memory_space<hbm>> -> memref<10000x32xf32, #tpu.memory_space<hbm>>
      tpu.enqueue_indirect_dma source(%dma_start3A_210 : memref<10000x32xf32, #tpu.memory_space<hbm>>) target(%arg14 : memref<125x32xf32, #tpu.memory_space<vmem>>) offsets(%dma_start3A_207 : memref<125xi32, #tpu.memory_space<vmem>>) semaphore(%arg24 : memref<!tpu.dma_semaphore, #tpu.memory_space<semaphore_mem>>)
      %gt3A_211 = arith.constant 0 : i32
      %gt3A_212 = arith.cmpi sgt, %add3A_123, %gt3A_211 : i32
      %convert_element_type3A_213 = arith.extui %gt3A_212 : i1 to i32
      %cond3A_214 = arith.constant 0 : i32
      %cond3A_215 = arith.cmpi ne, %convert_element_type3A_213, %cond3A_214 : i32
      scf.if %cond3A_215 {
        %dma_wait3A_336 = arith.constant 7 : i32
        %dma_wait3A_337 = arith.constant 0 : i32
        %dma_wait3A_338 = tpu.memref_slice %arg7[%dma_wait3A_336, %dma_wait3A_337] : memref<80x125xi32, #tpu.memory_space<vmem>> -> memref<1x125xi32, #tpu.memory_space<vmem>>
        %dma_wait3A_339 = tpu.memref_squeeze %dma_wait3A_338 : memref<1x125xi32, #tpu.memory_space<vmem>> -> memref<125xi32, #tpu.memory_space<vmem>>
        %dma_wait3A_340 = arith.constant 0 : i32
        %dma_wait3A_341 = arith.constant 0 : i32
        %dma_wait3A_342 = tpu.memref_slice %arg17[%dma_wait3A_340, %dma_wait3A_341] : memref<10240x32xf32, #tpu.memory_space<vmem_shared>> -> memref<10240x32xf32, #tpu.memory_space<vmem_shared>>
        tpu.wait_indirect_dma semaphore(%arg33 : memref<!tpu.dma_semaphore, #tpu.memory_space<semaphore_mem>>) src(%arg15 : memref<125x32xf32, #tpu.memory_space<vmem>>) dst(%dma_wait3A_342 : memref<10240x32xf32, #tpu.memory_space<vmem_shared>>)
      } else {
      }
      %add3A_216 = arith.constant 7 : i32
      %add3A_217 = arith.addi %add3A_123, %add3A_216 : i32
      %dma_start3A_218 = arith.constant 0 : i32
      %dma_start3A_219 = tpu.memref_slice %arg6[%add3A_217, %dma_start3A_218] : memref<80x125xi32, #tpu.memory_space<vmem>> -> memref<1x125xi32, #tpu.memory_space<vmem>>
      %dma_start3A_220 = tpu.memref_squeeze %dma_start3A_219 : memref<1x125xi32, #tpu.memory_space<vmem>> -> memref<125xi32, #tpu.memory_space<vmem>>
      %dma_start3A_221 = arith.constant 0 : i32
      %dma_start3A_222 = arith.constant 0 : i32
      %dma_start3A_223 = tpu.memref_slice %arg2[%dma_start3A_221, %dma_start3A_222] : memref<10000x32xf32, #tpu.memory_space<hbm>> -> memref<10000x32xf32, #tpu.memory_space<hbm>>
      tpu.enqueue_indirect_dma source(%dma_start3A_223 : memref<10000x32xf32, #tpu.memory_space<hbm>>) target(%arg15 : memref<125x32xf32, #tpu.memory_space<vmem>>) offsets(%dma_start3A_220 : memref<125xi32, #tpu.memory_space<vmem>>) semaphore(%arg25 : memref<!tpu.dma_semaphore, #tpu.memory_space<semaphore_mem>>)
      %dma_wait3A_224 = arith.constant 0 : i32
      %dma_wait3A_225 = tpu.memref_slice %arg6[%add3A_127, %dma_wait3A_224] : memref<80x125xi32, #tpu.memory_space<vmem>> -> memref<1x125xi32, #tpu.memory_space<vmem>>
      %dma_wait3A_226 = tpu.memref_squeeze %dma_wait3A_225 : memref<1x125xi32, #tpu.memory_space<vmem>> -> memref<125xi32, #tpu.memory_space<vmem>>
      %dma_wait3A_227 = arith.constant 0 : i32
      %dma_wait3A_228 = arith.constant 0 : i32
      %dma_wait3A_229 = tpu.memref_slice %arg2[%dma_wait3A_227, %dma_wait3A_228] : memref<10000x32xf32, #tpu.memory_space<hbm>> -> memref<10000x32xf32, #tpu.memory_space<hbm>>
      tpu.wait_indirect_dma semaphore(%arg18 : memref<!tpu.dma_semaphore, #tpu.memory_space<semaphore_mem>>) src(%dma_wait3A_229 : memref<10000x32xf32, #tpu.memory_space<hbm>>) dst(%arg8 : memref<125x32xf32, #tpu.memory_space<vmem>>)
      %add3A_230 = arith.constant 0 : i32
      %add3A_231 = arith.addi %add3A_123, %add3A_230 : i32
      %dma_start3A_232 = arith.constant 0 : i32
      %dma_start3A_233 = tpu.memref_slice %arg7[%add3A_231, %dma_start3A_232] : memref<80x125xi32, #tpu.memory_space<vmem>> -> memref<1x125xi32, #tpu.memory_space<vmem>>
      %dma_start3A_234 = tpu.memref_squeeze %dma_start3A_233 : memref<1x125xi32, #tpu.memory_space<vmem>> -> memref<125xi32, #tpu.memory_space<vmem>>
      %dma_start3A_235 = arith.constant 0 : i32
      %dma_start3A_236 = arith.constant 0 : i32
      %dma_start3A_237 = tpu.memref_slice %arg17[%dma_start3A_235, %dma_start3A_236] : memref<10240x32xf32, #tpu.memory_space<vmem_shared>> -> memref<10240x32xf32, #tpu.memory_space<vmem_shared>>
      tpu.enqueue_indirect_dma source(%arg8 : memref<125x32xf32, #tpu.memory_space<vmem>>) target(%dma_start3A_237 : memref<10240x32xf32, #tpu.memory_space<vmem_shared>>) offsets(%dma_start3A_234 : memref<125xi32, #tpu.memory_space<vmem>>) semaphore(%arg26 : memref<!tpu.dma_semaphore, #tpu.memory_space<semaphore_mem>>) {add = true}
      %dma_wait3A_238 = arith.constant 0 : i32
      %dma_wait3A_239 = tpu.memref_slice %arg6[%add3A_139, %dma_wait3A_238] : memref<80x125xi32, #tpu.memory_space<vmem>> -> memref<1x125xi32, #tpu.memory_space<vmem>>
      %dma_wait3A_240 = tpu.memref_squeeze %dma_wait3A_239 : memref<1x125xi32, #tpu.memory_space<vmem>> -> memref<125xi32, #tpu.memory_space<vmem>>
      %dma_wait3A_241 = arith.constant 0 : i32
      %dma_wait3A_242 = arith.constant 0 : i32
      %dma_wait3A_243 = tpu.memref_slice %arg2[%dma_wait3A_241, %dma_wait3A_242] : memref<10000x32xf32, #tpu.memory_space<hbm>> -> memref<10000x32xf32, #tpu.memory_space<hbm>>
      tpu.wait_indirect_dma semaphore(%arg19 : memref<!tpu.dma_semaphore, #tpu.memory_space<semaphore_mem>>) src(%dma_wait3A_243 : memref<10000x32xf32, #tpu.memory_space<hbm>>) dst(%arg9 : memref<125x32xf32, #tpu.memory_space<vmem>>)
      %add3A_244 = arith.constant 1 : i32
      %add3A_245 = arith.addi %add3A_123, %add3A_244 : i32
      %dma_start3A_246 = arith.constant 0 : i32
      %dma_start3A_247 = tpu.memref_slice %arg7[%add3A_245, %dma_start3A_246] : memref<80x125xi32, #tpu.memory_space<vmem>> -> memref<1x125xi32, #tpu.memory_space<vmem>>
      %dma_start3A_248 = tpu.memref_squeeze %dma_start3A_247 : memref<1x125xi32, #tpu.memory_space<vmem>> -> memref<125xi32, #tpu.memory_space<vmem>>
      %dma_start3A_249 = arith.constant 0 : i32
      %dma_start3A_250 = arith.constant 0 : i32
      %dma_start3A_251 = tpu.memref_slice %arg17[%dma_start3A_249, %dma_start3A_250] : memref<10240x32xf32, #tpu.memory_space<vmem_shared>> -> memref<10240x32xf32, #tpu.memory_space<vmem_shared>>
      tpu.enqueue_indirect_dma source(%arg9 : memref<125x32xf32, #tpu.memory_space<vmem>>) target(%dma_start3A_251 : memref<10240x32xf32, #tpu.memory_space<vmem_shared>>) offsets(%dma_start3A_248 : memref<125xi32, #tpu.memory_space<vmem>>) semaphore(%arg27 : memref<!tpu.dma_semaphore, #tpu.memory_space<semaphore_mem>>) {add = true}
      %dma_wait3A_252 = arith.constant 0 : i32
      %dma_wait3A_253 = tpu.memref_slice %arg6[%add3A_152, %dma_wait3A_252] : memref<80x125xi32, #tpu.memory_space<vmem>> -> memref<1x125xi32, #tpu.memory_space<vmem>>
      %dma_wait3A_254 = tpu.memref_squeeze %dma_wait3A_253 : memref<1x125xi32, #tpu.memory_space<vmem>> -> memref<125xi32, #tpu.memory_space<vmem>>
      %dma_wait3A_255 = arith.constant 0 : i32
      %dma_wait3A_256 = arith.constant 0 : i32
      %dma_wait3A_257 = tpu.memref_slice %arg2[%dma_wait3A_255, %dma_wait3A_256] : memref<10000x32xf32, #tpu.memory_space<hbm>> -> memref<10000x32xf32, #tpu.memory_space<hbm>>
      tpu.wait_indirect_dma semaphore(%arg20 : memref<!tpu.dma_semaphore, #tpu.memory_space<semaphore_mem>>) src(%dma_wait3A_257 : memref<10000x32xf32, #tpu.memory_space<hbm>>) dst(%arg10 : memref<125x32xf32, #tpu.memory_space<vmem>>)
      %add3A_258 = arith.constant 2 : i32
      %add3A_259 = arith.addi %add3A_123, %add3A_258 : i32
      %dma_start3A_260 = arith.constant 0 : i32
      %dma_start3A_261 = tpu.memref_slice %arg7[%add3A_259, %dma_start3A_260] : memref<80x125xi32, #tpu.memory_space<vmem>> -> memref<1x125xi32, #tpu.memory_space<vmem>>
      %dma_start3A_262 = tpu.memref_squeeze %dma_start3A_261 : memref<1x125xi32, #tpu.memory_space<vmem>> -> memref<125xi32, #tpu.memory_space<vmem>>
      %dma_start3A_263 = arith.constant 0 : i32
      %dma_start3A_264 = arith.constant 0 : i32
      %dma_start3A_265 = tpu.memref_slice %arg17[%dma_start3A_263, %dma_start3A_264] : memref<10240x32xf32, #tpu.memory_space<vmem_shared>> -> memref<10240x32xf32, #tpu.memory_space<vmem_shared>>
      tpu.enqueue_indirect_dma source(%arg10 : memref<125x32xf32, #tpu.memory_space<vmem>>) target(%dma_start3A_265 : memref<10240x32xf32, #tpu.memory_space<vmem_shared>>) offsets(%dma_start3A_262 : memref<125xi32, #tpu.memory_space<vmem>>) semaphore(%arg28 : memref<!tpu.dma_semaphore, #tpu.memory_space<semaphore_mem>>) {add = true}
      %dma_wait3A_266 = arith.constant 0 : i32
      %dma_wait3A_267 = tpu.memref_slice %arg6[%add3A_165, %dma_wait3A_266] : memref<80x125xi32, #tpu.memory_space<vmem>> -> memref<1x125xi32, #tpu.memory_space<vmem>>
      %dma_wait3A_268 = tpu.memref_squeeze %dma_wait3A_267 : memref<1x125xi32, #tpu.memory_space<vmem>> -> memref<125xi32, #tpu.memory_space<vmem>>
      %dma_wait3A_269 = arith.constant 0 : i32
      %dma_wait3A_270 = arith.constant 0 : i32
      %dma_wait3A_271 = tpu.memref_slice %arg2[%dma_wait3A_269, %dma_wait3A_270] : memref<10000x32xf32, #tpu.memory_space<hbm>> -> memref<10000x32xf32, #tpu.memory_space<hbm>>
      tpu.wait_indirect_dma semaphore(%arg21 : memref<!tpu.dma_semaphore, #tpu.memory_space<semaphore_mem>>) src(%dma_wait3A_271 : memref<10000x32xf32, #tpu.memory_space<hbm>>) dst(%arg11 : memref<125x32xf32, #tpu.memory_space<vmem>>)
      %add3A_272 = arith.constant 3 : i32
      %add3A_273 = arith.addi %add3A_123, %add3A_272 : i32
      %dma_start3A_274 = arith.constant 0 : i32
      %dma_start3A_275 = tpu.memref_slice %arg7[%add3A_273, %dma_start3A_274] : memref<80x125xi32, #tpu.memory_space<vmem>> -> memref<1x125xi32, #tpu.memory_space<vmem>>
      %dma_start3A_276 = tpu.memref_squeeze %dma_start3A_275 : memref<1x125xi32, #tpu.memory_space<vmem>> -> memref<125xi32, #tpu.memory_space<vmem>>
      %dma_start3A_277 = arith.constant 0 : i32
      %dma_start3A_278 = arith.constant 0 : i32
      %dma_start3A_279 = tpu.memref_slice %arg17[%dma_start3A_277, %dma_start3A_278] : memref<10240x32xf32, #tpu.memory_space<vmem_shared>> -> memref<10240x32xf32, #tpu.memory_space<vmem_shared>>
      tpu.enqueue_indirect_dma source(%arg11 : memref<125x32xf32, #tpu.memory_space<vmem>>) target(%dma_start3A_279 : memref<10240x32xf32, #tpu.memory_space<vmem_shared>>) offsets(%dma_start3A_276 : memref<125xi32, #tpu.memory_space<vmem>>) semaphore(%arg29 : memref<!tpu.dma_semaphore, #tpu.memory_space<semaphore_mem>>) {add = true}
      %dma_wait3A_280 = arith.constant 0 : i32
      %dma_wait3A_281 = tpu.memref_slice %arg6[%add3A_178, %dma_wait3A_280] : memref<80x125xi32, #tpu.memory_space<vmem>> -> memref<1x125xi32, #tpu.memory_space<vmem>>
      %dma_wait3A_282 = tpu.memref_squeeze %dma_wait3A_281 : memref<1x125xi32, #tpu.memory_space<vmem>> -> memref<125xi32, #tpu.memory_space<vmem>>
      %dma_wait3A_283 = arith.constant 0 : i32
      %dma_wait3A_284 = arith.constant 0 : i32
      %dma_wait3A_285 = tpu.memref_slice %arg2[%dma_wait3A_283, %dma_wait3A_284] : memref<10000x32xf32, #tpu.memory_space<hbm>> -> memref<10000x32xf32, #tpu.memory_space<hbm>>
      tpu.wait_indirect_dma semaphore(%arg22 : memref<!tpu.dma_semaphore, #tpu.memory_space<semaphore_mem>>) src(%dma_wait3A_285 : memref<10000x32xf32, #tpu.memory_space<hbm>>) dst(%arg12 : memref<125x32xf32, #tpu.memory_space<vmem>>)
      %add3A_286 = arith.constant 4 : i32
      %add3A_287 = arith.addi %add3A_123, %add3A_286 : i32
      %dma_start3A_288 = arith.constant 0 : i32
      %dma_start3A_289 = tpu.memref_slice %arg7[%add3A_287, %dma_start3A_288] : memref<80x125xi32, #tpu.memory_space<vmem>> -> memref<1x125xi32, #tpu.memory_space<vmem>>
      %dma_start3A_290 = tpu.memref_squeeze %dma_start3A_289 : memref<1x125xi32, #tpu.memory_space<vmem>> -> memref<125xi32, #tpu.memory_space<vmem>>
      %dma_start3A_291 = arith.constant 0 : i32
      %dma_start3A_292 = arith.constant 0 : i32
      %dma_start3A_293 = tpu.memref_slice %arg17[%dma_start3A_291, %dma_start3A_292] : memref<10240x32xf32, #tpu.memory_space<vmem_shared>> -> memref<10240x32xf32, #tpu.memory_space<vmem_shared>>
      tpu.enqueue_indirect_dma source(%arg12 : memref<125x32xf32, #tpu.memory_space<vmem>>) target(%dma_start3A_293 : memref<10240x32xf32, #tpu.memory_space<vmem_shared>>) offsets(%dma_start3A_290 : memref<125xi32, #tpu.memory_space<vmem>>) semaphore(%arg30 : memref<!tpu.dma_semaphore, #tpu.memory_space<semaphore_mem>>) {add = true}
      %dma_wait3A_294 = arith.constant 0 : i32
      %dma_wait3A_295 = tpu.memref_slice %arg6[%add3A_191, %dma_wait3A_294] : memref<80x125xi32, #tpu.memory_space<vmem>> -> memref<1x125xi32, #tpu.memory_space<vmem>>
      %dma_wait3A_296 = tpu.memref_squeeze %dma_wait3A_295 : memref<1x125xi32, #tpu.memory_space<vmem>> -> memref<125xi32, #tpu.memory_space<vmem>>
      %dma_wait3A_297 = arith.constant 0 : i32
      %dma_wait3A_298 = arith.constant 0 : i32
      %dma_wait3A_299 = tpu.memref_slice %arg2[%dma_wait3A_297, %dma_wait3A_298] : memref<10000x32xf32, #tpu.memory_space<hbm>> -> memref<10000x32xf32, #tpu.memory_space<hbm>>
      tpu.wait_indirect_dma semaphore(%arg23 : memref<!tpu.dma_semaphore, #tpu.memory_space<semaphore_mem>>) src(%dma_wait3A_299 : memref<10000x32xf32, #tpu.memory_space<hbm>>) dst(%arg13 : memref<125x32xf32, #tpu.memory_space<vmem>>)
      %add3A_300 = arith.constant 5 : i32
      %add3A_301 = arith.addi %add3A_123, %add3A_300 : i32
      %dma_start3A_302 = arith.constant 0 : i32
      %dma_start3A_303 = tpu.memref_slice %arg7[%add3A_301, %dma_start3A_302] : memref<80x125xi32, #tpu.memory_space<vmem>> -> memref<1x125xi32, #tpu.memory_space<vmem>>
      %dma_start3A_304 = tpu.memref_squeeze %dma_start3A_303 : memref<1x125xi32, #tpu.memory_space<vmem>> -> memref<125xi32, #tpu.memory_space<vmem>>
      %dma_start3A_305 = arith.constant 0 : i32
      %dma_start3A_306 = arith.constant 0 : i32
      %dma_start3A_307 = tpu.memref_slice %arg17[%dma_start3A_305, %dma_start3A_306] : memref<10240x32xf32, #tpu.memory_space<vmem_shared>> -> memref<10240x32xf32, #tpu.memory_space<vmem_shared>>
      tpu.enqueue_indirect_dma source(%arg13 : memref<125x32xf32, #tpu.memory_space<vmem>>) target(%dma_start3A_307 : memref<10240x32xf32, #tpu.memory_space<vmem_shared>>) offsets(%dma_start3A_304 : memref<125xi32, #tpu.memory_space<vmem>>) semaphore(%arg31 : memref<!tpu.dma_semaphore, #tpu.memory_space<semaphore_mem>>) {add = true}
      %dma_wait3A_308 = arith.constant 0 : i32
      %dma_wait3A_309 = tpu.memref_slice %arg6[%add3A_204, %dma_wait3A_308] : memref<80x125xi32, #tpu.memory_space<vmem>> -> memref<1x125xi32, #tpu.memory_space<vmem>>
      %dma_wait3A_310 = tpu.memref_squeeze %dma_wait3A_309 : memref<1x125xi32, #tpu.memory_space<vmem>> -> memref<125xi32, #tpu.memory_space<vmem>>
      %dma_wait3A_311 = arith.constant 0 : i32
      %dma_wait3A_312 = arith.constant 0 : i32
      %dma_wait3A_313 = tpu.memref_slice %arg2[%dma_wait3A_311, %dma_wait3A_312] : memref<10000x32xf32, #tpu.memory_space<hbm>> -> memref<10000x32xf32, #tpu.memory_space<hbm>>
      tpu.wait_indirect_dma semaphore(%arg24 : memref<!tpu.dma_semaphore, #tpu.memory_space<semaphore_mem>>) src(%dma_wait3A_313 : memref<10000x32xf32, #tpu.memory_space<hbm>>) dst(%arg14 : memref<125x32xf32, #tpu.memory_space<vmem>>)
      %add3A_314 = arith.constant 6 : i32
      %add3A_315 = arith.addi %add3A_123, %add3A_314 : i32
      %dma_start3A_316 = arith.constant 0 : i32
      %dma_start3A_317 = tpu.memref_slice %arg7[%add3A_315, %dma_start3A_316] : memref<80x125xi32, #tpu.memory_space<vmem>> -> memref<1x125xi32, #tpu.memory_space<vmem>>
      %dma_start3A_318 = tpu.memref_squeeze %dma_start3A_317 : memref<1x125xi32, #tpu.memory_space<vmem>> -> memref<125xi32, #tpu.memory_space<vmem>>
      %dma_start3A_319 = arith.constant 0 : i32
      %dma_start3A_320 = arith.constant 0 : i32
      %dma_start3A_321 = tpu.memref_slice %arg17[%dma_start3A_319, %dma_start3A_320] : memref<10240x32xf32, #tpu.memory_space<vmem_shared>> -> memref<10240x32xf32, #tpu.memory_space<vmem_shared>>
      tpu.enqueue_indirect_dma source(%arg14 : memref<125x32xf32, #tpu.memory_space<vmem>>) target(%dma_start3A_321 : memref<10240x32xf32, #tpu.memory_space<vmem_shared>>) offsets(%dma_start3A_318 : memref<125xi32, #tpu.memory_space<vmem>>) semaphore(%arg32 : memref<!tpu.dma_semaphore, #tpu.memory_space<semaphore_mem>>) {add = true}
      %dma_wait3A_322 = arith.constant 0 : i32
      %dma_wait3A_323 = tpu.memref_slice %arg6[%add3A_217, %dma_wait3A_322] : memref<80x125xi32, #tpu.memory_space<vmem>> -> memref<1x125xi32, #tpu.memory_space<vmem>>
      %dma_wait3A_324 = tpu.memref_squeeze %dma_wait3A_323 : memref<1x125xi32, #tpu.memory_space<vmem>> -> memref<125xi32, #tpu.memory_space<vmem>>
      %dma_wait3A_325 = arith.constant 0 : i32
      %dma_wait3A_326 = arith.constant 0 : i32
      %dma_wait3A_327 = tpu.memref_slice %arg2[%dma_wait3A_325, %dma_wait3A_326] : memref<10000x32xf32, #tpu.memory_space<hbm>> -> memref<10000x32xf32, #tpu.memory_space<hbm>>
      tpu.wait_indirect_dma semaphore(%arg25 : memref<!tpu.dma_semaphore, #tpu.memory_space<semaphore_mem>>) src(%dma_wait3A_327 : memref<10000x32xf32, #tpu.memory_space<hbm>>) dst(%arg15 : memref<125x32xf32, #tpu.memory_space<vmem>>)
      %add3A_328 = arith.constant 7 : i32
      %add3A_329 = arith.addi %add3A_123, %add3A_328 : i32
      %dma_start3A_330 = arith.constant 0 : i32
      %dma_start3A_331 = tpu.memref_slice %arg7[%add3A_329, %dma_start3A_330] : memref<80x125xi32, #tpu.memory_space<vmem>> -> memref<1x125xi32, #tpu.memory_space<vmem>>
      %dma_start3A_332 = tpu.memref_squeeze %dma_start3A_331 : memref<1x125xi32, #tpu.memory_space<vmem>> -> memref<125xi32, #tpu.memory_space<vmem>>
      %dma_start3A_333 = arith.constant 0 : i32
      %dma_start3A_334 = arith.constant 0 : i32
      %dma_start3A_335 = tpu.memref_slice %arg17[%dma_start3A_333, %dma_start3A_334] : memref<10240x32xf32, #tpu.memory_space<vmem_shared>> -> memref<10240x32xf32, #tpu.memory_space<vmem_shared>>
      tpu.enqueue_indirect_dma source(%arg15 : memref<125x32xf32, #tpu.memory_space<vmem>>) target(%dma_start3A_335 : memref<10240x32xf32, #tpu.memory_space<vmem_shared>>) offsets(%dma_start3A_332 : memref<125xi32, #tpu.memory_space<vmem>>) semaphore(%arg33 : memref<!tpu.dma_semaphore, #tpu.memory_space<semaphore_mem>>) {add = true}
    }
    %scan3A_52 = arith.constant 10 : i32
    %dma_wait3A = arith.constant 0 : i32
    %dma_wait3A_53 = arith.constant 0 : i32
    %dma_wait3A_54 = tpu.memref_slice %arg7[%dma_wait3A, %dma_wait3A_53] : memref<80x125xi32, #tpu.memory_space<vmem>> -> memref<1x125xi32, #tpu.memory_space<vmem>>
    %dma_wait3A_55 = tpu.memref_squeeze %dma_wait3A_54 : memref<1x125xi32, #tpu.memory_space<vmem>> -> memref<125xi32, #tpu.memory_space<vmem>>
    %dma_wait3A_56 = arith.constant 0 : i32
    %dma_wait3A_57 = arith.constant 0 : i32
    %dma_wait3A_58 = tpu.memref_slice %arg17[%dma_wait3A_56, %dma_wait3A_57] : memref<10240x32xf32, #tpu.memory_space<vmem_shared>> -> memref<10240x32xf32, #tpu.memory_space<vmem_shared>>
    tpu.wait_indirect_dma semaphore(%arg26 : memref<!tpu.dma_semaphore, #tpu.memory_space<semaphore_mem>>) src(%arg8 : memref<125x32xf32, #tpu.memory_space<vmem>>) dst(%dma_wait3A_58 : memref<10240x32xf32, #tpu.memory_space<vmem_shared>>)
    %dma_wait3A_59 = arith.constant 1 : i32
    %dma_wait3A_60 = arith.constant 0 : i32
    %dma_wait3A_61 = tpu.memref_slice %arg7[%dma_wait3A_59, %dma_wait3A_60] : memref<80x125xi32, #tpu.memory_space<vmem>> -> memref<1x125xi32, #tpu.memory_space<vmem>>
    %dma_wait3A_62 = tpu.memref_squeeze %dma_wait3A_61 : memref<1x125xi32, #tpu.memory_space<vmem>> -> memref<125xi32, #tpu.memory_space<vmem>>
    %dma_wait3A_63 = arith.constant 0 : i32
    %dma_wait3A_64 = arith.constant 0 : i32
    %dma_wait3A_65 = tpu.memref_slice %arg17[%dma_wait3A_63, %dma_wait3A_64] : memref<10240x32xf32, #tpu.memory_space<vmem_shared>> -> memref<10240x32xf32, #tpu.memory_space<vmem_shared>>
    tpu.wait_indirect_dma semaphore(%arg27 : memref<!tpu.dma_semaphore, #tpu.memory_space<semaphore_mem>>) src(%arg9 : memref<125x32xf32, #tpu.memory_space<vmem>>) dst(%dma_wait3A_65 : memref<10240x32xf32, #tpu.memory_space<vmem_shared>>)
    %dma_wait3A_66 = arith.constant 2 : i32
    %dma_wait3A_67 = arith.constant 0 : i32
    %dma_wait3A_68 = tpu.memref_slice %arg7[%dma_wait3A_66, %dma_wait3A_67] : memref<80x125xi32, #tpu.memory_space<vmem>> -> memref<1x125xi32, #tpu.memory_space<vmem>>
    %dma_wait3A_69 = tpu.memref_squeeze %dma_wait3A_68 : memref<1x125xi32, #tpu.memory_space<vmem>> -> memref<125xi32, #tpu.memory_space<vmem>>
    %dma_wait3A_70 = arith.constant 0 : i32
    %dma_wait3A_71 = arith.constant 0 : i32
    %dma_wait3A_72 = tpu.memref_slice %arg17[%dma_wait3A_70, %dma_wait3A_71] : memref<10240x32xf32, #tpu.memory_space<vmem_shared>> -> memref<10240x32xf32, #tpu.memory_space<vmem_shared>>
    tpu.wait_indirect_dma semaphore(%arg28 : memref<!tpu.dma_semaphore, #tpu.memory_space<semaphore_mem>>) src(%arg10 : memref<125x32xf32, #tpu.memory_space<vmem>>) dst(%dma_wait3A_72 : memref<10240x32xf32, #tpu.memory_space<vmem_shared>>)
    %dma_wait3A_73 = arith.constant 3 : i32
    %dma_wait3A_74 = arith.constant 0 : i32
    %dma_wait3A_75 = tpu.memref_slice %arg7[%dma_wait3A_73, %dma_wait3A_74] : memref<80x125xi32, #tpu.memory_space<vmem>> -> memref<1x125xi32, #tpu.memory_space<vmem>>
    %dma_wait3A_76 = tpu.memref_squeeze %dma_wait3A_75 : memref<1x125xi32, #tpu.memory_space<vmem>> -> memref<125xi32, #tpu.memory_space<vmem>>
    %dma_wait3A_77 = arith.constant 0 : i32
    %dma_wait3A_78 = arith.constant 0 : i32
    %dma_wait3A_79 = tpu.memref_slice %arg17[%dma_wait3A_77, %dma_wait3A_78] : memref<10240x32xf32, #tpu.memory_space<vmem_shared>> -> memref<10240x32xf32, #tpu.memory_space<vmem_shared>>
    tpu.wait_indirect_dma semaphore(%arg29 : memref<!tpu.dma_semaphore, #tpu.memory_space<semaphore_mem>>) src(%arg11 : memref<125x32xf32, #tpu.memory_space<vmem>>) dst(%dma_wait3A_79 : memref<10240x32xf32, #tpu.memory_space<vmem_shared>>)
    %dma_wait3A_80 = arith.constant 4 : i32
    %dma_wait3A_81 = arith.constant 0 : i32
    %dma_wait3A_82 = tpu.memref_slice %arg7[%dma_wait3A_80, %dma_wait3A_81] : memref<80x125xi32, #tpu.memory_space<vmem>> -> memref<1x125xi32, #tpu.memory_space<vmem>>
    %dma_wait3A_83 = tpu.memref_squeeze %dma_wait3A_82 : memref<1x125xi32, #tpu.memory_space<vmem>> -> memref<125xi32, #tpu.memory_space<vmem>>
    %dma_wait3A_84 = arith.constant 0 : i32
    %dma_wait3A_85 = arith.constant 0 : i32
    %dma_wait3A_86 = tpu.memref_slice %arg17[%dma_wait3A_84, %dma_wait3A_85] : memref<10240x32xf32, #tpu.memory_space<vmem_shared>> -> memref<10240x32xf32, #tpu.memory_space<vmem_shared>>
    tpu.wait_indirect_dma semaphore(%arg30 : memref<!tpu.dma_semaphore, #tpu.memory_space<semaphore_mem>>) src(%arg12 : memref<125x32xf32, #tpu.memory_space<vmem>>) dst(%dma_wait3A_86 : memref<10240x32xf32, #tpu.memory_space<vmem_shared>>)
    %dma_wait3A_87 = arith.constant 5 : i32
    %dma_wait3A_88 = arith.constant 0 : i32
    %dma_wait3A_89 = tpu.memref_slice %arg7[%dma_wait3A_87, %dma_wait3A_88] : memref<80x125xi32, #tpu.memory_space<vmem>> -> memref<1x125xi32, #tpu.memory_space<vmem>>
    %dma_wait3A_90 = tpu.memref_squeeze %dma_wait3A_89 : memref<1x125xi32, #tpu.memory_space<vmem>> -> memref<125xi32, #tpu.memory_space<vmem>>
    %dma_wait3A_91 = arith.constant 0 : i32
    %dma_wait3A_92 = arith.constant 0 : i32
    %dma_wait3A_93 = tpu.memref_slice %arg17[%dma_wait3A_91, %dma_wait3A_92] : memref<10240x32xf32, #tpu.memory_space<vmem_shared>> -> memref<10240x32xf32, #tpu.memory_space<vmem_shared>>
    tpu.wait_indirect_dma semaphore(%arg31 : memref<!tpu.dma_semaphore, #tpu.memory_space<semaphore_mem>>) src(%arg13 : memref<125x32xf32, #tpu.memory_space<vmem>>) dst(%dma_wait3A_93 : memref<10240x32xf32, #tpu.memory_space<vmem_shared>>)
    %dma_wait3A_94 = arith.constant 6 : i32
    %dma_wait3A_95 = arith.constant 0 : i32
    %dma_wait3A_96 = tpu.memref_slice %arg7[%dma_wait3A_94, %dma_wait3A_95] : memref<80x125xi32, #tpu.memory_space<vmem>> -> memref<1x125xi32, #tpu.memory_space<vmem>>
    %dma_wait3A_97 = tpu.memref_squeeze %dma_wait3A_96 : memref<1x125xi32, #tpu.memory_space<vmem>> -> memref<125xi32, #tpu.memory_space<vmem>>
    %dma_wait3A_98 = arith.constant 0 : i32
    %dma_wait3A_99 = arith.constant 0 : i32
    %dma_wait3A_100 = tpu.memref_slice %arg17[%dma_wait3A_98, %dma_wait3A_99] : memref<10240x32xf32, #tpu.memory_space<vmem_shared>> -> memref<10240x32xf32, #tpu.memory_space<vmem_shared>>
    tpu.wait_indirect_dma semaphore(%arg32 : memref<!tpu.dma_semaphore, #tpu.memory_space<semaphore_mem>>) src(%arg14 : memref<125x32xf32, #tpu.memory_space<vmem>>) dst(%dma_wait3A_100 : memref<10240x32xf32, #tpu.memory_space<vmem_shared>>)
    %dma_wait3A_101 = arith.constant 7 : i32
    %dma_wait3A_102 = arith.constant 0 : i32
    %dma_wait3A_103 = tpu.memref_slice %arg7[%dma_wait3A_101, %dma_wait3A_102] : memref<80x125xi32, #tpu.memory_space<vmem>> -> memref<1x125xi32, #tpu.memory_space<vmem>>
    %dma_wait3A_104 = tpu.memref_squeeze %dma_wait3A_103 : memref<1x125xi32, #tpu.memory_space<vmem>> -> memref<125xi32, #tpu.memory_space<vmem>>
    %dma_wait3A_105 = arith.constant 0 : i32
    %dma_wait3A_106 = arith.constant 0 : i32
    %dma_wait3A_107 = tpu.memref_slice %arg17[%dma_wait3A_105, %dma_wait3A_106] : memref<10240x32xf32, #tpu.memory_space<vmem_shared>> -> memref<10240x32xf32, #tpu.memory_space<vmem_shared>>
    tpu.wait_indirect_dma semaphore(%arg33 : memref<!tpu.dma_semaphore, #tpu.memory_space<semaphore_mem>>) src(%arg15 : memref<125x32xf32, #tpu.memory_space<vmem>>) dst(%dma_wait3A_107 : memref<10240x32xf32, #tpu.memory_space<vmem_shared>>)
    %barrier3A_108 = arith.constant 0 : index
    tpu.barrier barrier_id(%barrier3A_108)
    %add3A_109 = arith.constant 0 : i32
    %add3A_110 = arith.addi %mul3A_4, %add3A_109 : i32
    "tpu.region"() ({
      %run_scoped3A = tpu.sem_alloc : memref<!tpu.dma_semaphore, #tpu.memory_space<semaphore_mem>>
      %dma_start3A = arith.constant 0 : i32
      %dma_start3A_119 = tpu.memref_slice %arg5[%arg0, %add3A_110, %dma_start3A] : memref<2x10240x32xf32, #tpu.memory_space<hbm>> -> memref<1x128x32xf32, #tpu.memory_space<hbm>>
      %dma_start3A_120 = tpu.memref_squeeze %dma_start3A_119 : memref<1x128x32xf32, #tpu.memory_space<hbm>> -> memref<128x32xf32, #tpu.memory_space<hbm>>
      %dma_start3A_121 = arith.constant 0 : i32
      %dma_start3A_122 = tpu.memref_slice %arg17[%add3A_110, %dma_start3A_121] : memref<10240x32xf32, #tpu.memory_space<vmem_shared>> -> memref<128x32xf32, #tpu.memory_space<vmem_shared>>
      tpu.enqueue_dma source(%dma_start3A_122 : memref<128x32xf32, #tpu.memory_space<vmem_shared>>) target(%dma_start3A_120 : memref<128x32xf32, #tpu.memory_space<hbm>>) target_semaphore(%run_scoped3A : memref<!tpu.dma_semaphore, #tpu.memory_space<semaphore_mem>>)
      %dma_wait3A_123 = arith.constant 0 : i32
      %dma_wait3A_124 = tpu.memref_slice %arg5[%arg0, %add3A_110, %dma_wait3A_123] : memref<2x10240x32xf32, #tpu.memory_space<hbm>> -> memref<1x128x32xf32, #tpu.memory_space<hbm>>
      %dma_wait3A_125 = tpu.memref_squeeze %dma_wait3A_124 : memref<1x128x32xf32, #tpu.memory_space<hbm>> -> memref<128x32xf32, #tpu.memory_space<hbm>>
      %dma_wait3A_126 = arith.constant 0 : i32
      %dma_wait3A_127 = tpu.memref_slice %arg17[%add3A_110, %dma_wait3A_126] : memref<10240x32xf32, #tpu.memory_space<vmem_shared>> -> memref<128x32xf32, #tpu.memory_space<vmem_shared>>
      tpu.wait_dma2 semaphore(%run_scoped3A : memref<!tpu.dma_semaphore, #tpu.memory_space<semaphore_mem>>) src(%dma_wait3A_127 : memref<128x32xf32, #tpu.memory_space<vmem_shared>>) dst(%dma_wait3A_125 : memref<128x32xf32, #tpu.memory_space<hbm>>)
      tpu.yield
    }) : () -> ()
    %add3A_111 = arith.constant 128 : i32
    %add3A_112 = arith.addi %mul3A_4, %add3A_111 : i32
    "tpu.region"() ({
      %run_scoped3A = tpu.sem_alloc : memref<!tpu.dma_semaphore, #tpu.memory_space<semaphore_mem>>
      %dma_start3A = arith.constant 0 : i32
      %dma_start3A_119 = tpu.memref_slice %arg5[%arg0, %add3A_112, %dma_start3A] : memref<2x10240x32xf32, #tpu.memory_space<hbm>> -> memref<1x128x32xf32, #tpu.memory_space<hbm>>
      %dma_start3A_120 = tpu.memref_squeeze %dma_start3A_119 : memref<1x128x32xf32, #tpu.memory_space<hbm>> -> memref<128x32xf32, #tpu.memory_space<hbm>>
      %dma_start3A_121 = arith.constant 0 : i32
      %dma_start3A_122 = tpu.memref_slice %arg17[%add3A_112, %dma_start3A_121] : memref<10240x32xf32, #tpu.memory_space<vmem_shared>> -> memref<128x32xf32, #tpu.memory_space<vmem_shared>>
      tpu.enqueue_dma source(%dma_start3A_122 : memref<128x32xf32, #tpu.memory_space<vmem_shared>>) target(%dma_start3A_120 : memref<128x32xf32, #tpu.memory_space<hbm>>) target_semaphore(%run_scoped3A : memref<!tpu.dma_semaphore, #tpu.memory_space<semaphore_mem>>)
      %dma_wait3A_123 = arith.constant 0 : i32
      %dma_wait3A_124 = tpu.memref_slice %arg5[%arg0, %add3A_112, %dma_wait3A_123] : memref<2x10240x32xf32, #tpu.memory_space<hbm>> -> memref<1x128x32xf32, #tpu.memory_space<hbm>>
      %dma_wait3A_125 = tpu.memref_squeeze %dma_wait3A_124 : memref<1x128x32xf32, #tpu.memory_space<hbm>> -> memref<128x32xf32, #tpu.memory_space<hbm>>
      %dma_wait3A_126 = arith.constant 0 : i32
      %dma_wait3A_127 = tpu.memref_slice %arg17[%add3A_112, %dma_wait3A_126] : memref<10240x32xf32, #tpu.memory_space<vmem_shared>> -> memref<128x32xf32, #tpu.memory_space<vmem_shared>>
      tpu.wait_dma2 semaphore(%run_scoped3A : memref<!tpu.dma_semaphore, #tpu.memory_space<semaphore_mem>>) src(%dma_wait3A_127 : memref<128x32xf32, #tpu.memory_space<vmem_shared>>) dst(%dma_wait3A_125 : memref<128x32xf32, #tpu.memory_space<hbm>>)
      tpu.yield
    }) : () -> ()
    %add3A_113 = arith.constant 256 : i32
    %add3A_114 = arith.addi %mul3A_4, %add3A_113 : i32
    "tpu.region"() ({
      %run_scoped3A = tpu.sem_alloc : memref<!tpu.dma_semaphore, #tpu.memory_space<semaphore_mem>>
      %dma_start3A = arith.constant 0 : i32
      %dma_start3A_119 = tpu.memref_slice %arg5[%arg0, %add3A_114, %dma_start3A] : memref<2x10240x32xf32, #tpu.memory_space<hbm>> -> memref<1x128x32xf32, #tpu.memory_space<hbm>>
      %dma_start3A_120 = tpu.memref_squeeze %dma_start3A_119 : memref<1x128x32xf32, #tpu.memory_space<hbm>> -> memref<128x32xf32, #tpu.memory_space<hbm>>
      %dma_start3A_121 = arith.constant 0 : i32
      %dma_start3A_122 = tpu.memref_slice %arg17[%add3A_114, %dma_start3A_121] : memref<10240x32xf32, #tpu.memory_space<vmem_shared>> -> memref<128x32xf32, #tpu.memory_space<vmem_shared>>
      tpu.enqueue_dma source(%dma_start3A_122 : memref<128x32xf32, #tpu.memory_space<vmem_shared>>) target(%dma_start3A_120 : memref<128x32xf32, #tpu.memory_space<hbm>>) target_semaphore(%run_scoped3A : memref<!tpu.dma_semaphore, #tpu.memory_space<semaphore_mem>>)
      %dma_wait3A_123 = arith.constant 0 : i32
      %dma_wait3A_124 = tpu.memref_slice %arg5[%arg0, %add3A_114, %dma_wait3A_123] : memref<2x10240x32xf32, #tpu.memory_space<hbm>> -> memref<1x128x32xf32, #tpu.memory_space<hbm>>
      %dma_wait3A_125 = tpu.memref_squeeze %dma_wait3A_124 : memref<1x128x32xf32, #tpu.memory_space<hbm>> -> memref<128x32xf32, #tpu.memory_space<hbm>>
      %dma_wait3A_126 = arith.constant 0 : i32
      %dma_wait3A_127 = tpu.memref_slice %arg17[%add3A_114, %dma_wait3A_126] : memref<10240x32xf32, #tpu.memory_space<vmem_shared>> -> memref<128x32xf32, #tpu.memory_space<vmem_shared>>
      tpu.wait_dma2 semaphore(%run_scoped3A : memref<!tpu.dma_semaphore, #tpu.memory_space<semaphore_mem>>) src(%dma_wait3A_127 : memref<128x32xf32, #tpu.memory_space<vmem_shared>>) dst(%dma_wait3A_125 : memref<128x32xf32, #tpu.memory_space<hbm>>)
      tpu.yield
    }) : () -> ()
    %add3A_115 = arith.constant 384 : i32
    %add3A_116 = arith.addi %mul3A_4, %add3A_115 : i32
    "tpu.region"() ({
      %run_scoped3A = tpu.sem_alloc : memref<!tpu.dma_semaphore, #tpu.memory_space<semaphore_mem>>
      %dma_start3A = arith.constant 0 : i32
      %dma_start3A_119 = tpu.memref_slice %arg5[%arg0, %add3A_116, %dma_start3A] : memref<2x10240x32xf32, #tpu.memory_space<hbm>> -> memref<1x128x32xf32, #tpu.memory_space<hbm>>
      %dma_start3A_120 = tpu.memref_squeeze %dma_start3A_119 : memref<1x128x32xf32, #tpu.memory_space<hbm>> -> memref<128x32xf32, #tpu.memory_space<hbm>>
      %dma_start3A_121 = arith.constant 0 : i32
      %dma_start3A_122 = tpu.memref_slice %arg17[%add3A_116, %dma_start3A_121] : memref<10240x32xf32, #tpu.memory_space<vmem_shared>> -> memref<128x32xf32, #tpu.memory_space<vmem_shared>>
      tpu.enqueue_dma source(%dma_start3A_122 : memref<128x32xf32, #tpu.memory_space<vmem_shared>>) target(%dma_start3A_120 : memref<128x32xf32, #tpu.memory_space<hbm>>) target_semaphore(%run_scoped3A : memref<!tpu.dma_semaphore, #tpu.memory_space<semaphore_mem>>)
      %dma_wait3A_123 = arith.constant 0 : i32
      %dma_wait3A_124 = tpu.memref_slice %arg5[%arg0, %add3A_116, %dma_wait3A_123] : memref<2x10240x32xf32, #tpu.memory_space<hbm>> -> memref<1x128x32xf32, #tpu.memory_space<hbm>>
      %dma_wait3A_125 = tpu.memref_squeeze %dma_wait3A_124 : memref<1x128x32xf32, #tpu.memory_space<hbm>> -> memref<128x32xf32, #tpu.memory_space<hbm>>
      %dma_wait3A_126 = arith.constant 0 : i32
      %dma_wait3A_127 = tpu.memref_slice %arg17[%add3A_116, %dma_wait3A_126] : memref<10240x32xf32, #tpu.memory_space<vmem_shared>> -> memref<128x32xf32, #tpu.memory_space<vmem_shared>>
      tpu.wait_dma2 semaphore(%run_scoped3A : memref<!tpu.dma_semaphore, #tpu.memory_space<semaphore_mem>>) src(%dma_wait3A_127 : memref<128x32xf32, #tpu.memory_space<vmem_shared>>) dst(%dma_wait3A_125 : memref<128x32xf32, #tpu.memory_space<hbm>>)
      tpu.yield
    }) : () -> ()
    %add3A_117 = arith.constant 512 : i32
    %add3A_118 = arith.addi %mul3A_4, %add3A_117 : i32
    "tpu.region"() ({
      %run_scoped3A = tpu.sem_alloc : memref<!tpu.dma_semaphore, #tpu.memory_space<semaphore_mem>>
      %dma_start3A = arith.constant 0 : i32
      %dma_start3A_119 = tpu.memref_slice %arg5[%arg0, %add3A_118, %dma_start3A] : memref<2x10240x32xf32, #tpu.memory_space<hbm>> -> memref<1x128x32xf32, #tpu.memory_space<hbm>>
      %dma_start3A_120 = tpu.memref_squeeze %dma_start3A_119 : memref<1x128x32xf32, #tpu.memory_space<hbm>> -> memref<128x32xf32, #tpu.memory_space<hbm>>
      %dma_start3A_121 = arith.constant 0 : i32
      %dma_start3A_122 = tpu.memref_slice %arg17[%add3A_118, %dma_start3A_121] : memref<10240x32xf32, #tpu.memory_space<vmem_shared>> -> memref<128x32xf32, #tpu.memory_space<vmem_shared>>
      tpu.enqueue_dma source(%dma_start3A_122 : memref<128x32xf32, #tpu.memory_space<vmem_shared>>) target(%dma_start3A_120 : memref<128x32xf32, #tpu.memory_space<hbm>>) target_semaphore(%run_scoped3A : memref<!tpu.dma_semaphore, #tpu.memory_space<semaphore_mem>>)
      %dma_wait3A_123 = arith.constant 0 : i32
      %dma_wait3A_124 = tpu.memref_slice %arg5[%arg0, %add3A_118, %dma_wait3A_123] : memref<2x10240x32xf32, #tpu.memory_space<hbm>> -> memref<1x128x32xf32, #tpu.memory_space<hbm>>
      %dma_wait3A_125 = tpu.memref_squeeze %dma_wait3A_124 : memref<1x128x32xf32, #tpu.memory_space<hbm>> -> memref<128x32xf32, #tpu.memory_space<hbm>>
      %dma_wait3A_126 = arith.constant 0 : i32
      %dma_wait3A_127 = tpu.memref_slice %arg17[%add3A_118, %dma_wait3A_126] : memref<10240x32xf32, #tpu.memory_space<vmem_shared>> -> memref<128x32xf32, #tpu.memory_space<vmem_shared>>
      tpu.wait_dma2 semaphore(%run_scoped3A : memref<!tpu.dma_semaphore, #tpu.memory_space<semaphore_mem>>) src(%dma_wait3A_127 : memref<128x32xf32, #tpu.memory_space<vmem_shared>>) dst(%dma_wait3A_125 : memref<128x32xf32, #tpu.memory_space<hbm>>)
      tpu.yield
    }) : () -> ()
    return
  }
}

module attributes {stable_mosaic.version = 14 : i64} {
  func.func @body(%arg0: i32, %arg1: memref<2500x128xi32, #tpu.memory_space<vmem>>, %arg2: memref<1x2500x128xi32, #tpu.memory_space<vmem>>) attributes {dimension_semantics = [#tpu.dimension_semantics<arbitrary>], iteration_bounds = array<i64: 2>, scalar_prefetch = 0 : i64, scratch_operands = 0 : i64, tpu.core_type = #tpu.core_type<tc>, window_params = [{pipeline_mode = #tpu.pipeline_mode<synchronous>, transform_indices = @transform_0, window_bounds = array<i64: 2500, 128>}, {transform_indices = @transform_1, window_bounds = array<i64: 1, 2500, 128>}]} {
    %get3A = arith.constant 0 : index
    %get3A_0 = arith.constant 0 : index
    %get3A_1 = vector.load %arg1[%get3A, %get3A_0] : memref<2500x128xi32, #tpu.memory_space<vmem>>, vector<2500x128xi32>
    %mul3A = arith.constant 2 : i32
    %mul3A_2 = vector.broadcast %mul3A : i32 to vector<2500x128xi32>
    %mul3A_3 = arith.muli %get3A_1, %mul3A_2 : vector<2500x128xi32>
    %add3A = vector.broadcast %arg0 : i32 to vector<2500x128xi32>
    %add3A_4 = arith.addi %mul3A_3, %add3A : vector<2500x128xi32>
    %swap3A = arith.constant 0 : index
    %swap3A_5 = arith.constant 0 : index
    %swap3A_6 = arith.constant 0 : index
    %swap3A_7 = vector.load %arg2[%swap3A, %swap3A_5, %swap3A_6] : memref<1x2500x128xi32, #tpu.memory_space<vmem>>, vector<1x2500x128xi32>
    %swap3A_8 = vector.shape_cast %swap3A_7 : vector<1x2500x128xi32> to vector<2500x128xi32>
    %swap3A_9 = vector.shape_cast %add3A_4 : vector<2500x128xi32> to vector<1x2500x128xi32>
    tpu.vector_store %arg2[%swap3A, %swap3A_5, %swap3A_6], %swap3A_9 {strides = array<i32>} : memref<1x2500x128xi32, #tpu.memory_space<vmem>>, vector<1x2500x128xi32>,
    return
  }
  func.func @transform_0(%arg0: i32) -> (i32, i32) {
    %c0_i32 = arith.constant 0 : i32
    %c0_i32_0 = arith.constant 0 : i32
    %c0_i32_1 = arith.constant 0 : i32
    return %c0_i32, %c0_i32_0 : i32, i32
  }
  func.func @transform_1(%arg0: i32) -> (i32, i32, i32) {
    %c0_i32 = arith.constant 0 : i32
    %c0_i32_0 = arith.constant 0 : i32
    %c0_i32_1 = arith.constant 0 : i32
    return %arg0, %c0_i32, %c0_i32_0 : i32, i32, i32
  }
}

module attributes {stable_mosaic.version = 14 : i64} {
  func.func @body(%arg0: i32, %arg1: memref<1000x128xf32, #tpu.memory_space<vmem>>, %arg2: memref<128x128xf32, #tpu.memory_space<vmem>>, %arg3: memref<1x128xf32, #tpu.memory_space<vmem>>, %arg4: memref<1000x128xf32, #tpu.memory_space<vmem>>) attributes {dimension_semantics = [#tpu.dimension_semantics<arbitrary>], iteration_bounds = array<i64: 10>, scalar_prefetch = 0 : i64, scratch_operands = 0 : i64, tpu.core_type = #tpu.core_type<tc>, window_params = [{transform_indices = @transform_0, window_bounds = array<i64: 1000, 128>}, {pipeline_mode = #tpu.pipeline_mode<synchronous>, transform_indices = @transform_1, window_bounds = array<i64: 128, 128>}, {pipeline_mode = #tpu.pipeline_mode<synchronous>, transform_indices = @transform_2, window_bounds = array<i64: 1, 128>}, {transform_indices = @transform_3, window_bounds = array<i64: 1000, 128>}]} {
    %get3A = arith.constant 0 : index
    %get3A_0 = arith.constant 0 : index
    %get3A_1 = vector.load %arg1[%get3A, %get3A_0] : memref<1000x128xf32, #tpu.memory_space<vmem>>, vector<1000x128xf32>
    %get3A_2 = arith.constant 0 : index
    %get3A_3 = arith.constant 0 : index
    %get3A_4 = vector.load %arg2[%get3A_2, %get3A_3] : memref<128x128xf32, #tpu.memory_space<vmem>>, vector<128x128xf32>
    %dot_general3A = arith.constant dense<0.000000e+00> : vector<1000x128xf32>
    %dot_general3A_5 = tpu.matmul %get3A_1, %get3A_4, %dot_general3A {dimension_numbers = #tpu.dot_dimension_numbers<[1], [1], [0], [0], [0, 0, 1, 0], [], []>, transpose_lhs_hint = false} : vector<1000x128xf32>, vector<128x128xf32>, vector<1000x128xf32> -> vector<1000x128xf32>
    %get3A_6 = arith.constant 0 : index
    %get3A_7 = arith.constant 0 : index
    %get3A_8 = vector.load %arg3[%get3A_6, %get3A_7] : memref<1x128xf32, #tpu.memory_space<vmem>>, vector<1x128xf32>
    %add3A = vector.broadcast %get3A_8 : vector<1x128xf32> to vector<1000x128xf32>
    %add3A_9 = arith.addf %dot_general3A_5, %add3A : vector<1000x128xf32>
    %swap3A = arith.constant 0 : index
    %swap3A_10 = arith.constant 0 : index
    %swap3A_11 = vector.load %arg4[%swap3A, %swap3A_10] : memref<1000x128xf32, #tpu.memory_space<vmem>>, vector<1000x128xf32>
    tpu.vector_store %arg4[%swap3A, %swap3A_10], %add3A_9 {strides = array<i32>} : memref<1000x128xf32, #tpu.memory_space<vmem>>, vector<1000x128xf32>,
    return
  }
  func.func @transform_0(%arg0: i32) -> (i32, i32) {
    %c0_i32 = arith.constant 0 : i32
    %c0_i32_0 = arith.constant 0 : i32
    return %arg0, %c0_i32 : i32, i32
  }
  func.func @transform_1(%arg0: i32) -> (i32, i32) {
    %c0_i32 = arith.constant 0 : i32
    %c0_i32_0 = arith.constant 0 : i32
    %c0_i32_1 = arith.constant 0 : i32
    return %c0_i32, %c0_i32_0 : i32, i32
  }
  func.func @transform_2(%arg0: i32) -> (i32, i32) {
    %c0_i32 = arith.constant 0 : i32
    %c0_i32_0 = arith.constant 0 : i32
    %c0_i32_1 = arith.constant 0 : i32
    return %c0_i32, %c0_i32_0 : i32, i32
  }
  func.func @transform_3(%arg0: i32) -> (i32, i32) {
    %c0_i32 = arith.constant 0 : i32
    %c0_i32_0 = arith.constant 0 : i32
    return %arg0, %c0_i32 : i32, i32
  }
}

module attributes {stable_mosaic.version = 14 : i64} {
  func.func @body(%arg0: i32, %arg1: memref<2x1000x64xf32, #tpu.memory_space<vmem>>, %arg2: memref<2x1000x16xf32, #tpu.memory_space<vmem>>, %arg3: memref<1000x128xf32, #tpu.memory_space<vmem>>, %arg4: memref<128x128xf32, #tpu.memory_space<vmem>>, %arg5: memref<32x128xf32, #tpu.memory_space<vmem>>, %arg6: memref<32x128xf32, #tpu.memory_space<vmem>>, %arg7: memref<1x32xf32, #tpu.memory_space<vmem>>, %arg8: memref<1000x32xf32, #tpu.memory_space<vmem>>, %arg9: memref<1000x32xf32, #tpu.memory_space<vmem>>, %arg10: memref<1000x1xf32, #tpu.memory_space<vmem>>) attributes {dimension_semantics = [#tpu.dimension_semantics<arbitrary>], iteration_bounds = array<i64: 10>, scalar_prefetch = 0 : i64, scratch_operands = 0 : i64, tpu.core_type = #tpu.core_type<tc>, window_params = [{transform_indices = @transform_0, window_bounds = array<i64: 2, 1000, 64>}, {transform_indices = @transform_1, window_bounds = array<i64: 2, 1000, 16>}, {transform_indices = @transform_2, window_bounds = array<i64: 1000, 128>}, {pipeline_mode = #tpu.pipeline_mode<synchronous>, transform_indices = @transform_3, window_bounds = array<i64: 128, 128>}, {pipeline_mode = #tpu.pipeline_mode<synchronous>, transform_indices = @transform_4, window_bounds = array<i64: 32, 128>}, {pipeline_mode = #tpu.pipeline_mode<synchronous>, transform_indices = @transform_5, window_bounds = array<i64: 32, 128>}, {pipeline_mode = #tpu.pipeline_mode<synchronous>, transform_indices = @transform_6, window_bounds = array<i64: 1, 32>}, {transform_indices = @transform_7, window_bounds = array<i64: 1000, 32>}, {transform_indices = @transform_8, window_bounds = array<i64: 1000, 32>}, {transform_indices = @transform_9, window_bounds = array<i64: 1000, 1>}]} {
    %get3A = arith.constant 0 : index
    %get3A_0 = arith.constant 0 : index
    %get3A_1 = arith.constant 0 : index
    %get3A_2 = vector.load %arg2[%get3A, %get3A_0, %get3A_1] : memref<2x1000x16xf32, #tpu.memory_space<vmem>>, vector<1x1000x1xf32>
    %get3A_3 = vector.shape_cast %get3A_2 : vector<1x1000x1xf32> to vector<1000x1xf32>
    %get3A_4 = arith.constant 1 : index
    %get3A_5 = arith.constant 0 : index
    %get3A_6 = arith.constant 0 : index
    %get3A_7 = vector.load %arg2[%get3A_4, %get3A_5, %get3A_6] : memref<2x1000x16xf32, #tpu.memory_space<vmem>>, vector<1x1000x1xf32>
    %get3A_8 = vector.shape_cast %get3A_7 : vector<1x1000x1xf32> to vector<1000x1xf32>
    %add3A = arith.addf %get3A_3, %get3A_8 : vector<1000x1xf32>
    %max3A = arith.constant 1.000000e+00 : f32
    %max3A_9 = vector.broadcast %max3A : f32 to vector<1000x1xf32>
    %max3A_10 = arith.maximumf %add3A, %max3A_9 : vector<1000x1xf32>
    %div3A = arith.constant 1.000000e+00 : f32
    %div3A_11 = vector.broadcast %div3A : f32 to vector<1000x1xf32>
    %div3A_12 = arith.divf %div3A_11, %max3A_10 : vector<1000x1xf32>
    %get3A_13 = arith.constant 0 : index
    %get3A_14 = arith.constant 0 : index
    %get3A_15 = arith.constant 0 : index
    %get3A_16 = vector.load %arg1[%get3A_13, %get3A_14, %get3A_15] : memref<2x1000x64xf32, #tpu.memory_space<vmem>>, vector<1x1000x64xf32>
    %get3A_17 = vector.shape_cast %get3A_16 : vector<1x1000x64xf32> to vector<1000x64xf32>
    %get3A_18 = arith.constant 1 : index
    %get3A_19 = arith.constant 0 : index
    %get3A_20 = arith.constant 0 : index
    %get3A_21 = vector.load %arg1[%get3A_18, %get3A_19, %get3A_20] : memref<2x1000x64xf32, #tpu.memory_space<vmem>>, vector<1x1000x64xf32>
    %get3A_22 = vector.shape_cast %get3A_21 : vector<1x1000x64xf32> to vector<1000x64xf32>
    %concatenate3A = tpu.concatenate %get3A_17, %get3A_22 in 1 : vector<1000x64xf32>, vector<1000x64xf32> -> vector<1000x128xf32>
    %mul3A = vector.broadcast %div3A_12 : vector<1000x1xf32> to vector<1000x128xf32>
    %mul3A_23 = arith.mulf %concatenate3A, %mul3A : vector<1000x128xf32>
    %get3A_24 = arith.constant 0 : index
    %get3A_25 = arith.constant 0 : index
    %get3A_26 = vector.load %arg4[%get3A_24, %get3A_25] : memref<128x128xf32, #tpu.memory_space<vmem>>, vector<128x128xf32>
    %dot_general3A = arith.constant dense<0.000000e+00> : vector<1000x128xf32>
    %dot_general3A_27 = tpu.matmul %mul3A_23, %get3A_26, %dot_general3A {dimension_numbers = #tpu.dot_dimension_numbers<[1], [1], [0], [0], [0, 0, 1, 0], [], []>, transpose_lhs_hint = false} : vector<1000x128xf32>, vector<128x128xf32>, vector<1000x128xf32> -> vector<1000x128xf32>
    %get3A_28 = arith.constant 0 : index
    %get3A_29 = arith.constant 0 : index
    %get3A_30 = vector.load %arg3[%get3A_28, %get3A_29] : memref<1000x128xf32, #tpu.memory_space<vmem>>, vector<1000x128xf32>
    %add3A_31 = arith.addf %dot_general3A_27, %get3A_30 : vector<1000x128xf32>
    %max3A_32 = arith.constant 0.000000e+00 : f32
    %max3A_33 = vector.broadcast %max3A_32 : f32 to vector<1000x128xf32>
    %max3A_34 = arith.maximumf %add3A_31, %max3A_33 : vector<1000x128xf32>
    %get3A_35 = arith.constant 0 : index
    %get3A_36 = arith.constant 0 : index
    %get3A_37 = vector.load %arg5[%get3A_35, %get3A_36] : memref<32x128xf32, #tpu.memory_space<vmem>>, vector<32x128xf32>
    %dot_general3A_38 = arith.constant dense<0.000000e+00> : vector<1000x32xf32>
    %dot_general3A_39 = tpu.matmul %max3A_34, %get3A_37, %dot_general3A_38 {dimension_numbers = #tpu.dot_dimension_numbers<[1], [1], [0], [0], [0, 0, 1, 0], [], []>, transpose_lhs_hint = false} : vector<1000x128xf32>, vector<32x128xf32>, vector<1000x32xf32> -> vector<1000x32xf32>
    %swap3A = arith.constant 0 : index
    %swap3A_40 = arith.constant 0 : index
    %swap3A_41 = vector.load %arg8[%swap3A, %swap3A_40] : memref<1000x32xf32, #tpu.memory_space<vmem>>, vector<1000x32xf32>
    tpu.vector_store %arg8[%swap3A, %swap3A_40], %dot_general3A_39 {strides = array<i32>} : memref<1000x32xf32, #tpu.memory_space<vmem>>, vector<1000x32xf32>,
    %get3A_42 = arith.constant 0 : index
    %get3A_43 = arith.constant 0 : index
    %get3A_44 = vector.load %arg6[%get3A_42, %get3A_43] : memref<32x128xf32, #tpu.memory_space<vmem>>, vector<32x128xf32>
    %dot_general3A_45 = arith.constant dense<0.000000e+00> : vector<1000x32xf32>
    %dot_general3A_46 = tpu.matmul %max3A_34, %get3A_44, %dot_general3A_45 {dimension_numbers = #tpu.dot_dimension_numbers<[1], [1], [0], [0], [0, 0, 1, 0], [], []>, transpose_lhs_hint = false} : vector<1000x128xf32>, vector<32x128xf32>, vector<1000x32xf32> -> vector<1000x32xf32>
    %get3A_47 = arith.constant 0 : index
    %get3A_48 = arith.constant 0 : index
    %get3A_49 = vector.load %arg7[%get3A_47, %get3A_48] : memref<1x32xf32, #tpu.memory_space<vmem>>, vector<1x32xf32>
    %add3A_50 = vector.broadcast %get3A_49 : vector<1x32xf32> to vector<1000x32xf32>
    %add3A_51 = arith.addf %dot_general3A_46, %add3A_50 : vector<1000x32xf32>
    %swap3A_52 = arith.constant 0 : index
    %swap3A_53 = arith.constant 0 : index
    %swap3A_54 = vector.load %arg9[%swap3A_52, %swap3A_53] : memref<1000x32xf32, #tpu.memory_space<vmem>>, vector<1000x32xf32>
    tpu.vector_store %arg9[%swap3A_52, %swap3A_53], %add3A_51 {strides = array<i32>} : memref<1000x32xf32, #tpu.memory_space<vmem>>, vector<1000x32xf32>,
    %swap3A_55 = arith.constant 0 : index
    %swap3A_56 = arith.constant 0 : index
    %swap3A_57 = vector.load %arg10[%swap3A_55, %swap3A_56] : memref<1000x1xf32, #tpu.memory_space<vmem>>, vector<1000x1xf32>
    tpu.vector_store %arg10[%swap3A_55, %swap3A_56], %div3A_12 {strides = array<i32>} : memref<1000x1xf32, #tpu.memory_space<vmem>>, vector<1000x1xf32>,
    return
  }
  func.func @transform_0(%arg0: i32) -> (i32, i32, i32) {
    %c0_i32 = arith.constant 0 : i32
    %c0_i32_0 = arith.constant 0 : i32
    %c0_i32_1 = arith.constant 0 : i32
    return %c0_i32, %arg0, %c0_i32_0 : i32, i32, i32
  }
  func.func @transform_1(%arg0: i32) -> (i32, i32, i32) {
    %c0_i32 = arith.constant 0 : i32
    %c0_i32_0 = arith.constant 0 : i32
    %c0_i32_1 = arith.constant 0 : i32
    return %c0_i32, %arg0, %c0_i32_0 : i32, i32, i32
  }
  func.func @transform_2(%arg0: i32) -> (i32, i32) {
    %c0_i32 = arith.constant 0 : i32
    %c0_i32_0 = arith.constant 0 : i32
    return %arg0, %c0_i32 : i32, i32
  }
  func.func @transform_3(%arg0: i32) -> (i32, i32) {
    %c0_i32 = arith.constant 0 : i32
    %c0_i32_0 = arith.constant 0 : i32
    %c0_i32_1 = arith.constant 0 : i32
    return %c0_i32, %c0_i32_0 : i32, i32
  }
  func.func @transform_4(%arg0: i32) -> (i32, i32) {
    %c0_i32 = arith.constant 0 : i32
    %c0_i32_0 = arith.constant 0 : i32
    %c0_i32_1 = arith.constant 0 : i32
    return %c0_i32, %c0_i32_0 : i32, i32
  }
  func.func @transform_5(%arg0: i32) -> (i32, i32) {
    %c0_i32 = arith.constant 0 : i32
    %c0_i32_0 = arith.constant 0 : i32
    %c0_i32_1 = arith.constant 0 : i32
    return %c0_i32, %c0_i32_0 : i32, i32
  }
  func.func @transform_6(%arg0: i32) -> (i32, i32) {
    %c0_i32 = arith.constant 0 : i32
    %c0_i32_0 = arith.constant 0 : i32
    %c0_i32_1 = arith.constant 0 : i32
    return %c0_i32, %c0_i32_0 : i32, i32
  }
  func.func @transform_7(%arg0: i32) -> (i32, i32) {
    %c0_i32 = arith.constant 0 : i32
    %c0_i32_0 = arith.constant 0 : i32
    return %arg0, %c0_i32 : i32, i32
  }
  func.func @transform_8(%arg0: i32) -> (i32, i32) {
    %c0_i32 = arith.constant 0 : i32
    %c0_i32_0 = arith.constant 0 : i32
    return %arg0, %c0_i32 : i32, i32
  }
  func.func @transform_9(%arg0: i32) -> (i32, i32) {
    %c0_i32 = arith.constant 0 : i32
    %c0_i32_0 = arith.constant 0 : i32
    return %arg0, %c0_i32 : i32, i32
  }
}

module attributes {stable_mosaic.version = 14 : i64} {
  func.func @body(%arg0: i32, %arg1: memref<2x1000x32xf32, #tpu.memory_space<vmem>>, %arg2: memref<1000x1xf32, #tpu.memory_space<vmem>>, %arg3: memref<1000x32xf32, #tpu.memory_space<vmem>>, %arg4: memref<1000x32xf32, #tpu.memory_space<vmem>>) attributes {dimension_semantics = [#tpu.dimension_semantics<arbitrary>], iteration_bounds = array<i64: 10>, scalar_prefetch = 0 : i64, scratch_operands = 0 : i64, tpu.core_type = #tpu.core_type<tc>, window_params = [{transform_indices = @transform_0, window_bounds = array<i64: 2, 1000, 32>}, {transform_indices = @transform_1, window_bounds = array<i64: 1000, 1>}, {transform_indices = @transform_2, window_bounds = array<i64: 1000, 32>}, {transform_indices = @transform_3, window_bounds = array<i64: 1000, 32>}]} {
    %get3A = arith.constant 0 : index
    %get3A_0 = arith.constant 0 : index
    %get3A_1 = arith.constant 0 : index
    %get3A_2 = vector.load %arg1[%get3A, %get3A_0, %get3A_1] : memref<2x1000x32xf32, #tpu.memory_space<vmem>>, vector<1x1000x32xf32>
    %get3A_3 = vector.shape_cast %get3A_2 : vector<1x1000x32xf32> to vector<1000x32xf32>
    %get3A_4 = arith.constant 1 : index
    %get3A_5 = arith.constant 0 : index
    %get3A_6 = arith.constant 0 : index
    %get3A_7 = vector.load %arg1[%get3A_4, %get3A_5, %get3A_6] : memref<2x1000x32xf32, #tpu.memory_space<vmem>>, vector<1x1000x32xf32>
    %get3A_8 = vector.shape_cast %get3A_7 : vector<1x1000x32xf32> to vector<1000x32xf32>
    %add3A = arith.addf %get3A_3, %get3A_8 : vector<1000x32xf32>
    %get3A_9 = arith.constant 0 : index
    %get3A_10 = arith.constant 0 : index
    %get3A_11 = vector.load %arg2[%get3A_9, %get3A_10] : memref<1000x1xf32, #tpu.memory_space<vmem>>, vector<1000x1xf32>
    %mul3A = vector.broadcast %get3A_11 : vector<1000x1xf32> to vector<1000x32xf32>
    %mul3A_12 = arith.mulf %add3A, %mul3A : vector<1000x32xf32>
    %get3A_13 = arith.constant 0 : index
    %get3A_14 = arith.constant 0 : index
    %get3A_15 = vector.load %arg3[%get3A_13, %get3A_14] : memref<1000x32xf32, #tpu.memory_space<vmem>>, vector<1000x32xf32>
    %add3A_16 = arith.addf %mul3A_12, %get3A_15 : vector<1000x32xf32>
    %reduce_max3A = arith.constant dense<0xFF800000> : vector<1000xf32>
    %reduce_max3A_17 = vector.multi_reduction <maximumf>, %add3A_16, %reduce_max3A [1] : vector<1000x32xf32> to vector<1000xf32>
    %broadcast_in_dim3A = vector.shape_cast %reduce_max3A_17 : vector<1000xf32> to vector<1000x1xf32>
    %sub3A = vector.broadcast %broadcast_in_dim3A : vector<1000x1xf32> to vector<1000x32xf32>
    %sub3A_18 = arith.subf %add3A_16, %sub3A : vector<1000x32xf32>
    %exp3A = math.exp %sub3A_18 : vector<1000x32xf32>
    %reduce_sum3A = arith.constant dense<0.000000e+00> : vector<1000xf32>
    %reduce_sum3A_19 = vector.multi_reduction <add>, %exp3A, %reduce_sum3A [1] : vector<1000x32xf32> to vector<1000xf32>
    %broadcast_in_dim3A_20 = vector.shape_cast %reduce_sum3A_19 : vector<1000xf32> to vector<1000x1xf32>
    %log3A = math.log %broadcast_in_dim3A_20 : vector<1000x1xf32>
    %sub3A_21 = vector.broadcast %log3A : vector<1000x1xf32> to vector<1000x32xf32>
    %sub3A_22 = arith.subf %sub3A_18, %sub3A_21 : vector<1000x32xf32>
    %swap3A = arith.constant 0 : index
    %swap3A_23 = arith.constant 0 : index
    %swap3A_24 = vector.load %arg4[%swap3A, %swap3A_23] : memref<1000x32xf32, #tpu.memory_space<vmem>>, vector<1000x32xf32>
    tpu.vector_store %arg4[%swap3A, %swap3A_23], %sub3A_22 {strides = array<i32>} : memref<1000x32xf32, #tpu.memory_space<vmem>>, vector<1000x32xf32>,
    return
  }
  func.func @transform_0(%arg0: i32) -> (i32, i32, i32) {
    %c0_i32 = arith.constant 0 : i32
    %c0_i32_0 = arith.constant 0 : i32
    %c0_i32_1 = arith.constant 0 : i32
    return %c0_i32, %arg0, %c0_i32_0 : i32, i32, i32
  }
  func.func @transform_1(%arg0: i32) -> (i32, i32) {
    %c0_i32 = arith.constant 0 : i32
    %c0_i32_0 = arith.constant 0 : i32
    return %arg0, %c0_i32 : i32, i32
  }
  func.func @transform_2(%arg0: i32) -> (i32, i32) {
    %c0_i32 = arith.constant 0 : i32
    %c0_i32_0 = arith.constant 0 : i32
    return %arg0, %c0_i32 : i32, i32
  }
  func.func @transform_3(%arg0: i32) -> (i32, i32) {
    %c0_i32 = arith.constant 0 : i32
    %c0_i32_0 = arith.constant 0 : i32
    return %arg0, %c0_i32 : i32, i32
  }
}

</mosaic_0001>

<sc_bundles>
// kernel: kernel.11.cloned.1.call-start
scs
__scs_entry_jumppad:
0x0: {  	(pc) =	sbr.rel $0x88, $3  }
0x1: {  	(tag) =	ssettag $0x0;
	lr =	simm.s32 $0x1  }
0x2: {  	[smem:$0x3F99] =	sst lr;
	_ =	strace $0xD0000000  }
0x3: {  	_ = 	snop  }
0x4: {  	_ = 	snop  }
0x5: {  	_ = 	snop  }
0x6: {  	_ = 	snop  }
0x7: {  	_ = 	snop  }
__scs_overlays_trampoline_lowered:
0x8: {  	[smem:$0x3FA8] =	sst s0  }
0x9: {  	[smem:$0x3FA9] =	sst s1  }
0xa: {  	[smem:$0x3FAA] =	sst s2  }
0xb: {  	[smem:$0x3FAB] =	sst s3  }
0xc: {  	[smem:$0x3FAC] =	sst s4  }
0xd: {  	[smem:$0x3FAD] =	sst s5  }
0xe: {  	[smem:$0x3FAE] =	sst s6  }
0xf: {  	[smem:$0x3FAF] =	sst s7  }
0x10: {  	[smem:$0x3FB0] =	sst s8  }
0x11: {  	[smem:$0x3FB1] =	sst s9;
	s0 =	simm.s32 @!p0 $0x0  }
0x12: {  	s1 =	sld [smem:$0x3F97];
	s0 =	simm.s32 @p0 $0x1  }
0x13: {  	[smem:$0x3FB2] =	sst s0;
	s0 =	simm.s32 @!p1 $0x0  }
0x14: {  	s2 =	sld [smem:$0x3F96];
	s0 =	simm.s32 @p1 $0x1  }
0x15: {  	[smem:$0x3FB3] =	sst s0;
	s0 =	simm.s32 @!p2 $0x0  }
0x16: {  	s3 =	sld [smem:$0x3FDB];
	s0 =	simm.s32 @p2 $0x1  }
0x17: {  	s4 =	simm.s32 $0x1BF5;
	[smem:$0x3FB5] =	sst s0  }
0x18: {  	s0 =	sld [smem:$0x3F98];
	_ =	swait.ge [sflag:s4], $0x0  }
0x19: {  	s7 =	sld [smem:$0x3F99]  }
0x1a: {  	s8 =	sadd.s32 $0xFFFFE003, lr  }
0x1b: {  	s9 =	sadd.s32 $0xFFFFFEF7, lr;
	s5 =	simm.s32 $0xFFFFFFFF;
	p2 =	slt.u32 s8, $0xFFFFF086  }
0x1c: {  	p1 =	slt.u32 s9, $0xF7A;
	s5 =	simm.s32 @!p2 $0x0  }
0x1d: {  	s5 =	simm.s32 @p1 $0x1;
	p0 =	seq.s32 s7, s2  }
0x1e: {  	s7 =	smul.u32 @!p0 $0xF7A, s2;
	p2 =	seq.s32 @!p0 s5, $0x0  }
0x1f: {  	s9 =	smul.u32 $0xF7A, s1;
	s8 =	simm.s32 @!p0 $0x1BF5;
	p2 =	por !p2, p0  }
0x20: {  	[sflag:s8] =	ssyncset.s32 @!p0 $0xFFFFF086;
	s6 =	sadd.s32 @!p0 s3, s7;
	s7 =	simm.s32 @!p0 $0x108  }
0x21: {  	s3 =	sadd.s32 s3, s9;
	s6 =	sadd.s32 @!p0 $0x88, s6;
	s7 =	simm.s32 @p2 $0x1082  }
0x22: {  	[simem:s7], [sflag:s8] =	dma.local @!p0 [hbm:s6], $0xF7A  }
0x23: {  	s9 =	sor.u32 $0xD0000000, s2;
	s6 =	simm.s32 $0x108;
	_ =	swait.ge @!p0 [sflag:s8], $0x0  }
0x24: {  	s3 =	sadd.s32 $0x88, s3;
	s6 =	simm.s32 @!p1 $0x1082;
	[sflag:s4] =	ssyncset.s32 $0xFFFFF086  }
0x25: {  	[simem:s6], [sflag:s4] =	dma.local [hbm:s3], $0xF7A  }
0x26: {  	[smem:$0x3F99] =	sst s1;
	(tag) =	ssettag s2;
	_ =	strace s9  }
0x27: {  	s1 =	sld [smem:$0x3FA9]  }
0x28: {  	s2 =	sld [smem:$0x3FAA]  }
0x29: {  	s4 =	sld [smem:$0x3FAC]  }
0x2a: {  	p0 =	seq.s32 s5, $0x0;
	s5 =	sld [smem:$0x3FAD]  }
0x2b: {  	s6 =	sld [smem:$0x3FAE]  }
0x2c: {  	s7 =	sld [smem:$0x3FAF]  }
0x2d: {  	s3 =	simm.s32 $0x108;
	s8 =	sld [smem:$0x3FB0]  }
0x2e: {  	s3 =	simm.s32 @!p0 $0x1082;
	s9 =	sld [smem:$0x3FB1]  }
0x2f: {  	lr =	sadd.s32 s0, s3;
	s0 =	sld [smem:$0x3FA8]  }
0x30: {  	s3 =	sld [smem:$0x3FAB]  }
0x31: {  	[smem:$0x3FB4] =	sst s10  }
0x32: {  	s10 =	sld [smem:$0x3FB2];
	_ =	sdelay $0x3  }
0x33: {  	p0 =	seq.s32 s10, $0x1;
	s10 =	sld [smem:$0x3FB4];
	_ =	sdelay $0x3  }
0x34: {  	[smem:$0x3FB4] =	sst s10  }
0x35: {  	s10 =	sld [smem:$0x3FB3];
	_ =	sdelay $0x3  }
0x36: {  	p1 =	seq.s32 s10, $0x1;
	s10 =	sld [smem:$0x3FB4];
	_ =	sdelay $0x3  }
0x37: {  	[smem:$0x3FB4] =	sst s10  }
0x38: {  	s10 =	sld [smem:$0x3FB5]  }
0x39: {  	_ = 	snop;
	(pc) =	sbr.ind lr, $3  }
0x3a: {  	_ = 	snop  }
0x3b: {  	_ = 	snop  }
0x3c: {  	p2 =	seq.s32 s10, $0x1;
	s10 =	sld [smem:$0x3FB4]  }
0x3d: {  	_ =	shalt  }
0x3e: {  	_ =	shalt  }
0x3f: {  	_ =	shalt  }
0x40: {  	_ =	shalt  }
0x41: {  	_ =	shalt  }
0x42: {  	_ =	shalt  }
0x43: {  	_ =	shalt  }
0x44: {  	_ =	shalt  }
0x45: {  	_ =	shalt  }
0x46: {  	_ =	shalt  }
0x47: {  	_ =	shalt  }
0x48: {  	_ =	shalt  }
0x49: {  	_ =	shalt  }
0x4a: {  	_ =	shalt  }
0x4b: {  	_ =	shalt  }
0x4c: {  	_ =	shalt  }
0x4d: {  	_ =	shalt  }
0x4e: {  	_ =	shalt  }
0x4f: {  	_ =	shalt  }
0x50: {  	_ =	shalt  }
0x51: {  	_ =	shalt  }
0x52: {  	_ =	shalt  }
0x53: {  	_ =	shalt  }
0x54: {  	_ =	shalt  }
0x55: {  	_ =	shalt  }
0x56: {  	_ =	shalt  }
0x57: {  	_ =	shalt  }
0x58: {  	_ =	shalt  }
0x59: {  	_ =	shalt  }
0x5a: {  	_ =	shalt  }
0x5b: {  	_ =	shalt  }
0x5c: {  	_ =	shalt  }
0x5d: {  	_ =	shalt  }
0x5e: {  	_ =	shalt  }
0x5f: {  	_ =	shalt  }
0x60: {  	_ =	shalt  }
0x61: {  	_ =	shalt  }
0x62: {  	_ =	shalt  }
0x63: {  	_ =	shalt  }
0x64: {  	_ =	shalt  }
0x65: {  	_ =	shalt  }
0x66: {  	_ =	shalt  }
0x67: {  	_ =	shalt  }
0x68: {  	_ =	shalt  }
0x69: {  	_ =	shalt  }
0x6a: {  	_ =	shalt  }
0x6b: {  	_ =	shalt  }
0x6c: {  	_ =	shalt  }
0x6d: {  	_ =	shalt  }
0x6e: {  	_ =	shalt  }
0x6f: {  	_ =	shalt  }
0x70: {  	_ =	shalt  }
0x71: {  	_ =	shalt  }
0x72: {  	_ =	shalt  }
0x73: {  	_ =	shalt  }
0x74: {  	_ =	shalt  }
0x75: {  	_ =	shalt  }
0x76: {  	_ =	shalt  }
0x77: {  	_ =	shalt  }
0x78: {  	_ =	shalt  }
0x79: {  	_ =	shalt  }
0x7a: {  	_ =	shalt  }
0x7b: {  	_ =	shalt  }
0x7c: {  	_ =	shalt  }
0x7d: {  	_ =	shalt  }
0x7e: {  	_ =	shalt  }
0x7f: {  	_ =	shalt  }
0x80: {  	_ =	shalt  }
0x81: {  	_ =	shalt  }
0x82: {  	_ =	shalt  }
0x83: {  	_ =	shalt  }
0x84: {  	_ =	shalt  }
0x85: {  	_ =	shalt  }
0x86: {  	_ =	shalt  }
0x87: {  	_ =	shalt  }
.Lfunc_end0:
.L_simem_size_0:
called_computation.1_lowered:
.L_overlay_start_0:
0x88: {  	s2 =	sld [smem:$0x3FD9]  }
0x89: {  	s3 =	sld [smem:$0x3FFE];
	_ =	sdelay $0x1  }
0x8a: {  	s1 =	srdreg.scid  }
0x8b: {  	s0 =	sand.u32 $0x1, s1  }
0x8c: {  	s17 =	sshll.u32 s0, $0xA;
	s2 =	sadd.s32 s3, s2  }
0x8d: {  	s2 =	sadd.s32 s2, s17  }
0x8e: {  	[smem:$0x3FC0] =	sst s2  }
0x8f: {  	_ = 	snop  }
0x90: {  	s2 =	sld [smem:$0x3FD0];
	(tm) =	ssettm $0x1  }
0x91: {  	s18 =	sld [smem:$0x3FFB];
	_ =	sdelay $0x3  }
0x92: {  	_ =	strace s18  }
0x93: {  	s3 =	sld [smem:$0x3FFC];
	_ =	sdelay $0x3  }
0x94: {  	_ =	strace s3  }
0x95: {  	s3 =	sld [smem:$0x3FFD];
	_ =	sdelay $0x3  }
0x96: {  	_ =	strace s3  }
0x97: {  	_ =	strace $0x8FFFFFFF  }
0x98: {  	s19 =	sld [smem:$0x3FDB];
	_ =	sdelay $0x1  }
0x99: {  	s4 =	simm.s32 $_scs_section_size  }
0x9a: {  	s5 =	simm.s32 $_size__tile_overlayer_lowered;
	s6 =	simm.s32 $_tile_overlayer_lowered  }
0x9b: {  	s22 =	simm.s32 $0x1BFF;
	s21 =	sshll.u32 s6, $0x1;
	s3 =	sadd.s32 s4, s19  }
0x9c: {  	s7 =	simm.s32 $0x0;
	s20 =	sshll.u32 s5, $0x1;
	s5 =	sadd.s32 s21, s3  }
0x9d: {  	[timem:s7], [sflag:s22] =	dma.local [hbm:s5], s20  }
0x9e: {  	_ =	swait.ge [sflag:s22], s20  }
0x9f: {  	s4 =	ssub.s32 $0x0, s20;
	[sflag:s22] =	ssyncset.done $0x0  }
0xa0: {  	[sflag:s22] =	ssyncadd.s32 s4;
	_ =	sdelay $0x1  }
0xa1: {  	s23 =	simm.s32 $0x1B8B  }
0xa2: {  	_ =	swait.ge [sflag:s23], $0x1  }
0xa3: {  	[sflag:s23] =	ssyncset.done $0x0  }
0xa4: {  	s25 =	simm.s32 $0x1B8E;
	s24 =	sld [smem:$0x3FFE];
	[sflag:s23] =	ssyncadd.s32 $0xFFFFFFFF  }
0xa5: {  	s26 =	simm.s32 $execute0_lowered;
	[smem:$0x3FD2] =	sst s25  }
0xa6: {  	s5 =	sshll.u32 s26, $0x1;
	_ =	strace $0x80000049;
	[dreg:$0x1] =	wrdreg $0xFFFFFFFF  }
0xa7: {  	s28 =	simm.s32 $_size_execute0_lowered;
	s3 =	sadd.s32 s3, s5;
	[dreg:$0x0] =	wrdreg $0x0  }
0xa8: {  	s5 =	sshll.u32 s28, $0x1;
	[dreg:$0x2] =	wrdreg s3  }
0xa9: {  	[dreg:$0x3] =	wrdreg s5  }
0xaa: {  	[dreg:$0x4] =	wrdreg $0xC0  }
0xab: {  	_ =	task [dreg:s7], $0x5FFFF  }
0xac: {  	[dreg:$0x1] =	wrdreg $0xFFFFFFFF  }
0xad: {  	[dreg:$0x0] =	wrdreg $0x60  }
0xae: {  	[dreg:$0x2] =	wrdreg s2  }
0xaf: {  	[dreg:$0x3] =	wrdreg s24  }
0xb0: {  	[dreg:$0x4] =	wrdreg $0xD1000  }
0xb1: {  	[dreg:$0x5] =	wrdreg $0x9  }
0xb2: {  	_ =	task.clear_ibuf [dreg:s7], $0x6FFFF;
	_ =	strace $0x90000049  }
0xb3: {  	s29 =	simm.s32 $0x9;
	_ =	strace $0x8000004B  }
0xb4: {  	_ =	swait.ge [sflag:s29], $0x1  }
0xb5: {  	[sflag:s29] =	ssyncadd.s32 $0xFFFFFFFF  }
0xb6: {  	_ =	strace $0x9000004B  }
0xb7: {  	_ =	sfence  }
0xb8: {  	s30 =	sld [smem:$0x0];
	_ =	sdelay $0x2  }
0xb9: {  	s31 =	sshll.u32 s1, $0xD;
	s1 =	sshrl.u32 s1, $0x2  }
0xba: {  	s3 =	sand.u32 $0x4000, s31;
	s1 =	sadd.s32 s1, s30  }
0xbb: {  	s0 =	sor.u32 s3, s0;
	s1 =	sshll.u32 s1, $0x11  }
0xbc: {  	s0 =	sor.u32 s1, s0  }
0xbd: {  	s0 =	sadd.s32 $0x8F2B, s0  }
0xbe: {  	[sflag:s0] =	ssyncadd.remote.s32 $0x1  }
0xbf: {  	_ =	sfence.sel $0xFFFF  }
0xc0: {  	[dreg:$0x0] =	wrdreg $0xFFFFFFFF;
	(pc) =	sbr.abs _section_cstart, $3  }
0xc1: {  	[dreg:$0x1] =	wrdreg $0xFFFFFFFF  }
0xc2: {  	_ =	task.clear_ibuf [dreg:s7], $0x2FFFF;
	_ =	strace $0x9FFFFFFF  }
0xc3: {  	(tm) =	ssettm $0x7FFFFFFF  }
tec
execute0_lowered:
.L_overlay_start_1:
0x0: {  	(tag) =	ssettag $0x1  }
0x1: {  	s2 =	rddreg [dreg:$0x0]  }
0x2: {  	s0 =	srdreg.scid;
	s4 =	rddreg [dreg:$0x1]  }
0x3: {  	s6 =	stileid.u32;
	s3 =	rddreg [dreg:$0x2];
	s7 =	simm.s32 $0x0  }
0x4: {  	s26 =	simm.s32 $0x5000;
	s28 =	simm.s32 $0x5FA0;
	s29 =	simm.s32 $0x6F40  }
0x5: {  	s31 =	simm.s32 $0x7EE0;
	s16 =	simm.s32 $0xADC0;
	[smem:$0x7FF] =	sst s7  }
0x6: {  	s1 =	smul.u32 $0x5000, s6;
	_ =	strace $0x8000004A;
	[dreg:$0x4] =	wrdreg s26  }
0x7: {  	s0 =	sand.u32 $0x1, s0;
	s6 =	smul.u32 $0x14000, s6;
	[dreg:$0x5] =	wrdreg s28  }
0x8: {  	s30 =	simm.s32 $0x0;
	s5 =	smul.u32 $0x2800, s0;
	[dreg:$0x6] =	wrdreg s29  }
0x9: {  	s17 =	ssub.s32 $0x2, s0;
	s0 =	smul.u32 $0x50000, s0;
	[dreg:$0x7] =	wrdreg s31  }
0xa: {  	[dreg:$0xa] =	wrdreg s16;
	s16 =	simm.s32 $0x6;
	s8 =	sshrl.u32 s17, $0x1  }
0xb: {  	s6 =	sshrl.u32 s6, $0x2;
	s10 =	sadd.s32 $0x1000, s1;
	s21 =	sadd.s32 $0x2000, s1  }
0xc: {  	s22 =	sadd.s32 $0x3000, s1;
	s6 =	sadd.s32 s6, s3;
	s13 =	sadd.s32 s21, s3  }
0xd: {  	s14 =	sadd.s32 $0x4000, s1;
	s9 =	sadd.s32 $0x400, s6;
	[dreg:$0x1a] =	wrdreg s13  }
0xe: {  	s5 =	sadd.s32 s5, s1;
	s18 =	sadd.s32 $0x800, s6;
	[dreg:$0xb] =	wrdreg s9  }
0xf: {  	s8 =	ssub.s32 s17, s8;
	s19 =	sadd.s32 $0xC00, s6;
	[dreg:$0xc] =	wrdreg s18  }
0x10: {  	s25 =	sadd.s32 s0, s22;
	s11 =	sadd.s32 $0x1400, s6;
	[dreg:$0xd] =	wrdreg s19  }
0x11: {  	s5 =	sshrl.u32 s5, $0x3;
	s20 =	sadd.s32 $0x1800, s6;
	[dreg:$0xe] =	wrdreg s11  }
0x12: {  	s12 =	sadd.s32 $0x1C00, s6;
	s15 =	sadd.s32 $0x2400, s6;
	[dreg:$0xf] =	wrdreg s20  }
0x13: {  	s17 =	sadd.s32 $0x2800, s6;
	s26 =	sadd.s32 $0x4C00, s6;
	[dreg:$0x10] =	wrdreg s12  }
0x14: {  	s31 =	smax.u32 s8, $0x1;
	s8 =	simm.s32 $0xBD60;
	[dreg:$0x17] =	wrdreg s15  }
0x15: {  	s7 =	sadd.s32 s5, s4;
	s4 =	sadd.s32 $0x1C00, s4;
	[dreg:$0x18] =	wrdreg s17  }
0x16: {  	s5 =	sadd.s32 s1, s3;
	s9 =	sadd.s32 s10, s3;
	[smem:$0x7FA] =	sst s26  }
0x17: {  	s1 =	sadd.s32 s1, s0;
	s18 =	sadd.s32 $0x2C00, s6;
	[smem:$0x7FD] =	sst s31  }
0x18: {  	s10 =	sadd.s32 s0, s10;
	s19 =	sadd.s32 $0x3400, s6;
	[dreg:$0x1b] =	wrdreg s18  }
0x19: {  	s11 =	sadd.s32 s0, s21;
	s21 =	sadd.s32 $0x3800, s6;
	[dreg:$0x1c] =	wrdreg s19  }
0x1a: {  	s20 =	sadd.s32 s22, s3;
	s22 =	sadd.s32 $0x3C00, s6;
	[dreg:$0x1d] =	wrdreg s21  }
0x1b: {  	s0 =	sadd.s32 s0, s14;
	s12 =	simm.s32 $0x3;
	[dreg:$0x1e] =	wrdreg s22  }
0x1c: {  	s15 =	simm.s32 $0x5;
	s17 =	simm.s32 $0x7;
	[dreg:$0x11] =	wrdreg s5  }
0x1d: {  	s24 =	sshrl.u32 s11, $0x3;
	s11 =	simm.s32 $0x9E20;
	[dreg:$0x19] =	wrdreg s9  }
0x1e: {  	s1 =	sshrl.u32 s1, $0x3;
	s28 =	sadd.s32 $0x51C00, s7;
	[dreg:$0x9] =	wrdreg s11  }
0x1f: {  	s10 =	sshrl.u32 s10, $0x3;
	s29 =	sadd.s32 $0x15C00, s7;
	[smem:$0x7FB] =	sst s28  }
0x20: {  	s0 =	sshrl.u32 s0, $0x3;
	s1 =	sadd.s32 s4, s1;
	[smem:$0x7FC] =	sst s29  }
0x21: {  	s7 =	simm.s32 $0x7D;
	s23 =	sadd.s32 s4, s10;
	[dreg:$0x12] =	wrdreg s1  }
0x22: {  	s18 =	simm.s32 $0x8;
	s0 =	sadd.s32 s4, s0;
	[dreg:$0x13] =	wrdreg s23  }
0x23: {  	s10 =	simm.s32 $0x8E80;
	s11 =	simm.s32 $0x2;
	[dreg:$0x16] =	wrdreg s0  }
0x24: {  	s1 =	sadd.s32 s4, s24;
	[dreg:$0x8] =	wrdreg s10;
	s23 =	sadd.s32 s14, s3  }
0x25: {  	s24 =	sadd.s32 $0x4400, s6;
	s10 =	simm.s32 $0x1;
	[dreg:$0x14] =	wrdreg s1  }
0x26: {  	s1 =	sshrl.u32 s25, $0x3;
	[dreg:$0x1f] =	wrdreg s24;
	s25 =	sadd.s32 $0x4800, s6  }
0x27: {  	s14 =	simm.s32 $0x4;
	s1 =	sadd.s32 s4, s1;
	[smem:$0x7F9] =	sst s25  }
0x28: {  	v0 =	vimm.f32 $0.0e+00;
	s6 =	simm.s32 $0x11;
	s4 =	simm.s32 $0xCD00;
	[dreg:$0x15] =	wrdreg s1  }
.LBB2_1:
0x29: {  	[tilespmem:$0xCD00] =	vst v0  }
0x2a: {  	[tilespmem:$0xCD10] =	vst v0  }
0x2b: {  	[tilespmem:$0xCD20] =	vst v0  }
0x2c: {  	[tilespmem:$0xCD30] =	vst v0  }
0x2d: {  	[tilespmem:$0xCD40] =	vst v0  }
0x2e: {  	[tilespmem:$0xCD50] =	vst v0  }
0x2f: {  	[tilespmem:$0xCD60] =	vst v0  }
0x30: {  	[tilespmem:$0xCD70] =	vst v0  }
0x31: {  	[tilespmem:$0xCD80] =	vst v0  }
0x32: {  	[tilespmem:$0xCD90] =	vst v0  }
0x33: {  	[tilespmem:$0xCDA0] =	vst v0  }
0x34: {  	[tilespmem:$0xCDB0] =	vst v0  }
0x35: {  	[tilespmem:$0xCDC0] =	vst v0  }
0x36: {  	[tilespmem:$0xCDD0] =	vst v0  }
0x37: {  	[tilespmem:$0xCDE0] =	vst v0  }
0x38: {  	[tilespmem:$0xCDF0] =	vst v0  }
0x39: {  	[tilespmem:$0xCE00] =	vst v0  }
0x3a: {  	[tilespmem:$0xCE10] =	vst v0  }
0x3b: {  	[tilespmem:$0xCE20] =	vst v0  }
0x3c: {  	[tilespmem:$0xCE30] =	vst v0  }
0x3d: {  	[tilespmem:$0xCE40] =	vst v0  }
0x3e: {  	[tilespmem:$0xCE50] =	vst v0  }
0x3f: {  	[tilespmem:$0xCE60] =	vst v0  }
0x40: {  	[tilespmem:$0xCE70] =	vst v0  }
0x41: {  	[tilespmem:$0xCE80] =	vst v0  }
0x42: {  	[tilespmem:$0xCE90] =	vst v0  }
0x43: {  	[tilespmem:$0xCEA0] =	vst v0  }
0x44: {  	[tilespmem:$0xCEB0] =	vst v0  }
0x45: {  	[tilespmem:$0xCEC0] =	vst v0  }
0x46: {  	[tilespmem:$0xCED0] =	vst v0  }
0x47: {  	[tilespmem:$0xCEE0] =	vst v0  }
0x48: {  	[tilespmem:$0xCEF0] =	vst v0  }
0x49: {  	[tilespmem:$0xCF00] =	vst v0  }
0x4a: {  	[tilespmem:$0xCF10] =	vst v0  }
0x4b: {  	[tilespmem:$0xCF20] =	vst v0  }
0x4c: {  	[tilespmem:$0xCF30] =	vst v0  }
0x4d: {  	[tilespmem:$0xCF40] =	vst v0  }
0x4e: {  	[tilespmem:$0xCF50] =	vst v0  }
0x4f: {  	[tilespmem:$0xCF60] =	vst v0  }
0x50: {  	[tilespmem:$0xCF70] =	vst v0  }
0x51: {  	[tilespmem:$0xCF80] =	vst v0  }
0x52: {  	[tilespmem:$0xCF90] =	vst v0  }
0x53: {  	[tilespmem:$0xCFA0] =	vst v0  }
0x54: {  	[tilespmem:$0xCFB0] =	vst v0  }
0x55: {  	[tilespmem:$0xCFC0] =	vst v0  }
0x56: {  	[tilespmem:$0xCFD0] =	vst v0  }
0x57: {  	[tilespmem:$0xCFE0] =	vst v0  }
0x58: {  	[tilespmem:$0xCFF0] =	vst v0  }
0x59: {  	[tilespmem:$0xD000] =	vst v0  }
0x5a: {  	[tilespmem:$0xD010] =	vst v0  }
0x5b: {  	[tilespmem:$0xD020] =	vst v0  }
0x5c: {  	[tilespmem:$0xD030] =	vst v0  }
0x5d: {  	[tilespmem:$0xD040] =	vst v0  }
0x5e: {  	[tilespmem:$0xD050] =	vst v0  }
0x5f: {  	[tilespmem:$0xD060] =	vst v0  }
0x60: {  	[tilespmem:$0xD070] =	vst v0  }
0x61: {  	[tilespmem:$0xD080] =	vst v0  }
0x62: {  	[tilespmem:$0xD090] =	vst v0  }
0x63: {  	[tilespmem:$0xD0A0] =	vst v0  }
0x64: {  	[tilespmem:$0xD0B0] =	vst v0  }
0x65: {  	[tilespmem:$0xD0C0] =	vst v0  }
0x66: {  	[tilespmem:$0xD0D0] =	vst v0  }
0x67: {  	[tilespmem:$0xD0E0] =	vst v0  }
0x68: {  	[tilespmem:$0xD0F0] =	vst v0  }
0x69: {  	[spmem:s5] =	stream.linear.scatter [tilespmem:s4], [sflag:$0x11], $0x400, $0x38;
	[tilespmem:$0x12100] =	vst v63  }
0x6a: {  	_ =	swait.ge [sflag:s6], $0x400  }
0x6b: {  	[sflag:s6] =	ssyncset.done $0x0  }
0x6c: {  	s0 =	rddreg [dreg:$0xb];
	[sflag:s6] =	ssyncadd.s32 $0xFFFFFC00  }
0x6d: {  	[spmem:s0] =	stream.linear.scatter [tilespmem:s4], [sflag:$0x11], $0x400, $0x38;
	[tilespmem:$0x12100] =	vst v63  }
0x6e: {  	_ =	swait.ge [sflag:s6], $0x400  }
0x6f: {  	[sflag:s6] =	ssyncset.done $0x0  }
0x70: {  	s26 =	rddreg [dreg:$0xc];
	[sflag:s6] =	ssyncadd.s32 $0xFFFFFC00  }
0x71: {  	[spmem:s26] =	stream.linear.scatter [tilespmem:s4], [sflag:$0x11], $0x400, $0x38;
	[tilespmem:$0x12100] =	vst v63  }
0x72: {  	_ =	swait.ge [sflag:s6], $0x400  }
0x73: {  	[sflag:s6] =	ssyncset.done $0x0  }
0x74: {  	s28 =	rddreg [dreg:$0xd];
	[sflag:s6] =	ssyncadd.s32 $0xFFFFFC00  }
0x75: {  	[spmem:s28] =	stream.linear.scatter [tilespmem:s4], [sflag:$0x11], $0x400, $0x38;
	[tilespmem:$0x12100] =	vst v63  }
0x76: {  	_ =	swait.ge [sflag:s6], $0x400  }
0x77: {  	[sflag:s6] =	ssyncset.done $0x0  }
0x78: {  	[sflag:s6] =	ssyncadd.s32 $0xFFFFFC00  }
0x79: {  	[spmem:s9] =	stream.linear.scatter [tilespmem:s4], [sflag:$0x11], $0x400, $0x38;
	[tilespmem:$0x12100] =	vst v63  }
0x7a: {  	_ =	swait.ge [sflag:s6], $0x400  }
0x7b: {  	[sflag:s6] =	ssyncset.done $0x0  }
0x7c: {  	s29 =	rddreg [dreg:$0xe];
	[sflag:s6] =	ssyncadd.s32 $0xFFFFFC00  }
0x7d: {  	[spmem:s29] =	stream.linear.scatter [tilespmem:s4], [sflag:$0x11], $0x400, $0x38;
	[tilespmem:$0x12100] =	vst v63  }
0x7e: {  	_ =	swait.ge [sflag:s6], $0x400  }
0x7f: {  	[sflag:s6] =	ssyncset.done $0x0  }
0x80: {  	s1 =	rddreg [dreg:$0xf];
	[sflag:s6] =	ssyncadd.s32 $0xFFFFFC00  }
0x81: {  	[spmem:s1] =	stream.linear.scatter [tilespmem:s4], [sflag:$0x11], $0x400, $0x38;
	[tilespmem:$0x12100] =	vst v63  }
0x82: {  	_ =	swait.ge [sflag:s6], $0x400  }
0x83: {  	[sflag:s6] =	ssyncset.done $0x0  }
0x84: {  	s5 =	rddreg [dreg:$0x10];
	[sflag:s6] =	ssyncadd.s32 $0xFFFFFC00  }
0x85: {  	[spmem:s5] =	stream.linear.scatter [tilespmem:s4], [sflag:$0x11], $0x400, $0x38;
	[tilespmem:$0x12100] =	vst v63  }
0x86: {  	_ =	swait.ge [sflag:s6], $0x400  }
0x87: {  	[sflag:s6] =	ssyncset.done $0x0  }
0x88: {  	[sflag:s6] =	ssyncadd.s32 $0xFFFFFC00  }
0x89: {  	[spmem:s13] =	stream.linear.scatter [tilespmem:s4], [sflag:$0x11], $0x400, $0x38;
	[tilespmem:$0x12100] =	vst v63  }
0x8a: {  	_ =	swait.ge [sflag:s6], $0x400  }
0x8b: {  	[sflag:s6] =	ssyncset.done $0x0  }
0x8c: {  	s9 =	rddreg [dreg:$0x17];
	[sflag:s6] =	ssyncadd.s32 $0xFFFFFC00  }
0x8d: {  	[spmem:s9] =	stream.linear.scatter [tilespmem:s4], [sflag:$0x11], $0x400, $0x38;
	[tilespmem:$0x12100] =	vst v63  }
0x8e: {  	_ =	swait.ge [sflag:s6], $0x400  }
0x8f: {  	[sflag:s6] =	ssyncset.done $0x0  }
0x90: {  	s13 =	rddreg [dreg:$0x18];
	[sflag:s6] =	ssyncadd.s32 $0xFFFFFC00  }
0x91: {  	[spmem:s13] =	stream.linear.scatter [tilespmem:s4], [sflag:$0x11], $0x400, $0x38;
	[tilespmem:$0x12100] =	vst v63  }
0x92: {  	_ =	swait.ge [sflag:s6], $0x400  }
0x93: {  	[sflag:s6] =	ssyncset.done $0x0  }
0x94: {  	s19 =	rddreg [dreg:$0x1b];
	[sflag:s6] =	ssyncadd.s32 $0xFFFFFC00  }
0x95: {  	[spmem:s19] =	stream.linear.scatter [tilespmem:s4], [sflag:$0x11], $0x400, $0x38;
	[tilespmem:$0x12100] =	vst v63  }
0x96: {  	_ =	swait.ge [sflag:s6], $0x400  }
0x97: {  	[sflag:s6] =	ssyncset.done $0x0  }
0x98: {  	[sflag:s6] =	ssyncadd.s32 $0xFFFFFC00  }
0x99: {  	[spmem:s20] =	stream.linear.scatter [tilespmem:s4], [sflag:$0x11], $0x400, $0x38;
	[tilespmem:$0x12100] =	vst v63  }
0x9a: {  	_ =	swait.ge [sflag:s6], $0x400  }
0x9b: {  	[sflag:s6] =	ssyncset.done $0x0  }
0x9c: {  	s22 =	smov.u32 s20;
	s20 =	rddreg [dreg:$0x1c];
	[sflag:s6] =	ssyncadd.s32 $0xFFFFFC00  }
0x9d: {  	[spmem:s20] =	stream.linear.scatter [tilespmem:s4], [sflag:$0x11], $0x400, $0x38;
	[tilespmem:$0x12100] =	vst v63  }
0x9e: {  	_ =	swait.ge [sflag:s6], $0x400  }
0x9f: {  	[sflag:s6] =	ssyncset.done $0x0  }
0xa0: {  	s21 =	rddreg [dreg:$0x1d];
	[sflag:s6] =	ssyncadd.s32 $0xFFFFFC00  }
0xa1: {  	[spmem:s21] =	stream.linear.scatter [tilespmem:s4], [sflag:$0x11], $0x400, $0x38;
	[tilespmem:$0x12100] =	vst v63  }
0xa2: {  	_ =	swait.ge [sflag:s6], $0x400  }
0xa3: {  	[sflag:s6] =	ssyncset.done $0x0  }
0xa4: {  	s24 =	rddreg [dreg:$0x1e];
	[sflag:s6] =	ssyncadd.s32 $0xFFFFFC00  }
0xa5: {  	[spmem:s24] =	stream.linear.scatter [tilespmem:s4], [sflag:$0x11], $0x400, $0x38;
	[tilespmem:$0x12100] =	vst v63  }
0xa6: {  	_ =	swait.ge [sflag:s6], $0x400  }
0xa7: {  	[sflag:s6] =	ssyncset.done $0x0  }
0xa8: {  	[sflag:s6] =	ssyncadd.s32 $0xFFFFFC00  }
0xa9: {  	[spmem:s23] =	stream.linear.scatter [tilespmem:s4], [sflag:$0x11], $0x400, $0x38;
	[tilespmem:$0x12100] =	vst v63  }
0xaa: {  	_ =	swait.ge [sflag:s6], $0x400  }
0xab: {  	[sflag:s6] =	ssyncset.done $0x0  }
0xac: {  	s25 =	rddreg [dreg:$0x1f];
	[sflag:s6] =	ssyncadd.s32 $0xFFFFFC00  }
0xad: {  	[spmem:s25] =	stream.linear.scatter [tilespmem:s4], [sflag:$0x11], $0x400, $0x38;
	[tilespmem:$0x12100] =	vst v63  }
0xae: {  	_ =	swait.ge [sflag:s6], $0x400  }
0xaf: {  	s26 =	sld [smem:$0x7F9]  }
0xb0: {  	[sflag:s6] =	ssyncset.done $0x0  }
0xb1: {  	[sflag:s6] =	ssyncadd.s32 $0xFFFFFC00  }
0xb2: {  	[spmem:s26] =	stream.linear.scatter [tilespmem:s4], [sflag:$0x11], $0x400, $0x38;
	[tilespmem:$0x12100] =	vst v63  }
0xb3: {  	_ =	swait.ge [sflag:s6], $0x400  }
0xb4: {  	s28 =	sld [smem:$0x7FA]  }
0xb5: {  	[sflag:s6] =	ssyncset.done $0x0  }
0xb6: {  	[sflag:s6] =	ssyncadd.s32 $0xFFFFFC00  }
0xb7: {  	[spmem:s28] =	stream.linear.scatter [tilespmem:s4], [sflag:$0x11], $0x400, $0x38;
	[tilespmem:$0x12100] =	vst v63  }
0xb8: {  	_ =	swait.ge [sflag:s6], $0x400  }
0xb9: {  	[sflag:s6] =	ssyncset.done $0x0  }
0xba: {  	[sflag:s6] =	ssyncadd.s32 $0xFFFFFC00  }
0xbb: {  	[bflag:$0x0] =	sbarrier.arrive $0xFFFF  }
0xbc: {  	s1 =	sld [smem:$0x7FB];
	_ =	sdelay $0x1  }
0xbd: {  	s29 =	simm.s32 $0x0  }
0xbe: {  	[tilespmem:s29], [sflag:$0x11] =	stream.linear.gather [hbm4b:s1+s29], $0x2800, $0x38;
	[tilespmem:$0x12100] =	vst v63  }
0xbf: {  	_ =	swait.ge [sflag:s6], $0x2800  }
0xc0: {  	s5 =	sld [smem:$0x7FC]  }
0xc1: {  	[sflag:s6] =	ssyncset.done $0x0  }
0xc2: {  	s9 =	simm.s32 $0x2800;
	[sflag:s6] =	ssyncadd.s32 $0xFFFFD800  }
0xc3: {  	[tilespmem:s9], [sflag:$0x11] =	stream.linear.gather [hbm4b:s5+s29], $0x2800, $0x38;
	[tilespmem:$0x12100] =	vst v63  }
0xc4: {  	_ =	swait.ge [sflag:s6], $0x2800  }
0xc5: {  	p0 =	por $0x0, $0x0;
	[sflag:s6] =	ssyncset.done $0x0  }
0xc6: {  	s0 =	simm.s32 @p0 $0x9;
	[sflag:s6] =	ssyncadd.s32 $0xFFFFD800  }
0xc7: {  	_ =	swait.ge @p0 [sflag:s0], $0xFA0  }
0xc8: {  	s19 =	simm.s32 @p0 $0x7D;
	s20 =	simm.s32 @p0 $0xA;
	[sflag:s0] =	ssyncset.done @p0 $0x0  }
0xc9: {  	s1 =	simm.s32 @p0 $0x0;
	[sflag:s0] =	ssyncadd.s32 @p0 $0xFFFFF060;
	s0 =	simm.s32 @p0 $0x5000  }
0xca: {  	[tilespmem:s0], [sflag:$0x1] =	stream.indirect.gather @p0 [hbm4b:s2+s19], $0x20, s1, s19, $0xb8;
	[tilespmem:$0x12100] =	vst v63  }
0xcb: {  	_ =	swait.ge @p0 [sflag:s20], $0xFA0  }
0xcc: {  	s0 =	simm.s32 @p0 $0x80;
	[sflag:s20] =	ssyncset.done @p0 $0x0  }
0xcd: {  	s1 =	simm.s32 @p0 $0x5FA0;
	[sflag:s20] =	ssyncadd.s32 @p0 $0xFFFFF060;
	s20 =	simm.s32 @p0 $0xB  }
0xce: {  	[tilespmem:s1], [sflag:$0x2] =	stream.indirect.gather @p0 [hbm4b:s2+s19], $0x20, s0, s19, $0xb8;
	[tilespmem:$0x12100] =	vst v63  }
0xcf: {  	_ =	swait.ge @p0 [sflag:s20], $0xFA0  }
0xd0: {  	s0 =	simm.s32 @p0 $0x100;
	[sflag:s20] =	ssyncset.done @p0 $0x0  }
0xd1: {  	s1 =	simm.s32 @p0 $0x6F40;
	[sflag:s20] =	ssyncadd.s32 @p0 $0xFFFFF060;
	s20 =	simm.s32 @p0 $0xC  }
0xd2: {  	[tilespmem:s1], [sflag:$0x3] =	stream.indirect.gather @p0 [hbm4b:s2+s19], $0x20, s0, s19, $0xb8;
	[tilespmem:$0x12100] =	vst v63  }
0xd3: {  	_ =	swait.ge @p0 [sflag:s20], $0xFA0  }
0xd4: {  	s0 =	simm.s32 @p0 $0x180;
	[sflag:s20] =	ssyncset.done @p0 $0x0  }
0xd5: {  	s1 =	simm.s32 @p0 $0x7EE0;
	[sflag:s20] =	ssyncadd.s32 @p0 $0xFFFFF060;
	s20 =	simm.s32 @p0 $0xD  }
0xd6: {  	[tilespmem:s1], [sflag:$0x4] =	stream.indirect.gather @p0 [hbm4b:s2+s19], $0x20, s0, s19, $0xb8;
	[tilespmem:$0x12100] =	vst v63  }
0xd7: {  	_ =	swait.ge @p0 [sflag:s20], $0xFA0  }
0xd8: {  	s0 =	simm.s32 @p0 $0x200;
	[sflag:s20] =	ssyncset.done @p0 $0x0  }
0xd9: {  	s1 =	simm.s32 @p0 $0x8E80;
	[sflag:s20] =	ssyncadd.s32 @p0 $0xFFFFF060;
	s20 =	simm.s32 @p0 $0xE  }
0xda: {  	[tilespmem:s1], [sflag:$0x5] =	stream.indirect.gather @p0 [hbm4b:s2+s19], $0x20, s0, s19, $0xb8;
	[tilespmem:$0x12100] =	vst v63  }
0xdb: {  	_ =	swait.ge @p0 [sflag:s20], $0xFA0  }
0xdc: {  	s0 =	simm.s32 @p0 $0x280;
	[sflag:s20] =	ssyncset.done @p0 $0x0  }
0xdd: {  	s1 =	simm.s32 @p0 $0x9E20;
	[sflag:s20] =	ssyncadd.s32 @p0 $0xFFFFF060;
	s20 =	simm.s32 @p0 $0xF  }
0xde: {  	[tilespmem:s1], [sflag:$0x6] =	stream.indirect.gather @p0 [hbm4b:s2+s19], $0x20, s0, s19, $0xb8;
	[tilespmem:$0x12100] =	vst v63  }
0xdf: {  	_ =	swait.ge @p0 [sflag:s20], $0xFA0  }
0xe0: {  	s0 =	simm.s32 $0x300;
	[sflag:s20] =	ssyncset.done @p0 $0x0  }
0xe1: {  	s1 =	simm.s32 @p0 $0xADC0;
	[sflag:s20] =	ssyncadd.s32 @p0 $0xFFFFF060;
	s20 =	simm.s32 @p0 $0x10  }
0xe2: {  	[tilespmem:s1], [sflag:$0x7] =	stream.indirect.gather @p0 [hbm4b:s2+s19], $0x20, s0, s19, $0xb8;
	[tilespmem:$0x12100] =	vst v63  }
0xe3: {  	_ =	swait.ge @p0 [sflag:s20], $0xFA0  }
0xe4: {  	s0 =	simm.s32 @!p0 $0x7D;
	[sflag:s20] =	ssyncset.done @p0 $0x0  }
0xe5: {  	s1 =	simm.s32 @!p0 $0x0;
	s19 =	simm.s32 @!p0 $0x5000;
	[sflag:s20] =	ssyncadd.s32 @p0 $0xFFFFF060  }
0xe6: {  	[tilespmem:s19], [sflag:$0x1] =	stream.indirect.gather @!p0 [hbm4b:s2+s0], $0x20, s1, s0, $0xb8;
	[tilespmem:$0x12100] =	vst v63  }
0xe7: {  	s1 =	simm.s32 @!p0 $0x80;
	s19 =	simm.s32 @!p0 $0x5FA0  }
0xe8: {  	[tilespmem:s19], [sflag:$0x2] =	stream.indirect.gather @!p0 [hbm4b:s2+s0], $0x20, s1, s0, $0xb8;
	[tilespmem:$0x12100] =	vst v63  }
0xe9: {  	s1 =	simm.s32 @!p0 $0x100;
	s19 =	simm.s32 @!p0 $0x6F40  }
0xea: {  	[tilespmem:s19], [sflag:$0x3] =	stream.indirect.gather @!p0 [hbm4b:s2+s0], $0x20, s1, s0, $0xb8;
	[tilespmem:$0x12100] =	vst v63  }
0xeb: {  	s1 =	simm.s32 @!p0 $0x180;
	s19 =	simm.s32 @!p0 $0x7EE0  }
0xec: {  	[tilespmem:s19], [sflag:$0x4] =	stream.indirect.gather @!p0 [hbm4b:s2+s0], $0x20, s1, s0, $0xb8;
	[tilespmem:$0x12100] =	vst v63  }
0xed: {  	s1 =	simm.s32 @!p0 $0x200;
	s19 =	simm.s32 @!p0 $0x8E80  }
0xee: {  	[tilespmem:s19], [sflag:$0x5] =	stream.indirect.gather @!p0 [hbm4b:s2+s0], $0x20, s1, s0, $0xb8;
	[tilespmem:$0x12100] =	vst v63  }
0xef: {  	s20 =	simm.s32 @!p0 $0x9E20;
	s1 =	simm.s32 @p0 $0x0;
	s19 =	simm.s32 @!p0 $0x280  }
0xf0: {  	[tilespmem:s20], [sflag:$0x6] =	stream.indirect.gather @!p0 [hbm4b:s2+s0], $0x20, s19, s0, $0xb8;
	[tilespmem:$0x12100] =	vst v63  }
0xf1: {  	s1 =	simm.s32 @!p0 $0x0;
	s19 =	simm.s32 @!p0 $0xADC0;
	s20 =	simm.s32 @!p0 $0x300  }
0xf2: {  	[tilespmem:s19], [sflag:$0x7] =	stream.indirect.gather @!p0 [hbm4b:s2+s0], $0x20, s20, s0, $0xb8;
	[tilespmem:$0x12100] =	vst v63  }
0xf3: {  	s13 =	sor.u32 $0x380, s1  }
0xf4: {  	[tilespmem:s8], [sflag:$0x8] =	stream.indirect.gather [hbm4b:s2+s7], $0x20, s13, s7, $0xb8;
	[tilespmem:$0x12100] =	vst v63  }
0xf5: {  	_ =	swait.ge [sflag:s10], $0xFA0  }
0xf6: {  	[sflag:s10] =	ssyncset.done $0x0  }
0xf7: {  	s20 =	sadd.s32 $0x2800, s1;
	s19 =	rddreg [dreg:$0x4];
	[sflag:s10] =	ssyncadd.s32 $0xFFFFF060  }
0xf8: {  	[spmem:s3] =	stream.indirect.scatter.add.f32 [tilespmem:s19], [sflag:$0x9], $0x20, s20, s7, $0xb8;
	[tilespmem:$0x12100] =	vst v63  }
0xf9: {  	s0 =	simm.s32 @p0 $0x80;
	_ =	swait.ge [sflag:s11], $0xFA0  }
0xfa: {  	s21 =	smov.u32 s23;
	s0 =	simm.s32 @!p0 $0x80;
	[sflag:s11] =	ssyncset.done $0x0  }
0xfb: {  	s0 =	sadd.s32 $0x2800, s0;
	s23 =	rddreg [dreg:$0x5];
	[sflag:s11] =	ssyncadd.s32 $0xFFFFF060  }
0xfc: {  	[spmem:s3] =	stream.indirect.scatter.add.f32 [tilespmem:s23], [sflag:$0xA], $0x20, s0, s7, $0xb8;
	[tilespmem:$0x12100] =	vst v63  }
0xfd: {  	s0 =	simm.s32 @p0 $0x100;
	_ =	swait.ge [sflag:s12], $0xFA0  }
0xfe: {  	s0 =	simm.s32 @!p0 $0x100;
	[sflag:s12] =	ssyncset.done $0x0  }
0xff: {  	s24 =	rddreg [dreg:$0x6];
	s0 =	sadd.s32 $0x2800, s0;
	[sflag:s12] =	ssyncadd.s32 $0xFFFFF060  }
0x100: {  	[spmem:s3] =	stream.indirect.scatter.add.f32 [tilespmem:s24], [sflag:$0xB], $0x20, s0, s7, $0xb8;
	[tilespmem:$0x12100] =	vst v63  }
0x101: {  	s0 =	simm.s32 @p0 $0x180;
	_ =	swait.ge [sflag:s14], $0xFA0  }
0x102: {  	s0 =	simm.s32 @!p0 $0x180;
	[sflag:s14] =	ssyncset.done $0x0  }
0x103: {  	s25 =	rddreg [dreg:$0x7];
	s0 =	sadd.s32 $0x2800, s0;
	[sflag:s14] =	ssyncadd.s32 $0xFFFFF060  }
0x104: {  	[spmem:s3] =	stream.indirect.scatter.add.f32 [tilespmem:s25], [sflag:$0xC], $0x20, s0, s7, $0xb8;
	[tilespmem:$0x12100] =	vst v63  }
0x105: {  	s0 =	simm.s32 @p0 $0x200;
	_ =	swait.ge [sflag:s15], $0xFA0  }
0x106: {  	s0 =	simm.s32 @!p0 $0x200;
	[sflag:s15] =	ssyncset.done $0x0  }
0x107: {  	s26 =	rddreg [dreg:$0x8];
	s0 =	sadd.s32 $0x2800, s0;
	[sflag:s15] =	ssyncadd.s32 $0xFFFFF060  }
0x108: {  	[spmem:s3] =	stream.indirect.scatter.add.f32 [tilespmem:s26], [sflag:$0xD], $0x20, s0, s7, $0xb8;
	[tilespmem:$0x12100] =	vst v63  }
0x109: {  	s0 =	simm.s32 @p0 $0x280;
	_ =	swait.ge [sflag:s16], $0xFA0  }
0x10a: {  	s0 =	simm.s32 @!p0 $0x280;
	[sflag:s16] =	ssyncset.done $0x0  }
0x10b: {  	s28 =	rddreg [dreg:$0x9];
	s0 =	sadd.s32 $0x2800, s0;
	[sflag:s16] =	ssyncadd.s32 $0xFFFFF060  }
0x10c: {  	[spmem:s3] =	stream.indirect.scatter.add.f32 [tilespmem:s28], [sflag:$0xE], $0x20, s0, s7, $0xb8;
	[tilespmem:$0x12100] =	vst v63  }
0x10d: {  	s31 =	simm.s32 $0x700;
	s0 =	simm.s32 $0x300;
	_ =	swait.ge [sflag:s17], $0xFA0  }
0x10e: {  	s20 =	sadd.s32 $0x2B80, s1;
	s0 =	simm.s32 @!p0 $0x300;
	[sflag:s17] =	ssyncset.done $0x0  }
0x10f: {  	s29 =	rddreg [dreg:$0xa];
	s0 =	sadd.s32 $0x2800, s0;
	[sflag:s17] =	ssyncadd.s32 $0xFFFFF060  }
0x110: {  	[spmem:s3] =	stream.indirect.scatter.add.f32 [tilespmem:s29], [sflag:$0xF], $0x20, s0, s7, $0xb8;
	[tilespmem:$0x12100] =	vst v63  }
0x111: {  	s1 =	simm.s32 $0x700;
	p0 =	por $0x1, $0x1;
	s0 =	simm.s32 $0xB00  }
.LBB2_2:
0x112: {  	_ =	swait.ge [sflag:s18], $0xFA0  }
0x113: {  	[sflag:s18] =	ssyncset.done $0x0  }
0x114: {  	s25 =	simm.s32 @p0 $0x9;
	[sflag:s18] =	ssyncadd.s32 $0xFFFFF060  }
0x115: {  	[spmem:s3] =	stream.indirect.scatter.add.f32 [tilespmem:s8], [sflag:$0x10], $0x20, s20, s7, $0xb8;
	[tilespmem:$0x12100] =	vst v63  }
0x116: {  	_ =	swait.ge @p0 [sflag:s25], $0xFA0  }
0x117: {  	s29 =	simm.s32 @p0 $0x7D;
	s26 =	simm.s32 @p0 $0xA;
	[sflag:s25] =	ssyncset.done @p0 $0x0  }
0x118: {  	s20 =	sadd.s32 @p0 $0xFFFFFD00, s1;
	[sflag:s25] =	ssyncadd.s32 @p0 $0xFFFFF060;
	s25 =	simm.s32 @p0 $0x5000  }
0x119: {  	[tilespmem:s25], [sflag:$0x1] =	stream.indirect.gather @p0 [hbm4b:s2+s29], $0x20, s20, s29, $0xb8;
	[tilespmem:$0x12100] =	vst v63  }
0x11a: {  	_ =	swait.ge @p0 [sflag:s26], $0xFA0  }
0x11b: {  	s5 =	simm.s32 @p0 $0x5FA0;
	[sflag:s26] =	ssyncset.done @p0 $0x0  }
0x11c: {  	s9 =	simm.s32 @p0 $0xB;
	s20 =	sadd.s32 @p0 $0xFFFFFD80, s1;
	[sflag:s26] =	ssyncadd.s32 @p0 $0xFFFFF060  }
0x11d: {  	[tilespmem:s5], [sflag:$0x2] =	stream.indirect.gather @p0 [hbm4b:s2+s29], $0x20, s20, s29, $0xb8;
	[tilespmem:$0x12100] =	vst v63  }
0x11e: {  	_ =	swait.ge @p0 [sflag:s9], $0xFA0  }
0x11f: {  	s13 =	simm.s32 @p0 $0x6F40;
	[sflag:s9] =	ssyncset.done @p0 $0x0  }
0x120: {  	s5 =	sadd.s32 @p0 $0xFFFFFE00, s1;
	[sflag:s9] =	ssyncadd.s32 @p0 $0xFFFFF060;
	s9 =	simm.s32 @p0 $0xC  }
0x121: {  	[tilespmem:s13], [sflag:$0x3] =	stream.indirect.gather @p0 [hbm4b:s2+s29], $0x20, s5, s29, $0xb8;
	[tilespmem:$0x12100] =	vst v63  }
0x122: {  	_ =	swait.ge @p0 [sflag:s9], $0xFA0  }
0x123: {  	s5 =	sadd.s32 @p0 $0xFFFFFE80, s1;
	[sflag:s9] =	ssyncset.done @p0 $0x0  }
0x124: {  	s13 =	simm.s32 @p0 $0x7EE0;
	[sflag:s9] =	ssyncadd.s32 @p0 $0xFFFFF060;
	s9 =	simm.s32 @p0 $0xD  }
0x125: {  	[tilespmem:s13], [sflag:$0x4] =	stream.indirect.gather @p0 [hbm4b:s2+s29], $0x20, s5, s29, $0xb8;
	[tilespmem:$0x12100] =	vst v63  }
0x126: {  	_ =	swait.ge @p0 [sflag:s9], $0xFA0  }
0x127: {  	s5 =	sadd.s32 @p0 $0xFFFFFF00, s1;
	[sflag:s9] =	ssyncset.done @p0 $0x0  }
0x128: {  	s13 =	simm.s32 @p0 $0x8E80;
	[sflag:s9] =	ssyncadd.s32 @p0 $0xFFFFF060;
	s9 =	simm.s32 @p0 $0xE  }
0x129: {  	[tilespmem:s13], [sflag:$0x5] =	stream.indirect.gather @p0 [hbm4b:s2+s29], $0x20, s5, s29, $0xb8;
	[tilespmem:$0x12100] =	vst v63  }
0x12a: {  	_ =	swait.ge @p0 [sflag:s9], $0xFA0  }
0x12b: {  	s5 =	sadd.s32 @p0 $0xFFFFFF80, s1;
	[sflag:s9] =	ssyncset.done @p0 $0x0  }
0x12c: {  	s13 =	simm.s32 @p0 $0x9E20;
	[sflag:s9] =	ssyncadd.s32 @p0 $0xFFFFF060;
	s9 =	simm.s32 @p0 $0xF  }
0x12d: {  	[tilespmem:s13], [sflag:$0x6] =	stream.indirect.gather @p0 [hbm4b:s2+s29], $0x20, s5, s29, $0xb8;
	[tilespmem:$0x12100] =	vst v63  }
0x12e: {  	_ =	swait.ge @p0 [sflag:s9], $0xFA0  }
0x12f: {  	[sflag:s9] =	ssyncset.done @p0 $0x0  }
0x130: {  	s5 =	simm.s32 @p0 $0xADC0;
	s13 =	simm.s32 @p0 $0x10;
	[sflag:s9] =	ssyncadd.s32 @p0 $0xFFFFF060  }
0x131: {  	[tilespmem:s5], [sflag:$0x7] =	stream.indirect.gather @p0 [hbm4b:s2+s29], $0x20, s1, s29, $0xb8;
	[tilespmem:$0x12100] =	vst v63  }
0x132: {  	_ =	swait.ge @p0 [sflag:s13], $0xFA0  }
0x133: {  	s9 =	simm.s32 @!p0 $0x0;
	[sflag:s13] =	ssyncset.done @p0 $0x0  }
0x134: {  	s5 =	simm.s32 @!p0 $0x7D;
	[sflag:s13] =	ssyncadd.s32 @p0 $0xFFFFF060;
	s13 =	simm.s32 @!p0 $0x5000  }
0x135: {  	[tilespmem:s13], [sflag:$0x1] =	stream.indirect.gather @!p0 [hbm4b:s2+s5], $0x20, s9, s5, $0xb8;
	[tilespmem:$0x12100] =	vst v63  }
0x136: {  	s9 =	simm.s32 @!p0 $0x80;
	s13 =	simm.s32 @!p0 $0x5FA0  }
0x137: {  	[tilespmem:s13], [sflag:$0x2] =	stream.indirect.gather @!p0 [hbm4b:s2+s5], $0x20, s9, s5, $0xb8;
	[tilespmem:$0x12100] =	vst v63  }
0x138: {  	s9 =	simm.s32 @!p0 $0x100;
	s13 =	simm.s32 @!p0 $0x6F40  }
0x139: {  	[tilespmem:s13], [sflag:$0x3] =	stream.indirect.gather @!p0 [hbm4b:s2+s5], $0x20, s9, s5, $0xb8;
	[tilespmem:$0x12100] =	vst v63  }
0x13a: {  	s9 =	simm.s32 @!p0 $0x180;
	s13 =	simm.s32 @!p0 $0x7EE0  }
0x13b: {  	[tilespmem:s13], [sflag:$0x4] =	stream.indirect.gather @!p0 [hbm4b:s2+s5], $0x20, s9, s5, $0xb8;
	[tilespmem:$0x12100] =	vst v63  }
0x13c: {  	s9 =	simm.s32 @!p0 $0x200;
	s13 =	simm.s32 @!p0 $0x8E80  }
0x13d: {  	[tilespmem:s13], [sflag:$0x5] =	stream.indirect.gather @!p0 [hbm4b:s2+s5], $0x20, s9, s5, $0xb8;
	[tilespmem:$0x12100] =	vst v63  }
0x13e: {  	s19 =	sadd.s32 @p0 $0xFFFFFD00, s31;
	s9 =	simm.s32 @!p0 $0x280;
	s13 =	simm.s32 @!p0 $0x9E20  }
0x13f: {  	[tilespmem:s13], [sflag:$0x6] =	stream.indirect.gather @!p0 [hbm4b:s2+s5], $0x20, s9, s5, $0xb8;
	[tilespmem:$0x12100] =	vst v63  }
0x140: {  	s19 =	simm.s32 @!p0 $0x0;
	s29 =	simm.s32 @!p0 $0xADC0;
	s9 =	simm.s32 @!p0 $0x300  }
0x141: {  	[tilespmem:s29], [sflag:$0x7] =	stream.indirect.gather @!p0 [hbm4b:s2+s5], $0x20, s9, s5, $0xb8;
	[tilespmem:$0x12100] =	vst v63  }
0x142: {  	s9 =	sor.u32 $0x380, s19  }
0x143: {  	[tilespmem:s8], [sflag:$0x8] =	stream.indirect.gather [hbm4b:s2+s7], $0x20, s9, s7, $0xb8;
	[tilespmem:$0x12100] =	vst v63  }
0x144: {  	_ =	swait.ge [sflag:s10], $0xFA0  }
0x145: {  	[sflag:s10] =	ssyncset.done $0x0  }
0x146: {  	s29 =	sadd.s32 $0x2800, s19;
	s13 =	rddreg [dreg:$0x4];
	[sflag:s10] =	ssyncadd.s32 $0xFFFFF060  }
0x147: {  	[spmem:s3] =	stream.indirect.scatter.add.f32 [tilespmem:s13], [sflag:$0x9], $0x20, s29, s7, $0xb8;
	[tilespmem:$0x12100] =	vst v63  }
0x148: {  	s28 =	sadd.s32 @p0 $0xFFFFFD80, s31;
	_ =	swait.ge [sflag:s11], $0xFA0  }
0x149: {  	s28 =	simm.s32 @!p0 $0x80;
	[sflag:s11] =	ssyncset.done $0x0  }
0x14a: {  	s13 =	sadd.s32 $0x2800, s28;
	s9 =	rddreg [dreg:$0x5];
	[sflag:s11] =	ssyncadd.s32 $0xFFFFF060  }
0x14b: {  	[spmem:s3] =	stream.indirect.scatter.add.f32 [tilespmem:s9], [sflag:$0xA], $0x20, s13, s7, $0xb8;
	[tilespmem:$0x12100] =	vst v63  }
0x14c: {  	s23 =	sadd.s32 @p0 $0xFFFFFE00, s31;
	_ =	swait.ge [sflag:s12], $0xFA0  }
0x14d: {  	s23 =	simm.s32 @!p0 $0x100;
	[sflag:s12] =	ssyncset.done $0x0  }
0x14e: {  	s29 =	sadd.s32 $0x2800, s23;
	s28 =	rddreg [dreg:$0x6];
	[sflag:s12] =	ssyncadd.s32 $0xFFFFF060  }
0x14f: {  	[spmem:s3] =	stream.indirect.scatter.add.f32 [tilespmem:s28], [sflag:$0xB], $0x20, s29, s7, $0xb8;
	[tilespmem:$0x12100] =	vst v63  }
0x150: {  	s24 =	sadd.s32 @p0 $0xFFFFFE80, s31;
	_ =	swait.ge [sflag:s14], $0xFA0  }
0x151: {  	s24 =	simm.s32 @!p0 $0x180;
	s25 =	sadd.s32 @p0 $0xFFFFFF00, s31;
	[sflag:s14] =	ssyncset.done $0x0  }
0x152: {  	s13 =	sadd.s32 $0x2800, s24;
	s9 =	rddreg [dreg:$0x7];
	[sflag:s14] =	ssyncadd.s32 $0xFFFFF060  }
0x153: {  	[spmem:s3] =	stream.indirect.scatter.add.f32 [tilespmem:s9], [sflag:$0xC], $0x20, s13, s7, $0xb8;
	[tilespmem:$0x12100] =	vst v63  }
0x154: {  	s25 =	simm.s32 @!p0 $0x200;
	_ =	swait.ge [sflag:s15], $0xFA0  }
0x155: {  	s26 =	sadd.s32 @p0 $0xFFFFFF80, s31;
	s20 =	smov.u32 s31;
	[sflag:s15] =	ssyncset.done $0x0  }
0x156: {  	s24 =	sadd.s32 $0x2800, s25;
	s23 =	rddreg [dreg:$0x8];
	[sflag:s15] =	ssyncadd.s32 $0xFFFFF060  }
0x157: {  	[spmem:s3] =	stream.indirect.scatter.add.f32 [tilespmem:s23], [sflag:$0xD], $0x20, s24, s7, $0xb8;
	[tilespmem:$0x12100] =	vst v63  }
0x158: {  	s31 =	smov.u32 s0;
	s0 =	sadd.s32 $0x400, s0;
	_ =	swait.ge [sflag:s16], $0xFA0  }
0x159: {  	s26 =	simm.s32 @!p0 $0x280;
	p1 =	sne.s32 s0, $0x2B00;
	[sflag:s16] =	ssyncset.done $0x0  }
0x15a: {  	s26 =	sadd.s32 $0x2800, s26;
	s25 =	rddreg [dreg:$0x9];
	[sflag:s16] =	ssyncadd.s32 $0xFFFFF060  }
0x15b: {  	[spmem:s3] =	stream.indirect.scatter.add.f32 [tilespmem:s25], [sflag:$0xE], $0x20, s26, s7, $0xb8;
	[tilespmem:$0x12100] =	vst v63  }
.Ltmp0:
0x15c: {  	_ = 	snop;
	(pc) =	sbr.rel @p1 .LBB2_2-.Ltmp0, $4  }
0x15d: {  	s20 =	simm.s32 @!p0 $0x300;
	s1 =	sadd.s32 $0x400, s1;
	_ =	swait.ge [sflag:s17], $0xFA0  }
0x15e: {  	p0 =	sne.s32 s31, $0x300;
	s29 =	sadd.s32 $0x2800, s20;
	[sflag:s17] =	ssyncset.done $0x0  }
0x15f: {  	s20 =	sadd.s32 $0x2B80, s19;
	s28 =	rddreg [dreg:$0xa];
	[sflag:s17] =	ssyncadd.s32 $0xFFFFF060  }
0x160: {  	[spmem:s3] =	stream.indirect.scatter.add.f32 [tilespmem:s28], [sflag:$0xF], $0x20, s29, s7, $0xb8;
	[tilespmem:$0x12100] =	vst v63  }
0x161: {  	_ =	swait.ge [sflag:s18], $0xFA0  }
0x162: {  	[sflag:s18] =	ssyncset.done $0x0  }
0x163: {  	s0 =	simm.s32 @p0 $0x9;
	[sflag:s18] =	ssyncadd.s32 $0xFFFFF060  }
0x164: {  	[spmem:s3] =	stream.indirect.scatter.add.f32 [tilespmem:s8], [sflag:$0x10], $0x20, s20, s7, $0xb8;
	[tilespmem:$0x12100] =	vst v63  }
0x165: {  	_ =	swait.ge @p0 [sflag:s0], $0xFA0  }
0x166: {  	s5 =	sadd.s32 @p0 $0xFFFFFD00, s1;
	[sflag:s0] =	ssyncset.done @p0 $0x0  }
0x167: {  	s9 =	simm.s32 @p0 $0x7D;
	[sflag:s0] =	ssyncadd.s32 @p0 $0xFFFFF060;
	s0 =	simm.s32 @p0 $0x5000  }
0x168: {  	[tilespmem:s0], [sflag:$0x1] =	stream.indirect.gather @p0 [hbm4b:s2+s9], $0x20, s5, s9, $0xb8;
	[tilespmem:$0x12100] =	vst v63  }
0x169: {  	s0 =	simm.s32 @p0 $0xA  }
0x16a: {  	_ =	swait.ge @p0 [sflag:s0], $0xFA0  }
0x16b: {  	[sflag:s0] =	ssyncset.done @p0 $0x0  }
0x16c: {  	s5 =	sadd.s32 @p0 $0xFFFFFD80, s1;
	[sflag:s0] =	ssyncadd.s32 @p0 $0xFFFFF060;
	s0 =	simm.s32 @p0 $0x5FA0  }
0x16d: {  	[tilespmem:s0], [sflag:$0x2] =	stream.indirect.gather @p0 [hbm4b:s2+s9], $0x20, s5, s9, $0xb8;
	[tilespmem:$0x12100] =	vst v63  }
0x16e: {  	s0 =	simm.s32 @p0 $0xB  }
0x16f: {  	_ =	swait.ge @p0 [sflag:s0], $0xFA0  }
0x170: {  	[sflag:s0] =	ssyncset.done @p0 $0x0  }
0x171: {  	s5 =	sadd.s32 @p0 $0xFFFFFE00, s1;
	[sflag:s0] =	ssyncadd.s32 @p0 $0xFFFFF060;
	s0 =	simm.s32 @p0 $0x6F40  }
0x172: {  	[tilespmem:s0], [sflag:$0x3] =	stream.indirect.gather @p0 [hbm4b:s2+s9], $0x20, s5, s9, $0xb8;
	[tilespmem:$0x12100] =	vst v63  }
0x173: {  	s0 =	simm.s32 @p0 $0xC  }
0x174: {  	_ =	swait.ge @p0 [sflag:s0], $0xFA0  }
0x175: {  	[sflag:s0] =	ssyncset.done @p0 $0x0  }
0x176: {  	s5 =	sadd.s32 @p0 $0xFFFFFE80, s1;
	[sflag:s0] =	ssyncadd.s32 @p0 $0xFFFFF060;
	s0 =	simm.s32 @p0 $0x7EE0  }
0x177: {  	[tilespmem:s0], [sflag:$0x4] =	stream.indirect.gather @p0 [hbm4b:s2+s9], $0x20, s5, s9, $0xb8;
	[tilespmem:$0x12100] =	vst v63  }
0x178: {  	s0 =	simm.s32 @p0 $0xD  }
0x179: {  	_ =	swait.ge @p0 [sflag:s0], $0xFA0  }
0x17a: {  	[sflag:s0] =	ssyncset.done @p0 $0x0  }
0x17b: {  	s5 =	sadd.s32 @p0 $0xFFFFFF00, s1;
	[sflag:s0] =	ssyncadd.s32 @p0 $0xFFFFF060;
	s0 =	simm.s32 @p0 $0x8E80  }
0x17c: {  	[tilespmem:s0], [sflag:$0x5] =	stream.indirect.gather @p0 [hbm4b:s2+s9], $0x20, s5, s9, $0xb8;
	[tilespmem:$0x12100] =	vst v63  }
0x17d: {  	s0 =	simm.s32 @p0 $0xE  }
0x17e: {  	_ =	swait.ge @p0 [sflag:s0], $0xFA0  }
0x17f: {  	[sflag:s0] =	ssyncset.done @p0 $0x0  }
0x180: {  	s5 =	sadd.s32 @p0 $0xFFFFFF80, s1;
	[sflag:s0] =	ssyncadd.s32 @p0 $0xFFFFF060;
	s0 =	simm.s32 @p0 $0x9E20  }
0x181: {  	[tilespmem:s0], [sflag:$0x6] =	stream.indirect.gather @p0 [hbm4b:s2+s9], $0x20, s5, s9, $0xb8;
	[tilespmem:$0x12100] =	vst v63  }
0x182: {  	s0 =	simm.s32 @p0 $0xF  }
0x183: {  	_ =	swait.ge @p0 [sflag:s0], $0xFA0  }
0x184: {  	[sflag:s0] =	ssyncset.done @p0 $0x0  }
0x185: {  	[sflag:s0] =	ssyncadd.s32 @p0 $0xFFFFF060;
	s0 =	simm.s32 @p0 $0xADC0  }
0x186: {  	[tilespmem:s0], [sflag:$0x7] =	stream.indirect.gather @p0 [hbm4b:s2+s9], $0x20, s1, s9, $0xb8;
	[tilespmem:$0x12100] =	vst v63  }
0x187: {  	s0 =	simm.s32 @p0 $0x10  }
0x188: {  	_ =	swait.ge @p0 [sflag:s0], $0xFA0  }
0x189: {  	s5 =	simm.s32 @!p0 $0x0;
	[sflag:s0] =	ssyncset.done @p0 $0x0  }
0x18a: {  	s1 =	simm.s32 @!p0 $0x7D;
	[sflag:s0] =	ssyncadd.s32 @p0 $0xFFFFF060;
	s0 =	simm.s32 @!p0 $0x5000  }
0x18b: {  	[tilespmem:s0], [sflag:$0x1] =	stream.indirect.gather @!p0 [hbm4b:s2+s1], $0x20, s5, s1, $0xb8;
	[tilespmem:$0x12100] =	vst v63  }
0x18c: {  	s0 =	simm.s32 @!p0 $0x80;
	s5 =	simm.s32 @!p0 $0x5FA0  }
0x18d: {  	[tilespmem:s5], [sflag:$0x2] =	stream.indirect.gather @!p0 [hbm4b:s2+s1], $0x20, s0, s1, $0xb8;
	[tilespmem:$0x12100] =	vst v63  }
0x18e: {  	s0 =	simm.s32 @!p0 $0x100;
	s5 =	simm.s32 @!p0 $0x6F40  }
0x18f: {  	[tilespmem:s5], [sflag:$0x3] =	stream.indirect.gather @!p0 [hbm4b:s2+s1], $0x20, s0, s1, $0xb8;
	[tilespmem:$0x12100] =	vst v63  }
0x190: {  	s0 =	simm.s32 @!p0 $0x180;
	s5 =	simm.s32 @!p0 $0x7EE0  }
0x191: {  	[tilespmem:s5], [sflag:$0x4] =	stream.indirect.gather @!p0 [hbm4b:s2+s1], $0x20, s0, s1, $0xb8;
	[tilespmem:$0x12100] =	vst v63  }
0x192: {  	s0 =	simm.s32 @!p0 $0x200;
	s5 =	simm.s32 @!p0 $0x8E80  }
0x193: {  	[tilespmem:s5], [sflag:$0x5] =	stream.indirect.gather @!p0 [hbm4b:s2+s1], $0x20, s0, s1, $0xb8;
	[tilespmem:$0x12100] =	vst v63  }
0x194: {  	s0 =	simm.s32 @!p0 $0x280;
	s5 =	simm.s32 @!p0 $0x9E20  }
0x195: {  	[tilespmem:s5], [sflag:$0x6] =	stream.indirect.gather @!p0 [hbm4b:s2+s1], $0x20, s0, s1, $0xb8;
	[tilespmem:$0x12100] =	vst v63  }
0x196: {  	s0 =	simm.s32 @!p0 $0xADC0;
	s5 =	simm.s32 @!p0 $0x300  }
0x197: {  	[tilespmem:s0], [sflag:$0x7] =	stream.indirect.gather @!p0 [hbm4b:s2+s1], $0x20, s5, s1, $0xb8;
	[tilespmem:$0x12100] =	vst v63  }
0x198: {  	s0 =	sadd.s32 @p0 $0xFFFFFD00, s31  }
0x199: {  	s0 =	simm.s32 @!p0 $0x0  }
0x19a: {  	s25 =	sor.u32 $0x380, s0  }
0x19b: {  	[tilespmem:s8], [sflag:$0x8] =	stream.indirect.gather [hbm4b:s2+s7], $0x20, s25, s7, $0xb8;
	[tilespmem:$0x12100] =	vst v63  }
0x19c: {  	_ =	swait.ge [sflag:s10], $0xFA0  }
0x19d: {  	[sflag:s10] =	ssyncset.done $0x0  }
0x19e: {  	s28 =	sadd.s32 $0x2800, s0;
	s26 =	rddreg [dreg:$0x4];
	[sflag:s10] =	ssyncadd.s32 $0xFFFFF060  }
0x19f: {  	[spmem:s3] =	stream.indirect.scatter.add.f32 [tilespmem:s26], [sflag:$0x9], $0x20, s28, s7, $0xb8;
	[tilespmem:$0x12100] =	vst v63  }
0x1a0: {  	s1 =	sadd.s32 @p0 $0xFFFFFD80, s31;
	_ =	swait.ge [sflag:s11], $0xFA0  }
0x1a1: {  	s1 =	simm.s32 @!p0 $0x80;
	[sflag:s11] =	ssyncset.done $0x0  }
0x1a2: {  	s1 =	sadd.s32 $0x2800, s1;
	s29 =	rddreg [dreg:$0x5];
	[sflag:s11] =	ssyncadd.s32 $0xFFFFF060  }
0x1a3: {  	[spmem:s3] =	stream.indirect.scatter.add.f32 [tilespmem:s29], [sflag:$0xA], $0x20, s1, s7, $0xb8;
	[tilespmem:$0x12100] =	vst v63  }
0x1a4: {  	s1 =	sadd.s32 @p0 $0xFFFFFE00, s31;
	_ =	swait.ge [sflag:s12], $0xFA0  }
0x1a5: {  	s1 =	simm.s32 @!p0 $0x100;
	[sflag:s12] =	ssyncset.done $0x0  }
0x1a6: {  	s9 =	rddreg [dreg:$0x6];
	s1 =	sadd.s32 $0x2800, s1;
	[sflag:s12] =	ssyncadd.s32 $0xFFFFF060  }
0x1a7: {  	[spmem:s3] =	stream.indirect.scatter.add.f32 [tilespmem:s9], [sflag:$0xB], $0x20, s1, s7, $0xb8;
	[tilespmem:$0x12100] =	vst v63  }
0x1a8: {  	s1 =	sadd.s32 @p0 $0xFFFFFE80, s31;
	_ =	swait.ge [sflag:s14], $0xFA0  }
0x1a9: {  	s1 =	simm.s32 @!p0 $0x180;
	[sflag:s14] =	ssyncset.done $0x0  }
0x1aa: {  	s13 =	rddreg [dreg:$0x7];
	s1 =	sadd.s32 $0x2800, s1;
	[sflag:s14] =	ssyncadd.s32 $0xFFFFF060  }
0x1ab: {  	[spmem:s3] =	stream.indirect.scatter.add.f32 [tilespmem:s13], [sflag:$0xC], $0x20, s1, s7, $0xb8;
	[tilespmem:$0x12100] =	vst v63  }
0x1ac: {  	s1 =	sadd.s32 @p0 $0xFFFFFF00, s31;
	_ =	swait.ge [sflag:s15], $0xFA0  }
0x1ad: {  	s1 =	simm.s32 @!p0 $0x200;
	[sflag:s15] =	ssyncset.done $0x0  }
0x1ae: {  	s19 =	rddreg [dreg:$0x8];
	s1 =	sadd.s32 $0x2800, s1;
	[sflag:s15] =	ssyncadd.s32 $0xFFFFF060  }
0x1af: {  	[spmem:s3] =	stream.indirect.scatter.add.f32 [tilespmem:s19], [sflag:$0xD], $0x20, s1, s7, $0xb8;
	[tilespmem:$0x12100] =	vst v63  }
0x1b0: {  	s1 =	sadd.s32 @p0 $0xFFFFFF80, s31;
	_ =	swait.ge [sflag:s16], $0xFA0  }
0x1b1: {  	s1 =	simm.s32 @!p0 $0x280;
	[sflag:s16] =	ssyncset.done $0x0  }
0x1b2: {  	s20 =	rddreg [dreg:$0x9];
	s1 =	sadd.s32 $0x2800, s1;
	[sflag:s16] =	ssyncadd.s32 $0xFFFFF060  }
0x1b3: {  	[spmem:s3] =	stream.indirect.scatter.add.f32 [tilespmem:s20], [sflag:$0xE], $0x20, s1, s7, $0xb8;
	[tilespmem:$0x12100] =	vst v63  }
0x1b4: {  	_ =	swait.ge [sflag:s17], $0xFA0  }
0x1b5: {  	s31 =	simm.s32 @!p0 $0x300;
	[sflag:s17] =	ssyncset.done $0x0  }
0x1b6: {  	s24 =	sadd.s32 $0x2800, s31;
	s23 =	rddreg [dreg:$0xa];
	[sflag:s17] =	ssyncadd.s32 $0xFFFFF060  }
0x1b7: {  	[spmem:s3] =	stream.indirect.scatter.add.f32 [tilespmem:s23], [sflag:$0xF], $0x20, s24, s7, $0xb8;
	[tilespmem:$0x12100] =	vst v63  }
0x1b8: {  	_ =	swait.ge [sflag:s18], $0xFA0  }
0x1b9: {  	[sflag:s18] =	ssyncset.done $0x0  }
0x1ba: {  	s0 =	sadd.s32 $0x2B80, s0;
	s25 =	simm.s32 $0x9;
	[sflag:s18] =	ssyncadd.s32 $0xFFFFF060  }
0x1bb: {  	[spmem:s3] =	stream.indirect.scatter.add.f32 [tilespmem:s8], [sflag:$0x10], $0x20, s0, s7, $0xb8;
	[tilespmem:$0x12100] =	vst v63  }
0x1bc: {  	_ =	swait.ge [sflag:s25], $0xFA0  }
0x1bd: {  	[sflag:s25] =	ssyncset.done $0x0  }
0x1be: {  	s26 =	simm.s32 $0xA;
	[sflag:s25] =	ssyncadd.s32 $0xFFFFF060  }
0x1bf: {  	_ =	swait.ge [sflag:s26], $0xFA0  }
0x1c0: {  	[sflag:s26] =	ssyncset.done $0x0  }
0x1c1: {  	s28 =	simm.s32 $0xB;
	[sflag:s26] =	ssyncadd.s32 $0xFFFFF060  }
0x1c2: {  	_ =	swait.ge [sflag:s28], $0xFA0  }
0x1c3: {  	[sflag:s28] =	ssyncset.done $0x0  }
0x1c4: {  	s29 =	simm.s32 $0xC;
	[sflag:s28] =	ssyncadd.s32 $0xFFFFF060  }
0x1c5: {  	_ =	swait.ge [sflag:s29], $0xFA0  }
0x1c6: {  	[sflag:s29] =	ssyncset.done $0x0  }
0x1c7: {  	s31 =	simm.s32 $0xD;
	[sflag:s29] =	ssyncadd.s32 $0xFFFFF060  }
0x1c8: {  	_ =	swait.ge [sflag:s31], $0xFA0  }
0x1c9: {  	[sflag:s31] =	ssyncset.done $0x0  }
0x1ca: {  	s1 =	simm.s32 $0xE;
	[sflag:s31] =	ssyncadd.s32 $0xFFFFF060  }
0x1cb: {  	_ =	swait.ge [sflag:s1], $0xFA0  }
0x1cc: {  	[sflag:s1] =	ssyncset.done $0x0  }
0x1cd: {  	s5 =	simm.s32 $0xF;
	[sflag:s1] =	ssyncadd.s32 $0xFFFFF060  }
0x1ce: {  	_ =	swait.ge [sflag:s5], $0xFA0  }
0x1cf: {  	[sflag:s5] =	ssyncset.done $0x0  }
0x1d0: {  	s9 =	simm.s32 $0x10;
	[sflag:s5] =	ssyncadd.s32 $0xFFFFF060  }
0x1d1: {  	_ =	swait.ge [sflag:s9], $0xFA0  }
0x1d2: {  	[sflag:s9] =	ssyncset.done $0x0  }
0x1d3: {  	[sflag:s9] =	ssyncadd.s32 $0xFFFFF060  }
0x1d4: {  	s13 =	stileid.u32;
	[bflag:$0x0] =	sbarrier.arrive $0xFFFF  }
0x1d5: {  	s0 =	sshll.u32 s13, $0x6;
	s5 =	rddreg [dreg:$0x11]  }
0x1d6: {  	s0 =	sor.u32 $0x1C11, s0;
	s20 =	rddreg [dreg:$0x12];
	s19 =	sshrl.u32 s5, $0x3  }
0x1d7: {  	[hbm:s20], [sflag:s0] =	dma.local [spmem:s19], $0x200  }
0x1d8: {  	_ =	swait.ge [sflag:s6], $0x200  }
0x1d9: {  	[sflag:s6] =	ssyncset.done $0x0;
	s9 =	rddreg [dreg:$0x19]  }
0x1da: {  	s13 =	rddreg [dreg:$0x13];
	[sflag:s6] =	ssyncadd.s32 $0xFFFFFE00;
	s23 =	sshrl.u32 s9, $0x3  }
0x1db: {  	[hbm:s13], [sflag:s0] =	dma.local [spmem:s23], $0x200  }
0x1dc: {  	_ =	swait.ge [sflag:s6], $0x200  }
0x1dd: {  	[sflag:s6] =	ssyncset.done $0x0;
	s13 =	rddreg [dreg:$0x1a]  }
0x1de: {  	s19 =	rddreg [dreg:$0x14];
	[sflag:s6] =	ssyncadd.s32 $0xFFFFFE00;
	s24 =	sshrl.u32 s13, $0x3  }
0x1df: {  	[hbm:s19], [sflag:s0] =	dma.local [spmem:s24], $0x200  }
0x1e0: {  	_ =	swait.ge [sflag:s6], $0x200  }
0x1e1: {  	[sflag:s6] =	ssyncset.done $0x0  }
0x1e2: {  	s25 =	sshrl.u32 s22, $0x3;
	s26 =	rddreg [dreg:$0x15];
	[sflag:s6] =	ssyncadd.s32 $0xFFFFFE00  }
0x1e3: {  	[hbm:s26], [sflag:s0] =	dma.local [spmem:s25], $0x200  }
0x1e4: {  	_ =	swait.ge [sflag:s6], $0x200  }
0x1e5: {  	[sflag:s6] =	ssyncset.done $0x0  }
0x1e6: {  	s28 =	sshrl.u32 s21, $0x3;
	s29 =	rddreg [dreg:$0x16];
	[sflag:s6] =	ssyncadd.s32 $0xFFFFFE00  }
0x1e7: {  	[hbm:s29], [sflag:s0] =	dma.local [spmem:s28], $0x200  }
0x1e8: {  	_ =	swait.ge [sflag:s6], $0x200  }
0x1e9: {  	s31 =	sld [smem:$0x7FD];
	_ =	sdelay $0x1  }
0x1ea: {  	s30 =	sadd.s32 $0x1, s30  }
0x1eb: {  	p0 =	sne.s32 s30, s31  }
.Ltmp1:
0x1ec: {  	_ = 	snop;
	(pc) =	sbr.rel @p0 .LBB2_1-.Ltmp1, $3  }
0x1ed: {  	_ =	sdelay $0x1  }
0x1ee: {  	[sflag:s6] =	ssyncset.done $0x0  }
0x1ef: {  	s20 =	smov.u32 s22;
	s23 =	smov.u32 s21;
	[sflag:s6] =	ssyncadd.s32 $0xFFFFFE00  }
0x1f0: {  	_ =	sfence.sel $0x180000  }
0x1f1: {  	[bflag:$0x0] =	sbarrier.arrive $0xFFFF  }
0x1f2: {  	_ =	strace $0x9000004A  }
0x1f3: {  	s0 =	stileid.u32;
	[bflag:$0x2] =	sbarrier.arrive $0xFFFF  }
0x1f4: {  	p0 =	sne.s32 s0, $0x0;
	s0 =	rddreg [dreg:$0x3]  }
0x1f5: {  	s0 =	sadd.s32 @!p0 $0x100000, s0  }
0x1f6: {  	[sflag:s0] =	ssyncadd.tile.s32 @!p0 $0x1;
	_ =	shalt  }
.Lfunc_end2:
_tile_overlayer_lowered:
.L_overlay_start_2:
0x1f7: {  	(tag) =	ssettag $0x2  }
0x1f8: {  	s0 =	rddreg [dreg:$0x0];
	s2 =	stileid.u32  }
0x1f9: {  	s1 =	rddreg [dreg:$0x1];
	p0 =	sne.s32 s2, $0x0  }
0x1fa: {  	s3 =	rddreg [dreg:$0x2];
	[bflag:$0x3] =	sbarrier.arrive $0xFFFF;
	s2 =	simm.s32 @!p0 $0x1C11  }
0x1fb: {  	[timem:s3], [sflag:s2] =	dma.local @!p0 [hbm:s0], s1  }
0x1fc: {  	s0 =	simm.s32 @!p0 $0x11  }
0x1fd: {  	_ =	swait.ge @!p0 [sflag:s0], s1  }
0x1fe: {  	s1 =	ssub.s32 @!p0 $0x0, s1;
	[sflag:s0] =	ssyncset.done @!p0 $0x0  }
0x1ff: {  	[sflag:s0] =	ssyncadd.s32 @!p0 s1  }
0x200: {  	[bflag:$0x3] =	sbarrier.arrive $0xFFFF  }
0x201: {  	_ =	shalt  }

// kernel: kernel.8.cloned.1.call-start
scs
__scs_entry_jumppad:
0x0: {  	(pc) =	sbr.rel $0x88, $3  }
0x1: {  	(tag) =	ssettag $0x0;
	lr =	simm.s32 $0x1  }
0x2: {  	[smem:$0x3F99] =	sst lr;
	_ =	strace $0xD0000000  }
0x3: {  	_ = 	snop  }
0x4: {  	_ = 	snop  }
0x5: {  	_ = 	snop  }
0x6: {  	_ = 	snop  }
0x7: {  	_ = 	snop  }
__scs_overlays_trampoline_lowered:
0x8: {  	[smem:$0x3FA8] =	sst s0  }
0x9: {  	[smem:$0x3FA9] =	sst s1  }
0xa: {  	[smem:$0x3FAA] =	sst s2  }
0xb: {  	[smem:$0x3FAB] =	sst s3  }
0xc: {  	[smem:$0x3FAC] =	sst s4  }
0xd: {  	[smem:$0x3FAD] =	sst s5  }
0xe: {  	[smem:$0x3FAE] =	sst s6  }
0xf: {  	[smem:$0x3FAF] =	sst s7  }
0x10: {  	[smem:$0x3FB0] =	sst s8  }
0x11: {  	[smem:$0x3FB1] =	sst s9;
	s0 =	simm.s32 @!p0 $0x0  }
0x12: {  	s1 =	sld [smem:$0x3F97];
	s0 =	simm.s32 @p0 $0x1  }
0x13: {  	[smem:$0x3FB2] =	sst s0;
	s0 =	simm.s32 @!p1 $0x0  }
0x14: {  	s2 =	sld [smem:$0x3F96];
	s0 =	simm.s32 @p1 $0x1  }
0x15: {  	[smem:$0x3FB3] =	sst s0;
	s0 =	simm.s32 @!p2 $0x0  }
0x16: {  	s3 =	sld [smem:$0x3FDB];
	s0 =	simm.s32 @p2 $0x1  }
0x17: {  	s4 =	simm.s32 $0x1BF5;
	[smem:$0x3FB5] =	sst s0  }
0x18: {  	s0 =	sld [smem:$0x3F98];
	_ =	swait.ge [sflag:s4], $0x0  }
0x19: {  	s7 =	sld [smem:$0x3F99]  }
0x1a: {  	s8 =	sadd.s32 $0xFFFFE003, lr  }
0x1b: {  	s9 =	sadd.s32 $0xFFFFFEF7, lr;
	s5 =	simm.s32 $0xFFFFFFFF;
	p2 =	slt.u32 s8, $0xFFFFF086  }
0x1c: {  	p1 =	slt.u32 s9, $0xF7A;
	s5 =	simm.s32 @!p2 $0x0  }
0x1d: {  	s5 =	simm.s32 @p1 $0x1;
	p0 =	seq.s32 s7, s2  }
0x1e: {  	s7 =	smul.u32 @!p0 $0xF7A, s2;
	p2 =	seq.s32 @!p0 s5, $0x0  }
0x1f: {  	s9 =	smul.u32 $0xF7A, s1;
	s8 =	simm.s32 @!p0 $0x1BF5;
	p2 =	por !p2, p0  }
0x20: {  	[sflag:s8] =	ssyncset.s32 @!p0 $0xFFFFF086;
	s6 =	sadd.s32 @!p0 s3, s7;
	s7 =	simm.s32 @!p0 $0x108  }
0x21: {  	s3 =	sadd.s32 s3, s9;
	s6 =	sadd.s32 @!p0 $0x88, s6;
	s7 =	simm.s32 @p2 $0x1082  }
0x22: {  	[simem:s7], [sflag:s8] =	dma.local @!p0 [hbm:s6], $0xF7A  }
0x23: {  	s9 =	sor.u32 $0xD0000000, s2;
	s6 =	simm.s32 $0x108;
	_ =	swait.ge @!p0 [sflag:s8], $0x0  }
0x24: {  	s3 =	sadd.s32 $0x88, s3;
	s6 =	simm.s32 @!p1 $0x1082;
	[sflag:s4] =	ssyncset.s32 $0xFFFFF086  }
0x25: {  	[simem:s6], [sflag:s4] =	dma.local [hbm:s3], $0xF7A  }
0x26: {  	[smem:$0x3F99] =	sst s1;
	(tag) =	ssettag s2;
	_ =	strace s9  }
0x27: {  	s1 =	sld [smem:$0x3FA9]  }
0x28: {  	s2 =	sld [smem:$0x3FAA]  }
0x29: {  	s4 =	sld [smem:$0x3FAC]  }
0x2a: {  	p0 =	seq.s32 s5, $0x0;
	s5 =	sld [smem:$0x3FAD]  }
0x2b: {  	s6 =	sld [smem:$0x3FAE]  }
0x2c: {  	s7 =	sld [smem:$0x3FAF]  }
0x2d: {  	s3 =	simm.s32 $0x108;
	s8 =	sld [smem:$0x3FB0]  }
0x2e: {  	s3 =	simm.s32 @!p0 $0x1082;
	s9 =	sld [smem:$0x3FB1]  }
0x2f: {  	lr =	sadd.s32 s0, s3;
	s0 =	sld [smem:$0x3FA8]  }
0x30: {  	s3 =	sld [smem:$0x3FAB]  }
0x31: {  	[smem:$0x3FB4] =	sst s10  }
0x32: {  	s10 =	sld [smem:$0x3FB2];
	_ =	sdelay $0x3  }
0x33: {  	p0 =	seq.s32 s10, $0x1;
	s10 =	sld [smem:$0x3FB4];
	_ =	sdelay $0x3  }
0x34: {  	[smem:$0x3FB4] =	sst s10  }
0x35: {  	s10 =	sld [smem:$0x3FB3];
	_ =	sdelay $0x3  }
0x36: {  	p1 =	seq.s32 s10, $0x1;
	s10 =	sld [smem:$0x3FB4];
	_ =	sdelay $0x3  }
0x37: {  	[smem:$0x3FB4] =	sst s10  }
0x38: {  	s10 =	sld [smem:$0x3FB5]  }
0x39: {  	_ = 	snop;
	(pc) =	sbr.ind lr, $3  }
0x3a: {  	_ = 	snop  }
0x3b: {  	_ = 	snop  }
0x3c: {  	p2 =	seq.s32 s10, $0x1;
	s10 =	sld [smem:$0x3FB4]  }
0x3d: {  	_ =	shalt  }
0x3e: {  	_ =	shalt  }
0x3f: {  	_ =	shalt  }
0x40: {  	_ =	shalt  }
0x41: {  	_ =	shalt  }
0x42: {  	_ =	shalt  }
0x43: {  	_ =	shalt  }
0x44: {  	_ =	shalt  }
0x45: {  	_ =	shalt  }
0x46: {  	_ =	shalt  }
0x47: {  	_ =	shalt  }
0x48: {  	_ =	shalt  }
0x49: {  	_ =	shalt  }
0x4a: {  	_ =	shalt  }
0x4b: {  	_ =	shalt  }
0x4c: {  	_ =	shalt  }
0x4d: {  	_ =	shalt  }
0x4e: {  	_ =	shalt  }
0x4f: {  	_ =	shalt  }
0x50: {  	_ =	shalt  }
0x51: {  	_ =	shalt  }
0x52: {  	_ =	shalt  }
0x53: {  	_ =	shalt  }
0x54: {  	_ =	shalt  }
0x55: {  	_ =	shalt  }
0x56: {  	_ =	shalt  }
0x57: {  	_ =	shalt  }
0x58: {  	_ =	shalt  }
0x59: {  	_ =	shalt  }
0x5a: {  	_ =	shalt  }
0x5b: {  	_ =	shalt  }
0x5c: {  	_ =	shalt  }
0x5d: {  	_ =	shalt  }
0x5e: {  	_ =	shalt  }
0x5f: {  	_ =	shalt  }
0x60: {  	_ =	shalt  }
0x61: {  	_ =	shalt  }
0x62: {  	_ =	shalt  }
0x63: {  	_ =	shalt  }
0x64: {  	_ =	shalt  }
0x65: {  	_ =	shalt  }
0x66: {  	_ =	shalt  }
0x67: {  	_ =	shalt  }
0x68: {  	_ =	shalt  }
0x69: {  	_ =	shalt  }
0x6a: {  	_ =	shalt  }
0x6b: {  	_ =	shalt  }
0x6c: {  	_ =	shalt  }
0x6d: {  	_ =	shalt  }
0x6e: {  	_ =	shalt  }
0x6f: {  	_ =	shalt  }
0x70: {  	_ =	shalt  }
0x71: {  	_ =	shalt  }
0x72: {  	_ =	shalt  }
0x73: {  	_ =	shalt  }
0x74: {  	_ =	shalt  }
0x75: {  	_ =	shalt  }
0x76: {  	_ =	shalt  }
0x77: {  	_ =	shalt  }
0x78: {  	_ =	shalt  }
0x79: {  	_ =	shalt  }
0x7a: {  	_ =	shalt  }
0x7b: {  	_ =	shalt  }
0x7c: {  	_ =	shalt  }
0x7d: {  	_ =	shalt  }
0x7e: {  	_ =	shalt  }
0x7f: {  	_ =	shalt  }
0x80: {  	_ =	shalt  }
0x81: {  	_ =	shalt  }
0x82: {  	_ =	shalt  }
0x83: {  	_ =	shalt  }
0x84: {  	_ =	shalt  }
0x85: {  	_ =	shalt  }
0x86: {  	_ =	shalt  }
0x87: {  	_ =	shalt  }
.Lfunc_end0:
.L_simem_size_0:
called_computation_lowered:
.L_overlay_start_0:
0x88: {  	s2 =	sld [smem:$0x3FD9]  }
0x89: {  	s3 =	sld [smem:$0x3FFE];
	_ =	sdelay $0x1  }
0x8a: {  	s1 =	srdreg.scid  }
0x8b: {  	s0 =	sand.u32 $0x1, s1  }
0x8c: {  	s17 =	sshll.u32 s0, $0xA;
	s2 =	sadd.s32 s3, s2  }
0x8d: {  	s2 =	sadd.s32 s2, s17  }
0x8e: {  	[smem:$0x3FC0] =	sst s2  }
0x8f: {  	_ = 	snop  }
0x90: {  	s2 =	sld [smem:$0x3FC9];
	(tm) =	ssettm $0x1  }
0x91: {  	s18 =	sld [smem:$0x3FFB];
	_ =	sdelay $0x3  }
0x92: {  	_ =	strace s18  }
0x93: {  	s3 =	sld [smem:$0x3FFC];
	_ =	sdelay $0x3  }
0x94: {  	_ =	strace s3  }
0x95: {  	s3 =	sld [smem:$0x3FFD];
	_ =	sdelay $0x3  }
0x96: {  	_ =	strace s3  }
0x97: {  	_ =	strace $0x8FFFFFFF  }
0x98: {  	s19 =	sld [smem:$0x3FDB];
	_ =	sdelay $0x1  }
0x99: {  	s4 =	simm.s32 $_scs_section_size  }
0x9a: {  	s5 =	simm.s32 $_size__tile_overlayer_lowered;
	s6 =	simm.s32 $_tile_overlayer_lowered  }
0x9b: {  	s22 =	simm.s32 $0x1BFF;
	s21 =	sshll.u32 s6, $0x1;
	s3 =	sadd.s32 s4, s19  }
0x9c: {  	s7 =	simm.s32 $0x0;
	s20 =	sshll.u32 s5, $0x1;
	s5 =	sadd.s32 s21, s3  }
0x9d: {  	[timem:s7], [sflag:s22] =	dma.local [hbm:s5], s20  }
0x9e: {  	_ =	swait.ge [sflag:s22], s20  }
0x9f: {  	s4 =	ssub.s32 $0x0, s20;
	[sflag:s22] =	ssyncset.done $0x0  }
0xa0: {  	[sflag:s22] =	ssyncadd.s32 s4;
	_ =	sdelay $0x1  }
0xa1: {  	s23 =	simm.s32 $0x1B8B  }
0xa2: {  	_ =	swait.ge [sflag:s23], $0x1  }
0xa3: {  	[sflag:s23] =	ssyncset.done $0x0  }
0xa4: {  	s25 =	simm.s32 $0x1B8E;
	s24 =	sld [smem:$0x3FFE];
	[sflag:s23] =	ssyncadd.s32 $0xFFFFFFFF  }
0xa5: {  	s26 =	simm.s32 $execute0_lowered;
	[smem:$0x3FD2] =	sst s25  }
0xa6: {  	s5 =	sshll.u32 s26, $0x1;
	_ =	strace $0x80000046;
	[dreg:$0x1] =	wrdreg $0xFFFFFFFF  }
0xa7: {  	s28 =	simm.s32 $_size_execute0_lowered;
	s3 =	sadd.s32 s3, s5;
	[dreg:$0x0] =	wrdreg $0x0  }
0xa8: {  	s5 =	sshll.u32 s28, $0x1;
	[dreg:$0x2] =	wrdreg s3  }
0xa9: {  	[dreg:$0x3] =	wrdreg s5  }
0xaa: {  	[dreg:$0x4] =	wrdreg $0xC0  }
0xab: {  	_ =	task [dreg:s7], $0x5FFFF  }
0xac: {  	[dreg:$0x1] =	wrdreg $0xFFFFFFFF  }
0xad: {  	[dreg:$0x0] =	wrdreg $0x60  }
0xae: {  	[dreg:$0x2] =	wrdreg s2  }
0xaf: {  	[dreg:$0x3] =	wrdreg s24  }
0xb0: {  	[dreg:$0x4] =	wrdreg $0xFE100  }
0xb1: {  	[dreg:$0x5] =	wrdreg $0x19E100  }
0xb2: {  	[dreg:$0x6] =	wrdreg $0x9  }
0xb3: {  	_ =	task.clear_ibuf [dreg:s7], $0x7FFFF;
	_ =	strace $0x90000046  }
0xb4: {  	s29 =	simm.s32 $0x9;
	_ =	strace $0x80000048  }
0xb5: {  	_ =	swait.ge [sflag:s29], $0x1  }
0xb6: {  	[sflag:s29] =	ssyncadd.s32 $0xFFFFFFFF  }
0xb7: {  	_ =	strace $0x90000048  }
0xb8: {  	_ =	sfence  }
0xb9: {  	s30 =	sld [smem:$0x0];
	_ =	sdelay $0x2  }
0xba: {  	s31 =	sshll.u32 s1, $0xD;
	s1 =	sshrl.u32 s1, $0x2  }
0xbb: {  	s3 =	sand.u32 $0x4000, s31;
	s1 =	sadd.s32 s1, s30  }
0xbc: {  	s0 =	sor.u32 s3, s0;
	s1 =	sshll.u32 s1, $0x11  }
0xbd: {  	s0 =	sor.u32 s1, s0  }
0xbe: {  	s0 =	sadd.s32 $0x8F2B, s0  }
0xbf: {  	[sflag:s0] =	ssyncadd.remote.s32 $0x1  }
0xc0: {  	_ =	sfence.sel $0xFFFF  }
0xc1: {  	[dreg:$0x0] =	wrdreg $0xFFFFFFFF;
	(pc) =	sbr.abs _section_cstart, $3  }
0xc2: {  	[dreg:$0x1] =	wrdreg $0xFFFFFFFF  }
0xc3: {  	_ =	task.clear_ibuf [dreg:s7], $0x2FFFF;
	_ =	strace $0x9FFFFFFF  }
0xc4: {  	(tm) =	ssettm $0x7FFFFFFF  }
0xc5: {  	_ =	shalt  }
tec
execute0_lowered:
.L_overlay_start_1:
0x0: {  	(tag) =	ssettag $0x1  }
0x1: {  	s0 =	srdreg.scid  }
0x2: {  	s7 =	stileid.u32;
	s5 =	rddreg [dreg:$0x1]  }
0x3: {  	s1 =	simm.s32 $0x0;
	s28 =	simm.s32 $0x6F40;
	s2 =	smul.u32 $0x5000, s7  }
0x4: {  	s29 =	simm.s32 $0x8E80;
	s14 =	sand.u32 $0x1, s0;
	s6 =	smul.u32 $0x280, s7  }
0x5: {  	s30 =	simm.s32 $0xADC0;
	s31 =	simm.s32 $0xCD00;
	s0 =	smul.u32 $0x50000, s14  }
0x6: {  	[smem:$0x7FF] =	sst s1;
	s10 =	sadd.s32 $0x29C00, s5;
	s12 =	smul.u32 $0xA0000, s14  }
0x7: {  	s18 =	ssub.s32 $0x2, s14;
	s13 =	smul.u32 $0x28000, s14;
	s17 =	sshrl.u32 s2, $0x3  }
0x8: {  	s19 =	sshrl.u32 s18, $0x1;
	s20 =	sadd.s32 $0x80, s6;
	s21 =	sadd.s32 $0x100, s6  }
0x9: {  	s22 =	sadd.s32 $0x180, s6;
	s8 =	sadd.s32 $0x200, s6;
	s0 =	sadd.s32 s2, s0  }
0xa: {  	s4 =	sadd.s32 s17, s5;
	s17 =	sadd.s32 $0x1FC00, s5;
	s15 =	sshll.u32 s20, $0x6  }
0xb: {  	s16 =	sshll.u32 s20, $0x4;
	s2 =	sshll.u32 s21, $0x4;
	s9 =	sshll.u32 s22, $0x6  }
0xc: {  	s11 =	sshll.u32 s22, $0x4;
	s0 =	sshrl.u32 s0, $0x3;
	s22 =	sadd.s32 s12, s15  }
0xd: {  	s3 =	sadd.s32 s0, s5;
	s5 =	ssub.s32 s18, s19;
	s18 =	smul.u32 $0xA000, s7  }
0xe: {  	s25 =	sadd.s32 s12, s9;
	s19 =	smul.u32 $0x2800, s7;
	s0 =	sshll.u32 s21, $0x6  }
0xf: {  	s7 =	sshll.u32 s8, $0x6;
	s8 =	sshll.u32 s8, $0x4;
	s23 =	sshrl.u32 s22, $0x3  }
0x10: {  	s22 =	sshrl.u32 s25, $0x3;
	s25 =	sadd.s32 s13, s11;
	s20 =	sadd.s32 s18, s12  }
0x11: {  	s24 =	sadd.s32 s12, s0;
	s26 =	sadd.s32 s10, s22;
	s20 =	sshrl.u32 s20, $0x3  }
0x12: {  	s22 =	sadd.s32 s13, s16;
	[dreg:$0x8] =	wrdreg s26;
	s20 =	sadd.s32 s10, s20  }
0x13: {  	s21 =	sadd.s32 s19, s13;
	s12 =	sadd.s32 s12, s7;
	[dreg:$0x5] =	wrdreg s20  }
0x14: {  	s20 =	sshrl.u32 s21, $0x3;
	s21 =	sadd.s32 s10, s23;
	s23 =	sadd.s32 s13, s2  }
0x15: {  	s13 =	sadd.s32 s13, s8;
	[dreg:$0x6] =	wrdreg s21;
	s21 =	sshrl.u32 s24, $0x3  }
0x16: {  	s20 =	sadd.s32 s17, s20;
	s26 =	sshrl.u32 s13, $0x3;
	s13 =	rddreg [dreg:$0x3]  }
0x17: {  	s12 =	sshrl.u32 s12, $0x3;
	s21 =	sadd.s32 s10, s21;
	[dreg:$0xa] =	wrdreg s20  }
0x18: {  	p0 =	sne.s32 s14, $0x0;
	s10 =	sadd.s32 s10, s12;
	[dreg:$0x7] =	wrdreg s21  }
0x19: {  	p1 =	seq.s32 s14, $0x0;
	s12 =	sshrl.u32 s23, $0x3;
	[dreg:$0x9] =	wrdreg s10  }
0x1a: {  	s20 =	sshrl.u32 s25, $0x3;
	s24 =	sadd.s32 s17, s12;
	s12 =	rddreg [dreg:$0x2]  }
0x1b: {  	s10 =	sshrl.u32 s22, $0x3;
	s20 =	sadd.s32 s17, s20;
	[dreg:$0xc] =	wrdreg s24  }
0x1c: {  	s2 =	sadd.s32 s2, s13;
	s10 =	sadd.s32 s17, s10;
	[dreg:$0xd] =	wrdreg s20  }
0x1d: {  	s11 =	sadd.s32 s11, s13;
	s22 =	sor.u32 $0x20, s6;
	[dreg:$0xb] =	wrdreg s10  }
0x1e: {  	s17 =	sadd.s32 s17, s26;
	s25 =	sshll.u32 s22, $0x6;
	s10 =	rddreg [dreg:$0x0]  }
0x1f: {  	s14 =	sshll.u32 s22, $0x4;
	[dreg:$0xe] =	wrdreg s17;
	s17 =	sadd.s32 s25, s12  }
0x20: {  	s14 =	sadd.s32 s14, s13;
	_ =	strace $0x80000047;
	[dreg:$0x11] =	wrdreg s17  }
0x21: {  	s8 =	sadd.s32 s8, s13;
	s0 =	sadd.s32 s0, s12;
	[dreg:$0x12] =	wrdreg s14  }
0x22: {  	s23 =	sadd.s32 s18, s12;
	s24 =	sadd.s32 s19, s13;
	[dreg:$0x1f] =	wrdreg s0  }
0x23: {  	s26 =	sor.u32 $0x40, s6;
	s9 =	sadd.s32 s9, s12;
	[smem:$0x7E2] =	sst s2  }
0x24: {  	s19 =	sor.u32 $0x60, s6;
	s22 =	sadd.s32 $0xA0, s6;
	[smem:$0x7E9] =	sst s9  }
0x25: {  	s7 =	sadd.s32 s7, s12;
	s18 =	sshll.u32 s26, $0x4;
	[smem:$0x7EA] =	sst s11  }
0x26: {  	s20 =	sshll.u32 s19, $0x6;
	s25 =	sadd.s32 s16, s13;
	[smem:$0x7F1] =	sst s7  }
0x27: {  	s16 =	sadd.s32 $0xC0, s6;
	s17 =	sshll.u32 s26, $0x6;
	[smem:$0x7F2] =	sst s8  }
0x28: {  	s26 =	sshll.u32 s22, $0x6;
	s11 =	sadd.s32 $0x240, s6;
	[dreg:$0xf] =	wrdreg s23  }
0x29: {  	s7 =	simm.s32 $0x9;
	s8 =	simm.s32 $0xA;
	[dreg:$0x10] =	wrdreg s24  }
0x2a: {  	[dreg:$0x18] =	wrdreg s25;
	s14 =	sadd.s32 s17, s12;
	s17 =	sshll.u32 s19, $0x4  }
0x2b: {  	s19 =	sadd.s32 $0xE0, s6;
	[dreg:$0x13] =	wrdreg s14;
	s14 =	sadd.s32 s18, s13  }
0x2c: {  	s21 =	sadd.s32 s17, s13;
	s17 =	sadd.s32 s15, s12;
	[dreg:$0x14] =	wrdreg s14  }
0x2d: {  	s15 =	sadd.s32 s26, s12;
	s18 =	sshll.u32 s16, $0x6;
	[dreg:$0x16] =	wrdreg s21  }
0x2e: {  	s26 =	sshll.u32 s19, $0x4;
	s14 =	sadd.s32 s20, s12;
	[dreg:$0x19] =	wrdreg s15  }
0x2f: {  	s20 =	sshll.u32 s16, $0x4;
	s21 =	sshll.u32 s19, $0x6;
	[dreg:$0x17] =	wrdreg s17  }
0x30: {  	[dreg:$0x15] =	wrdreg s14;
	s14 =	sshll.u32 s22, $0x4;
	s22 =	sadd.s32 s21, s12  }
0x31: {  	s16 =	sadd.s32 $0x140, s6;
	s14 =	sadd.s32 s14, s13;
	[dreg:$0x1d] =	wrdreg s22  }
0x32: {  	s21 =	sshll.u32 s16, $0x4;
	[dreg:$0x1a] =	wrdreg s14;
	s14 =	sadd.s32 s18, s12  }
0x33: {  	s18 =	sshll.u32 s16, $0x6;
	s16 =	sadd.s32 $0x1C0, s6;
	[dreg:$0x1b] =	wrdreg s14  }
0x34: {  	s14 =	sadd.s32 s20, s13;
	s19 =	sadd.s32 s18, s12;
	s20 =	sadd.s32 $0x160, s6  }
0x35: {  	s18 =	sshll.u32 s16, $0x6;
	[dreg:$0x1c] =	wrdreg s14;
	s14 =	sadd.s32 s26, s13  }
0x36: {  	[smem:$0x7E5] =	sst s19;
	s22 =	sshll.u32 s20, $0x6;
	s19 =	sshll.u32 s16, $0x4  }
0x37: {  	[dreg:$0x1e] =	wrdreg s14;
	s14 =	sadd.s32 $0x120, s6;
	s26 =	sadd.s32 s22, s12  }
0x38: {  	s15 =	sshll.u32 s14, $0x6;
	s0 =	sshll.u32 s14, $0x4;
	[smem:$0x7E7] =	sst s26  }
0x39: {  	s14 =	sadd.s32 $0x1A0, s6;
	s26 =	sadd.s32 $0x220, s6;
	s2 =	sadd.s32 s15, s12  }
0x3a: {  	s0 =	sadd.s32 s0, s13;
	s15 =	sshll.u32 s14, $0x6;
	[smem:$0x7E3] =	sst s2  }
0x3b: {  	s9 =	sshll.u32 s26, $0x6;
	[smem:$0x7E4] =	sst s0;
	s2 =	sadd.s32 s21, s13  }
0x3c: {  	s0 =	sshll.u32 s20, $0x4;
	s20 =	sadd.s32 $0x1E0, s6;
	[smem:$0x7E6] =	sst s2  }
0x3d: {  	s0 =	sadd.s32 s0, s13;
	s2 =	sadd.s32 s15, s12;
	s21 =	sshll.u32 s20, $0x6  }
0x3e: {  	s15 =	sshll.u32 s11, $0x6;
	[smem:$0x7E8] =	sst s0;
	s0 =	sshll.u32 s14, $0x4  }
0x3f: {  	[smem:$0x7EB] =	sst s2;
	s14 =	sadd.s32 $0x260, s6;
	s6 =	sadd.s32 s15, s12  }
0x40: {  	s2 =	sshll.u32 s20, $0x4;
	s20 =	sadd.s32 $0x2100, s3;
	[smem:$0x7F5] =	sst s6  }
0x41: {  	s15 =	simm.s32 $0xEC40;
	s0 =	sadd.s32 s0, s13;
	[smem:$0x7FA] =	sst s20  }
0x42: {  	s22 =	sadd.s32 s2, s13;
	s2 =	sadd.s32 s9, s12;
	[smem:$0x7EC] =	sst s0  }
0x43: {  	s16 =	sshll.u32 s14, $0x6;
	s20 =	simm.s32 $0x3;
	[smem:$0x7F0] =	sst s22  }
0x44: {  	s6 =	simm.s32 $0x8;
	s0 =	sadd.s32 s18, s12;
	[smem:$0x7F3] =	sst s2  }
0x45: {  	s2 =	sshll.u32 s11, $0x4;
	s18 =	sadd.s32 s16, s12;
	[smem:$0x7ED] =	sst s0  }
0x46: {  	s22 =	sadd.s32 $0x16100, s4;
	s11 =	simm.s32 $0x1;
	[smem:$0x7F7] =	sst s18  }
0x47: {  	s0 =	sadd.s32 s19, s13;
	s2 =	sadd.s32 s2, s13;
	[smem:$0x7FC] =	sst s22  }
0x48: {  	s19 =	sadd.s32 $0x1C00, s3;
	s18 =	simm.s32 $0xB;
	[smem:$0x7EE] =	sst s0  }
0x49: {  	s22 =	simm.s32 $0x5000;
	s3 =	simm.s32 $0x5;
	[smem:$0x7F6] =	sst s2  }
0x4a: {  	s0 =	sadd.s32 s21, s12;
	[smem:$0x7F9] =	sst s19;
	s21 =	sadd.s32 $0x15C00, s4  }
.Ltmp0:
0x4b: {  	[smem:$0x7EF] =	sst s0;
	s0 =	sshll.u32 s26, $0x4;
	(pc) =	sbr.rel .LBB2_1-.Ltmp0, $4  }
0x4c: {  	s19 =	simm.s32 $0xFC10;
	[smem:$0x7FB] =	sst s21;
	s0 =	sadd.s32 s0, s13  }
0x4d: {  	s26 =	smax.u32 s5, $0x1;
	[smem:$0x7F4] =	sst s0;
	s0 =	sshll.u32 s14, $0x4  }
0x4e: {  	s4 =	simm.s32 $0x6;
	[smem:$0x7FD] =	sst s26;
	s0 =	sadd.s32 s0, s13  }
0x4f: {  	v0 =	vimm.f32 $0.0e+00;
	v1 =	vimm.f32 $1.000000000e+00;
	s21 =	simm.s32 $0x7D;
	s5 =	simm.s32 $0x7;
	[smem:$0x7F8] =	sst s0  }
.LBB2_13:
0x50: {  	_ =	swait.ge [sflag:s4], $0x1F40  }
0x51: {  	[sflag:s4] =	ssyncset.done $0x0  }
0x52: {  	s0 =	simm.s32 @p0 $0x6;
	[sflag:s4] =	ssyncadd.s32 $0xFFFFE0C0  }
0x53: {  	_ =	swait.ge @p0 [sflag:s0], $0x7D0  }
0x54: {  	[sflag:s0] =	ssyncset.done @p0 $0x0  }
0x55: {  	[sflag:s0] =	ssyncadd.s32 @p0 $0xFFFFF830;
	s0 =	simm.s32 @p0 $0x7  }
0x56: {  	_ =	swait.ge @p0 [sflag:s0], $0x1F40  }
0x57: {  	[sflag:s0] =	ssyncset.done @p0 $0x0  }
0x58: {  	[sflag:s0] =	ssyncadd.s32 @p0 $0xFFFFE0C0  }
0x59: {  	_ =	swait.ge @p0 [sflag:s0], $0x7D0  }
0x5a: {  	[sflag:s0] =	ssyncset.done @p0 $0x0  }
0x5b: {  	[sflag:s0] =	ssyncadd.s32 @p0 $0xFFFFF830;
	s0 =	simm.s32 @p0 $0x8  }
0x5c: {  	_ =	swait.ge @p0 [sflag:s0], $0x1F40  }
0x5d: {  	[sflag:s0] =	ssyncset.done @p0 $0x0  }
0x5e: {  	[sflag:s0] =	ssyncadd.s32 @p0 $0xFFFFE0C0  }
0x5f: {  	_ =	swait.ge @p0 [sflag:s0], $0x7D0  }
0x60: {  	[sflag:s0] =	ssyncset.done @p0 $0x0  }
0x61: {  	[sflag:s0] =	ssyncadd.s32 @p0 $0xFFFFF830;
	s0 =	simm.s32 @p0 $0x9  }
0x62: {  	_ =	swait.ge @p0 [sflag:s0], $0x1F40  }
0x63: {  	[sflag:s0] =	ssyncset.done @p0 $0x0  }
0x64: {  	[sflag:s0] =	ssyncadd.s32 @p0 $0xFFFFE0C0  }
0x65: {  	_ =	swait.ge @p0 [sflag:s0], $0x7D0  }
0x66: {  	[sflag:s0] =	ssyncset.done @p0 $0x0  }
0x67: {  	[sflag:s0] =	ssyncadd.s32 @p0 $0xFFFFF830;
	s0 =	simm.s32 @p0 $0xA  }
0x68: {  	_ =	swait.ge @p0 [sflag:s0], $0x1F40  }
0x69: {  	[sflag:s0] =	ssyncset.done @p0 $0x0  }
0x6a: {  	[sflag:s0] =	ssyncadd.s32 @p0 $0xFFFFE0C0  }
0x6b: {  	_ =	swait.ge @p0 [sflag:s0], $0x7D0  }
0x6c: {  	[sflag:s0] =	ssyncset.done @p0 $0x0  }
0x6d: {  	[sflag:s0] =	ssyncadd.s32 @p0 $0xFFFFF830;
	s0 =	simm.s32 @!p0 $0x7  }
0x6e: {  	_ =	swait.ge @!p0 [sflag:s0], $0x1F40  }
0x6f: {  	[sflag:s0] =	ssyncset.done @!p0 $0x0  }
0x70: {  	[sflag:s0] =	ssyncadd.s32 @!p0 $0xFFFFE0C0;
	s0 =	simm.s32 @!p0 $0x8  }
0x71: {  	_ =	swait.ge @!p0 [sflag:s0], $0x1F40  }
0x72: {  	[sflag:s0] =	ssyncset.done @!p0 $0x0  }
0x73: {  	[sflag:s0] =	ssyncadd.s32 @!p0 $0xFFFFE0C0;
	s0 =	simm.s32 @!p0 $0x9  }
0x74: {  	_ =	swait.ge @!p0 [sflag:s0], $0x1F40  }
0x75: {  	[sflag:s0] =	ssyncset.done @!p0 $0x0  }
0x76: {  	[sflag:s0] =	ssyncadd.s32 @!p0 $0xFFFFE0C0;
	s0 =	simm.s32 @!p0 $0xA  }
0x77: {  	_ =	swait.ge @!p0 [sflag:s0], $0x1F40  }
0x78: {  	[sflag:s0] =	ssyncset.done @!p0 $0x0  }
0x79: {  	[sflag:s0] =	ssyncadd.s32 @!p0 $0xFFFFE0C0  }
0x7a: {  	s14 =	stileid.u32;
	[bflag:$0x0] =	sbarrier.arrive $0xFFFF  }
0x7b: {  	s0 =	sshll.u32 s14, $0x6;
	s23 =	rddreg [dreg:$0xf]  }
0x7c: {  	s0 =	sor.u32 $0x1C0B, s0;
	s9 =	rddreg [dreg:$0x5];
	s2 =	sshrl.u32 s23, $0x3  }
0x7d: {  	[hbm:s9], [sflag:s0] =	dma.local [spmem:s2], $0x400  }
0x7e: {  	_ =	swait.ge [sflag:s18], $0x400  }
0x7f: {  	[sflag:s18] =	ssyncset.done $0x0;
	s24 =	rddreg [dreg:$0x10]  }
0x80: {  	s17 =	rddreg [dreg:$0xa];
	[sflag:s18] =	ssyncadd.s32 $0xFFFFFC00;
	s16 =	sshrl.u32 s24, $0x3  }
0x81: {  	[hbm:s17], [sflag:s0] =	dma.local [spmem:s16], $0x100  }
0x82: {  	_ =	swait.ge [sflag:s18], $0x100  }
0x83: {  	[sflag:s18] =	ssyncset.done $0x0;
	s17 =	rddreg [dreg:$0x17]  }
0x84: {  	s26 =	rddreg [dreg:$0x6];
	[sflag:s18] =	ssyncadd.s32 $0xFFFFFF00;
	s25 =	sshrl.u32 s17, $0x3  }
0x85: {  	[hbm:s26], [sflag:s0] =	dma.local [spmem:s25], $0x400  }
0x86: {  	_ =	swait.ge [sflag:s18], $0x400  }
0x87: {  	[sflag:s18] =	ssyncset.done $0x0;
	s25 =	rddreg [dreg:$0x18]  }
0x88: {  	s14 =	rddreg [dreg:$0xb];
	[sflag:s18] =	ssyncadd.s32 $0xFFFFFC00;
	s9 =	sshrl.u32 s25, $0x3  }
0x89: {  	[hbm:s14], [sflag:s0] =	dma.local [spmem:s9], $0x100  }
0x8a: {  	_ =	swait.ge [sflag:s18], $0x100  }
0x8b: {  	[sflag:s18] =	ssyncset.done $0x0;
	s16 =	rddreg [dreg:$0x1f]  }
0x8c: {  	s26 =	rddreg [dreg:$0x7];
	[sflag:s18] =	ssyncadd.s32 $0xFFFFFF00;
	s2 =	sshrl.u32 s16, $0x3  }
0x8d: {  	[hbm:s26], [sflag:s0] =	dma.local [spmem:s2], $0x400  }
0x8e: {  	_ =	swait.ge [sflag:s18], $0x400  }
0x8f: {  	s9 =	sld [smem:$0x7E2];
	_ =	sdelay $0x1  }
0x90: {  	[sflag:s18] =	ssyncset.done $0x0  }
0x91: {  	s14 =	rddreg [dreg:$0xc];
	[sflag:s18] =	ssyncadd.s32 $0xFFFFFC00;
	s2 =	sshrl.u32 s9, $0x3  }
0x92: {  	[hbm:s14], [sflag:s0] =	dma.local [spmem:s2], $0x100  }
0x93: {  	_ =	swait.ge [sflag:s18], $0x100  }
0x94: {  	s16 =	sld [smem:$0x7E9];
	_ =	sdelay $0x1  }
0x95: {  	[sflag:s18] =	ssyncset.done $0x0  }
0x96: {  	s26 =	rddreg [dreg:$0x8];
	[sflag:s18] =	ssyncadd.s32 $0xFFFFFF00;
	s2 =	sshrl.u32 s16, $0x3  }
0x97: {  	[hbm:s26], [sflag:s0] =	dma.local [spmem:s2], $0x400  }
0x98: {  	_ =	swait.ge [sflag:s18], $0x400  }
0x99: {  	s9 =	sld [smem:$0x7EA];
	_ =	sdelay $0x1  }
0x9a: {  	[sflag:s18] =	ssyncset.done $0x0  }
0x9b: {  	s14 =	rddreg [dreg:$0xd];
	[sflag:s18] =	ssyncadd.s32 $0xFFFFFC00;
	s2 =	sshrl.u32 s9, $0x3  }
0x9c: {  	[hbm:s14], [sflag:s0] =	dma.local [spmem:s2], $0x100  }
0x9d: {  	_ =	swait.ge [sflag:s18], $0x100  }
0x9e: {  	s16 =	sld [smem:$0x7F1];
	_ =	sdelay $0x1  }
0x9f: {  	[sflag:s18] =	ssyncset.done $0x0  }
0xa0: {  	s26 =	rddreg [dreg:$0x9];
	[sflag:s18] =	ssyncadd.s32 $0xFFFFFF00;
	s2 =	sshrl.u32 s16, $0x3  }
0xa1: {  	[hbm:s26], [sflag:s0] =	dma.local [spmem:s2], $0x400  }
0xa2: {  	_ =	swait.ge [sflag:s18], $0x400  }
0xa3: {  	s14 =	sld [smem:$0x7F2];
	_ =	sdelay $0x1  }
0xa4: {  	[sflag:s18] =	ssyncset.done $0x0  }
0xa5: {  	s16 =	rddreg [dreg:$0xe];
	[sflag:s18] =	ssyncadd.s32 $0xFFFFFC00;
	s2 =	sshrl.u32 s14, $0x3  }
0xa6: {  	[hbm:s16], [sflag:s0] =	dma.local [spmem:s2], $0x100  }
0xa7: {  	_ =	swait.ge [sflag:s18], $0x100  }
0xa8: {  	s26 =	sld [smem:$0x7FD];
	_ =	sdelay $0x1  }
0xa9: {  	s1 =	sadd.s32 $0x1, s1  }
0xaa: {  	p2 =	sne.s32 s1, s26  }
.Ltmp1:
0xab: {  	_ = 	snop;
	(pc) =	sbr.rel @!p2 .LBB2_14-.Ltmp1, $3  }
0xac: {  	_ =	sdelay $0x1  }
0xad: {  	[sflag:s18] =	ssyncset.done $0x0  }
0xae: {  	[sflag:s18] =	ssyncadd.s32 $0xFFFFFF00  }
.LBB2_1:
0xaf: {  	s16 =	simm.s32 $0x100;
	s0 =	simm.s32 $0x0  }
.LBB2_2:
0xb0: {  	p2 =	sne.s32 s16, $0x1F00;
	[tilespmem:s0+$0xEC70] =	vst v0;
	s2 =	smov.u32 s16;
	s16 =	sadd.s32 $0x100, s16  }
.Ltmp2:
0xb1: {  	[tilespmem:s0+$0xEC60] =	vst v0;
	(pc) =	sbr.rel @p2 .LBB2_2-.Ltmp2, $3  }
0xb2: {  	[tilespmem:s0+$0xEC40] =	vst v0  }
0xb3: {  	[tilespmem:s0+$0xEC50] =	vst v0;
	_ =	sdelay $0x1  }
0xb4: {  	s0 =	sshra.s32 s2, $0x2  }
0xb5: {  	[tilespmem:s0+$0xEC70] =	vst v0  }
0xb6: {  	[tilespmem:s0+$0xEC60] =	vst v0  }
0xb7: {  	[tilespmem:s0+$0xEC40] =	vst v0  }
0xb8: {  	[tilespmem:s0+$0xEC50] =	vst v0  }
0xb9: {  	[tilespmem:$0xFC10] =	vst v0  }
0xba: {  	[tilespmem:$0xFC20] =	vst v0  }
0xbb: {  	[tilespmem:$0xFC30] =	vst v0  }
0xbc: {  	[tilespmem:$0xFC40] =	vst v0  }
0xbd: {  	[tilespmem:$0xFC50] =	vst v0  }
0xbe: {  	[tilespmem:$0xFC60] =	vst v0  }
0xbf: {  	[tilespmem:$0xFC70] =	vst v0  }
0xc0: {  	[tilespmem:$0xFC80] =	vst v0  }
0xc1: {  	[tilespmem:$0xFC90] =	vst v0  }
0xc2: {  	[tilespmem:$0xFCA0] =	vst v0  }
0xc3: {  	[tilespmem:$0xFCB0] =	vst v0  }
0xc4: {  	[tilespmem:$0xFCC0] =	vst v0  }
0xc5: {  	[tilespmem:$0xFCD0] =	vst v0  }
0xc6: {  	[tilespmem:$0xFCE0] =	vst v0  }
0xc7: {  	[tilespmem:$0xFCF0] =	vst v0  }
0xc8: {  	[tilespmem:$0xFD00] =	vst v0  }
0xc9: {  	[tilespmem:$0xFD10] =	vst v0  }
0xca: {  	[tilespmem:$0xFD20] =	vst v0  }
0xcb: {  	[tilespmem:$0xFD30] =	vst v0  }
0xcc: {  	[tilespmem:$0xFD40] =	vst v0  }
0xcd: {  	[tilespmem:$0xFD50] =	vst v0  }
0xce: {  	[tilespmem:$0xFD60] =	vst v0  }
0xcf: {  	[tilespmem:$0xFD70] =	vst v0  }
0xd0: {  	[tilespmem:$0xFD80] =	vst v0  }
0xd1: {  	[tilespmem:$0xFD90] =	vst v0  }
0xd2: {  	[tilespmem:$0xFDA0] =	vst v0  }
0xd3: {  	[tilespmem:$0xFDB0] =	vst v0  }
0xd4: {  	[tilespmem:$0xFDC0] =	vst v0  }
0xd5: {  	[tilespmem:$0xFDD0] =	vst v0  }
0xd6: {  	[tilespmem:$0xFDE0] =	vst v0  }
0xd7: {  	[tilespmem:$0xFDF0] =	vst v0  }
0xd8: {  	s0 =	simm.s32 $0x40;
	s2 =	simm.s32 $0x0;
	[tilespmem:$0xFE00] =	vst v0  }
.LBB2_4:
0xd9: {  	p2 =	sne.s32 s0, $0x1F00;
	[tilespmem:s2+$0xF440] =	vst v1;
	s2 =	smov.u32 s0;
	s0 =	sadd.s32 $0x40, s0  }
.Ltmp3:
0xda: {  	(pc) =	sbr.rel @p2 .LBB2_4-.Ltmp3, $2  }
0xdb: {  	_ =	sdelay $0x2  }
0xdc: {  	s2 =	sshra.s32 s2, $0x2  }
0xdd: {  	[tilespmem:s2+$0xF440] =	vst v1  }
0xde: {  	[spmem:s23] =	stream.linear.scatter [tilespmem:s15], [sflag:$0xB], $0x800, $0x38;
	[tilespmem:$0x1C610] =	vst v63  }
0xdf: {  	_ =	swait.ge [sflag:s18], $0x800  }
0xe0: {  	[sflag:s18] =	ssyncset.done $0x0  }
0xe1: {  	[sflag:s18] =	ssyncadd.s32 $0xFFFFF800  }
0xe2: {  	[spmem:s24] =	stream.linear.scatter [tilespmem:s19], [sflag:$0xB], $0x200, $0x38;
	[tilespmem:$0x1C610] =	vst v63  }
0xe3: {  	_ =	swait.ge [sflag:s18], $0x200  }
0xe4: {  	[sflag:s18] =	ssyncset.done $0x0  }
0xe5: {  	s0 =	rddreg [dreg:$0x11];
	[sflag:s18] =	ssyncadd.s32 $0xFFFFFE00  }
0xe6: {  	[spmem:s0] =	stream.linear.scatter [tilespmem:s15], [sflag:$0xB], $0x800, $0x38;
	[tilespmem:$0x1C610] =	vst v63  }
0xe7: {  	_ =	swait.ge [sflag:s18], $0x800  }
0xe8: {  	[sflag:s18] =	ssyncset.done $0x0  }
0xe9: {  	s26 =	rddreg [dreg:$0x12];
	[sflag:s18] =	ssyncadd.s32 $0xFFFFF800  }
0xea: {  	[spmem:s26] =	stream.linear.scatter [tilespmem:s19], [sflag:$0xB], $0x200, $0x38;
	[tilespmem:$0x1C610] =	vst v63  }
0xeb: {  	_ =	swait.ge [sflag:s18], $0x200  }
0xec: {  	[sflag:s18] =	ssyncset.done $0x0  }
0xed: {  	s2 =	rddreg [dreg:$0x13];
	[sflag:s18] =	ssyncadd.s32 $0xFFFFFE00  }
0xee: {  	[spmem:s2] =	stream.linear.scatter [tilespmem:s15], [sflag:$0xB], $0x800, $0x38;
	[tilespmem:$0x1C610] =	vst v63  }
0xef: {  	_ =	swait.ge [sflag:s18], $0x800  }
0xf0: {  	[sflag:s18] =	ssyncset.done $0x0  }
0xf1: {  	s9 =	rddreg [dreg:$0x14];
	[sflag:s18] =	ssyncadd.s32 $0xFFFFF800  }
0xf2: {  	[spmem:s9] =	stream.linear.scatter [tilespmem:s19], [sflag:$0xB], $0x200, $0x38;
	[tilespmem:$0x1C610] =	vst v63  }
0xf3: {  	_ =	swait.ge [sflag:s18], $0x200  }
0xf4: {  	[sflag:s18] =	ssyncset.done $0x0  }
0xf5: {  	s14 =	rddreg [dreg:$0x15];
	[sflag:s18] =	ssyncadd.s32 $0xFFFFFE00  }
0xf6: {  	[spmem:s14] =	stream.linear.scatter [tilespmem:s15], [sflag:$0xB], $0x800, $0x38;
	[tilespmem:$0x1C610] =	vst v63  }
0xf7: {  	_ =	swait.ge [sflag:s18], $0x800  }
0xf8: {  	[sflag:s18] =	ssyncset.done $0x0  }
0xf9: {  	s16 =	rddreg [dreg:$0x16];
	[sflag:s18] =	ssyncadd.s32 $0xFFFFF800  }
0xfa: {  	[spmem:s16] =	stream.linear.scatter [tilespmem:s19], [sflag:$0xB], $0x200, $0x38;
	[tilespmem:$0x1C610] =	vst v63  }
0xfb: {  	_ =	swait.ge [sflag:s18], $0x200  }
0xfc: {  	[sflag:s18] =	ssyncset.done $0x0  }
0xfd: {  	[sflag:s18] =	ssyncadd.s32 $0xFFFFFE00  }
0xfe: {  	[spmem:s17] =	stream.linear.scatter [tilespmem:s15], [sflag:$0xB], $0x800, $0x38;
	[tilespmem:$0x1C610] =	vst v63  }
0xff: {  	_ =	swait.ge [sflag:s18], $0x800  }
0x100: {  	[sflag:s18] =	ssyncset.done $0x0  }
0x101: {  	[sflag:s18] =	ssyncadd.s32 $0xFFFFF800  }
0x102: {  	[spmem:s25] =	stream.linear.scatter [tilespmem:s19], [sflag:$0xB], $0x200, $0x38;
	[tilespmem:$0x1C610] =	vst v63  }
0x103: {  	_ =	swait.ge [sflag:s18], $0x200  }
0x104: {  	[sflag:s18] =	ssyncset.done $0x0  }
0x105: {  	s17 =	rddreg [dreg:$0x19];
	[sflag:s18] =	ssyncadd.s32 $0xFFFFFE00  }
0x106: {  	[spmem:s17] =	stream.linear.scatter [tilespmem:s15], [sflag:$0xB], $0x800, $0x38;
	[tilespmem:$0x1C610] =	vst v63  }
0x107: {  	_ =	swait.ge [sflag:s18], $0x800  }
0x108: {  	[sflag:s18] =	ssyncset.done $0x0  }
0x109: {  	s23 =	rddreg [dreg:$0x1a];
	[sflag:s18] =	ssyncadd.s32 $0xFFFFF800  }
0x10a: {  	[spmem:s23] =	stream.linear.scatter [tilespmem:s19], [sflag:$0xB], $0x200, $0x38;
	[tilespmem:$0x1C610] =	vst v63  }
0x10b: {  	_ =	swait.ge [sflag:s18], $0x200  }
0x10c: {  	[sflag:s18] =	ssyncset.done $0x0  }
0x10d: {  	s24 =	rddreg [dreg:$0x1b];
	[sflag:s18] =	ssyncadd.s32 $0xFFFFFE00  }
0x10e: {  	[spmem:s24] =	stream.linear.scatter [tilespmem:s15], [sflag:$0xB], $0x800, $0x38;
	[tilespmem:$0x1C610] =	vst v63  }
0x10f: {  	_ =	swait.ge [sflag:s18], $0x800  }
0x110: {  	[sflag:s18] =	ssyncset.done $0x0  }
0x111: {  	s25 =	rddreg [dreg:$0x1c];
	[sflag:s18] =	ssyncadd.s32 $0xFFFFF800  }
0x112: {  	[spmem:s25] =	stream.linear.scatter [tilespmem:s19], [sflag:$0xB], $0x200, $0x38;
	[tilespmem:$0x1C610] =	vst v63  }
0x113: {  	_ =	swait.ge [sflag:s18], $0x200  }
0x114: {  	[sflag:s18] =	ssyncset.done $0x0  }
0x115: {  	s26 =	rddreg [dreg:$0x1d];
	[sflag:s18] =	ssyncadd.s32 $0xFFFFFE00  }
0x116: {  	[spmem:s26] =	stream.linear.scatter [tilespmem:s15], [sflag:$0xB], $0x800, $0x38;
	[tilespmem:$0x1C610] =	vst v63  }
0x117: {  	_ =	swait.ge [sflag:s18], $0x800  }
0x118: {  	[sflag:s18] =	ssyncset.done $0x0  }
0x119: {  	s2 =	rddreg [dreg:$0x1e];
	[sflag:s18] =	ssyncadd.s32 $0xFFFFF800  }
0x11a: {  	[spmem:s2] =	stream.linear.scatter [tilespmem:s19], [sflag:$0xB], $0x200, $0x38;
	[tilespmem:$0x1C610] =	vst v63  }
0x11b: {  	_ =	swait.ge [sflag:s18], $0x200  }
0x11c: {  	[sflag:s18] =	ssyncset.done $0x0  }
0x11d: {  	s9 =	rddreg [dreg:$0x1f];
	[sflag:s18] =	ssyncadd.s32 $0xFFFFFE00  }
0x11e: {  	[spmem:s9] =	stream.linear.scatter [tilespmem:s15], [sflag:$0xB], $0x800, $0x38;
	[tilespmem:$0x1C610] =	vst v63  }
0x11f: {  	_ =	swait.ge [sflag:s18], $0x800  }
0x120: {  	s14 =	sld [smem:$0x7E2]  }
0x121: {  	[sflag:s18] =	ssyncset.done $0x0  }
0x122: {  	[sflag:s18] =	ssyncadd.s32 $0xFFFFF800  }
0x123: {  	[spmem:s14] =	stream.linear.scatter [tilespmem:s19], [sflag:$0xB], $0x200, $0x38;
	[tilespmem:$0x1C610] =	vst v63  }
0x124: {  	_ =	swait.ge [sflag:s18], $0x200  }
0x125: {  	s16 =	sld [smem:$0x7E3]  }
0x126: {  	[sflag:s18] =	ssyncset.done $0x0  }
0x127: {  	[sflag:s18] =	ssyncadd.s32 $0xFFFFFE00  }
0x128: {  	[spmem:s16] =	stream.linear.scatter [tilespmem:s15], [sflag:$0xB], $0x800, $0x38;
	[tilespmem:$0x1C610] =	vst v63  }
0x129: {  	_ =	swait.ge [sflag:s18], $0x800  }
0x12a: {  	s17 =	sld [smem:$0x7E4]  }
0x12b: {  	[sflag:s18] =	ssyncset.done $0x0  }
0x12c: {  	[sflag:s18] =	ssyncadd.s32 $0xFFFFF800  }
0x12d: {  	[spmem:s17] =	stream.linear.scatter [tilespmem:s19], [sflag:$0xB], $0x200, $0x38;
	[tilespmem:$0x1C610] =	vst v63  }
0x12e: {  	_ =	swait.ge [sflag:s18], $0x200  }
0x12f: {  	s23 =	sld [smem:$0x7E5]  }
0x130: {  	[sflag:s18] =	ssyncset.done $0x0  }
0x131: {  	[sflag:s18] =	ssyncadd.s32 $0xFFFFFE00  }
0x132: {  	[spmem:s23] =	stream.linear.scatter [tilespmem:s15], [sflag:$0xB], $0x800, $0x38;
	[tilespmem:$0x1C610] =	vst v63  }
0x133: {  	_ =	swait.ge [sflag:s18], $0x800  }
0x134: {  	s24 =	sld [smem:$0x7E6]  }
0x135: {  	[sflag:s18] =	ssyncset.done $0x0  }
0x136: {  	[sflag:s18] =	ssyncadd.s32 $0xFFFFF800  }
0x137: {  	[spmem:s24] =	stream.linear.scatter [tilespmem:s19], [sflag:$0xB], $0x200, $0x38;
	[tilespmem:$0x1C610] =	vst v63  }
0x138: {  	_ =	swait.ge [sflag:s18], $0x200  }
0x139: {  	s25 =	sld [smem:$0x7E7]  }
0x13a: {  	[sflag:s18] =	ssyncset.done $0x0  }
0x13b: {  	[sflag:s18] =	ssyncadd.s32 $0xFFFFFE00  }
0x13c: {  	[spmem:s25] =	stream.linear.scatter [tilespmem:s15], [sflag:$0xB], $0x800, $0x38;
	[tilespmem:$0x1C610] =	vst v63  }
0x13d: {  	_ =	swait.ge [sflag:s18], $0x800  }
0x13e: {  	s26 =	sld [smem:$0x7E8]  }
0x13f: {  	[sflag:s18] =	ssyncset.done $0x0  }
0x140: {  	[sflag:s18] =	ssyncadd.s32 $0xFFFFF800  }
0x141: {  	[spmem:s26] =	stream.linear.scatter [tilespmem:s19], [sflag:$0xB], $0x200, $0x38;
	[tilespmem:$0x1C610] =	vst v63  }
0x142: {  	_ =	swait.ge [sflag:s18], $0x200  }
0x143: {  	s2 =	sld [smem:$0x7E9]  }
0x144: {  	[sflag:s18] =	ssyncset.done $0x0  }
0x145: {  	[sflag:s18] =	ssyncadd.s32 $0xFFFFFE00  }
0x146: {  	[spmem:s2] =	stream.linear.scatter [tilespmem:s15], [sflag:$0xB], $0x800, $0x38;
	[tilespmem:$0x1C610] =	vst v63  }
0x147: {  	_ =	swait.ge [sflag:s18], $0x800  }
0x148: {  	s9 =	sld [smem:$0x7EA]  }
0x149: {  	[sflag:s18] =	ssyncset.done $0x0  }
0x14a: {  	[sflag:s18] =	ssyncadd.s32 $0xFFFFF800  }
0x14b: {  	[spmem:s9] =	stream.linear.scatter [tilespmem:s19], [sflag:$0xB], $0x200, $0x38;
	[tilespmem:$0x1C610] =	vst v63  }
0x14c: {  	_ =	swait.ge [sflag:s18], $0x200  }
0x14d: {  	s14 =	sld [smem:$0x7EB]  }
0x14e: {  	[sflag:s18] =	ssyncset.done $0x0  }
0x14f: {  	[sflag:s18] =	ssyncadd.s32 $0xFFFFFE00  }
0x150: {  	[spmem:s14] =	stream.linear.scatter [tilespmem:s15], [sflag:$0xB], $0x800, $0x38;
	[tilespmem:$0x1C610] =	vst v63  }
0x151: {  	_ =	swait.ge [sflag:s18], $0x800  }
0x152: {  	s16 =	sld [smem:$0x7EC]  }
0x153: {  	[sflag:s18] =	ssyncset.done $0x0  }
0x154: {  	[sflag:s18] =	ssyncadd.s32 $0xFFFFF800  }
0x155: {  	[spmem:s16] =	stream.linear.scatter [tilespmem:s19], [sflag:$0xB], $0x200, $0x38;
	[tilespmem:$0x1C610] =	vst v63  }
0x156: {  	_ =	swait.ge [sflag:s18], $0x200  }
0x157: {  	s17 =	sld [smem:$0x7ED]  }
0x158: {  	[sflag:s18] =	ssyncset.done $0x0  }
0x159: {  	[sflag:s18] =	ssyncadd.s32 $0xFFFFFE00  }
0x15a: {  	[spmem:s17] =	stream.linear.scatter [tilespmem:s15], [sflag:$0xB], $0x800, $0x38;
	[tilespmem:$0x1C610] =	vst v63  }
0x15b: {  	_ =	swait.ge [sflag:s18], $0x800  }
0x15c: {  	s23 =	sld [smem:$0x7EE]  }
0x15d: {  	[sflag:s18] =	ssyncset.done $0x0  }
0x15e: {  	[sflag:s18] =	ssyncadd.s32 $0xFFFFF800  }
0x15f: {  	[spmem:s23] =	stream.linear.scatter [tilespmem:s19], [sflag:$0xB], $0x200, $0x38;
	[tilespmem:$0x1C610] =	vst v63  }
0x160: {  	_ =	swait.ge [sflag:s18], $0x200  }
0x161: {  	s24 =	sld [smem:$0x7EF]  }
0x162: {  	[sflag:s18] =	ssyncset.done $0x0  }
0x163: {  	[sflag:s18] =	ssyncadd.s32 $0xFFFFFE00  }
0x164: {  	[spmem:s24] =	stream.linear.scatter [tilespmem:s15], [sflag:$0xB], $0x800, $0x38;
	[tilespmem:$0x1C610] =	vst v63  }
0x165: {  	_ =	swait.ge [sflag:s18], $0x800  }
0x166: {  	s25 =	sld [smem:$0x7F0]  }
0x167: {  	[sflag:s18] =	ssyncset.done $0x0  }
0x168: {  	[sflag:s18] =	ssyncadd.s32 $0xFFFFF800  }
0x169: {  	[spmem:s25] =	stream.linear.scatter [tilespmem:s19], [sflag:$0xB], $0x200, $0x38;
	[tilespmem:$0x1C610] =	vst v63  }
0x16a: {  	_ =	swait.ge [sflag:s18], $0x200  }
0x16b: {  	s26 =	sld [smem:$0x7F1]  }
0x16c: {  	[sflag:s18] =	ssyncset.done $0x0  }
0x16d: {  	[sflag:s18] =	ssyncadd.s32 $0xFFFFFE00  }
0x16e: {  	[spmem:s26] =	stream.linear.scatter [tilespmem:s15], [sflag:$0xB], $0x800, $0x38;
	[tilespmem:$0x1C610] =	vst v63  }
0x16f: {  	_ =	swait.ge [sflag:s18], $0x800  }
0x170: {  	s2 =	sld [smem:$0x7F2]  }
0x171: {  	[sflag:s18] =	ssyncset.done $0x0  }
0x172: {  	[sflag:s18] =	ssyncadd.s32 $0xFFFFF800  }
0x173: {  	[spmem:s2] =	stream.linear.scatter [tilespmem:s19], [sflag:$0xB], $0x200, $0x38;
	[tilespmem:$0x1C610] =	vst v63  }
0x174: {  	_ =	swait.ge [sflag:s18], $0x200  }
0x175: {  	s9 =	sld [smem:$0x7F3]  }
0x176: {  	[sflag:s18] =	ssyncset.done $0x0  }
0x177: {  	[sflag:s18] =	ssyncadd.s32 $0xFFFFFE00  }
0x178: {  	[spmem:s9] =	stream.linear.scatter [tilespmem:s15], [sflag:$0xB], $0x800, $0x38;
	[tilespmem:$0x1C610] =	vst v63  }
0x179: {  	_ =	swait.ge [sflag:s18], $0x800  }
0x17a: {  	s14 =	sld [smem:$0x7F4]  }
0x17b: {  	[sflag:s18] =	ssyncset.done $0x0  }
0x17c: {  	[sflag:s18] =	ssyncadd.s32 $0xFFFFF800  }
0x17d: {  	[spmem:s14] =	stream.linear.scatter [tilespmem:s19], [sflag:$0xB], $0x200, $0x38;
	[tilespmem:$0x1C610] =	vst v63  }
0x17e: {  	_ =	swait.ge [sflag:s18], $0x200  }
0x17f: {  	s16 =	sld [smem:$0x7F5]  }
0x180: {  	[sflag:s18] =	ssyncset.done $0x0  }
0x181: {  	[sflag:s18] =	ssyncadd.s32 $0xFFFFFE00  }
0x182: {  	[spmem:s16] =	stream.linear.scatter [tilespmem:s15], [sflag:$0xB], $0x800, $0x38;
	[tilespmem:$0x1C610] =	vst v63  }
0x183: {  	_ =	swait.ge [sflag:s18], $0x800  }
0x184: {  	s17 =	sld [smem:$0x7F6]  }
0x185: {  	[sflag:s18] =	ssyncset.done $0x0  }
0x186: {  	[sflag:s18] =	ssyncadd.s32 $0xFFFFF800  }
0x187: {  	[spmem:s17] =	stream.linear.scatter [tilespmem:s19], [sflag:$0xB], $0x200, $0x38;
	[tilespmem:$0x1C610] =	vst v63  }
0x188: {  	_ =	swait.ge [sflag:s18], $0x200  }
0x189: {  	s23 =	sld [smem:$0x7F7]  }
0x18a: {  	[sflag:s18] =	ssyncset.done $0x0  }
0x18b: {  	[sflag:s18] =	ssyncadd.s32 $0xFFFFFE00  }
0x18c: {  	[spmem:s23] =	stream.linear.scatter [tilespmem:s15], [sflag:$0xB], $0x800, $0x38;
	[tilespmem:$0x1C610] =	vst v63  }
0x18d: {  	_ =	swait.ge [sflag:s18], $0x800  }
0x18e: {  	s24 =	sld [smem:$0x7F8]  }
0x18f: {  	[sflag:s18] =	ssyncset.done $0x0  }
0x190: {  	[sflag:s18] =	ssyncadd.s32 $0xFFFFF800  }
0x191: {  	[spmem:s24] =	stream.linear.scatter [tilespmem:s19], [sflag:$0xB], $0x200, $0x38;
	[tilespmem:$0x1C610] =	vst v63  }
0x192: {  	_ =	swait.ge [sflag:s18], $0x200  }
0x193: {  	[sflag:s18] =	ssyncset.done $0x0  }
0x194: {  	[sflag:s18] =	ssyncadd.s32 $0xFFFFFE00  }
0x195: {  	[bflag:$0x0] =	sbarrier.arrive $0xFFFF  }
0x196: {  	s25 =	sld [smem:$0x7F9];
	_ =	sdelay $0x1  }
0x197: {  	s2 =	simm.s32 $0x0  }
0x198: {  	[tilespmem:s2], [sflag:$0xB] =	stream.linear.gather [hbm4b:s25+s2], $0x2800, $0x38;
	[tilespmem:$0x1C610] =	vst v63  }
0x199: {  	_ =	swait.ge [sflag:s18], $0x2800  }
0x19a: {  	s26 =	sld [smem:$0x7FB]  }
0x19b: {  	[sflag:s18] =	ssyncset.done $0x0  }
.Ltmp4:
0x19c: {  	s9 =	simm.s32 $0x2800;
	[sflag:s18] =	ssyncadd.s32 $0xFFFFD800;
	(pc) =	sbr.rel .LBB2_6-.Ltmp4, $4  }
0x19d: {  	[tilespmem:s9], [sflag:$0xB] =	stream.linear.gather [hbm4b:s26+s2], $0x2800, $0x38;
	[tilespmem:$0x1C610] =	vst v63  }
0x19e: {  	_ =	swait.ge [sflag:s18], $0x2800  }
0x19f: {  	[sflag:s18] =	ssyncset.done $0x0  }
0x1a0: {  	s17 =	simm.s32 $0x180;
	[sflag:s18] =	ssyncadd.s32 $0xFFFFD800  }
.LBB2_7:
0x1a1: {  	_ =	swait.ge [sflag:s4], $0x1F40  }
0x1a2: {  	[sflag:s4] =	ssyncset.done $0x0  }
0x1a3: {  	s0 =	simm.s32 @!p0 $0x6;
	[sflag:s4] =	ssyncadd.s32 $0xFFFFE0C0  }
0x1a4: {  	_ =	swait.ge @!p0 [sflag:s0], $0x7D0  }
0x1a5: {  	[sflag:s0] =	ssyncset.done @!p0 $0x0  }
0x1a6: {  	s24 =	sadd.s32 $0xFFFFFE80, s17;
	[sflag:s0] =	ssyncadd.s32 @!p0 $0xFFFFF830  }
0x1a7: {  	[tilespmem:s22], [sflag:$0x1] =	stream.indirect.gather [hbm4b:s10+s21], $0x40, s24, s21, $0xb8;
	[tilespmem:$0x1C610] =	vst v63  }
0x1a8: {  	_ =	swait.ge [sflag:s5], $0x1F40  }
0x1a9: {  	[sflag:s5] =	ssyncset.done $0x0  }
0x1aa: {  	s0 =	simm.s32 @!p0 $0x7;
	[sflag:s5] =	ssyncadd.s32 $0xFFFFE0C0  }
0x1ab: {  	_ =	swait.ge @!p0 [sflag:s0], $0x7D0  }
0x1ac: {  	[sflag:s0] =	ssyncset.done @!p0 $0x0  }
0x1ad: {  	s25 =	sadd.s32 $0xFFFFFF00, s17;
	[sflag:s0] =	ssyncadd.s32 @!p0 $0xFFFFF830  }
0x1ae: {  	[tilespmem:s28], [sflag:$0x2] =	stream.indirect.gather [hbm4b:s10+s21], $0x40, s25, s21, $0xb8;
	[tilespmem:$0x1C610] =	vst v63  }
0x1af: {  	_ =	swait.ge [sflag:s6], $0x1F40  }
0x1b0: {  	[sflag:s6] =	ssyncset.done $0x0  }
0x1b1: {  	s0 =	simm.s32 @!p0 $0x8;
	[sflag:s6] =	ssyncadd.s32 $0xFFFFE0C0  }
0x1b2: {  	_ =	swait.ge @!p0 [sflag:s0], $0x7D0  }
0x1b3: {  	[sflag:s0] =	ssyncset.done @!p0 $0x0  }
0x1b4: {  	s26 =	sadd.s32 $0xFFFFFF80, s17;
	[sflag:s0] =	ssyncadd.s32 @!p0 $0xFFFFF830  }
0x1b5: {  	[tilespmem:s29], [sflag:$0x3] =	stream.indirect.gather [hbm4b:s10+s21], $0x40, s26, s21, $0xb8;
	[tilespmem:$0x1C610] =	vst v63  }
0x1b6: {  	_ =	swait.ge [sflag:s7], $0x1F40  }
0x1b7: {  	[sflag:s7] =	ssyncset.done $0x0  }
0x1b8: {  	s16 =	simm.s32 @!p0 $0x9;
	[sflag:s7] =	ssyncadd.s32 $0xFFFFE0C0  }
0x1b9: {  	_ =	swait.ge @!p0 [sflag:s16], $0x7D0  }
0x1ba: {  	[sflag:s16] =	ssyncset.done @!p0 $0x0  }
0x1bb: {  	[sflag:s16] =	ssyncadd.s32 @!p0 $0xFFFFF830  }
0x1bc: {  	[tilespmem:s30], [sflag:$0x4] =	stream.indirect.gather [hbm4b:s10+s21], $0x40, s17, s21, $0xb8;
	[tilespmem:$0x1C610] =	vst v63  }
0x1bd: {  	_ =	swait.ge [sflag:s8], $0x1F40  }
0x1be: {  	[sflag:s8] =	ssyncset.done $0x0  }
0x1bf: {  	s16 =	simm.s32 @!p0 $0xA;
	[sflag:s8] =	ssyncadd.s32 $0xFFFFE0C0  }
0x1c0: {  	_ =	swait.ge @!p0 [sflag:s16], $0x7D0  }
0x1c1: {  	s24 =	sadd.s32 $0x180, s2;
	s25 =	sadd.s32 $0x100, s2;
	[sflag:s16] =	ssyncset.done @!p0 $0x0  }
0x1c2: {  	s0 =	sadd.s32 $0x80, s2;
	[sflag:s16] =	ssyncadd.s32 @!p0 $0xFFFFF830;
	s16 =	smov.u32 s2  }
.LBB2_8:
0x1c3: {  	s9 =	sadd.s32 $0x200, s16  }
0x1c4: {  	[tilespmem:s31], [sflag:$0x5] =	stream.indirect.gather [hbm4b:s10+s21], $0x40, s9, s21, $0xb8;
	[tilespmem:$0x1C610] =	vst v63  }
0x1c5: {  	_ =	swait.ge [sflag:s11], $0x1F40  }
0x1c6: {  	[sflag:s11] =	ssyncset.done $0x0  }
0x1c7: {  	s16 =	sadd.s32 $0x2800, s16;
	s14 =	simm.s32 @p0 $0x2;
	[sflag:s11] =	ssyncadd.s32 $0xFFFFE0C0  }
0x1c8: {  	[spmem:s12] =	stream.indirect.scatter.add.f32 [tilespmem:s22], [sflag:$0x6], $0x40, s16, s21, $0xb8;
	[tilespmem:$0x1C610] =	vst v63  }
0x1c9: {  	_ =	swait.ge @p0 [sflag:s14], $0x1F40  }
0x1ca: {  	s23 =	simm.s32 @p0 $0x7D;
	[sflag:s14] =	ssyncset.done @p0 $0x0  }
0x1cb: {  	s26 =	simm.s32 @p0 $0x6F40;
	[sflag:s14] =	ssyncadd.s32 @p0 $0xFFFFE0C0;
	s14 =	sadd.s32 @p0 $0x2800, s0  }
0x1cc: {  	[spmem:s12] =	stream.indirect.scatter.add.f32 @p0 [tilespmem:s26], [sflag:$0x7], $0x40, s14, s23, $0xb8;
	[tilespmem:$0x1C610] =	vst v63  }
0x1cd: {  	s14 =	simm.s32 @!p0 $0x7D;
	s26 =	simm.s32 @!p0 $0xF440  }
0x1ce: {  	[spmem:s13] =	stream.indirect.scatter.add.f32 @!p0 [tilespmem:s26], [sflag:$0x6], $0x10, s16, s14, $0xb8;
	[tilespmem:$0x1C610] =	vst v63  }
0x1cf: {  	s16 =	simm.s32 @!p0 $0x2  }
0x1d0: {  	_ =	swait.ge @!p0 [sflag:s16], $0x1F40  }
0x1d1: {  	[sflag:s16] =	ssyncset.done @!p0 $0x0  }
0x1d2: {  	s0 =	sadd.s32 @!p0 $0x2800, s0;
	[sflag:s16] =	ssyncadd.s32 @!p0 $0xFFFFE0C0;
	s16 =	simm.s32 @!p0 $0x6F40  }
0x1d3: {  	[spmem:s12] =	stream.indirect.scatter.add.f32 @!p0 [tilespmem:s16], [sflag:$0x7], $0x40, s0, s14, $0xb8;
	[tilespmem:$0x1C610] =	vst v63  }
0x1d4: {  	_ = 	snop  }
0x1d5: {  	[spmem:s13] =	stream.indirect.scatter.add.f32 @!p0 [tilespmem:s26], [sflag:$0x7], $0x10, s0, s14, $0xb8;
	[tilespmem:$0x1C610] =	vst v63  }
0x1d6: {  	_ =	swait.ge [sflag:s20], $0x1F40  }
0x1d7: {  	[sflag:s20] =	ssyncset.done $0x0  }
0x1d8: {  	s16 =	simm.s32 @p0 $0x4;
	s0 =	sadd.s32 $0x2800, s25;
	[sflag:s20] =	ssyncadd.s32 $0xFFFFE0C0  }
0x1d9: {  	[spmem:s12] =	stream.indirect.scatter.add.f32 [tilespmem:s29], [sflag:$0x8], $0x40, s0, s21, $0xb8;
	[tilespmem:$0x1C610] =	vst v63  }
0x1da: {  	_ =	swait.ge @p0 [sflag:s16], $0x1F40  }
0x1db: {  	[sflag:s16] =	ssyncset.done @p0 $0x0  }
0x1dc: {  	s25 =	simm.s32 @p0 $0xADC0;
	[sflag:s16] =	ssyncadd.s32 @p0 $0xFFFFE0C0;
	s16 =	sadd.s32 @p0 $0x2800, s24  }
0x1dd: {  	[spmem:s12] =	stream.indirect.scatter.add.f32 @p0 [tilespmem:s25], [sflag:$0x9], $0x40, s16, s23, $0xb8;
	[tilespmem:$0x1C610] =	vst v63  }
0x1de: {  	_ = 	snop  }
0x1df: {  	[spmem:s13] =	stream.indirect.scatter.add.f32 @!p0 [tilespmem:s26], [sflag:$0x8], $0x10, s0, s14, $0xb8;
	[tilespmem:$0x1C610] =	vst v63  }
0x1e0: {  	s0 =	simm.s32 @!p0 $0x4  }
0x1e1: {  	_ =	swait.ge @!p0 [sflag:s0], $0x1F40  }
0x1e2: {  	[sflag:s0] =	ssyncset.done @!p0 $0x0  }
0x1e3: {  	s16 =	simm.s32 @!p0 $0xADC0;
	[sflag:s0] =	ssyncadd.s32 @!p0 $0xFFFFE0C0;
	s0 =	sadd.s32 @!p0 $0x2800, s24  }
0x1e4: {  	[spmem:s12] =	stream.indirect.scatter.add.f32 @!p0 [tilespmem:s16], [sflag:$0x9], $0x40, s0, s14, $0xb8;
	[tilespmem:$0x1C610] =	vst v63  }
0x1e5: {  	s2 =	sadd.s32 $0x280, s2  }
0x1e6: {  	[spmem:s13] =	stream.indirect.scatter.add.f32 @!p0 [tilespmem:s26], [sflag:$0x9], $0x10, s0, s14, $0xb8;
	[tilespmem:$0x1C610] =	vst v63  }
0x1e7: {  	p2 =	sne.s32 s2, $0x2800;
	_ =	swait.ge [sflag:s3], $0x1F40  }
.Ltmp5:
0x1e8: {  	[sflag:s3] =	ssyncset.done $0x0;
	(pc) =	sbr.rel @!p2 .LBB2_9-.Ltmp5, $4  }
0x1e9: {  	s0 =	sadd.s32 $0x2800, s9;
	[sflag:s3] =	ssyncadd.s32 $0xFFFFE0C0  }
0x1ea: {  	[spmem:s12] =	stream.indirect.scatter.add.f32 [tilespmem:s31], [sflag:$0xA], $0x40, s0, s21, $0xb8;
	[tilespmem:$0x1C610] =	vst v63  }
0x1eb: {  	s17 =	sadd.s32 $0x280, s17  }
0x1ec: {  	[spmem:s13] =	stream.indirect.scatter.add.f32 @!p0 [tilespmem:s26], [sflag:$0xA], $0x10, s0, s14, $0xb8;
	[tilespmem:$0x1C610] =	vst v63  }
.LBB2_6:
0x1ed: {  	p2 =	seq.s32 s2, $0x0  }
.Ltmp6:
0x1ee: {  	_ = 	snop;
	(pc) =	sbr.rel @!p2 .LBB2_7-.Ltmp6, $1  }
0x1ef: {  	_ =	sdelay $0x3  }
0x1f0: {  	s16 =	simm.s32 $0x0  }
0x1f1: {  	[tilespmem:s22], [sflag:$0x1] =	stream.indirect.gather [hbm4b:s10+s21], $0x40, s16, s21, $0xb8;
	[tilespmem:$0x1C610] =	vst v63  }
0x1f2: {  	s0 =	simm.s32 $0x80  }
0x1f3: {  	[tilespmem:s28], [sflag:$0x2] =	stream.indirect.gather [hbm4b:s10+s21], $0x40, s0, s21, $0xb8;
	[tilespmem:$0x1C610] =	vst v63  }
.Ltmp7:
0x1f4: {  	_ = 	snop;
	(pc) =	sbr.rel .LBB2_8-.Ltmp7, $4  }
0x1f5: {  	s25 =	simm.s32 $0x100  }
0x1f6: {  	[tilespmem:s29], [sflag:$0x3] =	stream.indirect.gather [hbm4b:s10+s21], $0x40, s25, s21, $0xb8;
	[tilespmem:$0x1C610] =	vst v63  }
0x1f7: {  	s24 =	simm.s32 $0x180  }
0x1f8: {  	[tilespmem:s30], [sflag:$0x4] =	stream.indirect.gather [hbm4b:s10+s21], $0x40, s24, s21, $0xb8;
	[tilespmem:$0x1C610] =	vst v63  }
.LBB2_9:
0x1f9: {  	_ =	swait.ge [sflag:s4], $0x1F40  }
0x1fa: {  	[sflag:s4] =	ssyncset.done $0x0  }
0x1fb: {  	s0 =	simm.s32 @p1 $0x6;
	[sflag:s4] =	ssyncadd.s32 $0xFFFFE0C0  }
0x1fc: {  	_ =	swait.ge @p1 [sflag:s0], $0x7D0  }
0x1fd: {  	[sflag:s0] =	ssyncset.done @p1 $0x0  }
0x1fe: {  	[sflag:s0] =	ssyncadd.s32 @p1 $0xFFFFF830;
	s0 =	simm.s32 @p1 $0x7  }
0x1ff: {  	_ =	swait.ge @p1 [sflag:s0], $0x1F40  }
0x200: {  	[sflag:s0] =	ssyncset.done @p1 $0x0  }
0x201: {  	[sflag:s0] =	ssyncadd.s32 @p1 $0xFFFFE0C0  }
0x202: {  	_ =	swait.ge @p1 [sflag:s0], $0x7D0  }
0x203: {  	[sflag:s0] =	ssyncset.done @p1 $0x0  }
0x204: {  	[sflag:s0] =	ssyncadd.s32 @p1 $0xFFFFF830;
	s0 =	simm.s32 @p1 $0x8  }
0x205: {  	_ =	swait.ge @p1 [sflag:s0], $0x1F40  }
0x206: {  	[sflag:s0] =	ssyncset.done @p1 $0x0  }
0x207: {  	[sflag:s0] =	ssyncadd.s32 @p1 $0xFFFFE0C0  }
0x208: {  	_ =	swait.ge @p1 [sflag:s0], $0x7D0  }
0x209: {  	[sflag:s0] =	ssyncset.done @p1 $0x0  }
0x20a: {  	[sflag:s0] =	ssyncadd.s32 @p1 $0xFFFFF830;
	s0 =	simm.s32 @p1 $0x9  }
0x20b: {  	_ =	swait.ge @p1 [sflag:s0], $0x1F40  }
0x20c: {  	[sflag:s0] =	ssyncset.done @p1 $0x0  }
0x20d: {  	[sflag:s0] =	ssyncadd.s32 @p1 $0xFFFFE0C0  }
0x20e: {  	_ =	swait.ge @p1 [sflag:s0], $0x7D0  }
0x20f: {  	[sflag:s0] =	ssyncset.done @p1 $0x0  }
0x210: {  	[sflag:s0] =	ssyncadd.s32 @p1 $0xFFFFF830;
	s0 =	simm.s32 @p1 $0xA  }
0x211: {  	_ =	swait.ge @p1 [sflag:s0], $0x1F40  }
0x212: {  	[sflag:s0] =	ssyncset.done @p1 $0x0  }
0x213: {  	[sflag:s0] =	ssyncadd.s32 @p1 $0xFFFFE0C0  }
0x214: {  	_ =	swait.ge @p1 [sflag:s0], $0x7D0  }
0x215: {  	[sflag:s0] =	ssyncset.done @p1 $0x0  }
0x216: {  	[sflag:s0] =	ssyncadd.s32 @p1 $0xFFFFF830;
	s0 =	simm.s32 @!p1 $0x7  }
0x217: {  	_ =	swait.ge @!p1 [sflag:s0], $0x1F40  }
0x218: {  	[sflag:s0] =	ssyncset.done @!p1 $0x0  }
0x219: {  	[sflag:s0] =	ssyncadd.s32 @!p1 $0xFFFFE0C0;
	s0 =	simm.s32 @!p1 $0x8  }
0x21a: {  	_ =	swait.ge @!p1 [sflag:s0], $0x1F40  }
0x21b: {  	[sflag:s0] =	ssyncset.done @!p1 $0x0  }
0x21c: {  	[sflag:s0] =	ssyncadd.s32 @!p1 $0xFFFFE0C0;
	s0 =	simm.s32 @!p1 $0x9  }
0x21d: {  	_ =	swait.ge @!p1 [sflag:s0], $0x1F40  }
0x21e: {  	[sflag:s0] =	ssyncset.done @!p1 $0x0  }
0x21f: {  	[sflag:s0] =	ssyncadd.s32 @!p1 $0xFFFFE0C0;
	s0 =	simm.s32 @!p1 $0xA  }
0x220: {  	_ =	swait.ge @!p1 [sflag:s0], $0x1F40  }
0x221: {  	s25 =	sld [smem:$0x7FA]  }
0x222: {  	[sflag:s0] =	ssyncset.done @!p1 $0x0  }
0x223: {  	s16 =	simm.s32 $0x0;
	[sflag:s0] =	ssyncadd.s32 @!p1 $0xFFFFE0C0  }
0x224: {  	[tilespmem:s16], [sflag:$0xB] =	stream.linear.gather [hbm4b:s25+s16], $0x2800, $0x38;
	[tilespmem:$0x1C610] =	vst v63  }
0x225: {  	_ =	swait.ge [sflag:s18], $0x2800  }
0x226: {  	s26 =	sld [smem:$0x7FC]  }
0x227: {  	[sflag:s18] =	ssyncset.done $0x0  }
.Ltmp8:
0x228: {  	s2 =	simm.s32 $0x2800;
	[sflag:s18] =	ssyncadd.s32 $0xFFFFD800;
	(pc) =	sbr.rel .LBB2_10-.Ltmp8, $4  }
0x229: {  	[tilespmem:s2], [sflag:$0xB] =	stream.linear.gather [hbm4b:s26+s16], $0x2800, $0x38;
	[tilespmem:$0x1C610] =	vst v63  }
0x22a: {  	_ =	swait.ge [sflag:s18], $0x2800  }
0x22b: {  	[sflag:s18] =	ssyncset.done $0x0  }
0x22c: {  	s17 =	simm.s32 $0x180;
	[sflag:s18] =	ssyncadd.s32 $0xFFFFD800  }
.LBB2_11:
0x22d: {  	_ =	swait.ge [sflag:s4], $0x1F40  }
0x22e: {  	[sflag:s4] =	ssyncset.done $0x0  }
0x22f: {  	s0 =	simm.s32 @!p1 $0x6;
	[sflag:s4] =	ssyncadd.s32 $0xFFFFE0C0  }
0x230: {  	_ =	swait.ge @!p1 [sflag:s0], $0x7D0  }
0x231: {  	[sflag:s0] =	ssyncset.done @!p1 $0x0  }
0x232: {  	s24 =	sadd.s32 $0xFFFFFE80, s17;
	[sflag:s0] =	ssyncadd.s32 @!p1 $0xFFFFF830  }
0x233: {  	[tilespmem:s22], [sflag:$0x1] =	stream.indirect.gather [hbm4b:s10+s21], $0x40, s24, s21, $0xb8;
	[tilespmem:$0x1C610] =	vst v63  }
0x234: {  	_ =	swait.ge [sflag:s5], $0x1F40  }
0x235: {  	[sflag:s5] =	ssyncset.done $0x0  }
0x236: {  	s0 =	simm.s32 @!p1 $0x7;
	[sflag:s5] =	ssyncadd.s32 $0xFFFFE0C0  }
0x237: {  	_ =	swait.ge @!p1 [sflag:s0], $0x7D0  }
0x238: {  	[sflag:s0] =	ssyncset.done @!p1 $0x0  }
0x239: {  	s25 =	sadd.s32 $0xFFFFFF00, s17;
	[sflag:s0] =	ssyncadd.s32 @!p1 $0xFFFFF830  }
0x23a: {  	[tilespmem:s28], [sflag:$0x2] =	stream.indirect.gather [hbm4b:s10+s21], $0x40, s25, s21, $0xb8;
	[tilespmem:$0x1C610] =	vst v63  }
0x23b: {  	_ =	swait.ge [sflag:s6], $0x1F40  }
0x23c: {  	[sflag:s6] =	ssyncset.done $0x0  }
0x23d: {  	s0 =	simm.s32 @!p1 $0x8;
	[sflag:s6] =	ssyncadd.s32 $0xFFFFE0C0  }
0x23e: {  	_ =	swait.ge @!p1 [sflag:s0], $0x7D0  }
0x23f: {  	[sflag:s0] =	ssyncset.done @!p1 $0x0  }
0x240: {  	s26 =	sadd.s32 $0xFFFFFF80, s17;
	[sflag:s0] =	ssyncadd.s32 @!p1 $0xFFFFF830  }
0x241: {  	[tilespmem:s29], [sflag:$0x3] =	stream.indirect.gather [hbm4b:s10+s21], $0x40, s26, s21, $0xb8;
	[tilespmem:$0x1C610] =	vst v63  }
0x242: {  	_ =	swait.ge [sflag:s7], $0x1F40  }
0x243: {  	[sflag:s7] =	ssyncset.done $0x0  }
0x244: {  	s2 =	simm.s32 @!p1 $0x9;
	[sflag:s7] =	ssyncadd.s32 $0xFFFFE0C0  }
0x245: {  	_ =	swait.ge @!p1 [sflag:s2], $0x7D0  }
0x246: {  	[sflag:s2] =	ssyncset.done @!p1 $0x0  }
0x247: {  	[sflag:s2] =	ssyncadd.s32 @!p1 $0xFFFFF830  }
0x248: {  	[tilespmem:s30], [sflag:$0x4] =	stream.indirect.gather [hbm4b:s10+s21], $0x40, s17, s21, $0xb8;
	[tilespmem:$0x1C610] =	vst v63  }
0x249: {  	_ =	swait.ge [sflag:s8], $0x1F40  }
0x24a: {  	[sflag:s8] =	ssyncset.done $0x0  }
0x24b: {  	s2 =	simm.s32 @!p1 $0xA;
	[sflag:s8] =	ssyncadd.s32 $0xFFFFE0C0  }
0x24c: {  	_ =	swait.ge @!p1 [sflag:s2], $0x7D0  }
0x24d: {  	s24 =	sadd.s32 $0x180, s16;
	s25 =	sadd.s32 $0x100, s16;
	[sflag:s2] =	ssyncset.done @!p1 $0x0  }
0x24e: {  	s0 =	sadd.s32 $0x80, s16;
	[sflag:s2] =	ssyncadd.s32 @!p1 $0xFFFFF830;
	s2 =	smov.u32 s16  }
.LBB2_12:
0x24f: {  	s9 =	sadd.s32 $0x200, s2  }
0x250: {  	[tilespmem:s31], [sflag:$0x5] =	stream.indirect.gather [hbm4b:s10+s21], $0x40, s9, s21, $0xb8;
	[tilespmem:$0x1C610] =	vst v63  }
0x251: {  	_ =	swait.ge [sflag:s11], $0x1F40  }
0x252: {  	[sflag:s11] =	ssyncset.done $0x0  }
0x253: {  	s2 =	sadd.s32 $0x2800, s2;
	s14 =	simm.s32 @p1 $0x2;
	[sflag:s11] =	ssyncadd.s32 $0xFFFFE0C0  }
0x254: {  	[spmem:s12] =	stream.indirect.scatter.add.f32 [tilespmem:s22], [sflag:$0x6], $0x40, s2, s21, $0xb8;
	[tilespmem:$0x1C610] =	vst v63  }
0x255: {  	_ =	swait.ge @p1 [sflag:s14], $0x1F40  }
0x256: {  	s23 =	simm.s32 @p1 $0x7D;
	[sflag:s14] =	ssyncset.done @p1 $0x0  }
0x257: {  	s26 =	simm.s32 @p1 $0x6F40;
	[sflag:s14] =	ssyncadd.s32 @p1 $0xFFFFE0C0;
	s14 =	sadd.s32 @p1 $0x2800, s0  }
0x258: {  	[spmem:s12] =	stream.indirect.scatter.add.f32 @p1 [tilespmem:s26], [sflag:$0x7], $0x40, s14, s23, $0xb8;
	[tilespmem:$0x1C610] =	vst v63  }
0x259: {  	s14 =	simm.s32 @!p1 $0x7D;
	s26 =	simm.s32 @!p1 $0xF440  }
0x25a: {  	[spmem:s13] =	stream.indirect.scatter.add.f32 @!p1 [tilespmem:s26], [sflag:$0x6], $0x10, s2, s14, $0xb8;
	[tilespmem:$0x1C610] =	vst v63  }
0x25b: {  	s2 =	simm.s32 @!p1 $0x2  }
0x25c: {  	_ =	swait.ge @!p1 [sflag:s2], $0x1F40  }
0x25d: {  	[sflag:s2] =	ssyncset.done @!p1 $0x0  }
0x25e: {  	s0 =	sadd.s32 @!p1 $0x2800, s0;
	[sflag:s2] =	ssyncadd.s32 @!p1 $0xFFFFE0C0;
	s2 =	simm.s32 @!p1 $0x6F40  }
0x25f: {  	[spmem:s12] =	stream.indirect.scatter.add.f32 @!p1 [tilespmem:s2], [sflag:$0x7], $0x40, s0, s14, $0xb8;
	[tilespmem:$0x1C610] =	vst v63  }
0x260: {  	_ = 	snop  }
0x261: {  	[spmem:s13] =	stream.indirect.scatter.add.f32 @!p1 [tilespmem:s26], [sflag:$0x7], $0x10, s0, s14, $0xb8;
	[tilespmem:$0x1C610] =	vst v63  }
0x262: {  	_ =	swait.ge [sflag:s20], $0x1F40  }
0x263: {  	[sflag:s20] =	ssyncset.done $0x0  }
0x264: {  	s2 =	simm.s32 @p1 $0x4;
	s0 =	sadd.s32 $0x2800, s25;
	[sflag:s20] =	ssyncadd.s32 $0xFFFFE0C0  }
0x265: {  	[spmem:s12] =	stream.indirect.scatter.add.f32 [tilespmem:s29], [sflag:$0x8], $0x40, s0, s21, $0xb8;
	[tilespmem:$0x1C610] =	vst v63  }
0x266: {  	_ =	swait.ge @p1 [sflag:s2], $0x1F40  }
0x267: {  	[sflag:s2] =	ssyncset.done @p1 $0x0  }
0x268: {  	s25 =	simm.s32 @p1 $0xADC0;
	[sflag:s2] =	ssyncadd.s32 @p1 $0xFFFFE0C0;
	s2 =	sadd.s32 @p1 $0x2800, s24  }
0x269: {  	[spmem:s12] =	stream.indirect.scatter.add.f32 @p1 [tilespmem:s25], [sflag:$0x9], $0x40, s2, s23, $0xb8;
	[tilespmem:$0x1C610] =	vst v63  }
0x26a: {  	_ = 	snop  }
0x26b: {  	[spmem:s13] =	stream.indirect.scatter.add.f32 @!p1 [tilespmem:s26], [sflag:$0x8], $0x10, s0, s14, $0xb8;
	[tilespmem:$0x1C610] =	vst v63  }
0x26c: {  	s0 =	simm.s32 @!p1 $0x4  }
0x26d: {  	_ =	swait.ge @!p1 [sflag:s0], $0x1F40  }
0x26e: {  	[sflag:s0] =	ssyncset.done @!p1 $0x0  }
0x26f: {  	s2 =	simm.s32 @!p1 $0xADC0;
	[sflag:s0] =	ssyncadd.s32 @!p1 $0xFFFFE0C0;
	s0 =	sadd.s32 @!p1 $0x2800, s24  }
0x270: {  	[spmem:s12] =	stream.indirect.scatter.add.f32 @!p1 [tilespmem:s2], [sflag:$0x9], $0x40, s0, s14, $0xb8;
	[tilespmem:$0x1C610] =	vst v63  }
0x271: {  	s16 =	sadd.s32 $0x280, s16  }
0x272: {  	[spmem:s13] =	stream.indirect.scatter.add.f32 @!p1 [tilespmem:s26], [sflag:$0x9], $0x10, s0, s14, $0xb8;
	[tilespmem:$0x1C610] =	vst v63  }
0x273: {  	p2 =	sne.s32 s16, $0x2800;
	_ =	swait.ge [sflag:s3], $0x1F40  }
.Ltmp9:
0x274: {  	[sflag:s3] =	ssyncset.done $0x0;
	(pc) =	sbr.rel @!p2 .LBB2_13-.Ltmp9, $4  }
0x275: {  	s0 =	sadd.s32 $0x2800, s9;
	[sflag:s3] =	ssyncadd.s32 $0xFFFFE0C0  }
0x276: {  	[spmem:s12] =	stream.indirect.scatter.add.f32 [tilespmem:s31], [sflag:$0xA], $0x40, s0, s21, $0xb8;
	[tilespmem:$0x1C610] =	vst v63  }
0x277: {  	s17 =	sadd.s32 $0x280, s17  }
0x278: {  	[spmem:s13] =	stream.indirect.scatter.add.f32 @!p1 [tilespmem:s26], [sflag:$0xA], $0x10, s0, s14, $0xb8;
	[tilespmem:$0x1C610] =	vst v63  }
.LBB2_10:
0x279: {  	p2 =	seq.s32 s16, $0x0  }
.Ltmp10:
0x27a: {  	_ = 	snop;
	(pc) =	sbr.rel @!p2 .LBB2_11-.Ltmp10, $1  }
0x27b: {  	_ =	sdelay $0x3  }
0x27c: {  	s2 =	simm.s32 $0x0  }
0x27d: {  	[tilespmem:s22], [sflag:$0x1] =	stream.indirect.gather [hbm4b:s10+s21], $0x40, s2, s21, $0xb8;
	[tilespmem:$0x1C610] =	vst v63  }
0x27e: {  	s0 =	simm.s32 $0x80  }
0x27f: {  	[tilespmem:s28], [sflag:$0x2] =	stream.indirect.gather [hbm4b:s10+s21], $0x40, s0, s21, $0xb8;
	[tilespmem:$0x1C610] =	vst v63  }
.Ltmp11:
0x280: {  	_ = 	snop;
	(pc) =	sbr.rel .LBB2_12-.Ltmp11, $4  }
0x281: {  	s25 =	simm.s32 $0x100  }
0x282: {  	[tilespmem:s29], [sflag:$0x3] =	stream.indirect.gather [hbm4b:s10+s21], $0x40, s25, s21, $0xb8;
	[tilespmem:$0x1C610] =	vst v63  }
0x283: {  	s24 =	simm.s32 $0x180  }
0x284: {  	[tilespmem:s30], [sflag:$0x4] =	stream.indirect.gather [hbm4b:s10+s21], $0x40, s24, s21, $0xb8;
	[tilespmem:$0x1C610] =	vst v63  }
.LBB2_14:
0x285: {  	_ =	sfence.sel $0x180000  }
0x286: {  	[bflag:$0x0] =	sbarrier.arrive $0xFFFF  }
0x287: {  	_ =	strace $0x90000047  }
0x288: {  	s0 =	stileid.u32;
	[bflag:$0x2] =	sbarrier.arrive $0xFFFF  }
0x289: {  	p0 =	sne.s32 s0, $0x0;
	s0 =	rddreg [dreg:$0x4]  }
0x28a: {  	s0 =	sadd.s32 @!p0 $0x100000, s0  }
0x28b: {  	[sflag:s0] =	ssyncadd.tile.s32 @!p0 $0x1;
	_ =	shalt  }
.Lfunc_end2:
_tile_overlayer_lowered:
.L_overlay_start_2:
0x28c: {  	(tag) =	ssettag $0x2  }
0x28d: {  	s0 =	rddreg [dreg:$0x0];
	s2 =	stileid.u32  }
0x28e: {  	s1 =	rddreg [dreg:$0x1];
	p0 =	sne.s32 s2, $0x0  }
0x28f: {  	s3 =	rddreg [dreg:$0x2];
	[bflag:$0x3] =	sbarrier.arrive $0xFFFF;
	s2 =	simm.s32 @!p0 $0x1C0B  }
0x290: {  	[timem:s3], [sflag:s2] =	dma.local @!p0 [hbm:s0], s1  }
0x291: {  	s0 =	simm.s32 @!p0 $0xB  }
0x292: {  	_ =	swait.ge @!p0 [sflag:s0], s1  }
0x293: {  	s1 =	ssub.s32 @!p0 $0x0, s1;
	[sflag:s0] =	ssyncset.done @!p0 $0x0  }
0x294: {  	[sflag:s0] =	ssyncadd.s32 @!p0 s1  }
0x295: {  	[bflag:$0x3] =	sbarrier.arrive $0xFFFF  }
0x296: {  	_ =	shalt  }

</sc_bundles>
